<compile_context>
chip_gen: v7x
topology: tpu7x:2x2x1
jax: 0.10.2.dev20260603
libtpu: 0.0.44.dev20260713+nightly
codegen_flags: <defaults>
</compile_context>

<pallas_src>
import functools

import jax
import jax.numpy as jnp
from jax import lax
from jax.experimental import pallas as pl
from jax.experimental.pallas import tpu as pltpu
from jax.experimental.pallas import tpu_sc as plsc

_VOCAB = 100000
_EMB = 64
_SEQ = 8192
_BATCH = 4
_TOT = _BATCH * _SEQ
_NC = 2
_NS = 16
_NW = _NC * _NS
_PER_W = _TOT // _NW
_CHUNK = 128
_NCH = _PER_W // _CHUNK
_LANES = 16
_NB = 4
_DEPTH = 2


def _emb_body(x_hbm, tok_hbm, pos_hbm, out_hbm,
              idx_v, rows_v, stage_v, gsem, osem, psem):
    cid = lax.axis_index("c")
    sid = lax.axis_index("s")
    wid = sid * _NC + cid
    base = pl.multiple_of(wid * _PER_W, _PER_W)
    pos_base = pl.multiple_of(lax.rem(base, _SEQ), _PER_W)

    pltpu.sync_copy(x_hbm.at[pl.ds(pl.multiple_of(wid * _NCH, _NCH), _NCH)], idx_v)

    gathers = {}
    pos_cps = {}
    outs = {}
    for j in range(-_DEPTH, _NCH):
        f = j + _DEPTH
        if 0 <= f < _NCH:
            if f - _NB >= 0:
                outs[f - _NB].wait()
            gathers[f] = pltpu.async_copy(
                tok_hbm.at[idx_v.at[f]], rows_v.at[f % _NB], gsem)
            pos_cps[f] = pltpu.async_copy(
                pos_hbm.at[pl.ds(pl.multiple_of(pos_base + f * _CHUNK, _CHUNK), _CHUNK)],
                stage_v.at[f % _NB], psem)
        if j < 0:
            continue

        gathers[j].wait()
        pos_cps[j].wait()
        slot = j % _NB

        def row_add(r, _):
            for g in range(_EMB // _LANES):
                sl = pl.ds(g * _LANES, _LANES)
                plsc.addupdate(stage_v.at[slot, r, sl], rows_v[slot, r, sl])
            return 0

        lax.fori_loop(0, _CHUNK, row_add, 0, unroll=8)

        outs[j] = pltpu.async_copy(
            stage_v.at[slot],
            out_hbm.at[pl.ds(pl.multiple_of(base + j * _CHUNK, _CHUNK), _CHUNK)],
            osem)

    for j in range(_NCH - _NB, _NCH):
        if j >= 0:
            outs[j].wait()


@jax.jit
def _emb(xi, token_table, pos_table):
    mesh = plsc.VectorSubcoreMesh(core_axis_name="c", subcore_axis_name="s")
    run = functools.partial(
        pl.kernel,
        mesh=mesh,
        out_type=jax.ShapeDtypeStruct((_TOT, _EMB), jnp.float32),
        scratch_types=[
            pltpu.VMEM((_NCH, _CHUNK), jnp.int32),
            pltpu.VMEM((_NB, _CHUNK, _EMB), jnp.float32),
            pltpu.VMEM((_NB, _CHUNK, _EMB), jnp.float32),
            pltpu.SemaphoreType.DMA,
            pltpu.SemaphoreType.DMA,
            pltpu.SemaphoreType.DMA,
        ],
        compiler_params=pltpu.CompilerParams(use_tc_tiling_on_sc=False),
    )(_emb_body)
    return run(xi, token_table, pos_table)


def kernel(x, token_table, pos_table):
    xi = x.astype(jnp.int32).reshape(_NW * _NCH, _CHUNK)
    out = _emb(xi, token_table, pos_table)
    return out.reshape(_BATCH, _SEQ, _EMB)

# --- scband reference (transcript-rebuilt; emitter-appended) ---
"""Pipeline reference for scband-embedding-76879914598820 (READ-ONLY COPY).

The authoritative reference and input builder live on the scoring server;
editing this copy changes nothing except your own understanding.
"""

import jax, jax.numpy as jnp
import numpy as np

VOCAB = 100000
EMB_DIM = 64
SEQ_LEN = 8192
BATCH = 4


def setup_inputs(seed: int = 0) -> dict:
    key = jax.random.key(seed)
    k1, k2, k3 = jax.random.split(key, 3)
    x = jax.random.randint(k1, (BATCH, SEQ_LEN), 0, VOCAB, dtype=jnp.int64 if jax.config.jax_enable_x64 else jnp.int32)
    token_table = jax.random.normal(k2, (VOCAB, EMB_DIM), dtype=jnp.float32) * 0.02
    pos_table = jax.random.normal(k3, (SEQ_LEN, EMB_DIM), dtype=jnp.float32) * 0.02
    return {"x": x, "token_table": token_table, "pos_table": pos_table}


def reference(x, token_table, pos_table):
    # token embedding lookup (gather)
    out = jnp.take(token_table, x, axis=0)  # [B, L, D]
    # positional embedding: positions arange(L), added broadcast over batch
    L = x.shape[1]
    position = jnp.arange(L)
    pos = jnp.take(pos_table, position, axis=0)  # [L, D]
    out = out + pos[None, :, :]
    # dropout with p=0.0 (eval) is identity
    return out

if __name__ == "__main__":
    import jax
    _d = setup_inputs()
    print(jax.jit(kernel)(*tuple(_d.values())))

</pallas_src>

<mosaic_0001>
#map = affine_map<(d0, d1) -> (0, 0)>
module attributes {stable_mosaic.version = 14 : i64} {
  func.func @_emb_body(%arg0: i32, %arg1: i32, %arg2: memref<256x128xi32, #tpu.memory_space<hbm>>, %arg3: memref<100000x64xf32, #tpu.memory_space<hbm>>, %arg4: memref<8192x64xf32, #tpu.memory_space<hbm>>, %arg5: memref<32768x64xf32, #tpu.memory_space<hbm>>, %arg6: memref<8x128xi32, #tpu.memory_space<vmem>>, %arg7: memref<4x128x64xf32, #tpu.memory_space<vmem>>, %arg8: memref<4x128x64xf32, #tpu.memory_space<vmem>>, %arg9: memref<!tpu.dma_semaphore, #tpu.memory_space<semaphore_mem>>, %arg10: memref<!tpu.dma_semaphore, #tpu.memory_space<semaphore_mem>>, %arg11: memref<!tpu.dma_semaphore, #tpu.memory_space<semaphore_mem>>) attributes {dimension_semantics = [#tpu.dimension_semantics<core_parallel>, #tpu.dimension_semantics<subcore_parallel>], iteration_bounds = array<i64: 2, 16>, scalar_prefetch = 0 : i64, scratch_operands = 6 : i64, tpu.core_type = #tpu.core_type<sc_vector_subcore>, window_params = [{transform_indices = #map}, {transform_indices = #map}, {transform_indices = #map}, {transform_indices = #map}]} {
    %mul3A = arith.constant 2 : i32
    %mul3A_0 = arith.muli %arg1, %mul3A : i32
    %add3A = arith.addi %mul3A_0, %arg0 : i32
    %mul3A_1 = arith.constant 1024 : i32
    %mul3A_2 = arith.muli %add3A, %mul3A_1 : i32
    %multiple_of3A = tpu.assume_multiple %mul3A_2, 1024 : i32
    %rem3A = arith.constant 8192 : i32
    %rem3A_3 = arith.remsi %multiple_of3A, %rem3A : i32
    %multiple_of3A_4 = tpu.assume_multiple %rem3A_3, 1024 : i32
    %mul3A_5 = arith.constant 8 : i32
    %mul3A_6 = arith.muli %add3A, %mul3A_5 : i32
    %multiple_of3A_7 = tpu.assume_multiple %mul3A_6, 8 : i32
    "tpu.region"() ({
      %run_scoped3A = tpu.sem_alloc : memref<!tpu.dma_semaphore, #tpu.memory_space<semaphore_mem>>
      %dma_start3A_717 = arith.constant 0 : i32
      %dma_start3A_718 = tpu.memref_slice %arg2[%multiple_of3A_7, %dma_start3A_717] : memref<256x128xi32, #tpu.memory_space<hbm>> -> memref<8x128xi32, #tpu.memory_space<hbm>>
      %dma_start3A_719 = arith.constant 0 : i32
      %dma_start3A_720 = tpu.memref_slice %arg2[%multiple_of3A_7, %dma_start3A_719] : memref<256x128xi32, #tpu.memory_space<hbm>> -> memref<8x128xi32, #tpu.memory_space<hbm>>
      tpu.enqueue_dma source(%dma_start3A_720 : memref<8x128xi32, #tpu.memory_space<hbm>>) target(%arg6 : memref<8x128xi32, #tpu.memory_space<vmem>>) target_semaphore(%run_scoped3A : memref<!tpu.dma_semaphore, #tpu.memory_space<semaphore_mem>>)
      %dma_wait3A_721 = arith.constant 0 : i32
      %dma_wait3A_722 = tpu.memref_slice %arg2[%multiple_of3A_7, %dma_wait3A_721] : memref<256x128xi32, #tpu.memory_space<hbm>> -> memref<8x128xi32, #tpu.memory_space<hbm>>
      %dma_wait3A_723 = arith.constant 0 : i32
      %dma_wait3A_724 = tpu.memref_slice %arg2[%multiple_of3A_7, %dma_wait3A_723] : memref<256x128xi32, #tpu.memory_space<hbm>> -> memref<8x128xi32, #tpu.memory_space<hbm>>
      tpu.wait_dma2 semaphore(%run_scoped3A : memref<!tpu.dma_semaphore, #tpu.memory_space<semaphore_mem>>) src(%dma_wait3A_724 : memref<8x128xi32, #tpu.memory_space<hbm>>) dst(%arg6 : memref<8x128xi32, #tpu.memory_space<vmem>>)
      tpu.yield
    }) : () -> ()
    %dma_start3A = arith.constant 0 : i32
    %dma_start3A_8 = arith.constant 0 : i32
    %dma_start3A_9 = arith.constant 0 : i32
    %dma_start3A_10 = arith.constant 0 : i32
    %dma_start3A_11 = tpu.memref_slice %arg7[%dma_start3A_8, %dma_start3A_9, %dma_start3A_10] : memref<4x128x64xf32, #tpu.memory_space<vmem>> -> memref<1x128x64xf32, #tpu.memory_space<vmem>>
    %dma_start3A_12 = tpu.memref_squeeze %dma_start3A_11 : memref<1x128x64xf32, #tpu.memory_space<vmem>> -> memref<128x64xf32, #tpu.memory_space<vmem>>
    %dma_start3A_13 = arith.constant 0 : i32
    %dma_start3A_14 = tpu.memref_slice %arg6[%dma_start3A, %dma_start3A_13] : memref<8x128xi32, #tpu.memory_space<vmem>> -> memref<1x128xi32, #tpu.memory_space<vmem>>
    %dma_start3A_15 = tpu.memref_squeeze %dma_start3A_14 : memref<1x128xi32, #tpu.memory_space<vmem>> -> memref<128xi32, #tpu.memory_space<vmem>>
    %dma_start3A_16 = arith.constant 0 : i32
    %dma_start3A_17 = arith.constant 0 : i32
    %dma_start3A_18 = tpu.memref_slice %arg3[%dma_start3A_16, %dma_start3A_17] : memref<100000x64xf32, #tpu.memory_space<hbm>> -> memref<100000x64xf32, #tpu.memory_space<hbm>>
    tpu.enqueue_indirect_dma source(%dma_start3A_18 : memref<100000x64xf32, #tpu.memory_space<hbm>>) target(%dma_start3A_12 : memref<128x64xf32, #tpu.memory_space<vmem>>) offsets(%dma_start3A_15 : memref<128xi32, #tpu.memory_space<vmem>>) semaphore(%arg9 : memref<!tpu.dma_semaphore, #tpu.memory_space<semaphore_mem>>)
    %add3A_19 = arith.constant 0 : i32
    %add3A_20 = arith.addi %multiple_of3A_4, %add3A_19 : i32
    %multiple_of3A_21 = tpu.assume_multiple %add3A_20, 128 : i32
    %dma_start3A_22 = arith.constant 0 : i32
    %dma_start3A_23 = arith.constant 0 : i32
    %dma_start3A_24 = arith.constant 0 : i32
    %dma_start3A_25 = tpu.memref_slice %arg8[%dma_start3A_22, %dma_start3A_23, %dma_start3A_24] : memref<4x128x64xf32, #tpu.memory_space<vmem>> -> memref<1x128x64xf32, #tpu.memory_space<vmem>>
    %dma_start3A_26 = tpu.memref_squeeze %dma_start3A_25 : memref<1x128x64xf32, #tpu.memory_space<vmem>> -> memref<128x64xf32, #tpu.memory_space<vmem>>
    %dma_start3A_27 = arith.constant 0 : i32
    %dma_start3A_28 = tpu.memref_slice %arg4[%multiple_of3A_21, %dma_start3A_27] : memref<8192x64xf32, #tpu.memory_space<hbm>> -> memref<128x64xf32, #tpu.memory_space<hbm>>
    %dma_start3A_29 = arith.constant 0 : i32
    %dma_start3A_30 = arith.constant 0 : i32
    %dma_start3A_31 = tpu.memref_slice %arg8[%dma_start3A_22, %dma_start3A_29, %dma_start3A_30] : memref<4x128x64xf32, #tpu.memory_space<vmem>> -> memref<1x128x64xf32, #tpu.memory_space<vmem>>
    %dma_start3A_32 = tpu.memref_squeeze %dma_start3A_31 : memref<1x128x64xf32, #tpu.memory_space<vmem>> -> memref<128x64xf32, #tpu.memory_space<vmem>>
    %dma_start3A_33 = arith.constant 0 : i32
    %dma_start3A_34 = tpu.memref_slice %arg4[%multiple_of3A_21, %dma_start3A_33] : memref<8192x64xf32, #tpu.memory_space<hbm>> -> memref<128x64xf32, #tpu.memory_space<hbm>>
    tpu.enqueue_dma source(%dma_start3A_34 : memref<128x64xf32, #tpu.memory_space<hbm>>) target(%dma_start3A_32 : memref<128x64xf32, #tpu.memory_space<vmem>>) target_semaphore(%arg11 : memref<!tpu.dma_semaphore, #tpu.memory_space<semaphore_mem>>)
    %dma_start3A_35 = arith.constant 1 : i32
    %dma_start3A_36 = arith.constant 1 : i32
    %dma_start3A_37 = arith.constant 0 : i32
    %dma_start3A_38 = arith.constant 0 : i32
    %dma_start3A_39 = tpu.memref_slice %arg7[%dma_start3A_36, %dma_start3A_37, %dma_start3A_38] : memref<4x128x64xf32, #tpu.memory_space<vmem>> -> memref<1x128x64xf32, #tpu.memory_space<vmem>>
    %dma_start3A_40 = tpu.memref_squeeze %dma_start3A_39 : memref<1x128x64xf32, #tpu.memory_space<vmem>> -> memref<128x64xf32, #tpu.memory_space<vmem>>
    %dma_start3A_41 = arith.constant 0 : i32
    %dma_start3A_42 = tpu.memref_slice %arg6[%dma_start3A_35, %dma_start3A_41] : memref<8x128xi32, #tpu.memory_space<vmem>> -> memref<1x128xi32, #tpu.memory_space<vmem>>
    %dma_start3A_43 = tpu.memref_squeeze %dma_start3A_42 : memref<1x128xi32, #tpu.memory_space<vmem>> -> memref<128xi32, #tpu.memory_space<vmem>>
    %dma_start3A_44 = arith.constant 0 : i32
    %dma_start3A_45 = arith.constant 0 : i32
    %dma_start3A_46 = tpu.memref_slice %arg3[%dma_start3A_44, %dma_start3A_45] : memref<100000x64xf32, #tpu.memory_space<hbm>> -> memref<100000x64xf32, #tpu.memory_space<hbm>>
    tpu.enqueue_indirect_dma source(%dma_start3A_46 : memref<100000x64xf32, #tpu.memory_space<hbm>>) target(%dma_start3A_40 : memref<128x64xf32, #tpu.memory_space<vmem>>) offsets(%dma_start3A_43 : memref<128xi32, #tpu.memory_space<vmem>>) semaphore(%arg9 : memref<!tpu.dma_semaphore, #tpu.memory_space<semaphore_mem>>)
    %add3A_47 = arith.constant 128 : i32
    %add3A_48 = arith.addi %multiple_of3A_4, %add3A_47 : i32
    %multiple_of3A_49 = tpu.assume_multiple %add3A_48, 128 : i32
    %dma_start3A_50 = arith.constant 1 : i32
    %dma_start3A_51 = arith.constant 0 : i32
    %dma_start3A_52 = arith.constant 0 : i32
    %dma_start3A_53 = tpu.memref_slice %arg8[%dma_start3A_50, %dma_start3A_51, %dma_start3A_52] : memref<4x128x64xf32, #tpu.memory_space<vmem>> -> memref<1x128x64xf32, #tpu.memory_space<vmem>>
    %dma_start3A_54 = tpu.memref_squeeze %dma_start3A_53 : memref<1x128x64xf32, #tpu.memory_space<vmem>> -> memref<128x64xf32, #tpu.memory_space<vmem>>
    %dma_start3A_55 = arith.constant 0 : i32
    %dma_start3A_56 = tpu.memref_slice %arg4[%multiple_of3A_49, %dma_start3A_55] : memref<8192x64xf32, #tpu.memory_space<hbm>> -> memref<128x64xf32, #tpu.memory_space<hbm>>
    %dma_start3A_57 = arith.constant 0 : i32
    %dma_start3A_58 = arith.constant 0 : i32
    %dma_start3A_59 = tpu.memref_slice %arg8[%dma_start3A_50, %dma_start3A_57, %dma_start3A_58] : memref<4x128x64xf32, #tpu.memory_space<vmem>> -> memref<1x128x64xf32, #tpu.memory_space<vmem>>
    %dma_start3A_60 = tpu.memref_squeeze %dma_start3A_59 : memref<1x128x64xf32, #tpu.memory_space<vmem>> -> memref<128x64xf32, #tpu.memory_space<vmem>>
    %dma_start3A_61 = arith.constant 0 : i32
    %dma_start3A_62 = tpu.memref_slice %arg4[%multiple_of3A_49, %dma_start3A_61] : memref<8192x64xf32, #tpu.memory_space<hbm>> -> memref<128x64xf32, #tpu.memory_space<hbm>>
    tpu.enqueue_dma source(%dma_start3A_62 : memref<128x64xf32, #tpu.memory_space<hbm>>) target(%dma_start3A_60 : memref<128x64xf32, #tpu.memory_space<vmem>>) target_semaphore(%arg11 : memref<!tpu.dma_semaphore, #tpu.memory_space<semaphore_mem>>)
    %dma_start3A_63 = arith.constant 2 : i32
    %dma_start3A_64 = arith.constant 2 : i32
    %dma_start3A_65 = arith.constant 0 : i32
    %dma_start3A_66 = arith.constant 0 : i32
    %dma_start3A_67 = tpu.memref_slice %arg7[%dma_start3A_64, %dma_start3A_65, %dma_start3A_66] : memref<4x128x64xf32, #tpu.memory_space<vmem>> -> memref<1x128x64xf32, #tpu.memory_space<vmem>>
    %dma_start3A_68 = tpu.memref_squeeze %dma_start3A_67 : memref<1x128x64xf32, #tpu.memory_space<vmem>> -> memref<128x64xf32, #tpu.memory_space<vmem>>
    %dma_start3A_69 = arith.constant 0 : i32
    %dma_start3A_70 = tpu.memref_slice %arg6[%dma_start3A_63, %dma_start3A_69] : memref<8x128xi32, #tpu.memory_space<vmem>> -> memref<1x128xi32, #tpu.memory_space<vmem>>
    %dma_start3A_71 = tpu.memref_squeeze %dma_start3A_70 : memref<1x128xi32, #tpu.memory_space<vmem>> -> memref<128xi32, #tpu.memory_space<vmem>>
    %dma_start3A_72 = arith.constant 0 : i32
    %dma_start3A_73 = arith.constant 0 : i32
    %dma_start3A_74 = tpu.memref_slice %arg3[%dma_start3A_72, %dma_start3A_73] : memref<100000x64xf32, #tpu.memory_space<hbm>> -> memref<100000x64xf32, #tpu.memory_space<hbm>>
    tpu.enqueue_indirect_dma source(%dma_start3A_74 : memref<100000x64xf32, #tpu.memory_space<hbm>>) target(%dma_start3A_68 : memref<128x64xf32, #tpu.memory_space<vmem>>) offsets(%dma_start3A_71 : memref<128xi32, #tpu.memory_space<vmem>>) semaphore(%arg9 : memref<!tpu.dma_semaphore, #tpu.memory_space<semaphore_mem>>)
    %add3A_75 = arith.constant 256 : i32
    %add3A_76 = arith.addi %multiple_of3A_4, %add3A_75 : i32
    %multiple_of3A_77 = tpu.assume_multiple %add3A_76, 128 : i32
    %dma_start3A_78 = arith.constant 2 : i32
    %dma_start3A_79 = arith.constant 0 : i32
    %dma_start3A_80 = arith.constant 0 : i32
    %dma_start3A_81 = tpu.memref_slice %arg8[%dma_start3A_78, %dma_start3A_79, %dma_start3A_80] : memref<4x128x64xf32, #tpu.memory_space<vmem>> -> memref<1x128x64xf32, #tpu.memory_space<vmem>>
    %dma_start3A_82 = tpu.memref_squeeze %dma_start3A_81 : memref<1x128x64xf32, #tpu.memory_space<vmem>> -> memref<128x64xf32, #tpu.memory_space<vmem>>
    %dma_start3A_83 = arith.constant 0 : i32
    %dma_start3A_84 = tpu.memref_slice %arg4[%multiple_of3A_77, %dma_start3A_83] : memref<8192x64xf32, #tpu.memory_space<hbm>> -> memref<128x64xf32, #tpu.memory_space<hbm>>
    %dma_start3A_85 = arith.constant 0 : i32
    %dma_start3A_86 = arith.constant 0 : i32
    %dma_start3A_87 = tpu.memref_slice %arg8[%dma_start3A_78, %dma_start3A_85, %dma_start3A_86] : memref<4x128x64xf32, #tpu.memory_space<vmem>> -> memref<1x128x64xf32, #tpu.memory_space<vmem>>
    %dma_start3A_88 = tpu.memref_squeeze %dma_start3A_87 : memref<1x128x64xf32, #tpu.memory_space<vmem>> -> memref<128x64xf32, #tpu.memory_space<vmem>>
    %dma_start3A_89 = arith.constant 0 : i32
    %dma_start3A_90 = tpu.memref_slice %arg4[%multiple_of3A_77, %dma_start3A_89] : memref<8192x64xf32, #tpu.memory_space<hbm>> -> memref<128x64xf32, #tpu.memory_space<hbm>>
    tpu.enqueue_dma source(%dma_start3A_90 : memref<128x64xf32, #tpu.memory_space<hbm>>) target(%dma_start3A_88 : memref<128x64xf32, #tpu.memory_space<vmem>>) target_semaphore(%arg11 : memref<!tpu.dma_semaphore, #tpu.memory_space<semaphore_mem>>)
    %dma_wait3A = arith.constant 0 : i32
    %dma_wait3A_91 = arith.constant 0 : i32
    %dma_wait3A_92 = arith.constant 0 : i32
    %dma_wait3A_93 = arith.constant 0 : i32
    %dma_wait3A_94 = tpu.memref_slice %arg7[%dma_wait3A_91, %dma_wait3A_92, %dma_wait3A_93] : memref<4x128x64xf32, #tpu.memory_space<vmem>> -> memref<1x128x64xf32, #tpu.memory_space<vmem>>
    %dma_wait3A_95 = tpu.memref_squeeze %dma_wait3A_94 : memref<1x128x64xf32, #tpu.memory_space<vmem>> -> memref<128x64xf32, #tpu.memory_space<vmem>>
    %dma_wait3A_96 = arith.constant 0 : i32
    %dma_wait3A_97 = tpu.memref_slice %arg6[%dma_wait3A, %dma_wait3A_96] : memref<8x128xi32, #tpu.memory_space<vmem>> -> memref<1x128xi32, #tpu.memory_space<vmem>>
    %dma_wait3A_98 = tpu.memref_squeeze %dma_wait3A_97 : memref<1x128xi32, #tpu.memory_space<vmem>> -> memref<128xi32, #tpu.memory_space<vmem>>
    %dma_wait3A_99 = arith.constant 0 : i32
    %dma_wait3A_100 = arith.constant 0 : i32
    %dma_wait3A_101 = tpu.memref_slice %arg3[%dma_wait3A_99, %dma_wait3A_100] : memref<100000x64xf32, #tpu.memory_space<hbm>> -> memref<100000x64xf32, #tpu.memory_space<hbm>>
    tpu.wait_indirect_dma semaphore(%arg9 : memref<!tpu.dma_semaphore, #tpu.memory_space<semaphore_mem>>) src(%dma_wait3A_101 : memref<100000x64xf32, #tpu.memory_space<hbm>>) dst(%dma_wait3A_95 : memref<128x64xf32, #tpu.memory_space<vmem>>)
    %dma_wait3A_102 = arith.constant 0 : i32
    %dma_wait3A_103 = arith.constant 0 : i32
    %dma_wait3A_104 = arith.constant 0 : i32
    %dma_wait3A_105 = tpu.memref_slice %arg8[%dma_wait3A_102, %dma_wait3A_103, %dma_wait3A_104] : memref<4x128x64xf32, #tpu.memory_space<vmem>> -> memref<1x128x64xf32, #tpu.memory_space<vmem>>
    %dma_wait3A_106 = tpu.memref_squeeze %dma_wait3A_105 : memref<1x128x64xf32, #tpu.memory_space<vmem>> -> memref<128x64xf32, #tpu.memory_space<vmem>>
    %dma_wait3A_107 = arith.constant 0 : i32
    %dma_wait3A_108 = tpu.memref_slice %arg4[%multiple_of3A_21, %dma_wait3A_107] : memref<8192x64xf32, #tpu.memory_space<hbm>> -> memref<128x64xf32, #tpu.memory_space<hbm>>
    %dma_wait3A_109 = arith.constant 0 : i32
    %dma_wait3A_110 = arith.constant 0 : i32
    %dma_wait3A_111 = tpu.memref_slice %arg8[%dma_wait3A_102, %dma_wait3A_109, %dma_wait3A_110] : memref<4x128x64xf32, #tpu.memory_space<vmem>> -> memref<1x128x64xf32, #tpu.memory_space<vmem>>
    %dma_wait3A_112 = tpu.memref_squeeze %dma_wait3A_111 : memref<1x128x64xf32, #tpu.memory_space<vmem>> -> memref<128x64xf32, #tpu.memory_space<vmem>>
    %dma_wait3A_113 = arith.constant 0 : i32
    %dma_wait3A_114 = tpu.memref_slice %arg4[%multiple_of3A_21, %dma_wait3A_113] : memref<8192x64xf32, #tpu.memory_space<hbm>> -> memref<128x64xf32, #tpu.memory_space<hbm>>
    tpu.wait_dma2 semaphore(%arg11 : memref<!tpu.dma_semaphore, #tpu.memory_space<semaphore_mem>>) src(%dma_wait3A_114 : memref<128x64xf32, #tpu.memory_space<hbm>>) dst(%dma_wait3A_112 : memref<128x64xf32, #tpu.memory_space<vmem>>)
    %scan3A = arith.constant 0 : i32
    %scan3A_115 = arith.constant 0 : i32
    %scan3A_116 = arith.constant 128 : i32
    %scan3A_117 = arith.addi %scan3A_115, %scan3A_116 : i32
    %scan3A_118 = arith.constant 8 : i32
    %scan3A_119 = scf.for %scan3A_717 = %scan3A_115 to %scan3A_117 step %scan3A_118 iter_args(%scan3A_718 = %scan3A) -> (i32)  : i32 {
      %get3A = arith.constant 0 : i32
      %get3A_719 = arith.index_cast %get3A : i32 to index
      %get3A_720 = arith.index_cast %scan3A_717 : i32 to index
      %get3A_721 = arith.constant 0 : index
      %get3A_722 = tpu.vector_load %arg7[%get3A_719, %get3A_720, %get3A_721] {strides = array<i32>} : memref<4x128x64xf32, #tpu.memory_space<vmem>>, vector<1x1x16xf32>,
      %get3A_723 = vector.shape_cast %get3A_722 : vector<1x1x16xf32> to vector<16xf32>
      %swap3A = arith.constant 0 : i32
      %swap3A_724 = arith.index_cast %swap3A : i32 to index
      %swap3A_725 = arith.index_cast %scan3A_717 : i32 to index
      %swap3A_726 = arith.constant 0 : index
      %swap3A_727 = tpu.vector_load %arg8[%swap3A_724, %swap3A_725, %swap3A_726] {strides = array<i32>} : memref<4x128x64xf32, #tpu.memory_space<vmem>>, vector<1x1x16xf32>,
      %swap3A_728 = vector.shape_cast %swap3A_727 : vector<1x1x16xf32> to vector<16xf32>
      %swap3A_729 = vector.shape_cast %get3A_723 : vector<16xf32> to vector<1x1x16xf32>
      tpu.vector_store %arg8[%swap3A_724, %swap3A_725, %swap3A_726], %swap3A_729 {add = true, strides = array<i32>} : memref<4x128x64xf32, #tpu.memory_space<vmem>>, vector<1x1x16xf32>,
      %get3A_730 = arith.constant 0 : i32
      %get3A_731 = arith.index_cast %get3A_730 : i32 to index
      %get3A_732 = arith.index_cast %scan3A_717 : i32 to index
      %get3A_733 = arith.constant 16 : index
      %get3A_734 = tpu.vector_load %arg7[%get3A_731, %get3A_732, %get3A_733] {strides = array<i32>} : memref<4x128x64xf32, #tpu.memory_space<vmem>>, vector<1x1x16xf32>,
      %get3A_735 = vector.shape_cast %get3A_734 : vector<1x1x16xf32> to vector<16xf32>
      %swap3A_736 = arith.constant 0 : i32
      %swap3A_737 = arith.index_cast %swap3A_736 : i32 to index
      %swap3A_738 = arith.index_cast %scan3A_717 : i32 to index
      %swap3A_739 = arith.constant 16 : index
      %swap3A_740 = tpu.vector_load %arg8[%swap3A_737, %swap3A_738, %swap3A_739] {strides = array<i32>} : memref<4x128x64xf32, #tpu.memory_space<vmem>>, vector<1x1x16xf32>,
      %swap3A_741 = vector.shape_cast %swap3A_740 : vector<1x1x16xf32> to vector<16xf32>
      %swap3A_742 = vector.shape_cast %get3A_735 : vector<16xf32> to vector<1x1x16xf32>
      tpu.vector_store %arg8[%swap3A_737, %swap3A_738, %swap3A_739], %swap3A_742 {add = true, strides = array<i32>} : memref<4x128x64xf32, #tpu.memory_space<vmem>>, vector<1x1x16xf32>,
      %get3A_743 = arith.constant 0 : i32
      %get3A_744 = arith.index_cast %get3A_743 : i32 to index
      %get3A_745 = arith.index_cast %scan3A_717 : i32 to index
      %get3A_746 = arith.constant 32 : index
      %get3A_747 = tpu.vector_load %arg7[%get3A_744, %get3A_745, %get3A_746] {strides = array<i32>} : memref<4x128x64xf32, #tpu.memory_space<vmem>>, vector<1x1x16xf32>,
      %get3A_748 = vector.shape_cast %get3A_747 : vector<1x1x16xf32> to vector<16xf32>
      %swap3A_749 = arith.constant 0 : i32
      %swap3A_750 = arith.index_cast %swap3A_749 : i32 to index
      %swap3A_751 = arith.index_cast %scan3A_717 : i32 to index
      %swap3A_752 = arith.constant 32 : index
      %swap3A_753 = tpu.vector_load %arg8[%swap3A_750, %swap3A_751, %swap3A_752] {strides = array<i32>} : memref<4x128x64xf32, #tpu.memory_space<vmem>>, vector<1x1x16xf32>,
      %swap3A_754 = vector.shape_cast %swap3A_753 : vector<1x1x16xf32> to vector<16xf32>
      %swap3A_755 = vector.shape_cast %get3A_748 : vector<16xf32> to vector<1x1x16xf32>
      tpu.vector_store %arg8[%swap3A_750, %swap3A_751, %swap3A_752], %swap3A_755 {add = true, strides = array<i32>} : memref<4x128x64xf32, #tpu.memory_space<vmem>>, vector<1x1x16xf32>,
      %get3A_756 = arith.constant 0 : i32
      %get3A_757 = arith.index_cast %get3A_756 : i32 to index
      %get3A_758 = arith.index_cast %scan3A_717 : i32 to index
      %get3A_759 = arith.constant 48 : index
      %get3A_760 = tpu.vector_load %arg7[%get3A_757, %get3A_758, %get3A_759] {strides = array<i32>} : memref<4x128x64xf32, #tpu.memory_space<vmem>>, vector<1x1x16xf32>,
      %get3A_761 = vector.shape_cast %get3A_760 : vector<1x1x16xf32> to vector<16xf32>
      %swap3A_762 = arith.constant 0 : i32
      %swap3A_763 = arith.index_cast %swap3A_762 : i32 to index
      %swap3A_764 = arith.index_cast %scan3A_717 : i32 to index
      %swap3A_765 = arith.constant 48 : index
      %swap3A_766 = tpu.vector_load %arg8[%swap3A_763, %swap3A_764, %swap3A_765] {strides = array<i32>} : memref<4x128x64xf32, #tpu.memory_space<vmem>>, vector<1x1x16xf32>,
      %swap3A_767 = vector.shape_cast %swap3A_766 : vector<1x1x16xf32> to vector<16xf32>
      %swap3A_768 = vector.shape_cast %get3A_761 : vector<16xf32> to vector<1x1x16xf32>
      tpu.vector_store %arg8[%swap3A_763, %swap3A_764, %swap3A_765], %swap3A_768 {add = true, strides = array<i32>} : memref<4x128x64xf32, #tpu.memory_space<vmem>>, vector<1x1x16xf32>,
      %scan3A_769 = arith.constant 0 : i32
      %scan3A_770 = arith.constant 1 : i32
      %scan3A_771 = arith.addi %scan3A_717, %scan3A_770 : i32
      %get3A_772 = arith.constant 0 : i32
      %get3A_773 = arith.index_cast %get3A_772 : i32 to index
      %get3A_774 = arith.index_cast %scan3A_771 : i32 to index
      %get3A_775 = arith.constant 0 : index
      %get3A_776 = tpu.vector_load %arg7[%get3A_773, %get3A_774, %get3A_775] {strides = array<i32>} : memref<4x128x64xf32, #tpu.memory_space<vmem>>, vector<1x1x16xf32>,
      %get3A_777 = vector.shape_cast %get3A_776 : vector<1x1x16xf32> to vector<16xf32>
      %swap3A_778 = arith.constant 0 : i32
      %swap3A_779 = arith.index_cast %swap3A_778 : i32 to index
      %swap3A_780 = arith.index_cast %scan3A_771 : i32 to index
      %swap3A_781 = arith.constant 0 : index
      %swap3A_782 = tpu.vector_load %arg8[%swap3A_779, %swap3A_780, %swap3A_781] {strides = array<i32>} : memref<4x128x64xf32, #tpu.memory_space<vmem>>, vector<1x1x16xf32>,
      %swap3A_783 = vector.shape_cast %swap3A_782 : vector<1x1x16xf32> to vector<16xf32>
      %swap3A_784 = vector.shape_cast %get3A_777 : vector<16xf32> to vector<1x1x16xf32>
      tpu.vector_store %arg8[%swap3A_779, %swap3A_780, %swap3A_781], %swap3A_784 {add = true, strides = array<i32>} : memref<4x128x64xf32, #tpu.memory_space<vmem>>, vector<1x1x16xf32>,
      %get3A_785 = arith.constant 0 : i32
      %get3A_786 = arith.index_cast %get3A_785 : i32 to index
      %get3A_787 = arith.index_cast %scan3A_771 : i32 to index
      %get3A_788 = arith.constant 16 : index
      %get3A_789 = tpu.vector_load %arg7[%get3A_786, %get3A_787, %get3A_788] {strides = array<i32>} : memref<4x128x64xf32, #tpu.memory_space<vmem>>, vector<1x1x16xf32>,
      %get3A_790 = vector.shape_cast %get3A_789 : vector<1x1x16xf32> to vector<16xf32>
      %swap3A_791 = arith.constant 0 : i32
      %swap3A_792 = arith.index_cast %swap3A_791 : i32 to index
      %swap3A_793 = arith.index_cast %scan3A_771 : i32 to index
      %swap3A_794 = arith.constant 16 : index
      %swap3A_795 = tpu.vector_load %arg8[%swap3A_792, %swap3A_793, %swap3A_794] {strides = array<i32>} : memref<4x128x64xf32, #tpu.memory_space<vmem>>, vector<1x1x16xf32>,
      %swap3A_796 = vector.shape_cast %swap3A_795 : vector<1x1x16xf32> to vector<16xf32>
      %swap3A_797 = vector.shape_cast %get3A_790 : vector<16xf32> to vector<1x1x16xf32>
      tpu.vector_store %arg8[%swap3A_792, %swap3A_793, %swap3A_794], %swap3A_797 {add = true, strides = array<i32>} : memref<4x128x64xf32, #tpu.memory_space<vmem>>, vector<1x1x16xf32>,
      %get3A_798 = arith.constant 0 : i32
      %get3A_799 = arith.index_cast %get3A_798 : i32 to index
      %get3A_800 = arith.index_cast %scan3A_771 : i32 to index
      %get3A_801 = arith.constant 32 : index
      %get3A_802 = tpu.vector_load %arg7[%get3A_799, %get3A_800, %get3A_801] {strides = array<i32>} : memref<4x128x64xf32, #tpu.memory_space<vmem>>, vector<1x1x16xf32>,
      %get3A_803 = vector.shape_cast %get3A_802 : vector<1x1x16xf32> to vector<16xf32>
      %swap3A_804 = arith.constant 0 : i32
      %swap3A_805 = arith.index_cast %swap3A_804 : i32 to index
      %swap3A_806 = arith.index_cast %scan3A_771 : i32 to index
      %swap3A_807 = arith.constant 32 : index
      %swap3A_808 = tpu.vector_load %arg8[%swap3A_805, %swap3A_806, %swap3A_807] {strides = array<i32>} : memref<4x128x64xf32, #tpu.memory_space<vmem>>, vector<1x1x16xf32>,
      %swap3A_809 = vector.shape_cast %swap3A_808 : vector<1x1x16xf32> to vector<16xf32>
      %swap3A_810 = vector.shape_cast %get3A_803 : vector<16xf32> to vector<1x1x16xf32>
      tpu.vector_store %arg8[%swap3A_805, %swap3A_806, %swap3A_807], %swap3A_810 {add = true, strides = array<i32>} : memref<4x128x64xf32, #tpu.memory_space<vmem>>, vector<1x1x16xf32>,
      %get3A_811 = arith.constant 0 : i32
      %get3A_812 = arith.index_cast %get3A_811 : i32 to index
      %get3A_813 = arith.index_cast %scan3A_771 : i32 to index
      %get3A_814 = arith.constant 48 : index
      %get3A_815 = tpu.vector_load %arg7[%get3A_812, %get3A_813, %get3A_814] {strides = array<i32>} : memref<4x128x64xf32, #tpu.memory_space<vmem>>, vector<1x1x16xf32>,
      %get3A_816 = vector.shape_cast %get3A_815 : vector<1x1x16xf32> to vector<16xf32>
      %swap3A_817 = arith.constant 0 : i32
      %swap3A_818 = arith.index_cast %swap3A_817 : i32 to index
      %swap3A_819 = arith.index_cast %scan3A_771 : i32 to index
      %swap3A_820 = arith.constant 48 : index
      %swap3A_821 = tpu.vector_load %arg8[%swap3A_818, %swap3A_819, %swap3A_820] {strides = array<i32>} : memref<4x128x64xf32, #tpu.memory_space<vmem>>, vector<1x1x16xf32>,
      %swap3A_822 = vector.shape_cast %swap3A_821 : vector<1x1x16xf32> to vector<16xf32>
      %swap3A_823 = vector.shape_cast %get3A_816 : vector<16xf32> to vector<1x1x16xf32>
      tpu.vector_store %arg8[%swap3A_818, %swap3A_819, %swap3A_820], %swap3A_823 {add = true, strides = array<i32>} : memref<4x128x64xf32, #tpu.memory_space<vmem>>, vector<1x1x16xf32>,
      %scan3A_824 = arith.constant 0 : i32
      %scan3A_825 = arith.constant 2 : i32
      %scan3A_826 = arith.addi %scan3A_717, %scan3A_825 : i32
      %get3A_827 = arith.constant 0 : i32
      %get3A_828 = arith.index_cast %get3A_827 : i32 to index
      %get3A_829 = arith.index_cast %scan3A_826 : i32 to index
      %get3A_830 = arith.constant 0 : index
      %get3A_831 = tpu.vector_load %arg7[%get3A_828, %get3A_829, %get3A_830] {strides = array<i32>} : memref<4x128x64xf32, #tpu.memory_space<vmem>>, vector<1x1x16xf32>,
      %get3A_832 = vector.shape_cast %get3A_831 : vector<1x1x16xf32> to vector<16xf32>
      %swap3A_833 = arith.constant 0 : i32
      %swap3A_834 = arith.index_cast %swap3A_833 : i32 to index
      %swap3A_835 = arith.index_cast %scan3A_826 : i32 to index
      %swap3A_836 = arith.constant 0 : index
      %swap3A_837 = tpu.vector_load %arg8[%swap3A_834, %swap3A_835, %swap3A_836] {strides = array<i32>} : memref<4x128x64xf32, #tpu.memory_space<vmem>>, vector<1x1x16xf32>,
      %swap3A_838 = vector.shape_cast %swap3A_837 : vector<1x1x16xf32> to vector<16xf32>
      %swap3A_839 = vector.shape_cast %get3A_832 : vector<16xf32> to vector<1x1x16xf32>
      tpu.vector_store %arg8[%swap3A_834, %swap3A_835, %swap3A_836], %swap3A_839 {add = true, strides = array<i32>} : memref<4x128x64xf32, #tpu.memory_space<vmem>>, vector<1x1x16xf32>,
      %get3A_840 = arith.constant 0 : i32
      %get3A_841 = arith.index_cast %get3A_840 : i32 to index
      %get3A_842 = arith.index_cast %scan3A_826 : i32 to index
      %get3A_843 = arith.constant 16 : index
      %get3A_844 = tpu.vector_load %arg7[%get3A_841, %get3A_842, %get3A_843] {strides = array<i32>} : memref<4x128x64xf32, #tpu.memory_space<vmem>>, vector<1x1x16xf32>,
      %get3A_845 = vector.shape_cast %get3A_844 : vector<1x1x16xf32> to vector<16xf32>
      %swap3A_846 = arith.constant 0 : i32
      %swap3A_847 = arith.index_cast %swap3A_846 : i32 to index
      %swap3A_848 = arith.index_cast %scan3A_826 : i32 to index
      %swap3A_849 = arith.constant 16 : index
      %swap3A_850 = tpu.vector_load %arg8[%swap3A_847, %swap3A_848, %swap3A_849] {strides = array<i32>} : memref<4x128x64xf32, #tpu.memory_space<vmem>>, vector<1x1x16xf32>,
      %swap3A_851 = vector.shape_cast %swap3A_850 : vector<1x1x16xf32> to vector<16xf32>
      %swap3A_852 = vector.shape_cast %get3A_845 : vector<16xf32> to vector<1x1x16xf32>
      tpu.vector_store %arg8[%swap3A_847, %swap3A_848, %swap3A_849], %swap3A_852 {add = true, strides = array<i32>} : memref<4x128x64xf32, #tpu.memory_space<vmem>>, vector<1x1x16xf32>,
      %get3A_853 = arith.constant 0 : i32
      %get3A_854 = arith.index_cast %get3A_853 : i32 to index
      %get3A_855 = arith.index_cast %scan3A_826 : i32 to index
      %get3A_856 = arith.constant 32 : index
      %get3A_857 = tpu.vector_load %arg7[%get3A_854, %get3A_855, %get3A_856] {strides = array<i32>} : memref<4x128x64xf32, #tpu.memory_space<vmem>>, vector<1x1x16xf32>,
      %get3A_858 = vector.shape_cast %get3A_857 : vector<1x1x16xf32> to vector<16xf32>
      %swap3A_859 = arith.constant 0 : i32
      %swap3A_860 = arith.index_cast %swap3A_859 : i32 to index
      %swap3A_861 = arith.index_cast %scan3A_826 : i32 to index
      %swap3A_862 = arith.constant 32 : index
      %swap3A_863 = tpu.vector_load %arg8[%swap3A_860, %swap3A_861, %swap3A_862] {strides = array<i32>} : memref<4x128x64xf32, #tpu.memory_space<vmem>>, vector<1x1x16xf32>,
      %swap3A_864 = vector.shape_cast %swap3A_863 : vector<1x1x16xf32> to vector<16xf32>
      %swap3A_865 = vector.shape_cast %get3A_858 : vector<16xf32> to vector<1x1x16xf32>
      tpu.vector_store %arg8[%swap3A_860, %swap3A_861, %swap3A_862], %swap3A_865 {add = true, strides = array<i32>} : memref<4x128x64xf32, #tpu.memory_space<vmem>>, vector<1x1x16xf32>,
      %get3A_866 = arith.constant 0 : i32
      %get3A_867 = arith.index_cast %get3A_866 : i32 to index
      %get3A_868 = arith.index_cast %scan3A_826 : i32 to index
      %get3A_869 = arith.constant 48 : index
      %get3A_870 = tpu.vector_load %arg7[%get3A_867, %get3A_868, %get3A_869] {strides = array<i32>} : memref<4x128x64xf32, #tpu.memory_space<vmem>>, vector<1x1x16xf32>,
      %get3A_871 = vector.shape_cast %get3A_870 : vector<1x1x16xf32> to vector<16xf32>
      %swap3A_872 = arith.constant 0 : i32
      %swap3A_873 = arith.index_cast %swap3A_872 : i32 to index
      %swap3A_874 = arith.index_cast %scan3A_826 : i32 to index
      %swap3A_875 = arith.constant 48 : index
      %swap3A_876 = tpu.vector_load %arg8[%swap3A_873, %swap3A_874, %swap3A_875] {strides = array<i32>} : memref<4x128x64xf32, #tpu.memory_space<vmem>>, vector<1x1x16xf32>,
      %swap3A_877 = vector.shape_cast %swap3A_876 : vector<1x1x16xf32> to vector<16xf32>
      %swap3A_878 = vector.shape_cast %get3A_871 : vector<16xf32> to vector<1x1x16xf32>
      tpu.vector_store %arg8[%swap3A_873, %swap3A_874, %swap3A_875], %swap3A_878 {add = true, strides = array<i32>} : memref<4x128x64xf32, #tpu.memory_space<vmem>>, vector<1x1x16xf32>,
      %scan3A_879 = arith.constant 0 : i32
      %scan3A_880 = arith.constant 3 : i32
      %scan3A_881 = arith.addi %scan3A_717, %scan3A_880 : i32
      %get3A_882 = arith.constant 0 : i32
      %get3A_883 = arith.index_cast %get3A_882 : i32 to index
      %get3A_884 = arith.index_cast %scan3A_881 : i32 to index
      %get3A_885 = arith.constant 0 : index
      %get3A_886 = tpu.vector_load %arg7[%get3A_883, %get3A_884, %get3A_885] {strides = array<i32>} : memref<4x128x64xf32, #tpu.memory_space<vmem>>, vector<1x1x16xf32>,
      %get3A_887 = vector.shape_cast %get3A_886 : vector<1x1x16xf32> to vector<16xf32>
      %swap3A_888 = arith.constant 0 : i32
      %swap3A_889 = arith.index_cast %swap3A_888 : i32 to index
      %swap3A_890 = arith.index_cast %scan3A_881 : i32 to index
      %swap3A_891 = arith.constant 0 : index
      %swap3A_892 = tpu.vector_load %arg8[%swap3A_889, %swap3A_890, %swap3A_891] {strides = array<i32>} : memref<4x128x64xf32, #tpu.memory_space<vmem>>, vector<1x1x16xf32>,
      %swap3A_893 = vector.shape_cast %swap3A_892 : vector<1x1x16xf32> to vector<16xf32>
      %swap3A_894 = vector.shape_cast %get3A_887 : vector<16xf32> to vector<1x1x16xf32>
      tpu.vector_store %arg8[%swap3A_889, %swap3A_890, %swap3A_891], %swap3A_894 {add = true, strides = array<i32>} : memref<4x128x64xf32, #tpu.memory_space<vmem>>, vector<1x1x16xf32>,
      %get3A_895 = arith.constant 0 : i32
      %get3A_896 = arith.index_cast %get3A_895 : i32 to index
      %get3A_897 = arith.index_cast %scan3A_881 : i32 to index
      %get3A_898 = arith.constant 16 : index
      %get3A_899 = tpu.vector_load %arg7[%get3A_896, %get3A_897, %get3A_898] {strides = array<i32>} : memref<4x128x64xf32, #tpu.memory_space<vmem>>, vector<1x1x16xf32>,
      %get3A_900 = vector.shape_cast %get3A_899 : vector<1x1x16xf32> to vector<16xf32>
      %swap3A_901 = arith.constant 0 : i32
      %swap3A_902 = arith.index_cast %swap3A_901 : i32 to index
      %swap3A_903 = arith.index_cast %scan3A_881 : i32 to index
      %swap3A_904 = arith.constant 16 : index
      %swap3A_905 = tpu.vector_load %arg8[%swap3A_902, %swap3A_903, %swap3A_904] {strides = array<i32>} : memref<4x128x64xf32, #tpu.memory_space<vmem>>, vector<1x1x16xf32>,
      %swap3A_906 = vector.shape_cast %swap3A_905 : vector<1x1x16xf32> to vector<16xf32>
      %swap3A_907 = vector.shape_cast %get3A_900 : vector<16xf32> to vector<1x1x16xf32>
      tpu.vector_store %arg8[%swap3A_902, %swap3A_903, %swap3A_904], %swap3A_907 {add = true, strides = array<i32>} : memref<4x128x64xf32, #tpu.memory_space<vmem>>, vector<1x1x16xf32>,
      %get3A_908 = arith.constant 0 : i32
      %get3A_909 = arith.index_cast %get3A_908 : i32 to index
      %get3A_910 = arith.index_cast %scan3A_881 : i32 to index
      %get3A_911 = arith.constant 32 : index
      %get3A_912 = tpu.vector_load %arg7[%get3A_909, %get3A_910, %get3A_911] {strides = array<i32>} : memref<4x128x64xf32, #tpu.memory_space<vmem>>, vector<1x1x16xf32>,
      %get3A_913 = vector.shape_cast %get3A_912 : vector<1x1x16xf32> to vector<16xf32>
      %swap3A_914 = arith.constant 0 : i32
      %swap3A_915 = arith.index_cast %swap3A_914 : i32 to index
      %swap3A_916 = arith.index_cast %scan3A_881 : i32 to index
      %swap3A_917 = arith.constant 32 : index
      %swap3A_918 = tpu.vector_load %arg8[%swap3A_915, %swap3A_916, %swap3A_917] {strides = array<i32>} : memref<4x128x64xf32, #tpu.memory_space<vmem>>, vector<1x1x16xf32>,
      %swap3A_919 = vector.shape_cast %swap3A_918 : vector<1x1x16xf32> to vector<16xf32>
      %swap3A_920 = vector.shape_cast %get3A_913 : vector<16xf32> to vector<1x1x16xf32>
      tpu.vector_store %arg8[%swap3A_915, %swap3A_916, %swap3A_917], %swap3A_920 {add = true, strides = array<i32>} : memref<4x128x64xf32, #tpu.memory_space<vmem>>, vector<1x1x16xf32>,
      %get3A_921 = arith.constant 0 : i32
      %get3A_922 = arith.index_cast %get3A_921 : i32 to index
      %get3A_923 = arith.index_cast %scan3A_881 : i32 to index
      %get3A_924 = arith.constant 48 : index
      %get3A_925 = tpu.vector_load %arg7[%get3A_922, %get3A_923, %get3A_924] {strides = array<i32>} : memref<4x128x64xf32, #tpu.memory_space<vmem>>, vector<1x1x16xf32>,
      %get3A_926 = vector.shape_cast %get3A_925 : vector<1x1x16xf32> to vector<16xf32>
      %swap3A_927 = arith.constant 0 : i32
      %swap3A_928 = arith.index_cast %swap3A_927 : i32 to index
      %swap3A_929 = arith.index_cast %scan3A_881 : i32 to index
      %swap3A_930 = arith.constant 48 : index
      %swap3A_931 = tpu.vector_load %arg8[%swap3A_928, %swap3A_929, %swap3A_930] {strides = array<i32>} : memref<4x128x64xf32, #tpu.memory_space<vmem>>, vector<1x1x16xf32>,
      %swap3A_932 = vector.shape_cast %swap3A_931 : vector<1x1x16xf32> to vector<16xf32>
      %swap3A_933 = vector.shape_cast %get3A_926 : vector<16xf32> to vector<1x1x16xf32>
      tpu.vector_store %arg8[%swap3A_928, %swap3A_929, %swap3A_930], %swap3A_933 {add = true, strides = array<i32>} : memref<4x128x64xf32, #tpu.memory_space<vmem>>, vector<1x1x16xf32>,
      %scan3A_934 = arith.constant 0 : i32
      %scan3A_935 = arith.constant 4 : i32
      %scan3A_936 = arith.addi %scan3A_717, %scan3A_935 : i32
      %get3A_937 = arith.constant 0 : i32
      %get3A_938 = arith.index_cast %get3A_937 : i32 to index
      %get3A_939 = arith.index_cast %scan3A_936 : i32 to index
      %get3A_940 = arith.constant 0 : index
      %get3A_941 = tpu.vector_load %arg7[%get3A_938, %get3A_939, %get3A_940] {strides = array<i32>} : memref<4x128x64xf32, #tpu.memory_space<vmem>>, vector<1x1x16xf32>,
      %get3A_942 = vector.shape_cast %get3A_941 : vector<1x1x16xf32> to vector<16xf32>
      %swap3A_943 = arith.constant 0 : i32
      %swap3A_944 = arith.index_cast %swap3A_943 : i32 to index
      %swap3A_945 = arith.index_cast %scan3A_936 : i32 to index
      %swap3A_946 = arith.constant 0 : index
      %swap3A_947 = tpu.vector_load %arg8[%swap3A_944, %swap3A_945, %swap3A_946] {strides = array<i32>} : memref<4x128x64xf32, #tpu.memory_space<vmem>>, vector<1x1x16xf32>,
      %swap3A_948 = vector.shape_cast %swap3A_947 : vector<1x1x16xf32> to vector<16xf32>
      %swap3A_949 = vector.shape_cast %get3A_942 : vector<16xf32> to vector<1x1x16xf32>
      tpu.vector_store %arg8[%swap3A_944, %swap3A_945, %swap3A_946], %swap3A_949 {add = true, strides = array<i32>} : memref<4x128x64xf32, #tpu.memory_space<vmem>>, vector<1x1x16xf32>,
      %get3A_950 = arith.constant 0 : i32
      %get3A_951 = arith.index_cast %get3A_950 : i32 to index
      %get3A_952 = arith.index_cast %scan3A_936 : i32 to index
      %get3A_953 = arith.constant 16 : index
      %get3A_954 = tpu.vector_load %arg7[%get3A_951, %get3A_952, %get3A_953] {strides = array<i32>} : memref<4x128x64xf32, #tpu.memory_space<vmem>>, vector<1x1x16xf32>,
      %get3A_955 = vector.shape_cast %get3A_954 : vector<1x1x16xf32> to vector<16xf32>
      %swap3A_956 = arith.constant 0 : i32
      %swap3A_957 = arith.index_cast %swap3A_956 : i32 to index
      %swap3A_958 = arith.index_cast %scan3A_936 : i32 to index
      %swap3A_959 = arith.constant 16 : index
      %swap3A_960 = tpu.vector_load %arg8[%swap3A_957, %swap3A_958, %swap3A_959] {strides = array<i32>} : memref<4x128x64xf32, #tpu.memory_space<vmem>>, vector<1x1x16xf32>,
      %swap3A_961 = vector.shape_cast %swap3A_960 : vector<1x1x16xf32> to vector<16xf32>
      %swap3A_962 = vector.shape_cast %get3A_955 : vector<16xf32> to vector<1x1x16xf32>
      tpu.vector_store %arg8[%swap3A_957, %swap3A_958, %swap3A_959], %swap3A_962 {add = true, strides = array<i32>} : memref<4x128x64xf32, #tpu.memory_space<vmem>>, vector<1x1x16xf32>,
      %get3A_963 = arith.constant 0 : i32
      %get3A_964 = arith.index_cast %get3A_963 : i32 to index
      %get3A_965 = arith.index_cast %scan3A_936 : i32 to index
      %get3A_966 = arith.constant 32 : index
      %get3A_967 = tpu.vector_load %arg7[%get3A_964, %get3A_965, %get3A_966] {strides = array<i32>} : memref<4x128x64xf32, #tpu.memory_space<vmem>>, vector<1x1x16xf32>,
      %get3A_968 = vector.shape_cast %get3A_967 : vector<1x1x16xf32> to vector<16xf32>
      %swap3A_969 = arith.constant 0 : i32
      %swap3A_970 = arith.index_cast %swap3A_969 : i32 to index
      %swap3A_971 = arith.index_cast %scan3A_936 : i32 to index
      %swap3A_972 = arith.constant 32 : index
      %swap3A_973 = tpu.vector_load %arg8[%swap3A_970, %swap3A_971, %swap3A_972] {strides = array<i32>} : memref<4x128x64xf32, #tpu.memory_space<vmem>>, vector<1x1x16xf32>,
      %swap3A_974 = vector.shape_cast %swap3A_973 : vector<1x1x16xf32> to vector<16xf32>
      %swap3A_975 = vector.shape_cast %get3A_968 : vector<16xf32> to vector<1x1x16xf32>
      tpu.vector_store %arg8[%swap3A_970, %swap3A_971, %swap3A_972], %swap3A_975 {add = true, strides = array<i32>} : memref<4x128x64xf32, #tpu.memory_space<vmem>>, vector<1x1x16xf32>,
      %get3A_976 = arith.constant 0 : i32
      %get3A_977 = arith.index_cast %get3A_976 : i32 to index
      %get3A_978 = arith.index_cast %scan3A_936 : i32 to index
      %get3A_979 = arith.constant 48 : index
      %get3A_980 = tpu.vector_load %arg7[%get3A_977, %get3A_978, %get3A_979] {strides = array<i32>} : memref<4x128x64xf32, #tpu.memory_space<vmem>>, vector<1x1x16xf32>,
      %get3A_981 = vector.shape_cast %get3A_980 : vector<1x1x16xf32> to vector<16xf32>
      %swap3A_982 = arith.constant 0 : i32
      %swap3A_983 = arith.index_cast %swap3A_982 : i32 to index
      %swap3A_984 = arith.index_cast %scan3A_936 : i32 to index
      %swap3A_985 = arith.constant 48 : index
      %swap3A_986 = tpu.vector_load %arg8[%swap3A_983, %swap3A_984, %swap3A_985] {strides = array<i32>} : memref<4x128x64xf32, #tpu.memory_space<vmem>>, vector<1x1x16xf32>,
      %swap3A_987 = vector.shape_cast %swap3A_986 : vector<1x1x16xf32> to vector<16xf32>
      %swap3A_988 = vector.shape_cast %get3A_981 : vector<16xf32> to vector<1x1x16xf32>
      tpu.vector_store %arg8[%swap3A_983, %swap3A_984, %swap3A_985], %swap3A_988 {add = true, strides = array<i32>} : memref<4x128x64xf32, #tpu.memory_space<vmem>>, vector<1x1x16xf32>,
      %scan3A_989 = arith.constant 0 : i32
      %scan3A_990 = arith.constant 5 : i32
      %scan3A_991 = arith.addi %scan3A_717, %scan3A_990 : i32
      %get3A_992 = arith.constant 0 : i32
      %get3A_993 = arith.index_cast %get3A_992 : i32 to index
      %get3A_994 = arith.index_cast %scan3A_991 : i32 to index
      %get3A_995 = arith.constant 0 : index
      %get3A_996 = tpu.vector_load %arg7[%get3A_993, %get3A_994, %get3A_995] {strides = array<i32>} : memref<4x128x64xf32, #tpu.memory_space<vmem>>, vector<1x1x16xf32>,
      %get3A_997 = vector.shape_cast %get3A_996 : vector<1x1x16xf32> to vector<16xf32>
      %swap3A_998 = arith.constant 0 : i32
      %swap3A_999 = arith.index_cast %swap3A_998 : i32 to index
      %swap3A_1000 = arith.index_cast %scan3A_991 : i32 to index
      %swap3A_1001 = arith.constant 0 : index
      %swap3A_1002 = tpu.vector_load %arg8[%swap3A_999, %swap3A_1000, %swap3A_1001] {strides = array<i32>} : memref<4x128x64xf32, #tpu.memory_space<vmem>>, vector<1x1x16xf32>,
      %swap3A_1003 = vector.shape_cast %swap3A_1002 : vector<1x1x16xf32> to vector<16xf32>
      %swap3A_1004 = vector.shape_cast %get3A_997 : vector<16xf32> to vector<1x1x16xf32>
      tpu.vector_store %arg8[%swap3A_999, %swap3A_1000, %swap3A_1001], %swap3A_1004 {add = true, strides = array<i32>} : memref<4x128x64xf32, #tpu.memory_space<vmem>>, vector<1x1x16xf32>,
      %get3A_1005 = arith.constant 0 : i32
      %get3A_1006 = arith.index_cast %get3A_1005 : i32 to index
      %get3A_1007 = arith.index_cast %scan3A_991 : i32 to index
      %get3A_1008 = arith.constant 16 : index
      %get3A_1009 = tpu.vector_load %arg7[%get3A_1006, %get3A_1007, %get3A_1008] {strides = array<i32>} : memref<4x128x64xf32, #tpu.memory_space<vmem>>, vector<1x1x16xf32>,
      %get3A_1010 = vector.shape_cast %get3A_1009 : vector<1x1x16xf32> to vector<16xf32>
      %swap3A_1011 = arith.constant 0 : i32
      %swap3A_1012 = arith.index_cast %swap3A_1011 : i32 to index
      %swap3A_1013 = arith.index_cast %scan3A_991 : i32 to index
      %swap3A_1014 = arith.constant 16 : index
      %swap3A_1015 = tpu.vector_load %arg8[%swap3A_1012, %swap3A_1013, %swap3A_1014] {strides = array<i32>} : memref<4x128x64xf32, #tpu.memory_space<vmem>>, vector<1x1x16xf32>,
      %swap3A_1016 = vector.shape_cast %swap3A_1015 : vector<1x1x16xf32> to vector<16xf32>
      %swap3A_1017 = vector.shape_cast %get3A_1010 : vector<16xf32> to vector<1x1x16xf32>
      tpu.vector_store %arg8[%swap3A_1012, %swap3A_1013, %swap3A_1014], %swap3A_1017 {add = true, strides = array<i32>} : memref<4x128x64xf32, #tpu.memory_space<vmem>>, vector<1x1x16xf32>,
      %get3A_1018 = arith.constant 0 : i32
      %get3A_1019 = arith.index_cast %get3A_1018 : i32 to index
      %get3A_1020 = arith.index_cast %scan3A_991 : i32 to index
      %get3A_1021 = arith.constant 32 : index
      %get3A_1022 = tpu.vector_load %arg7[%get3A_1019, %get3A_1020, %get3A_1021] {strides = array<i32>} : memref<4x128x64xf32, #tpu.memory_space<vmem>>, vector<1x1x16xf32>,
      %get3A_1023 = vector.shape_cast %get3A_1022 : vector<1x1x16xf32> to vector<16xf32>
      %swap3A_1024 = arith.constant 0 : i32
      %swap3A_1025 = arith.index_cast %swap3A_1024 : i32 to index
      %swap3A_1026 = arith.index_cast %scan3A_991 : i32 to index
      %swap3A_1027 = arith.constant 32 : index
      %swap3A_1028 = tpu.vector_load %arg8[%swap3A_1025, %swap3A_1026, %swap3A_1027] {strides = array<i32>} : memref<4x128x64xf32, #tpu.memory_space<vmem>>, vector<1x1x16xf32>,
      %swap3A_1029 = vector.shape_cast %swap3A_1028 : vector<1x1x16xf32> to vector<16xf32>
      %swap3A_1030 = vector.shape_cast %get3A_1023 : vector<16xf32> to vector<1x1x16xf32>
      tpu.vector_store %arg8[%swap3A_1025, %swap3A_1026, %swap3A_1027], %swap3A_1030 {add = true, strides = array<i32>} : memref<4x128x64xf32, #tpu.memory_space<vmem>>, vector<1x1x16xf32>,
      %get3A_1031 = arith.constant 0 : i32
      %get3A_1032 = arith.index_cast %get3A_1031 : i32 to index
      %get3A_1033 = arith.index_cast %scan3A_991 : i32 to index
      %get3A_1034 = arith.constant 48 : index
      %get3A_1035 = tpu.vector_load %arg7[%get3A_1032, %get3A_1033, %get3A_1034] {strides = array<i32>} : memref<4x128x64xf32, #tpu.memory_space<vmem>>, vector<1x1x16xf32>,
      %get3A_1036 = vector.shape_cast %get3A_1035 : vector<1x1x16xf32> to vector<16xf32>
      %swap3A_1037 = arith.constant 0 : i32
      %swap3A_1038 = arith.index_cast %swap3A_1037 : i32 to index
      %swap3A_1039 = arith.index_cast %scan3A_991 : i32 to index
      %swap3A_1040 = arith.constant 48 : index
      %swap3A_1041 = tpu.vector_load %arg8[%swap3A_1038, %swap3A_1039, %swap3A_1040] {strides = array<i32>} : memref<4x128x64xf32, #tpu.memory_space<vmem>>, vector<1x1x16xf32>,
      %swap3A_1042 = vector.shape_cast %swap3A_1041 : vector<1x1x16xf32> to vector<16xf32>
      %swap3A_1043 = vector.shape_cast %get3A_1036 : vector<16xf32> to vector<1x1x16xf32>
      tpu.vector_store %arg8[%swap3A_1038, %swap3A_1039, %swap3A_1040], %swap3A_1043 {add = true, strides = array<i32>} : memref<4x128x64xf32, #tpu.memory_space<vmem>>, vector<1x1x16xf32>,
      %scan3A_1044 = arith.constant 0 : i32
      %scan3A_1045 = arith.constant 6 : i32
      %scan3A_1046 = arith.addi %scan3A_717, %scan3A_1045 : i32
      %get3A_1047 = arith.constant 0 : i32
      %get3A_1048 = arith.index_cast %get3A_1047 : i32 to index
      %get3A_1049 = arith.index_cast %scan3A_1046 : i32 to index
      %get3A_1050 = arith.constant 0 : index
      %get3A_1051 = tpu.vector_load %arg7[%get3A_1048, %get3A_1049, %get3A_1050] {strides = array<i32>} : memref<4x128x64xf32, #tpu.memory_space<vmem>>, vector<1x1x16xf32>,
      %get3A_1052 = vector.shape_cast %get3A_1051 : vector<1x1x16xf32> to vector<16xf32>
      %swap3A_1053 = arith.constant 0 : i32
      %swap3A_1054 = arith.index_cast %swap3A_1053 : i32 to index
      %swap3A_1055 = arith.index_cast %scan3A_1046 : i32 to index
      %swap3A_1056 = arith.constant 0 : index
      %swap3A_1057 = tpu.vector_load %arg8[%swap3A_1054, %swap3A_1055, %swap3A_1056] {strides = array<i32>} : memref<4x128x64xf32, #tpu.memory_space<vmem>>, vector<1x1x16xf32>,
      %swap3A_1058 = vector.shape_cast %swap3A_1057 : vector<1x1x16xf32> to vector<16xf32>
      %swap3A_1059 = vector.shape_cast %get3A_1052 : vector<16xf32> to vector<1x1x16xf32>
      tpu.vector_store %arg8[%swap3A_1054, %swap3A_1055, %swap3A_1056], %swap3A_1059 {add = true, strides = array<i32>} : memref<4x128x64xf32, #tpu.memory_space<vmem>>, vector<1x1x16xf32>,
      %get3A_1060 = arith.constant 0 : i32
      %get3A_1061 = arith.index_cast %get3A_1060 : i32 to index
      %get3A_1062 = arith.index_cast %scan3A_1046 : i32 to index
      %get3A_1063 = arith.constant 16 : index
      %get3A_1064 = tpu.vector_load %arg7[%get3A_1061, %get3A_1062, %get3A_1063] {strides = array<i32>} : memref<4x128x64xf32, #tpu.memory_space<vmem>>, vector<1x1x16xf32>,
      %get3A_1065 = vector.shape_cast %get3A_1064 : vector<1x1x16xf32> to vector<16xf32>
      %swap3A_1066 = arith.constant 0 : i32
      %swap3A_1067 = arith.index_cast %swap3A_1066 : i32 to index
      %swap3A_1068 = arith.index_cast %scan3A_1046 : i32 to index
      %swap3A_1069 = arith.constant 16 : index
      %swap3A_1070 = tpu.vector_load %arg8[%swap3A_1067, %swap3A_1068, %swap3A_1069] {strides = array<i32>} : memref<4x128x64xf32, #tpu.memory_space<vmem>>, vector<1x1x16xf32>,
      %swap3A_1071 = vector.shape_cast %swap3A_1070 : vector<1x1x16xf32> to vector<16xf32>
      %swap3A_1072 = vector.shape_cast %get3A_1065 : vector<16xf32> to vector<1x1x16xf32>
      tpu.vector_store %arg8[%swap3A_1067, %swap3A_1068, %swap3A_1069], %swap3A_1072 {add = true, strides = array<i32>} : memref<4x128x64xf32, #tpu.memory_space<vmem>>, vector<1x1x16xf32>,
      %get3A_1073 = arith.constant 0 : i32
      %get3A_1074 = arith.index_cast %get3A_1073 : i32 to index
      %get3A_1075 = arith.index_cast %scan3A_1046 : i32 to index
      %get3A_1076 = arith.constant 32 : index
      %get3A_1077 = tpu.vector_load %arg7[%get3A_1074, %get3A_1075, %get3A_1076] {strides = array<i32>} : memref<4x128x64xf32, #tpu.memory_space<vmem>>, vector<1x1x16xf32>,
      %get3A_1078 = vector.shape_cast %get3A_1077 : vector<1x1x16xf32> to vector<16xf32>
      %swap3A_1079 = arith.constant 0 : i32
      %swap3A_1080 = arith.index_cast %swap3A_1079 : i32 to index
      %swap3A_1081 = arith.index_cast %scan3A_1046 : i32 to index
      %swap3A_1082 = arith.constant 32 : index
      %swap3A_1083 = tpu.vector_load %arg8[%swap3A_1080, %swap3A_1081, %swap3A_1082] {strides = array<i32>} : memref<4x128x64xf32, #tpu.memory_space<vmem>>, vector<1x1x16xf32>,
      %swap3A_1084 = vector.shape_cast %swap3A_1083 : vector<1x1x16xf32> to vector<16xf32>
      %swap3A_1085 = vector.shape_cast %get3A_1078 : vector<16xf32> to vector<1x1x16xf32>
      tpu.vector_store %arg8[%swap3A_1080, %swap3A_1081, %swap3A_1082], %swap3A_1085 {add = true, strides = array<i32>} : memref<4x128x64xf32, #tpu.memory_space<vmem>>, vector<1x1x16xf32>,
      %get3A_1086 = arith.constant 0 : i32
      %get3A_1087 = arith.index_cast %get3A_1086 : i32 to index
      %get3A_1088 = arith.index_cast %scan3A_1046 : i32 to index
      %get3A_1089 = arith.constant 48 : index
      %get3A_1090 = tpu.vector_load %arg7[%get3A_1087, %get3A_1088, %get3A_1089] {strides = array<i32>} : memref<4x128x64xf32, #tpu.memory_space<vmem>>, vector<1x1x16xf32>,
      %get3A_1091 = vector.shape_cast %get3A_1090 : vector<1x1x16xf32> to vector<16xf32>
      %swap3A_1092 = arith.constant 0 : i32
      %swap3A_1093 = arith.index_cast %swap3A_1092 : i32 to index
      %swap3A_1094 = arith.index_cast %scan3A_1046 : i32 to index
      %swap3A_1095 = arith.constant 48 : index
      %swap3A_1096 = tpu.vector_load %arg8[%swap3A_1093, %swap3A_1094, %swap3A_1095] {strides = array<i32>} : memref<4x128x64xf32, #tpu.memory_space<vmem>>, vector<1x1x16xf32>,
      %swap3A_1097 = vector.shape_cast %swap3A_1096 : vector<1x1x16xf32> to vector<16xf32>
      %swap3A_1098 = vector.shape_cast %get3A_1091 : vector<16xf32> to vector<1x1x16xf32>
      tpu.vector_store %arg8[%swap3A_1093, %swap3A_1094, %swap3A_1095], %swap3A_1098 {add = true, strides = array<i32>} : memref<4x128x64xf32, #tpu.memory_space<vmem>>, vector<1x1x16xf32>,
      %scan3A_1099 = arith.constant 0 : i32
      %scan3A_1100 = arith.constant 7 : i32
      %scan3A_1101 = arith.addi %scan3A_717, %scan3A_1100 : i32
      %get3A_1102 = arith.constant 0 : i32
      %get3A_1103 = arith.index_cast %get3A_1102 : i32 to index
      %get3A_1104 = arith.index_cast %scan3A_1101 : i32 to index
      %get3A_1105 = arith.constant 0 : index
      %get3A_1106 = tpu.vector_load %arg7[%get3A_1103, %get3A_1104, %get3A_1105] {strides = array<i32>} : memref<4x128x64xf32, #tpu.memory_space<vmem>>, vector<1x1x16xf32>,
      %get3A_1107 = vector.shape_cast %get3A_1106 : vector<1x1x16xf32> to vector<16xf32>
      %swap3A_1108 = arith.constant 0 : i32
      %swap3A_1109 = arith.index_cast %swap3A_1108 : i32 to index
      %swap3A_1110 = arith.index_cast %scan3A_1101 : i32 to index
      %swap3A_1111 = arith.constant 0 : index
      %swap3A_1112 = tpu.vector_load %arg8[%swap3A_1109, %swap3A_1110, %swap3A_1111] {strides = array<i32>} : memref<4x128x64xf32, #tpu.memory_space<vmem>>, vector<1x1x16xf32>,
      %swap3A_1113 = vector.shape_cast %swap3A_1112 : vector<1x1x16xf32> to vector<16xf32>
      %swap3A_1114 = vector.shape_cast %get3A_1107 : vector<16xf32> to vector<1x1x16xf32>
      tpu.vector_store %arg8[%swap3A_1109, %swap3A_1110, %swap3A_1111], %swap3A_1114 {add = true, strides = array<i32>} : memref<4x128x64xf32, #tpu.memory_space<vmem>>, vector<1x1x16xf32>,
      %get3A_1115 = arith.constant 0 : i32
      %get3A_1116 = arith.index_cast %get3A_1115 : i32 to index
      %get3A_1117 = arith.index_cast %scan3A_1101 : i32 to index
      %get3A_1118 = arith.constant 16 : index
      %get3A_1119 = tpu.vector_load %arg7[%get3A_1116, %get3A_1117, %get3A_1118] {strides = array<i32>} : memref<4x128x64xf32, #tpu.memory_space<vmem>>, vector<1x1x16xf32>,
      %get3A_1120 = vector.shape_cast %get3A_1119 : vector<1x1x16xf32> to vector<16xf32>
      %swap3A_1121 = arith.constant 0 : i32
      %swap3A_1122 = arith.index_cast %swap3A_1121 : i32 to index
      %swap3A_1123 = arith.index_cast %scan3A_1101 : i32 to index
      %swap3A_1124 = arith.constant 16 : index
      %swap3A_1125 = tpu.vector_load %arg8[%swap3A_1122, %swap3A_1123, %swap3A_1124] {strides = array<i32>} : memref<4x128x64xf32, #tpu.memory_space<vmem>>, vector<1x1x16xf32>,
      %swap3A_1126 = vector.shape_cast %swap3A_1125 : vector<1x1x16xf32> to vector<16xf32>
      %swap3A_1127 = vector.shape_cast %get3A_1120 : vector<16xf32> to vector<1x1x16xf32>
      tpu.vector_store %arg8[%swap3A_1122, %swap3A_1123, %swap3A_1124], %swap3A_1127 {add = true, strides = array<i32>} : memref<4x128x64xf32, #tpu.memory_space<vmem>>, vector<1x1x16xf32>,
      %get3A_1128 = arith.constant 0 : i32
      %get3A_1129 = arith.index_cast %get3A_1128 : i32 to index
      %get3A_1130 = arith.index_cast %scan3A_1101 : i32 to index
      %get3A_1131 = arith.constant 32 : index
      %get3A_1132 = tpu.vector_load %arg7[%get3A_1129, %get3A_1130, %get3A_1131] {strides = array<i32>} : memref<4x128x64xf32, #tpu.memory_space<vmem>>, vector<1x1x16xf32>,
      %get3A_1133 = vector.shape_cast %get3A_1132 : vector<1x1x16xf32> to vector<16xf32>
      %swap3A_1134 = arith.constant 0 : i32
      %swap3A_1135 = arith.index_cast %swap3A_1134 : i32 to index
      %swap3A_1136 = arith.index_cast %scan3A_1101 : i32 to index
      %swap3A_1137 = arith.constant 32 : index
      %swap3A_1138 = tpu.vector_load %arg8[%swap3A_1135, %swap3A_1136, %swap3A_1137] {strides = array<i32>} : memref<4x128x64xf32, #tpu.memory_space<vmem>>, vector<1x1x16xf32>,
      %swap3A_1139 = vector.shape_cast %swap3A_1138 : vector<1x1x16xf32> to vector<16xf32>
      %swap3A_1140 = vector.shape_cast %get3A_1133 : vector<16xf32> to vector<1x1x16xf32>
      tpu.vector_store %arg8[%swap3A_1135, %swap3A_1136, %swap3A_1137], %swap3A_1140 {add = true, strides = array<i32>} : memref<4x128x64xf32, #tpu.memory_space<vmem>>, vector<1x1x16xf32>,
      %get3A_1141 = arith.constant 0 : i32
      %get3A_1142 = arith.index_cast %get3A_1141 : i32 to index
      %get3A_1143 = arith.index_cast %scan3A_1101 : i32 to index
      %get3A_1144 = arith.constant 48 : index
      %get3A_1145 = tpu.vector_load %arg7[%get3A_1142, %get3A_1143, %get3A_1144] {strides = array<i32>} : memref<4x128x64xf32, #tpu.memory_space<vmem>>, vector<1x1x16xf32>,
      %get3A_1146 = vector.shape_cast %get3A_1145 : vector<1x1x16xf32> to vector<16xf32>
      %swap3A_1147 = arith.constant 0 : i32
      %swap3A_1148 = arith.index_cast %swap3A_1147 : i32 to index
      %swap3A_1149 = arith.index_cast %scan3A_1101 : i32 to index
      %swap3A_1150 = arith.constant 48 : index
      %swap3A_1151 = tpu.vector_load %arg8[%swap3A_1148, %swap3A_1149, %swap3A_1150] {strides = array<i32>} : memref<4x128x64xf32, #tpu.memory_space<vmem>>, vector<1x1x16xf32>,
      %swap3A_1152 = vector.shape_cast %swap3A_1151 : vector<1x1x16xf32> to vector<16xf32>
      %swap3A_1153 = vector.shape_cast %get3A_1146 : vector<16xf32> to vector<1x1x16xf32>
      tpu.vector_store %arg8[%swap3A_1148, %swap3A_1149, %swap3A_1150], %swap3A_1153 {add = true, strides = array<i32>} : memref<4x128x64xf32, #tpu.memory_space<vmem>>, vector<1x1x16xf32>,
      %scan3A_1154 = arith.constant 0 : i32
      scf.yield %scan3A_1154 : i32
    }
    %scan3A_120 = arith.constant 128 : i32
    %add3A_121 = arith.constant 0 : i32
    %add3A_122 = arith.addi %multiple_of3A, %add3A_121 : i32
    %multiple_of3A_123 = tpu.assume_multiple %add3A_122, 128 : i32
    %dma_start3A_124 = arith.constant 0 : i32
    %dma_start3A_125 = arith.constant 0 : i32
    %dma_start3A_126 = arith.constant 0 : i32
    %dma_start3A_127 = tpu.memref_slice %arg8[%dma_start3A_124, %dma_start3A_125, %dma_start3A_126] : memref<4x128x64xf32, #tpu.memory_space<vmem>> -> memref<1x128x64xf32, #tpu.memory_space<vmem>>
    %dma_start3A_128 = tpu.memref_squeeze %dma_start3A_127 : memref<1x128x64xf32, #tpu.memory_space<vmem>> -> memref<128x64xf32, #tpu.memory_space<vmem>>
    %dma_start3A_129 = arith.constant 0 : i32
    %dma_start3A_130 = tpu.memref_slice %arg5[%multiple_of3A_123, %dma_start3A_129] : memref<32768x64xf32, #tpu.memory_space<hbm>> -> memref<128x64xf32, #tpu.memory_space<hbm>>
    %dma_start3A_131 = arith.constant 0 : i32
    %dma_start3A_132 = tpu.memref_slice %arg5[%multiple_of3A_123, %dma_start3A_131] : memref<32768x64xf32, #tpu.memory_space<hbm>> -> memref<128x64xf32, #tpu.memory_space<hbm>>
    %dma_start3A_133 = arith.constant 0 : i32
    %dma_start3A_134 = arith.constant 0 : i32
    %dma_start3A_135 = tpu.memref_slice %arg8[%dma_start3A_124, %dma_start3A_133, %dma_start3A_134] : memref<4x128x64xf32, #tpu.memory_space<vmem>> -> memref<1x128x64xf32, #tpu.memory_space<vmem>>
    %dma_start3A_136 = tpu.memref_squeeze %dma_start3A_135 : memref<1x128x64xf32, #tpu.memory_space<vmem>> -> memref<128x64xf32, #tpu.memory_space<vmem>>
    tpu.enqueue_dma source(%dma_start3A_136 : memref<128x64xf32, #tpu.memory_space<vmem>>) target(%dma_start3A_132 : memref<128x64xf32, #tpu.memory_space<hbm>>) target_semaphore(%arg10 : memref<!tpu.dma_semaphore, #tpu.memory_space<semaphore_mem>>)
    %dma_start3A_137 = arith.constant 3 : i32
    %dma_start3A_138 = arith.constant 3 : i32
    %dma_start3A_139 = arith.constant 0 : i32
    %dma_start3A_140 = arith.constant 0 : i32
    %dma_start3A_141 = tpu.memref_slice %arg7[%dma_start3A_138, %dma_start3A_139, %dma_start3A_140] : memref<4x128x64xf32, #tpu.memory_space<vmem>> -> memref<1x128x64xf32, #tpu.memory_space<vmem>>
    %dma_start3A_142 = tpu.memref_squeeze %dma_start3A_141 : memref<1x128x64xf32, #tpu.memory_space<vmem>> -> memref<128x64xf32, #tpu.memory_space<vmem>>
    %dma_start3A_143 = arith.constant 0 : i32
    %dma_start3A_144 = tpu.memref_slice %arg6[%dma_start3A_137, %dma_start3A_143] : memref<8x128xi32, #tpu.memory_space<vmem>> -> memref<1x128xi32, #tpu.memory_space<vmem>>
    %dma_start3A_145 = tpu.memref_squeeze %dma_start3A_144 : memref<1x128xi32, #tpu.memory_space<vmem>> -> memref<128xi32, #tpu.memory_space<vmem>>
    %dma_start3A_146 = arith.constant 0 : i32
    %dma_start3A_147 = arith.constant 0 : i32
    %dma_start3A_148 = tpu.memref_slice %arg3[%dma_start3A_146, %dma_start3A_147] : memref<100000x64xf32, #tpu.memory_space<hbm>> -> memref<100000x64xf32, #tpu.memory_space<hbm>>
    tpu.enqueue_indirect_dma source(%dma_start3A_148 : memref<100000x64xf32, #tpu.memory_space<hbm>>) target(%dma_start3A_142 : memref<128x64xf32, #tpu.memory_space<vmem>>) offsets(%dma_start3A_145 : memref<128xi32, #tpu.memory_space<vmem>>) semaphore(%arg9 : memref<!tpu.dma_semaphore, #tpu.memory_space<semaphore_mem>>)
    %add3A_149 = arith.constant 384 : i32
    %add3A_150 = arith.addi %multiple_of3A_4, %add3A_149 : i32
    %multiple_of3A_151 = tpu.assume_multiple %add3A_150, 128 : i32
    %dma_start3A_152 = arith.constant 3 : i32
    %dma_start3A_153 = arith.constant 0 : i32
    %dma_start3A_154 = arith.constant 0 : i32
    %dma_start3A_155 = tpu.memref_slice %arg8[%dma_start3A_152, %dma_start3A_153, %dma_start3A_154] : memref<4x128x64xf32, #tpu.memory_space<vmem>> -> memref<1x128x64xf32, #tpu.memory_space<vmem>>
    %dma_start3A_156 = tpu.memref_squeeze %dma_start3A_155 : memref<1x128x64xf32, #tpu.memory_space<vmem>> -> memref<128x64xf32, #tpu.memory_space<vmem>>
    %dma_start3A_157 = arith.constant 0 : i32
    %dma_start3A_158 = tpu.memref_slice %arg4[%multiple_of3A_151, %dma_start3A_157] : memref<8192x64xf32, #tpu.memory_space<hbm>> -> memref<128x64xf32, #tpu.memory_space<hbm>>
    %dma_start3A_159 = arith.constant 0 : i32
    %dma_start3A_160 = arith.constant 0 : i32
    %dma_start3A_161 = tpu.memref_slice %arg8[%dma_start3A_152, %dma_start3A_159, %dma_start3A_160] : memref<4x128x64xf32, #tpu.memory_space<vmem>> -> memref<1x128x64xf32, #tpu.memory_space<vmem>>
    %dma_start3A_162 = tpu.memref_squeeze %dma_start3A_161 : memref<1x128x64xf32, #tpu.memory_space<vmem>> -> memref<128x64xf32, #tpu.memory_space<vmem>>
    %dma_start3A_163 = arith.constant 0 : i32
    %dma_start3A_164 = tpu.memref_slice %arg4[%multiple_of3A_151, %dma_start3A_163] : memref<8192x64xf32, #tpu.memory_space<hbm>> -> memref<128x64xf32, #tpu.memory_space<hbm>>
    tpu.enqueue_dma source(%dma_start3A_164 : memref<128x64xf32, #tpu.memory_space<hbm>>) target(%dma_start3A_162 : memref<128x64xf32, #tpu.memory_space<vmem>>) target_semaphore(%arg11 : memref<!tpu.dma_semaphore, #tpu.memory_space<semaphore_mem>>)
    %dma_wait3A_165 = arith.constant 1 : i32
    %dma_wait3A_166 = arith.constant 1 : i32
    %dma_wait3A_167 = arith.constant 0 : i32
    %dma_wait3A_168 = arith.constant 0 : i32
    %dma_wait3A_169 = tpu.memref_slice %arg7[%dma_wait3A_166, %dma_wait3A_167, %dma_wait3A_168] : memref<4x128x64xf32, #tpu.memory_space<vmem>> -> memref<1x128x64xf32, #tpu.memory_space<vmem>>
    %dma_wait3A_170 = tpu.memref_squeeze %dma_wait3A_169 : memref<1x128x64xf32, #tpu.memory_space<vmem>> -> memref<128x64xf32, #tpu.memory_space<vmem>>
    %dma_wait3A_171 = arith.constant 0 : i32
    %dma_wait3A_172 = tpu.memref_slice %arg6[%dma_wait3A_165, %dma_wait3A_171] : memref<8x128xi32, #tpu.memory_space<vmem>> -> memref<1x128xi32, #tpu.memory_space<vmem>>
    %dma_wait3A_173 = tpu.memref_squeeze %dma_wait3A_172 : memref<1x128xi32, #tpu.memory_space<vmem>> -> memref<128xi32, #tpu.memory_space<vmem>>
    %dma_wait3A_174 = arith.constant 0 : i32
    %dma_wait3A_175 = arith.constant 0 : i32
    %dma_wait3A_176 = tpu.memref_slice %arg3[%dma_wait3A_174, %dma_wait3A_175] : memref<100000x64xf32, #tpu.memory_space<hbm>> -> memref<100000x64xf32, #tpu.memory_space<hbm>>
    tpu.wait_indirect_dma semaphore(%arg9 : memref<!tpu.dma_semaphore, #tpu.memory_space<semaphore_mem>>) src(%dma_wait3A_176 : memref<100000x64xf32, #tpu.memory_space<hbm>>) dst(%dma_wait3A_170 : memref<128x64xf32, #tpu.memory_space<vmem>>)
    %dma_wait3A_177 = arith.constant 1 : i32
    %dma_wait3A_178 = arith.constant 0 : i32
    %dma_wait3A_179 = arith.constant 0 : i32
    %dma_wait3A_180 = tpu.memref_slice %arg8[%dma_wait3A_177, %dma_wait3A_178, %dma_wait3A_179] : memref<4x128x64xf32, #tpu.memory_space<vmem>> -> memref<1x128x64xf32, #tpu.memory_space<vmem>>
    %dma_wait3A_181 = tpu.memref_squeeze %dma_wait3A_180 : memref<1x128x64xf32, #tpu.memory_space<vmem>> -> memref<128x64xf32, #tpu.memory_space<vmem>>
    %dma_wait3A_182 = arith.constant 0 : i32
    %dma_wait3A_183 = tpu.memref_slice %arg4[%multiple_of3A_49, %dma_wait3A_182] : memref<8192x64xf32, #tpu.memory_space<hbm>> -> memref<128x64xf32, #tpu.memory_space<hbm>>
    %dma_wait3A_184 = arith.constant 0 : i32
    %dma_wait3A_185 = arith.constant 0 : i32
    %dma_wait3A_186 = tpu.memref_slice %arg8[%dma_wait3A_177, %dma_wait3A_184, %dma_wait3A_185] : memref<4x128x64xf32, #tpu.memory_space<vmem>> -> memref<1x128x64xf32, #tpu.memory_space<vmem>>
    %dma_wait3A_187 = tpu.memref_squeeze %dma_wait3A_186 : memref<1x128x64xf32, #tpu.memory_space<vmem>> -> memref<128x64xf32, #tpu.memory_space<vmem>>
    %dma_wait3A_188 = arith.constant 0 : i32
    %dma_wait3A_189 = tpu.memref_slice %arg4[%multiple_of3A_49, %dma_wait3A_188] : memref<8192x64xf32, #tpu.memory_space<hbm>> -> memref<128x64xf32, #tpu.memory_space<hbm>>
    tpu.wait_dma2 semaphore(%arg11 : memref<!tpu.dma_semaphore, #tpu.memory_space<semaphore_mem>>) src(%dma_wait3A_189 : memref<128x64xf32, #tpu.memory_space<hbm>>) dst(%dma_wait3A_187 : memref<128x64xf32, #tpu.memory_space<vmem>>)
    %scan3A_190 = arith.constant 0 : i32
    %scan3A_191 = arith.constant 0 : i32
    %scan3A_192 = arith.constant 128 : i32
    %scan3A_193 = arith.addi %scan3A_191, %scan3A_192 : i32
    %scan3A_194 = arith.constant 8 : i32
    %scan3A_195 = scf.for %scan3A_717 = %scan3A_191 to %scan3A_193 step %scan3A_194 iter_args(%scan3A_718 = %scan3A_190) -> (i32)  : i32 {
      %get3A = arith.constant 1 : i32
      %get3A_719 = arith.index_cast %get3A : i32 to index
      %get3A_720 = arith.index_cast %scan3A_717 : i32 to index
      %get3A_721 = arith.constant 0 : index
      %get3A_722 = tpu.vector_load %arg7[%get3A_719, %get3A_720, %get3A_721] {strides = array<i32>} : memref<4x128x64xf32, #tpu.memory_space<vmem>>, vector<1x1x16xf32>,
      %get3A_723 = vector.shape_cast %get3A_722 : vector<1x1x16xf32> to vector<16xf32>
      %swap3A = arith.constant 1 : i32
      %swap3A_724 = arith.index_cast %swap3A : i32 to index
      %swap3A_725 = arith.index_cast %scan3A_717 : i32 to index
      %swap3A_726 = arith.constant 0 : index
      %swap3A_727 = tpu.vector_load %arg8[%swap3A_724, %swap3A_725, %swap3A_726] {strides = array<i32>} : memref<4x128x64xf32, #tpu.memory_space<vmem>>, vector<1x1x16xf32>,
      %swap3A_728 = vector.shape_cast %swap3A_727 : vector<1x1x16xf32> to vector<16xf32>
      %swap3A_729 = vector.shape_cast %get3A_723 : vector<16xf32> to vector<1x1x16xf32>
      tpu.vector_store %arg8[%swap3A_724, %swap3A_725, %swap3A_726], %swap3A_729 {add = true, strides = array<i32>} : memref<4x128x64xf32, #tpu.memory_space<vmem>>, vector<1x1x16xf32>,
      %get3A_730 = arith.constant 1 : i32
      %get3A_731 = arith.index_cast %get3A_730 : i32 to index
      %get3A_732 = arith.index_cast %scan3A_717 : i32 to index
      %get3A_733 = arith.constant 16 : index
      %get3A_734 = tpu.vector_load %arg7[%get3A_731, %get3A_732, %get3A_733] {strides = array<i32>} : memref<4x128x64xf32, #tpu.memory_space<vmem>>, vector<1x1x16xf32>,
      %get3A_735 = vector.shape_cast %get3A_734 : vector<1x1x16xf32> to vector<16xf32>
      %swap3A_736 = arith.constant 1 : i32
      %swap3A_737 = arith.index_cast %swap3A_736 : i32 to index
      %swap3A_738 = arith.index_cast %scan3A_717 : i32 to index
      %swap3A_739 = arith.constant 16 : index
      %swap3A_740 = tpu.vector_load %arg8[%swap3A_737, %swap3A_738, %swap3A_739] {strides = array<i32>} : memref<4x128x64xf32, #tpu.memory_space<vmem>>, vector<1x1x16xf32>,
      %swap3A_741 = vector.shape_cast %swap3A_740 : vector<1x1x16xf32> to vector<16xf32>
      %swap3A_742 = vector.shape_cast %get3A_735 : vector<16xf32> to vector<1x1x16xf32>
      tpu.vector_store %arg8[%swap3A_737, %swap3A_738, %swap3A_739], %swap3A_742 {add = true, strides = array<i32>} : memref<4x128x64xf32, #tpu.memory_space<vmem>>, vector<1x1x16xf32>,
      %get3A_743 = arith.constant 1 : i32
      %get3A_744 = arith.index_cast %get3A_743 : i32 to index
      %get3A_745 = arith.index_cast %scan3A_717 : i32 to index
      %get3A_746 = arith.constant 32 : index
      %get3A_747 = tpu.vector_load %arg7[%get3A_744, %get3A_745, %get3A_746] {strides = array<i32>} : memref<4x128x64xf32, #tpu.memory_space<vmem>>, vector<1x1x16xf32>,
      %get3A_748 = vector.shape_cast %get3A_747 : vector<1x1x16xf32> to vector<16xf32>
      %swap3A_749 = arith.constant 1 : i32
      %swap3A_750 = arith.index_cast %swap3A_749 : i32 to index
      %swap3A_751 = arith.index_cast %scan3A_717 : i32 to index
      %swap3A_752 = arith.constant 32 : index
      %swap3A_753 = tpu.vector_load %arg8[%swap3A_750, %swap3A_751, %swap3A_752] {strides = array<i32>} : memref<4x128x64xf32, #tpu.memory_space<vmem>>, vector<1x1x16xf32>,
      %swap3A_754 = vector.shape_cast %swap3A_753 : vector<1x1x16xf32> to vector<16xf32>
      %swap3A_755 = vector.shape_cast %get3A_748 : vector<16xf32> to vector<1x1x16xf32>
      tpu.vector_store %arg8[%swap3A_750, %swap3A_751, %swap3A_752], %swap3A_755 {add = true, strides = array<i32>} : memref<4x128x64xf32, #tpu.memory_space<vmem>>, vector<1x1x16xf32>,
      %get3A_756 = arith.constant 1 : i32
      %get3A_757 = arith.index_cast %get3A_756 : i32 to index
      %get3A_758 = arith.index_cast %scan3A_717 : i32 to index
      %get3A_759 = arith.constant 48 : index
      %get3A_760 = tpu.vector_load %arg7[%get3A_757, %get3A_758, %get3A_759] {strides = array<i32>} : memref<4x128x64xf32, #tpu.memory_space<vmem>>, vector<1x1x16xf32>,
      %get3A_761 = vector.shape_cast %get3A_760 : vector<1x1x16xf32> to vector<16xf32>
      %swap3A_762 = arith.constant 1 : i32
      %swap3A_763 = arith.index_cast %swap3A_762 : i32 to index
      %swap3A_764 = arith.index_cast %scan3A_717 : i32 to index
      %swap3A_765 = arith.constant 48 : index
      %swap3A_766 = tpu.vector_load %arg8[%swap3A_763, %swap3A_764, %swap3A_765] {strides = array<i32>} : memref<4x128x64xf32, #tpu.memory_space<vmem>>, vector<1x1x16xf32>,
      %swap3A_767 = vector.shape_cast %swap3A_766 : vector<1x1x16xf32> to vector<16xf32>
      %swap3A_768 = vector.shape_cast %get3A_761 : vector<16xf32> to vector<1x1x16xf32>
      tpu.vector_store %arg8[%swap3A_763, %swap3A_764, %swap3A_765], %swap3A_768 {add = true, strides = array<i32>} : memref<4x128x64xf32, #tpu.memory_space<vmem>>, vector<1x1x16xf32>,
      %scan3A_769 = arith.constant 0 : i32
      %scan3A_770 = arith.constant 1 : i32
      %scan3A_771 = arith.addi %scan3A_717, %scan3A_770 : i32
      %get3A_772 = arith.constant 1 : i32
      %get3A_773 = arith.index_cast %get3A_772 : i32 to index
      %get3A_774 = arith.index_cast %scan3A_771 : i32 to index
      %get3A_775 = arith.constant 0 : index
      %get3A_776 = tpu.vector_load %arg7[%get3A_773, %get3A_774, %get3A_775] {strides = array<i32>} : memref<4x128x64xf32, #tpu.memory_space<vmem>>, vector<1x1x16xf32>,
      %get3A_777 = vector.shape_cast %get3A_776 : vector<1x1x16xf32> to vector<16xf32>
      %swap3A_778 = arith.constant 1 : i32
      %swap3A_779 = arith.index_cast %swap3A_778 : i32 to index
      %swap3A_780 = arith.index_cast %scan3A_771 : i32 to index
      %swap3A_781 = arith.constant 0 : index
      %swap3A_782 = tpu.vector_load %arg8[%swap3A_779, %swap3A_780, %swap3A_781] {strides = array<i32>} : memref<4x128x64xf32, #tpu.memory_space<vmem>>, vector<1x1x16xf32>,
      %swap3A_783 = vector.shape_cast %swap3A_782 : vector<1x1x16xf32> to vector<16xf32>
      %swap3A_784 = vector.shape_cast %get3A_777 : vector<16xf32> to vector<1x1x16xf32>
      tpu.vector_store %arg8[%swap3A_779, %swap3A_780, %swap3A_781], %swap3A_784 {add = true, strides = array<i32>} : memref<4x128x64xf32, #tpu.memory_space<vmem>>, vector<1x1x16xf32>,
      %get3A_785 = arith.constant 1 : i32
      %get3A_786 = arith.index_cast %get3A_785 : i32 to index
      %get3A_787 = arith.index_cast %scan3A_771 : i32 to index
      %get3A_788 = arith.constant 16 : index
      %get3A_789 = tpu.vector_load %arg7[%get3A_786, %get3A_787, %get3A_788] {strides = array<i32>} : memref<4x128x64xf32, #tpu.memory_space<vmem>>, vector<1x1x16xf32>,
      %get3A_790 = vector.shape_cast %get3A_789 : vector<1x1x16xf32> to vector<16xf32>
      %swap3A_791 = arith.constant 1 : i32
      %swap3A_792 = arith.index_cast %swap3A_791 : i32 to index
      %swap3A_793 = arith.index_cast %scan3A_771 : i32 to index
      %swap3A_794 = arith.constant 16 : index
      %swap3A_795 = tpu.vector_load %arg8[%swap3A_792, %swap3A_793, %swap3A_794] {strides = array<i32>} : memref<4x128x64xf32, #tpu.memory_space<vmem>>, vector<1x1x16xf32>,
      %swap3A_796 = vector.shape_cast %swap3A_795 : vector<1x1x16xf32> to vector<16xf32>
      %swap3A_797 = vector.shape_cast %get3A_790 : vector<16xf32> to vector<1x1x16xf32>
      tpu.vector_store %arg8[%swap3A_792, %swap3A_793, %swap3A_794], %swap3A_797 {add = true, strides = array<i32>} : memref<4x128x64xf32, #tpu.memory_space<vmem>>, vector<1x1x16xf32>,
      %get3A_798 = arith.constant 1 : i32
      %get3A_799 = arith.index_cast %get3A_798 : i32 to index
      %get3A_800 = arith.index_cast %scan3A_771 : i32 to index
      %get3A_801 = arith.constant 32 : index
      %get3A_802 = tpu.vector_load %arg7[%get3A_799, %get3A_800, %get3A_801] {strides = array<i32>} : memref<4x128x64xf32, #tpu.memory_space<vmem>>, vector<1x1x16xf32>,
      %get3A_803 = vector.shape_cast %get3A_802 : vector<1x1x16xf32> to vector<16xf32>
      %swap3A_804 = arith.constant 1 : i32
      %swap3A_805 = arith.index_cast %swap3A_804 : i32 to index
      %swap3A_806 = arith.index_cast %scan3A_771 : i32 to index
      %swap3A_807 = arith.constant 32 : index
      %swap3A_808 = tpu.vector_load %arg8[%swap3A_805, %swap3A_806, %swap3A_807] {strides = array<i32>} : memref<4x128x64xf32, #tpu.memory_space<vmem>>, vector<1x1x16xf32>,
      %swap3A_809 = vector.shape_cast %swap3A_808 : vector<1x1x16xf32> to vector<16xf32>
      %swap3A_810 = vector.shape_cast %get3A_803 : vector<16xf32> to vector<1x1x16xf32>
      tpu.vector_store %arg8[%swap3A_805, %swap3A_806, %swap3A_807], %swap3A_810 {add = true, strides = array<i32>} : memref<4x128x64xf32, #tpu.memory_space<vmem>>, vector<1x1x16xf32>,
      %get3A_811 = arith.constant 1 : i32
      %get3A_812 = arith.index_cast %get3A_811 : i32 to index
      %get3A_813 = arith.index_cast %scan3A_771 : i32 to index
      %get3A_814 = arith.constant 48 : index
      %get3A_815 = tpu.vector_load %arg7[%get3A_812, %get3A_813, %get3A_814] {strides = array<i32>} : memref<4x128x64xf32, #tpu.memory_space<vmem>>, vector<1x1x16xf32>,
      %get3A_816 = vector.shape_cast %get3A_815 : vector<1x1x16xf32> to vector<16xf32>
      %swap3A_817 = arith.constant 1 : i32
      %swap3A_818 = arith.index_cast %swap3A_817 : i32 to index
      %swap3A_819 = arith.index_cast %scan3A_771 : i32 to index
      %swap3A_820 = arith.constant 48 : index
      %swap3A_821 = tpu.vector_load %arg8[%swap3A_818, %swap3A_819, %swap3A_820] {strides = array<i32>} : memref<4x128x64xf32, #tpu.memory_space<vmem>>, vector<1x1x16xf32>,
      %swap3A_822 = vector.shape_cast %swap3A_821 : vector<1x1x16xf32> to vector<16xf32>
      %swap3A_823 = vector.shape_cast %get3A_816 : vector<16xf32> to vector<1x1x16xf32>
      tpu.vector_store %arg8[%swap3A_818, %swap3A_819, %swap3A_820], %swap3A_823 {add = true, strides = array<i32>} : memref<4x128x64xf32, #tpu.memory_space<vmem>>, vector<1x1x16xf32>,
      %scan3A_824 = arith.constant 0 : i32
      %scan3A_825 = arith.constant 2 : i32
      %scan3A_826 = arith.addi %scan3A_717, %scan3A_825 : i32
      %get3A_827 = arith.constant 1 : i32
      %get3A_828 = arith.index_cast %get3A_827 : i32 to index
      %get3A_829 = arith.index_cast %scan3A_826 : i32 to index
      %get3A_830 = arith.constant 0 : index
      %get3A_831 = tpu.vector_load %arg7[%get3A_828, %get3A_829, %get3A_830] {strides = array<i32>} : memref<4x128x64xf32, #tpu.memory_space<vmem>>, vector<1x1x16xf32>,
      %get3A_832 = vector.shape_cast %get3A_831 : vector<1x1x16xf32> to vector<16xf32>
      %swap3A_833 = arith.constant 1 : i32
      %swap3A_834 = arith.index_cast %swap3A_833 : i32 to index
      %swap3A_835 = arith.index_cast %scan3A_826 : i32 to index
      %swap3A_836 = arith.constant 0 : index
      %swap3A_837 = tpu.vector_load %arg8[%swap3A_834, %swap3A_835, %swap3A_836] {strides = array<i32>} : memref<4x128x64xf32, #tpu.memory_space<vmem>>, vector<1x1x16xf32>,
      %swap3A_838 = vector.shape_cast %swap3A_837 : vector<1x1x16xf32> to vector<16xf32>
      %swap3A_839 = vector.shape_cast %get3A_832 : vector<16xf32> to vector<1x1x16xf32>
      tpu.vector_store %arg8[%swap3A_834, %swap3A_835, %swap3A_836], %swap3A_839 {add = true, strides = array<i32>} : memref<4x128x64xf32, #tpu.memory_space<vmem>>, vector<1x1x16xf32>,
      %get3A_840 = arith.constant 1 : i32
      %get3A_841 = arith.index_cast %get3A_840 : i32 to index
      %get3A_842 = arith.index_cast %scan3A_826 : i32 to index
      %get3A_843 = arith.constant 16 : index
      %get3A_844 = tpu.vector_load %arg7[%get3A_841, %get3A_842, %get3A_843] {strides = array<i32>} : memref<4x128x64xf32, #tpu.memory_space<vmem>>, vector<1x1x16xf32>,
      %get3A_845 = vector.shape_cast %get3A_844 : vector<1x1x16xf32> to vector<16xf32>
      %swap3A_846 = arith.constant 1 : i32
      %swap3A_847 = arith.index_cast %swap3A_846 : i32 to index
      %swap3A_848 = arith.index_cast %scan3A_826 : i32 to index
      %swap3A_849 = arith.constant 16 : index
      %swap3A_850 = tpu.vector_load %arg8[%swap3A_847, %swap3A_848, %swap3A_849] {strides = array<i32>} : memref<4x128x64xf32, #tpu.memory_space<vmem>>, vector<1x1x16xf32>,
      %swap3A_851 = vector.shape_cast %swap3A_850 : vector<1x1x16xf32> to vector<16xf32>
      %swap3A_852 = vector.shape_cast %get3A_845 : vector<16xf32> to vector<1x1x16xf32>
      tpu.vector_store %arg8[%swap3A_847, %swap3A_848, %swap3A_849], %swap3A_852 {add = true, strides = array<i32>} : memref<4x128x64xf32, #tpu.memory_space<vmem>>, vector<1x1x16xf32>,
      %get3A_853 = arith.constant 1 : i32
      %get3A_854 = arith.index_cast %get3A_853 : i32 to index
      %get3A_855 = arith.index_cast %scan3A_826 : i32 to index
      %get3A_856 = arith.constant 32 : index
      %get3A_857 = tpu.vector_load %arg7[%get3A_854, %get3A_855, %get3A_856] {strides = array<i32>} : memref<4x128x64xf32, #tpu.memory_space<vmem>>, vector<1x1x16xf32>,
      %get3A_858 = vector.shape_cast %get3A_857 : vector<1x1x16xf32> to vector<16xf32>
      %swap3A_859 = arith.constant 1 : i32
      %swap3A_860 = arith.index_cast %swap3A_859 : i32 to index
      %swap3A_861 = arith.index_cast %scan3A_826 : i32 to index
      %swap3A_862 = arith.constant 32 : index
      %swap3A_863 = tpu.vector_load %arg8[%swap3A_860, %swap3A_861, %swap3A_862] {strides = array<i32>} : memref<4x128x64xf32, #tpu.memory_space<vmem>>, vector<1x1x16xf32>,
      %swap3A_864 = vector.shape_cast %swap3A_863 : vector<1x1x16xf32> to vector<16xf32>
      %swap3A_865 = vector.shape_cast %get3A_858 : vector<16xf32> to vector<1x1x16xf32>
      tpu.vector_store %arg8[%swap3A_860, %swap3A_861, %swap3A_862], %swap3A_865 {add = true, strides = array<i32>} : memref<4x128x64xf32, #tpu.memory_space<vmem>>, vector<1x1x16xf32>,
      %get3A_866 = arith.constant 1 : i32
      %get3A_867 = arith.index_cast %get3A_866 : i32 to index
      %get3A_868 = arith.index_cast %scan3A_826 : i32 to index
      %get3A_869 = arith.constant 48 : index
      %get3A_870 = tpu.vector_load %arg7[%get3A_867, %get3A_868, %get3A_869] {strides = array<i32>} : memref<4x128x64xf32, #tpu.memory_space<vmem>>, vector<1x1x16xf32>,
      %get3A_871 = vector.shape_cast %get3A_870 : vector<1x1x16xf32> to vector<16xf32>
      %swap3A_872 = arith.constant 1 : i32
      %swap3A_873 = arith.index_cast %swap3A_872 : i32 to index
      %swap3A_874 = arith.index_cast %scan3A_826 : i32 to index
      %swap3A_875 = arith.constant 48 : index
      %swap3A_876 = tpu.vector_load %arg8[%swap3A_873, %swap3A_874, %swap3A_875] {strides = array<i32>} : memref<4x128x64xf32, #tpu.memory_space<vmem>>, vector<1x1x16xf32>,
      %swap3A_877 = vector.shape_cast %swap3A_876 : vector<1x1x16xf32> to vector<16xf32>
      %swap3A_878 = vector.shape_cast %get3A_871 : vector<16xf32> to vector<1x1x16xf32>
      tpu.vector_store %arg8[%swap3A_873, %swap3A_874, %swap3A_875], %swap3A_878 {add = true, strides = array<i32>} : memref<4x128x64xf32, #tpu.memory_space<vmem>>, vector<1x1x16xf32>,
      %scan3A_879 = arith.constant 0 : i32
      %scan3A_880 = arith.constant 3 : i32
      %scan3A_881 = arith.addi %scan3A_717, %scan3A_880 : i32
      %get3A_882 = arith.constant 1 : i32
      %get3A_883 = arith.index_cast %get3A_882 : i32 to index
      %get3A_884 = arith.index_cast %scan3A_881 : i32 to index
      %get3A_885 = arith.constant 0 : index
      %get3A_886 = tpu.vector_load %arg7[%get3A_883, %get3A_884, %get3A_885] {strides = array<i32>} : memref<4x128x64xf32, #tpu.memory_space<vmem>>, vector<1x1x16xf32>,
      %get3A_887 = vector.shape_cast %get3A_886 : vector<1x1x16xf32> to vector<16xf32>
      %swap3A_888 = arith.constant 1 : i32
      %swap3A_889 = arith.index_cast %swap3A_888 : i32 to index
      %swap3A_890 = arith.index_cast %scan3A_881 : i32 to index
      %swap3A_891 = arith.constant 0 : index
      %swap3A_892 = tpu.vector_load %arg8[%swap3A_889, %swap3A_890, %swap3A_891] {strides = array<i32>} : memref<4x128x64xf32, #tpu.memory_space<vmem>>, vector<1x1x16xf32>,
      %swap3A_893 = vector.shape_cast %swap3A_892 : vector<1x1x16xf32> to vector<16xf32>
      %swap3A_894 = vector.shape_cast %get3A_887 : vector<16xf32> to vector<1x1x16xf32>
      tpu.vector_store %arg8[%swap3A_889, %swap3A_890, %swap3A_891], %swap3A_894 {add = true, strides = array<i32>} : memref<4x128x64xf32, #tpu.memory_space<vmem>>, vector<1x1x16xf32>,
      %get3A_895 = arith.constant 1 : i32
      %get3A_896 = arith.index_cast %get3A_895 : i32 to index
      %get3A_897 = arith.index_cast %scan3A_881 : i32 to index
      %get3A_898 = arith.constant 16 : index
      %get3A_899 = tpu.vector_load %arg7[%get3A_896, %get3A_897, %get3A_898] {strides = array<i32>} : memref<4x128x64xf32, #tpu.memory_space<vmem>>, vector<1x1x16xf32>,
      %get3A_900 = vector.shape_cast %get3A_899 : vector<1x1x16xf32> to vector<16xf32>
      %swap3A_901 = arith.constant 1 : i32
      %swap3A_902 = arith.index_cast %swap3A_901 : i32 to index
      %swap3A_903 = arith.index_cast %scan3A_881 : i32 to index
      %swap3A_904 = arith.constant 16 : index
      %swap3A_905 = tpu.vector_load %arg8[%swap3A_902, %swap3A_903, %swap3A_904] {strides = array<i32>} : memref<4x128x64xf32, #tpu.memory_space<vmem>>, vector<1x1x16xf32>,
      %swap3A_906 = vector.shape_cast %swap3A_905 : vector<1x1x16xf32> to vector<16xf32>
      %swap3A_907 = vector.shape_cast %get3A_900 : vector<16xf32> to vector<1x1x16xf32>
      tpu.vector_store %arg8[%swap3A_902, %swap3A_903, %swap3A_904], %swap3A_907 {add = true, strides = array<i32>} : memref<4x128x64xf32, #tpu.memory_space<vmem>>, vector<1x1x16xf32>,
      %get3A_908 = arith.constant 1 : i32
      %get3A_909 = arith.index_cast %get3A_908 : i32 to index
      %get3A_910 = arith.index_cast %scan3A_881 : i32 to index
      %get3A_911 = arith.constant 32 : index
      %get3A_912 = tpu.vector_load %arg7[%get3A_909, %get3A_910, %get3A_911] {strides = array<i32>} : memref<4x128x64xf32, #tpu.memory_space<vmem>>, vector<1x1x16xf32>,
      %get3A_913 = vector.shape_cast %get3A_912 : vector<1x1x16xf32> to vector<16xf32>
      %swap3A_914 = arith.constant 1 : i32
      %swap3A_915 = arith.index_cast %swap3A_914 : i32 to index
      %swap3A_916 = arith.index_cast %scan3A_881 : i32 to index
      %swap3A_917 = arith.constant 32 : index
      %swap3A_918 = tpu.vector_load %arg8[%swap3A_915, %swap3A_916, %swap3A_917] {strides = array<i32>} : memref<4x128x64xf32, #tpu.memory_space<vmem>>, vector<1x1x16xf32>,
      %swap3A_919 = vector.shape_cast %swap3A_918 : vector<1x1x16xf32> to vector<16xf32>
      %swap3A_920 = vector.shape_cast %get3A_913 : vector<16xf32> to vector<1x1x16xf32>
      tpu.vector_store %arg8[%swap3A_915, %swap3A_916, %swap3A_917], %swap3A_920 {add = true, strides = array<i32>} : memref<4x128x64xf32, #tpu.memory_space<vmem>>, vector<1x1x16xf32>,
      %get3A_921 = arith.constant 1 : i32
      %get3A_922 = arith.index_cast %get3A_921 : i32 to index
      %get3A_923 = arith.index_cast %scan3A_881 : i32 to index
      %get3A_924 = arith.constant 48 : index
      %get3A_925 = tpu.vector_load %arg7[%get3A_922, %get3A_923, %get3A_924] {strides = array<i32>} : memref<4x128x64xf32, #tpu.memory_space<vmem>>, vector<1x1x16xf32>,
      %get3A_926 = vector.shape_cast %get3A_925 : vector<1x1x16xf32> to vector<16xf32>
      %swap3A_927 = arith.constant 1 : i32
      %swap3A_928 = arith.index_cast %swap3A_927 : i32 to index
      %swap3A_929 = arith.index_cast %scan3A_881 : i32 to index
      %swap3A_930 = arith.constant 48 : index
      %swap3A_931 = tpu.vector_load %arg8[%swap3A_928, %swap3A_929, %swap3A_930] {strides = array<i32>} : memref<4x128x64xf32, #tpu.memory_space<vmem>>, vector<1x1x16xf32>,
      %swap3A_932 = vector.shape_cast %swap3A_931 : vector<1x1x16xf32> to vector<16xf32>
      %swap3A_933 = vector.shape_cast %get3A_926 : vector<16xf32> to vector<1x1x16xf32>
      tpu.vector_store %arg8[%swap3A_928, %swap3A_929, %swap3A_930], %swap3A_933 {add = true, strides = array<i32>} : memref<4x128x64xf32, #tpu.memory_space<vmem>>, vector<1x1x16xf32>,
      %scan3A_934 = arith.constant 0 : i32
      %scan3A_935 = arith.constant 4 : i32
      %scan3A_936 = arith.addi %scan3A_717, %scan3A_935 : i32
      %get3A_937 = arith.constant 1 : i32
      %get3A_938 = arith.index_cast %get3A_937 : i32 to index
      %get3A_939 = arith.index_cast %scan3A_936 : i32 to index
      %get3A_940 = arith.constant 0 : index
      %get3A_941 = tpu.vector_load %arg7[%get3A_938, %get3A_939, %get3A_940] {strides = array<i32>} : memref<4x128x64xf32, #tpu.memory_space<vmem>>, vector<1x1x16xf32>,
      %get3A_942 = vector.shape_cast %get3A_941 : vector<1x1x16xf32> to vector<16xf32>
      %swap3A_943 = arith.constant 1 : i32
      %swap3A_944 = arith.index_cast %swap3A_943 : i32 to index
      %swap3A_945 = arith.index_cast %scan3A_936 : i32 to index
      %swap3A_946 = arith.constant 0 : index
      %swap3A_947 = tpu.vector_load %arg8[%swap3A_944, %swap3A_945, %swap3A_946] {strides = array<i32>} : memref<4x128x64xf32, #tpu.memory_space<vmem>>, vector<1x1x16xf32>,
      %swap3A_948 = vector.shape_cast %swap3A_947 : vector<1x1x16xf32> to vector<16xf32>
      %swap3A_949 = vector.shape_cast %get3A_942 : vector<16xf32> to vector<1x1x16xf32>
      tpu.vector_store %arg8[%swap3A_944, %swap3A_945, %swap3A_946], %swap3A_949 {add = true, strides = array<i32>} : memref<4x128x64xf32, #tpu.memory_space<vmem>>, vector<1x1x16xf32>,
      %get3A_950 = arith.constant 1 : i32
      %get3A_951 = arith.index_cast %get3A_950 : i32 to index
      %get3A_952 = arith.index_cast %scan3A_936 : i32 to index
      %get3A_953 = arith.constant 16 : index
      %get3A_954 = tpu.vector_load %arg7[%get3A_951, %get3A_952, %get3A_953] {strides = array<i32>} : memref<4x128x64xf32, #tpu.memory_space<vmem>>, vector<1x1x16xf32>,
      %get3A_955 = vector.shape_cast %get3A_954 : vector<1x1x16xf32> to vector<16xf32>
      %swap3A_956 = arith.constant 1 : i32
      %swap3A_957 = arith.index_cast %swap3A_956 : i32 to index
      %swap3A_958 = arith.index_cast %scan3A_936 : i32 to index
      %swap3A_959 = arith.constant 16 : index
      %swap3A_960 = tpu.vector_load %arg8[%swap3A_957, %swap3A_958, %swap3A_959] {strides = array<i32>} : memref<4x128x64xf32, #tpu.memory_space<vmem>>, vector<1x1x16xf32>,
      %swap3A_961 = vector.shape_cast %swap3A_960 : vector<1x1x16xf32> to vector<16xf32>
      %swap3A_962 = vector.shape_cast %get3A_955 : vector<16xf32> to vector<1x1x16xf32>
      tpu.vector_store %arg8[%swap3A_957, %swap3A_958, %swap3A_959], %swap3A_962 {add = true, strides = array<i32>} : memref<4x128x64xf32, #tpu.memory_space<vmem>>, vector<1x1x16xf32>,
      %get3A_963 = arith.constant 1 : i32
      %get3A_964 = arith.index_cast %get3A_963 : i32 to index
      %get3A_965 = arith.index_cast %scan3A_936 : i32 to index
      %get3A_966 = arith.constant 32 : index
      %get3A_967 = tpu.vector_load %arg7[%get3A_964, %get3A_965, %get3A_966] {strides = array<i32>} : memref<4x128x64xf32, #tpu.memory_space<vmem>>, vector<1x1x16xf32>,
      %get3A_968 = vector.shape_cast %get3A_967 : vector<1x1x16xf32> to vector<16xf32>
      %swap3A_969 = arith.constant 1 : i32
      %swap3A_970 = arith.index_cast %swap3A_969 : i32 to index
      %swap3A_971 = arith.index_cast %scan3A_936 : i32 to index
      %swap3A_972 = arith.constant 32 : index
      %swap3A_973 = tpu.vector_load %arg8[%swap3A_970, %swap3A_971, %swap3A_972] {strides = array<i32>} : memref<4x128x64xf32, #tpu.memory_space<vmem>>, vector<1x1x16xf32>,
      %swap3A_974 = vector.shape_cast %swap3A_973 : vector<1x1x16xf32> to vector<16xf32>
      %swap3A_975 = vector.shape_cast %get3A_968 : vector<16xf32> to vector<1x1x16xf32>
      tpu.vector_store %arg8[%swap3A_970, %swap3A_971, %swap3A_972], %swap3A_975 {add = true, strides = array<i32>} : memref<4x128x64xf32, #tpu.memory_space<vmem>>, vector<1x1x16xf32>,
      %get3A_976 = arith.constant 1 : i32
      %get3A_977 = arith.index_cast %get3A_976 : i32 to index
      %get3A_978 = arith.index_cast %scan3A_936 : i32 to index
      %get3A_979 = arith.constant 48 : index
      %get3A_980 = tpu.vector_load %arg7[%get3A_977, %get3A_978, %get3A_979] {strides = array<i32>} : memref<4x128x64xf32, #tpu.memory_space<vmem>>, vector<1x1x16xf32>,
      %get3A_981 = vector.shape_cast %get3A_980 : vector<1x1x16xf32> to vector<16xf32>
      %swap3A_982 = arith.constant 1 : i32
      %swap3A_983 = arith.index_cast %swap3A_982 : i32 to index
      %swap3A_984 = arith.index_cast %scan3A_936 : i32 to index
      %swap3A_985 = arith.constant 48 : index
      %swap3A_986 = tpu.vector_load %arg8[%swap3A_983, %swap3A_984, %swap3A_985] {strides = array<i32>} : memref<4x128x64xf32, #tpu.memory_space<vmem>>, vector<1x1x16xf32>,
      %swap3A_987 = vector.shape_cast %swap3A_986 : vector<1x1x16xf32> to vector<16xf32>
      %swap3A_988 = vector.shape_cast %get3A_981 : vector<16xf32> to vector<1x1x16xf32>
      tpu.vector_store %arg8[%swap3A_983, %swap3A_984, %swap3A_985], %swap3A_988 {add = true, strides = array<i32>} : memref<4x128x64xf32, #tpu.memory_space<vmem>>, vector<1x1x16xf32>,
      %scan3A_989 = arith.constant 0 : i32
      %scan3A_990 = arith.constant 5 : i32
      %scan3A_991 = arith.addi %scan3A_717, %scan3A_990 : i32
      %get3A_992 = arith.constant 1 : i32
      %get3A_993 = arith.index_cast %get3A_992 : i32 to index
      %get3A_994 = arith.index_cast %scan3A_991 : i32 to index
      %get3A_995 = arith.constant 0 : index
      %get3A_996 = tpu.vector_load %arg7[%get3A_993, %get3A_994, %get3A_995] {strides = array<i32>} : memref<4x128x64xf32, #tpu.memory_space<vmem>>, vector<1x1x16xf32>,
      %get3A_997 = vector.shape_cast %get3A_996 : vector<1x1x16xf32> to vector<16xf32>
      %swap3A_998 = arith.constant 1 : i32
      %swap3A_999 = arith.index_cast %swap3A_998 : i32 to index
      %swap3A_1000 = arith.index_cast %scan3A_991 : i32 to index
      %swap3A_1001 = arith.constant 0 : index
      %swap3A_1002 = tpu.vector_load %arg8[%swap3A_999, %swap3A_1000, %swap3A_1001] {strides = array<i32>} : memref<4x128x64xf32, #tpu.memory_space<vmem>>, vector<1x1x16xf32>,
      %swap3A_1003 = vector.shape_cast %swap3A_1002 : vector<1x1x16xf32> to vector<16xf32>
      %swap3A_1004 = vector.shape_cast %get3A_997 : vector<16xf32> to vector<1x1x16xf32>
      tpu.vector_store %arg8[%swap3A_999, %swap3A_1000, %swap3A_1001], %swap3A_1004 {add = true, strides = array<i32>} : memref<4x128x64xf32, #tpu.memory_space<vmem>>, vector<1x1x16xf32>,
      %get3A_1005 = arith.constant 1 : i32
      %get3A_1006 = arith.index_cast %get3A_1005 : i32 to index
      %get3A_1007 = arith.index_cast %scan3A_991 : i32 to index
      %get3A_1008 = arith.constant 16 : index
      %get3A_1009 = tpu.vector_load %arg7[%get3A_1006, %get3A_1007, %get3A_1008] {strides = array<i32>} : memref<4x128x64xf32, #tpu.memory_space<vmem>>, vector<1x1x16xf32>,
      %get3A_1010 = vector.shape_cast %get3A_1009 : vector<1x1x16xf32> to vector<16xf32>
      %swap3A_1011 = arith.constant 1 : i32
      %swap3A_1012 = arith.index_cast %swap3A_1011 : i32 to index
      %swap3A_1013 = arith.index_cast %scan3A_991 : i32 to index
      %swap3A_1014 = arith.constant 16 : index
      %swap3A_1015 = tpu.vector_load %arg8[%swap3A_1012, %swap3A_1013, %swap3A_1014] {strides = array<i32>} : memref<4x128x64xf32, #tpu.memory_space<vmem>>, vector<1x1x16xf32>,
      %swap3A_1016 = vector.shape_cast %swap3A_1015 : vector<1x1x16xf32> to vector<16xf32>
      %swap3A_1017 = vector.shape_cast %get3A_1010 : vector<16xf32> to vector<1x1x16xf32>
      tpu.vector_store %arg8[%swap3A_1012, %swap3A_1013, %swap3A_1014], %swap3A_1017 {add = true, strides = array<i32>} : memref<4x128x64xf32, #tpu.memory_space<vmem>>, vector<1x1x16xf32>,
      %get3A_1018 = arith.constant 1 : i32
      %get3A_1019 = arith.index_cast %get3A_1018 : i32 to index
      %get3A_1020 = arith.index_cast %scan3A_991 : i32 to index
      %get3A_1021 = arith.constant 32 : index
      %get3A_1022 = tpu.vector_load %arg7[%get3A_1019, %get3A_1020, %get3A_1021] {strides = array<i32>} : memref<4x128x64xf32, #tpu.memory_space<vmem>>, vector<1x1x16xf32>,
      %get3A_1023 = vector.shape_cast %get3A_1022 : vector<1x1x16xf32> to vector<16xf32>
      %swap3A_1024 = arith.constant 1 : i32
      %swap3A_1025 = arith.index_cast %swap3A_1024 : i32 to index
      %swap3A_1026 = arith.index_cast %scan3A_991 : i32 to index
      %swap3A_1027 = arith.constant 32 : index
      %swap3A_1028 = tpu.vector_load %arg8[%swap3A_1025, %swap3A_1026, %swap3A_1027] {strides = array<i32>} : memref<4x128x64xf32, #tpu.memory_space<vmem>>, vector<1x1x16xf32>,
      %swap3A_1029 = vector.shape_cast %swap3A_1028 : vector<1x1x16xf32> to vector<16xf32>
      %swap3A_1030 = vector.shape_cast %get3A_1023 : vector<16xf32> to vector<1x1x16xf32>
      tpu.vector_store %arg8[%swap3A_1025, %swap3A_1026, %swap3A_1027], %swap3A_1030 {add = true, strides = array<i32>} : memref<4x128x64xf32, #tpu.memory_space<vmem>>, vector<1x1x16xf32>,
      %get3A_1031 = arith.constant 1 : i32
      %get3A_1032 = arith.index_cast %get3A_1031 : i32 to index
      %get3A_1033 = arith.index_cast %scan3A_991 : i32 to index
      %get3A_1034 = arith.constant 48 : index
      %get3A_1035 = tpu.vector_load %arg7[%get3A_1032, %get3A_1033, %get3A_1034] {strides = array<i32>} : memref<4x128x64xf32, #tpu.memory_space<vmem>>, vector<1x1x16xf32>,
      %get3A_1036 = vector.shape_cast %get3A_1035 : vector<1x1x16xf32> to vector<16xf32>
      %swap3A_1037 = arith.constant 1 : i32
      %swap3A_1038 = arith.index_cast %swap3A_1037 : i32 to index
      %swap3A_1039 = arith.index_cast %scan3A_991 : i32 to index
      %swap3A_1040 = arith.constant 48 : index
      %swap3A_1041 = tpu.vector_load %arg8[%swap3A_1038, %swap3A_1039, %swap3A_1040] {strides = array<i32>} : memref<4x128x64xf32, #tpu.memory_space<vmem>>, vector<1x1x16xf32>,
      %swap3A_1042 = vector.shape_cast %swap3A_1041 : vector<1x1x16xf32> to vector<16xf32>
      %swap3A_1043 = vector.shape_cast %get3A_1036 : vector<16xf32> to vector<1x1x16xf32>
      tpu.vector_store %arg8[%swap3A_1038, %swap3A_1039, %swap3A_1040], %swap3A_1043 {add = true, strides = array<i32>} : memref<4x128x64xf32, #tpu.memory_space<vmem>>, vector<1x1x16xf32>,
      %scan3A_1044 = arith.constant 0 : i32
      %scan3A_1045 = arith.constant 6 : i32
      %scan3A_1046 = arith.addi %scan3A_717, %scan3A_1045 : i32
      %get3A_1047 = arith.constant 1 : i32
      %get3A_1048 = arith.index_cast %get3A_1047 : i32 to index
      %get3A_1049 = arith.index_cast %scan3A_1046 : i32 to index
      %get3A_1050 = arith.constant 0 : index
      %get3A_1051 = tpu.vector_load %arg7[%get3A_1048, %get3A_1049, %get3A_1050] {strides = array<i32>} : memref<4x128x64xf32, #tpu.memory_space<vmem>>, vector<1x1x16xf32>,
      %get3A_1052 = vector.shape_cast %get3A_1051 : vector<1x1x16xf32> to vector<16xf32>
      %swap3A_1053 = arith.constant 1 : i32
      %swap3A_1054 = arith.index_cast %swap3A_1053 : i32 to index
      %swap3A_1055 = arith.index_cast %scan3A_1046 : i32 to index
      %swap3A_1056 = arith.constant 0 : index
      %swap3A_1057 = tpu.vector_load %arg8[%swap3A_1054, %swap3A_1055, %swap3A_1056] {strides = array<i32>} : memref<4x128x64xf32, #tpu.memory_space<vmem>>, vector<1x1x16xf32>,
      %swap3A_1058 = vector.shape_cast %swap3A_1057 : vector<1x1x16xf32> to vector<16xf32>
      %swap3A_1059 = vector.shape_cast %get3A_1052 : vector<16xf32> to vector<1x1x16xf32>
      tpu.vector_store %arg8[%swap3A_1054, %swap3A_1055, %swap3A_1056], %swap3A_1059 {add = true, strides = array<i32>} : memref<4x128x64xf32, #tpu.memory_space<vmem>>, vector<1x1x16xf32>,
      %get3A_1060 = arith.constant 1 : i32
      %get3A_1061 = arith.index_cast %get3A_1060 : i32 to index
      %get3A_1062 = arith.index_cast %scan3A_1046 : i32 to index
      %get3A_1063 = arith.constant 16 : index
      %get3A_1064 = tpu.vector_load %arg7[%get3A_1061, %get3A_1062, %get3A_1063] {strides = array<i32>} : memref<4x128x64xf32, #tpu.memory_space<vmem>>, vector<1x1x16xf32>,
      %get3A_1065 = vector.shape_cast %get3A_1064 : vector<1x1x16xf32> to vector<16xf32>
      %swap3A_1066 = arith.constant 1 : i32
      %swap3A_1067 = arith.index_cast %swap3A_1066 : i32 to index
      %swap3A_1068 = arith.index_cast %scan3A_1046 : i32 to index
      %swap3A_1069 = arith.constant 16 : index
      %swap3A_1070 = tpu.vector_load %arg8[%swap3A_1067, %swap3A_1068, %swap3A_1069] {strides = array<i32>} : memref<4x128x64xf32, #tpu.memory_space<vmem>>, vector<1x1x16xf32>,
      %swap3A_1071 = vector.shape_cast %swap3A_1070 : vector<1x1x16xf32> to vector<16xf32>
      %swap3A_1072 = vector.shape_cast %get3A_1065 : vector<16xf32> to vector<1x1x16xf32>
      tpu.vector_store %arg8[%swap3A_1067, %swap3A_1068, %swap3A_1069], %swap3A_1072 {add = true, strides = array<i32>} : memref<4x128x64xf32, #tpu.memory_space<vmem>>, vector<1x1x16xf32>,
      %get3A_1073 = arith.constant 1 : i32
      %get3A_1074 = arith.index_cast %get3A_1073 : i32 to index
      %get3A_1075 = arith.index_cast %scan3A_1046 : i32 to index
      %get3A_1076 = arith.constant 32 : index
      %get3A_1077 = tpu.vector_load %arg7[%get3A_1074, %get3A_1075, %get3A_1076] {strides = array<i32>} : memref<4x128x64xf32, #tpu.memory_space<vmem>>, vector<1x1x16xf32>,
      %get3A_1078 = vector.shape_cast %get3A_1077 : vector<1x1x16xf32> to vector<16xf32>
      %swap3A_1079 = arith.constant 1 : i32
      %swap3A_1080 = arith.index_cast %swap3A_1079 : i32 to index
      %swap3A_1081 = arith.index_cast %scan3A_1046 : i32 to index
      %swap3A_1082 = arith.constant 32 : index
      %swap3A_1083 = tpu.vector_load %arg8[%swap3A_1080, %swap3A_1081, %swap3A_1082] {strides = array<i32>} : memref<4x128x64xf32, #tpu.memory_space<vmem>>, vector<1x1x16xf32>,
      %swap3A_1084 = vector.shape_cast %swap3A_1083 : vector<1x1x16xf32> to vector<16xf32>
      %swap3A_1085 = vector.shape_cast %get3A_1078 : vector<16xf32> to vector<1x1x16xf32>
      tpu.vector_store %arg8[%swap3A_1080, %swap3A_1081, %swap3A_1082], %swap3A_1085 {add = true, strides = array<i32>} : memref<4x128x64xf32, #tpu.memory_space<vmem>>, vector<1x1x16xf32>,
      %get3A_1086 = arith.constant 1 : i32
      %get3A_1087 = arith.index_cast %get3A_1086 : i32 to index
      %get3A_1088 = arith.index_cast %scan3A_1046 : i32 to index
      %get3A_1089 = arith.constant 48 : index
      %get3A_1090 = tpu.vector_load %arg7[%get3A_1087, %get3A_1088, %get3A_1089] {strides = array<i32>} : memref<4x128x64xf32, #tpu.memory_space<vmem>>, vector<1x1x16xf32>,
      %get3A_1091 = vector.shape_cast %get3A_1090 : vector<1x1x16xf32> to vector<16xf32>
      %swap3A_1092 = arith.constant 1 : i32
      %swap3A_1093 = arith.index_cast %swap3A_1092 : i32 to index
      %swap3A_1094 = arith.index_cast %scan3A_1046 : i32 to index
      %swap3A_1095 = arith.constant 48 : index
      %swap3A_1096 = tpu.vector_load %arg8[%swap3A_1093, %swap3A_1094, %swap3A_1095] {strides = array<i32>} : memref<4x128x64xf32, #tpu.memory_space<vmem>>, vector<1x1x16xf32>,
      %swap3A_1097 = vector.shape_cast %swap3A_1096 : vector<1x1x16xf32> to vector<16xf32>
      %swap3A_1098 = vector.shape_cast %get3A_1091 : vector<16xf32> to vector<1x1x16xf32>
      tpu.vector_store %arg8[%swap3A_1093, %swap3A_1094, %swap3A_1095], %swap3A_1098 {add = true, strides = array<i32>} : memref<4x128x64xf32, #tpu.memory_space<vmem>>, vector<1x1x16xf32>,
      %scan3A_1099 = arith.constant 0 : i32
      %scan3A_1100 = arith.constant 7 : i32
      %scan3A_1101 = arith.addi %scan3A_717, %scan3A_1100 : i32
      %get3A_1102 = arith.constant 1 : i32
      %get3A_1103 = arith.index_cast %get3A_1102 : i32 to index
      %get3A_1104 = arith.index_cast %scan3A_1101 : i32 to index
      %get3A_1105 = arith.constant 0 : index
      %get3A_1106 = tpu.vector_load %arg7[%get3A_1103, %get3A_1104, %get3A_1105] {strides = array<i32>} : memref<4x128x64xf32, #tpu.memory_space<vmem>>, vector<1x1x16xf32>,
      %get3A_1107 = vector.shape_cast %get3A_1106 : vector<1x1x16xf32> to vector<16xf32>
      %swap3A_1108 = arith.constant 1 : i32
      %swap3A_1109 = arith.index_cast %swap3A_1108 : i32 to index
      %swap3A_1110 = arith.index_cast %scan3A_1101 : i32 to index
      %swap3A_1111 = arith.constant 0 : index
      %swap3A_1112 = tpu.vector_load %arg8[%swap3A_1109, %swap3A_1110, %swap3A_1111] {strides = array<i32>} : memref<4x128x64xf32, #tpu.memory_space<vmem>>, vector<1x1x16xf32>,
      %swap3A_1113 = vector.shape_cast %swap3A_1112 : vector<1x1x16xf32> to vector<16xf32>
      %swap3A_1114 = vector.shape_cast %get3A_1107 : vector<16xf32> to vector<1x1x16xf32>
      tpu.vector_store %arg8[%swap3A_1109, %swap3A_1110, %swap3A_1111], %swap3A_1114 {add = true, strides = array<i32>} : memref<4x128x64xf32, #tpu.memory_space<vmem>>, vector<1x1x16xf32>,
      %get3A_1115 = arith.constant 1 : i32
      %get3A_1116 = arith.index_cast %get3A_1115 : i32 to index
      %get3A_1117 = arith.index_cast %scan3A_1101 : i32 to index
      %get3A_1118 = arith.constant 16 : index
      %get3A_1119 = tpu.vector_load %arg7[%get3A_1116, %get3A_1117, %get3A_1118] {strides = array<i32>} : memref<4x128x64xf32, #tpu.memory_space<vmem>>, vector<1x1x16xf32>,
      %get3A_1120 = vector.shape_cast %get3A_1119 : vector<1x1x16xf32> to vector<16xf32>
      %swap3A_1121 = arith.constant 1 : i32
      %swap3A_1122 = arith.index_cast %swap3A_1121 : i32 to index
      %swap3A_1123 = arith.index_cast %scan3A_1101 : i32 to index
      %swap3A_1124 = arith.constant 16 : index
      %swap3A_1125 = tpu.vector_load %arg8[%swap3A_1122, %swap3A_1123, %swap3A_1124] {strides = array<i32>} : memref<4x128x64xf32, #tpu.memory_space<vmem>>, vector<1x1x16xf32>,
      %swap3A_1126 = vector.shape_cast %swap3A_1125 : vector<1x1x16xf32> to vector<16xf32>
      %swap3A_1127 = vector.shape_cast %get3A_1120 : vector<16xf32> to vector<1x1x16xf32>
      tpu.vector_store %arg8[%swap3A_1122, %swap3A_1123, %swap3A_1124], %swap3A_1127 {add = true, strides = array<i32>} : memref<4x128x64xf32, #tpu.memory_space<vmem>>, vector<1x1x16xf32>,
      %get3A_1128 = arith.constant 1 : i32
      %get3A_1129 = arith.index_cast %get3A_1128 : i32 to index
      %get3A_1130 = arith.index_cast %scan3A_1101 : i32 to index
      %get3A_1131 = arith.constant 32 : index
      %get3A_1132 = tpu.vector_load %arg7[%get3A_1129, %get3A_1130, %get3A_1131] {strides = array<i32>} : memref<4x128x64xf32, #tpu.memory_space<vmem>>, vector<1x1x16xf32>,
      %get3A_1133 = vector.shape_cast %get3A_1132 : vector<1x1x16xf32> to vector<16xf32>
      %swap3A_1134 = arith.constant 1 : i32
      %swap3A_1135 = arith.index_cast %swap3A_1134 : i32 to index
      %swap3A_1136 = arith.index_cast %scan3A_1101 : i32 to index
      %swap3A_1137 = arith.constant 32 : index
      %swap3A_1138 = tpu.vector_load %arg8[%swap3A_1135, %swap3A_1136, %swap3A_1137] {strides = array<i32>} : memref<4x128x64xf32, #tpu.memory_space<vmem>>, vector<1x1x16xf32>,
      %swap3A_1139 = vector.shape_cast %swap3A_1138 : vector<1x1x16xf32> to vector<16xf32>
      %swap3A_1140 = vector.shape_cast %get3A_1133 : vector<16xf32> to vector<1x1x16xf32>
      tpu.vector_store %arg8[%swap3A_1135, %swap3A_1136, %swap3A_1137], %swap3A_1140 {add = true, strides = array<i32>} : memref<4x128x64xf32, #tpu.memory_space<vmem>>, vector<1x1x16xf32>,
      %get3A_1141 = arith.constant 1 : i32
      %get3A_1142 = arith.index_cast %get3A_1141 : i32 to index
      %get3A_1143 = arith.index_cast %scan3A_1101 : i32 to index
      %get3A_1144 = arith.constant 48 : index
      %get3A_1145 = tpu.vector_load %arg7[%get3A_1142, %get3A_1143, %get3A_1144] {strides = array<i32>} : memref<4x128x64xf32, #tpu.memory_space<vmem>>, vector<1x1x16xf32>,
      %get3A_1146 = vector.shape_cast %get3A_1145 : vector<1x1x16xf32> to vector<16xf32>
      %swap3A_1147 = arith.constant 1 : i32
      %swap3A_1148 = arith.index_cast %swap3A_1147 : i32 to index
      %swap3A_1149 = arith.index_cast %scan3A_1101 : i32 to index
      %swap3A_1150 = arith.constant 48 : index
      %swap3A_1151 = tpu.vector_load %arg8[%swap3A_1148, %swap3A_1149, %swap3A_1150] {strides = array<i32>} : memref<4x128x64xf32, #tpu.memory_space<vmem>>, vector<1x1x16xf32>,
      %swap3A_1152 = vector.shape_cast %swap3A_1151 : vector<1x1x16xf32> to vector<16xf32>
      %swap3A_1153 = vector.shape_cast %get3A_1146 : vector<16xf32> to vector<1x1x16xf32>
      tpu.vector_store %arg8[%swap3A_1148, %swap3A_1149, %swap3A_1150], %swap3A_1153 {add = true, strides = array<i32>} : memref<4x128x64xf32, #tpu.memory_space<vmem>>, vector<1x1x16xf32>,
      %scan3A_1154 = arith.constant 0 : i32
      scf.yield %scan3A_1154 : i32
    }
    %scan3A_196 = arith.constant 128 : i32
    %add3A_197 = arith.constant 128 : i32
    %add3A_198 = arith.addi %multiple_of3A, %add3A_197 : i32
    %multiple_of3A_199 = tpu.assume_multiple %add3A_198, 128 : i32
    %dma_start3A_200 = arith.constant 1 : i32
    %dma_start3A_201 = arith.constant 0 : i32
    %dma_start3A_202 = arith.constant 0 : i32
    %dma_start3A_203 = tpu.memref_slice %arg8[%dma_start3A_200, %dma_start3A_201, %dma_start3A_202] : memref<4x128x64xf32, #tpu.memory_space<vmem>> -> memref<1x128x64xf32, #tpu.memory_space<vmem>>
    %dma_start3A_204 = tpu.memref_squeeze %dma_start3A_203 : memref<1x128x64xf32, #tpu.memory_space<vmem>> -> memref<128x64xf32, #tpu.memory_space<vmem>>
    %dma_start3A_205 = arith.constant 0 : i32
    %dma_start3A_206 = tpu.memref_slice %arg5[%multiple_of3A_199, %dma_start3A_205] : memref<32768x64xf32, #tpu.memory_space<hbm>> -> memref<128x64xf32, #tpu.memory_space<hbm>>
    %dma_start3A_207 = arith.constant 0 : i32
    %dma_start3A_208 = tpu.memref_slice %arg5[%multiple_of3A_199, %dma_start3A_207] : memref<32768x64xf32, #tpu.memory_space<hbm>> -> memref<128x64xf32, #tpu.memory_space<hbm>>
    %dma_start3A_209 = arith.constant 0 : i32
    %dma_start3A_210 = arith.constant 0 : i32
    %dma_start3A_211 = tpu.memref_slice %arg8[%dma_start3A_200, %dma_start3A_209, %dma_start3A_210] : memref<4x128x64xf32, #tpu.memory_space<vmem>> -> memref<1x128x64xf32, #tpu.memory_space<vmem>>
    %dma_start3A_212 = tpu.memref_squeeze %dma_start3A_211 : memref<1x128x64xf32, #tpu.memory_space<vmem>> -> memref<128x64xf32, #tpu.memory_space<vmem>>
    tpu.enqueue_dma source(%dma_start3A_212 : memref<128x64xf32, #tpu.memory_space<vmem>>) target(%dma_start3A_208 : memref<128x64xf32, #tpu.memory_space<hbm>>) target_semaphore(%arg10 : memref<!tpu.dma_semaphore, #tpu.memory_space<semaphore_mem>>)
    %dma_wait3A_213 = arith.constant 0 : i32
    %dma_wait3A_214 = arith.constant 0 : i32
    %dma_wait3A_215 = arith.constant 0 : i32
    %dma_wait3A_216 = tpu.memref_slice %arg8[%dma_wait3A_213, %dma_wait3A_214, %dma_wait3A_215] : memref<4x128x64xf32, #tpu.memory_space<vmem>> -> memref<1x128x64xf32, #tpu.memory_space<vmem>>
    %dma_wait3A_217 = tpu.memref_squeeze %dma_wait3A_216 : memref<1x128x64xf32, #tpu.memory_space<vmem>> -> memref<128x64xf32, #tpu.memory_space<vmem>>
    %dma_wait3A_218 = arith.constant 0 : i32
    %dma_wait3A_219 = tpu.memref_slice %arg5[%multiple_of3A_123, %dma_wait3A_218] : memref<32768x64xf32, #tpu.memory_space<hbm>> -> memref<128x64xf32, #tpu.memory_space<hbm>>
    %dma_wait3A_220 = arith.constant 0 : i32
    %dma_wait3A_221 = tpu.memref_slice %arg5[%multiple_of3A_123, %dma_wait3A_220] : memref<32768x64xf32, #tpu.memory_space<hbm>> -> memref<128x64xf32, #tpu.memory_space<hbm>>
    %dma_wait3A_222 = arith.constant 0 : i32
    %dma_wait3A_223 = arith.constant 0 : i32
    %dma_wait3A_224 = tpu.memref_slice %arg8[%dma_wait3A_213, %dma_wait3A_222, %dma_wait3A_223] : memref<4x128x64xf32, #tpu.memory_space<vmem>> -> memref<1x128x64xf32, #tpu.memory_space<vmem>>
    %dma_wait3A_225 = tpu.memref_squeeze %dma_wait3A_224 : memref<1x128x64xf32, #tpu.memory_space<vmem>> -> memref<128x64xf32, #tpu.memory_space<vmem>>
    tpu.wait_dma2 semaphore(%arg10 : memref<!tpu.dma_semaphore, #tpu.memory_space<semaphore_mem>>) src(%dma_wait3A_225 : memref<128x64xf32, #tpu.memory_space<vmem>>) dst(%dma_wait3A_221 : memref<128x64xf32, #tpu.memory_space<hbm>>)
    %dma_start3A_226 = arith.constant 4 : i32
    %dma_start3A_227 = arith.constant 0 : i32
    %dma_start3A_228 = arith.constant 0 : i32
    %dma_start3A_229 = arith.constant 0 : i32
    %dma_start3A_230 = tpu.memref_slice %arg7[%dma_start3A_227, %dma_start3A_228, %dma_start3A_229] : memref<4x128x64xf32, #tpu.memory_space<vmem>> -> memref<1x128x64xf32, #tpu.memory_space<vmem>>
    %dma_start3A_231 = tpu.memref_squeeze %dma_start3A_230 : memref<1x128x64xf32, #tpu.memory_space<vmem>> -> memref<128x64xf32, #tpu.memory_space<vmem>>
    %dma_start3A_232 = arith.constant 0 : i32
    %dma_start3A_233 = tpu.memref_slice %arg6[%dma_start3A_226, %dma_start3A_232] : memref<8x128xi32, #tpu.memory_space<vmem>> -> memref<1x128xi32, #tpu.memory_space<vmem>>
    %dma_start3A_234 = tpu.memref_squeeze %dma_start3A_233 : memref<1x128xi32, #tpu.memory_space<vmem>> -> memref<128xi32, #tpu.memory_space<vmem>>
    %dma_start3A_235 = arith.constant 0 : i32
    %dma_start3A_236 = arith.constant 0 : i32
    %dma_start3A_237 = tpu.memref_slice %arg3[%dma_start3A_235, %dma_start3A_236] : memref<100000x64xf32, #tpu.memory_space<hbm>> -> memref<100000x64xf32, #tpu.memory_space<hbm>>
    tpu.enqueue_indirect_dma source(%dma_start3A_237 : memref<100000x64xf32, #tpu.memory_space<hbm>>) target(%dma_start3A_231 : memref<128x64xf32, #tpu.memory_space<vmem>>) offsets(%dma_start3A_234 : memref<128xi32, #tpu.memory_space<vmem>>) semaphore(%arg9 : memref<!tpu.dma_semaphore, #tpu.memory_space<semaphore_mem>>)
    %add3A_238 = arith.constant 512 : i32
    %add3A_239 = arith.addi %multiple_of3A_4, %add3A_238 : i32
    %multiple_of3A_240 = tpu.assume_multiple %add3A_239, 128 : i32
    %dma_start3A_241 = arith.constant 0 : i32
    %dma_start3A_242 = arith.constant 0 : i32
    %dma_start3A_243 = arith.constant 0 : i32
    %dma_start3A_244 = tpu.memref_slice %arg8[%dma_start3A_241, %dma_start3A_242, %dma_start3A_243] : memref<4x128x64xf32, #tpu.memory_space<vmem>> -> memref<1x128x64xf32, #tpu.memory_space<vmem>>
    %dma_start3A_245 = tpu.memref_squeeze %dma_start3A_244 : memref<1x128x64xf32, #tpu.memory_space<vmem>> -> memref<128x64xf32, #tpu.memory_space<vmem>>
    %dma_start3A_246 = arith.constant 0 : i32
    %dma_start3A_247 = tpu.memref_slice %arg4[%multiple_of3A_240, %dma_start3A_246] : memref<8192x64xf32, #tpu.memory_space<hbm>> -> memref<128x64xf32, #tpu.memory_space<hbm>>
    %dma_start3A_248 = arith.constant 0 : i32
    %dma_start3A_249 = arith.constant 0 : i32
    %dma_start3A_250 = tpu.memref_slice %arg8[%dma_start3A_241, %dma_start3A_248, %dma_start3A_249] : memref<4x128x64xf32, #tpu.memory_space<vmem>> -> memref<1x128x64xf32, #tpu.memory_space<vmem>>
    %dma_start3A_251 = tpu.memref_squeeze %dma_start3A_250 : memref<1x128x64xf32, #tpu.memory_space<vmem>> -> memref<128x64xf32, #tpu.memory_space<vmem>>
    %dma_start3A_252 = arith.constant 0 : i32
    %dma_start3A_253 = tpu.memref_slice %arg4[%multiple_of3A_240, %dma_start3A_252] : memref<8192x64xf32, #tpu.memory_space<hbm>> -> memref<128x64xf32, #tpu.memory_space<hbm>>
    tpu.enqueue_dma source(%dma_start3A_253 : memref<128x64xf32, #tpu.memory_space<hbm>>) target(%dma_start3A_251 : memref<128x64xf32, #tpu.memory_space<vmem>>) target_semaphore(%arg11 : memref<!tpu.dma_semaphore, #tpu.memory_space<semaphore_mem>>)
    %dma_wait3A_254 = arith.constant 2 : i32
    %dma_wait3A_255 = arith.constant 2 : i32
    %dma_wait3A_256 = arith.constant 0 : i32
    %dma_wait3A_257 = arith.constant 0 : i32
    %dma_wait3A_258 = tpu.memref_slice %arg7[%dma_wait3A_255, %dma_wait3A_256, %dma_wait3A_257] : memref<4x128x64xf32, #tpu.memory_space<vmem>> -> memref<1x128x64xf32, #tpu.memory_space<vmem>>
    %dma_wait3A_259 = tpu.memref_squeeze %dma_wait3A_258 : memref<1x128x64xf32, #tpu.memory_space<vmem>> -> memref<128x64xf32, #tpu.memory_space<vmem>>
    %dma_wait3A_260 = arith.constant 0 : i32
    %dma_wait3A_261 = tpu.memref_slice %arg6[%dma_wait3A_254, %dma_wait3A_260] : memref<8x128xi32, #tpu.memory_space<vmem>> -> memref<1x128xi32, #tpu.memory_space<vmem>>
    %dma_wait3A_262 = tpu.memref_squeeze %dma_wait3A_261 : memref<1x128xi32, #tpu.memory_space<vmem>> -> memref<128xi32, #tpu.memory_space<vmem>>
    %dma_wait3A_263 = arith.constant 0 : i32
    %dma_wait3A_264 = arith.constant 0 : i32
    %dma_wait3A_265 = tpu.memref_slice %arg3[%dma_wait3A_263, %dma_wait3A_264] : memref<100000x64xf32, #tpu.memory_space<hbm>> -> memref<100000x64xf32, #tpu.memory_space<hbm>>
    tpu.wait_indirect_dma semaphore(%arg9 : memref<!tpu.dma_semaphore, #tpu.memory_space<semaphore_mem>>) src(%dma_wait3A_265 : memref<100000x64xf32, #tpu.memory_space<hbm>>) dst(%dma_wait3A_259 : memref<128x64xf32, #tpu.memory_space<vmem>>)
    %dma_wait3A_266 = arith.constant 2 : i32
    %dma_wait3A_267 = arith.constant 0 : i32
    %dma_wait3A_268 = arith.constant 0 : i32
    %dma_wait3A_269 = tpu.memref_slice %arg8[%dma_wait3A_266, %dma_wait3A_267, %dma_wait3A_268] : memref<4x128x64xf32, #tpu.memory_space<vmem>> -> memref<1x128x64xf32, #tpu.memory_space<vmem>>
    %dma_wait3A_270 = tpu.memref_squeeze %dma_wait3A_269 : memref<1x128x64xf32, #tpu.memory_space<vmem>> -> memref<128x64xf32, #tpu.memory_space<vmem>>
    %dma_wait3A_271 = arith.constant 0 : i32
    %dma_wait3A_272 = tpu.memref_slice %arg4[%multiple_of3A_77, %dma_wait3A_271] : memref<8192x64xf32, #tpu.memory_space<hbm>> -> memref<128x64xf32, #tpu.memory_space<hbm>>
    %dma_wait3A_273 = arith.constant 0 : i32
    %dma_wait3A_274 = arith.constant 0 : i32
    %dma_wait3A_275 = tpu.memref_slice %arg8[%dma_wait3A_266, %dma_wait3A_273, %dma_wait3A_274] : memref<4x128x64xf32, #tpu.memory_space<vmem>> -> memref<1x128x64xf32, #tpu.memory_space<vmem>>
    %dma_wait3A_276 = tpu.memref_squeeze %dma_wait3A_275 : memref<1x128x64xf32, #tpu.memory_space<vmem>> -> memref<128x64xf32, #tpu.memory_space<vmem>>
    %dma_wait3A_277 = arith.constant 0 : i32
    %dma_wait3A_278 = tpu.memref_slice %arg4[%multiple_of3A_77, %dma_wait3A_277] : memref<8192x64xf32, #tpu.memory_space<hbm>> -> memref<128x64xf32, #tpu.memory_space<hbm>>
    tpu.wait_dma2 semaphore(%arg11 : memref<!tpu.dma_semaphore, #tpu.memory_space<semaphore_mem>>) src(%dma_wait3A_278 : memref<128x64xf32, #tpu.memory_space<hbm>>) dst(%dma_wait3A_276 : memref<128x64xf32, #tpu.memory_space<vmem>>)
    %scan3A_279 = arith.constant 0 : i32
    %scan3A_280 = arith.constant 0 : i32
    %scan3A_281 = arith.constant 128 : i32
    %scan3A_282 = arith.addi %scan3A_280, %scan3A_281 : i32
    %scan3A_283 = arith.constant 8 : i32
    %scan3A_284 = scf.for %scan3A_717 = %scan3A_280 to %scan3A_282 step %scan3A_283 iter_args(%scan3A_718 = %scan3A_279) -> (i32)  : i32 {
      %get3A = arith.constant 2 : i32
      %get3A_719 = arith.index_cast %get3A : i32 to index
      %get3A_720 = arith.index_cast %scan3A_717 : i32 to index
      %get3A_721 = arith.constant 0 : index
      %get3A_722 = tpu.vector_load %arg7[%get3A_719, %get3A_720, %get3A_721] {strides = array<i32>} : memref<4x128x64xf32, #tpu.memory_space<vmem>>, vector<1x1x16xf32>,
      %get3A_723 = vector.shape_cast %get3A_722 : vector<1x1x16xf32> to vector<16xf32>
      %swap3A = arith.constant 2 : i32
      %swap3A_724 = arith.index_cast %swap3A : i32 to index
      %swap3A_725 = arith.index_cast %scan3A_717 : i32 to index
      %swap3A_726 = arith.constant 0 : index
      %swap3A_727 = tpu.vector_load %arg8[%swap3A_724, %swap3A_725, %swap3A_726] {strides = array<i32>} : memref<4x128x64xf32, #tpu.memory_space<vmem>>, vector<1x1x16xf32>,
      %swap3A_728 = vector.shape_cast %swap3A_727 : vector<1x1x16xf32> to vector<16xf32>
      %swap3A_729 = vector.shape_cast %get3A_723 : vector<16xf32> to vector<1x1x16xf32>
      tpu.vector_store %arg8[%swap3A_724, %swap3A_725, %swap3A_726], %swap3A_729 {add = true, strides = array<i32>} : memref<4x128x64xf32, #tpu.memory_space<vmem>>, vector<1x1x16xf32>,
      %get3A_730 = arith.constant 2 : i32
      %get3A_731 = arith.index_cast %get3A_730 : i32 to index
      %get3A_732 = arith.index_cast %scan3A_717 : i32 to index
      %get3A_733 = arith.constant 16 : index
      %get3A_734 = tpu.vector_load %arg7[%get3A_731, %get3A_732, %get3A_733] {strides = array<i32>} : memref<4x128x64xf32, #tpu.memory_space<vmem>>, vector<1x1x16xf32>,
      %get3A_735 = vector.shape_cast %get3A_734 : vector<1x1x16xf32> to vector<16xf32>
      %swap3A_736 = arith.constant 2 : i32
      %swap3A_737 = arith.index_cast %swap3A_736 : i32 to index
      %swap3A_738 = arith.index_cast %scan3A_717 : i32 to index
      %swap3A_739 = arith.constant 16 : index
      %swap3A_740 = tpu.vector_load %arg8[%swap3A_737, %swap3A_738, %swap3A_739] {strides = array<i32>} : memref<4x128x64xf32, #tpu.memory_space<vmem>>, vector<1x1x16xf32>,
      %swap3A_741 = vector.shape_cast %swap3A_740 : vector<1x1x16xf32> to vector<16xf32>
      %swap3A_742 = vector.shape_cast %get3A_735 : vector<16xf32> to vector<1x1x16xf32>
      tpu.vector_store %arg8[%swap3A_737, %swap3A_738, %swap3A_739], %swap3A_742 {add = true, strides = array<i32>} : memref<4x128x64xf32, #tpu.memory_space<vmem>>, vector<1x1x16xf32>,
      %get3A_743 = arith.constant 2 : i32
      %get3A_744 = arith.index_cast %get3A_743 : i32 to index
      %get3A_745 = arith.index_cast %scan3A_717 : i32 to index
      %get3A_746 = arith.constant 32 : index
      %get3A_747 = tpu.vector_load %arg7[%get3A_744, %get3A_745, %get3A_746] {strides = array<i32>} : memref<4x128x64xf32, #tpu.memory_space<vmem>>, vector<1x1x16xf32>,
      %get3A_748 = vector.shape_cast %get3A_747 : vector<1x1x16xf32> to vector<16xf32>
      %swap3A_749 = arith.constant 2 : i32
      %swap3A_750 = arith.index_cast %swap3A_749 : i32 to index
      %swap3A_751 = arith.index_cast %scan3A_717 : i32 to index
      %swap3A_752 = arith.constant 32 : index
      %swap3A_753 = tpu.vector_load %arg8[%swap3A_750, %swap3A_751, %swap3A_752] {strides = array<i32>} : memref<4x128x64xf32, #tpu.memory_space<vmem>>, vector<1x1x16xf32>,
      %swap3A_754 = vector.shape_cast %swap3A_753 : vector<1x1x16xf32> to vector<16xf32>
      %swap3A_755 = vector.shape_cast %get3A_748 : vector<16xf32> to vector<1x1x16xf32>
      tpu.vector_store %arg8[%swap3A_750, %swap3A_751, %swap3A_752], %swap3A_755 {add = true, strides = array<i32>} : memref<4x128x64xf32, #tpu.memory_space<vmem>>, vector<1x1x16xf32>,
      %get3A_756 = arith.constant 2 : i32
      %get3A_757 = arith.index_cast %get3A_756 : i32 to index
      %get3A_758 = arith.index_cast %scan3A_717 : i32 to index
      %get3A_759 = arith.constant 48 : index
      %get3A_760 = tpu.vector_load %arg7[%get3A_757, %get3A_758, %get3A_759] {strides = array<i32>} : memref<4x128x64xf32, #tpu.memory_space<vmem>>, vector<1x1x16xf32>,
      %get3A_761 = vector.shape_cast %get3A_760 : vector<1x1x16xf32> to vector<16xf32>
      %swap3A_762 = arith.constant 2 : i32
      %swap3A_763 = arith.index_cast %swap3A_762 : i32 to index
      %swap3A_764 = arith.index_cast %scan3A_717 : i32 to index
      %swap3A_765 = arith.constant 48 : index
      %swap3A_766 = tpu.vector_load %arg8[%swap3A_763, %swap3A_764, %swap3A_765] {strides = array<i32>} : memref<4x128x64xf32, #tpu.memory_space<vmem>>, vector<1x1x16xf32>,
      %swap3A_767 = vector.shape_cast %swap3A_766 : vector<1x1x16xf32> to vector<16xf32>
      %swap3A_768 = vector.shape_cast %get3A_761 : vector<16xf32> to vector<1x1x16xf32>
      tpu.vector_store %arg8[%swap3A_763, %swap3A_764, %swap3A_765], %swap3A_768 {add = true, strides = array<i32>} : memref<4x128x64xf32, #tpu.memory_space<vmem>>, vector<1x1x16xf32>,
      %scan3A_769 = arith.constant 0 : i32
      %scan3A_770 = arith.constant 1 : i32
      %scan3A_771 = arith.addi %scan3A_717, %scan3A_770 : i32
      %get3A_772 = arith.constant 2 : i32
      %get3A_773 = arith.index_cast %get3A_772 : i32 to index
      %get3A_774 = arith.index_cast %scan3A_771 : i32 to index
      %get3A_775 = arith.constant 0 : index
      %get3A_776 = tpu.vector_load %arg7[%get3A_773, %get3A_774, %get3A_775] {strides = array<i32>} : memref<4x128x64xf32, #tpu.memory_space<vmem>>, vector<1x1x16xf32>,
      %get3A_777 = vector.shape_cast %get3A_776 : vector<1x1x16xf32> to vector<16xf32>
      %swap3A_778 = arith.constant 2 : i32
      %swap3A_779 = arith.index_cast %swap3A_778 : i32 to index
      %swap3A_780 = arith.index_cast %scan3A_771 : i32 to index
      %swap3A_781 = arith.constant 0 : index
      %swap3A_782 = tpu.vector_load %arg8[%swap3A_779, %swap3A_780, %swap3A_781] {strides = array<i32>} : memref<4x128x64xf32, #tpu.memory_space<vmem>>, vector<1x1x16xf32>,
      %swap3A_783 = vector.shape_cast %swap3A_782 : vector<1x1x16xf32> to vector<16xf32>
      %swap3A_784 = vector.shape_cast %get3A_777 : vector<16xf32> to vector<1x1x16xf32>
      tpu.vector_store %arg8[%swap3A_779, %swap3A_780, %swap3A_781], %swap3A_784 {add = true, strides = array<i32>} : memref<4x128x64xf32, #tpu.memory_space<vmem>>, vector<1x1x16xf32>,
      %get3A_785 = arith.constant 2 : i32
      %get3A_786 = arith.index_cast %get3A_785 : i32 to index
      %get3A_787 = arith.index_cast %scan3A_771 : i32 to index
      %get3A_788 = arith.constant 16 : index
      %get3A_789 = tpu.vector_load %arg7[%get3A_786, %get3A_787, %get3A_788] {strides = array<i32>} : memref<4x128x64xf32, #tpu.memory_space<vmem>>, vector<1x1x16xf32>,
      %get3A_790 = vector.shape_cast %get3A_789 : vector<1x1x16xf32> to vector<16xf32>
      %swap3A_791 = arith.constant 2 : i32
      %swap3A_792 = arith.index_cast %swap3A_791 : i32 to index
      %swap3A_793 = arith.index_cast %scan3A_771 : i32 to index
      %swap3A_794 = arith.constant 16 : index
      %swap3A_795 = tpu.vector_load %arg8[%swap3A_792, %swap3A_793, %swap3A_794] {strides = array<i32>} : memref<4x128x64xf32, #tpu.memory_space<vmem>>, vector<1x1x16xf32>,
      %swap3A_796 = vector.shape_cast %swap3A_795 : vector<1x1x16xf32> to vector<16xf32>
      %swap3A_797 = vector.shape_cast %get3A_790 : vector<16xf32> to vector<1x1x16xf32>
      tpu.vector_store %arg8[%swap3A_792, %swap3A_793, %swap3A_794], %swap3A_797 {add = true, strides = array<i32>} : memref<4x128x64xf32, #tpu.memory_space<vmem>>, vector<1x1x16xf32>,
      %get3A_798 = arith.constant 2 : i32
      %get3A_799 = arith.index_cast %get3A_798 : i32 to index
      %get3A_800 = arith.index_cast %scan3A_771 : i32 to index
      %get3A_801 = arith.constant 32 : index
      %get3A_802 = tpu.vector_load %arg7[%get3A_799, %get3A_800, %get3A_801] {strides = array<i32>} : memref<4x128x64xf32, #tpu.memory_space<vmem>>, vector<1x1x16xf32>,
      %get3A_803 = vector.shape_cast %get3A_802 : vector<1x1x16xf32> to vector<16xf32>
      %swap3A_804 = arith.constant 2 : i32
      %swap3A_805 = arith.index_cast %swap3A_804 : i32 to index
      %swap3A_806 = arith.index_cast %scan3A_771 : i32 to index
      %swap3A_807 = arith.constant 32 : index
      %swap3A_808 = tpu.vector_load %arg8[%swap3A_805, %swap3A_806, %swap3A_807] {strides = array<i32>} : memref<4x128x64xf32, #tpu.memory_space<vmem>>, vector<1x1x16xf32>,
      %swap3A_809 = vector.shape_cast %swap3A_808 : vector<1x1x16xf32> to vector<16xf32>
      %swap3A_810 = vector.shape_cast %get3A_803 : vector<16xf32> to vector<1x1x16xf32>
      tpu.vector_store %arg8[%swap3A_805, %swap3A_806, %swap3A_807], %swap3A_810 {add = true, strides = array<i32>} : memref<4x128x64xf32, #tpu.memory_space<vmem>>, vector<1x1x16xf32>,
      %get3A_811 = arith.constant 2 : i32
      %get3A_812 = arith.index_cast %get3A_811 : i32 to index
      %get3A_813 = arith.index_cast %scan3A_771 : i32 to index
      %get3A_814 = arith.constant 48 : index
      %get3A_815 = tpu.vector_load %arg7[%get3A_812, %get3A_813, %get3A_814] {strides = array<i32>} : memref<4x128x64xf32, #tpu.memory_space<vmem>>, vector<1x1x16xf32>,
      %get3A_816 = vector.shape_cast %get3A_815 : vector<1x1x16xf32> to vector<16xf32>
      %swap3A_817 = arith.constant 2 : i32
      %swap3A_818 = arith.index_cast %swap3A_817 : i32 to index
      %swap3A_819 = arith.index_cast %scan3A_771 : i32 to index
      %swap3A_820 = arith.constant 48 : index
      %swap3A_821 = tpu.vector_load %arg8[%swap3A_818, %swap3A_819, %swap3A_820] {strides = array<i32>} : memref<4x128x64xf32, #tpu.memory_space<vmem>>, vector<1x1x16xf32>,
      %swap3A_822 = vector.shape_cast %swap3A_821 : vector<1x1x16xf32> to vector<16xf32>
      %swap3A_823 = vector.shape_cast %get3A_816 : vector<16xf32> to vector<1x1x16xf32>
      tpu.vector_store %arg8[%swap3A_818, %swap3A_819, %swap3A_820], %swap3A_823 {add = true, strides = array<i32>} : memref<4x128x64xf32, #tpu.memory_space<vmem>>, vector<1x1x16xf32>,
      %scan3A_824 = arith.constant 0 : i32
      %scan3A_825 = arith.constant 2 : i32
      %scan3A_826 = arith.addi %scan3A_717, %scan3A_825 : i32
      %get3A_827 = arith.constant 2 : i32
      %get3A_828 = arith.index_cast %get3A_827 : i32 to index
      %get3A_829 = arith.index_cast %scan3A_826 : i32 to index
      %get3A_830 = arith.constant 0 : index
      %get3A_831 = tpu.vector_load %arg7[%get3A_828, %get3A_829, %get3A_830] {strides = array<i32>} : memref<4x128x64xf32, #tpu.memory_space<vmem>>, vector<1x1x16xf32>,
      %get3A_832 = vector.shape_cast %get3A_831 : vector<1x1x16xf32> to vector<16xf32>
      %swap3A_833 = arith.constant 2 : i32
      %swap3A_834 = arith.index_cast %swap3A_833 : i32 to index
      %swap3A_835 = arith.index_cast %scan3A_826 : i32 to index
      %swap3A_836 = arith.constant 0 : index
      %swap3A_837 = tpu.vector_load %arg8[%swap3A_834, %swap3A_835, %swap3A_836] {strides = array<i32>} : memref<4x128x64xf32, #tpu.memory_space<vmem>>, vector<1x1x16xf32>,
      %swap3A_838 = vector.shape_cast %swap3A_837 : vector<1x1x16xf32> to vector<16xf32>
      %swap3A_839 = vector.shape_cast %get3A_832 : vector<16xf32> to vector<1x1x16xf32>
      tpu.vector_store %arg8[%swap3A_834, %swap3A_835, %swap3A_836], %swap3A_839 {add = true, strides = array<i32>} : memref<4x128x64xf32, #tpu.memory_space<vmem>>, vector<1x1x16xf32>,
      %get3A_840 = arith.constant 2 : i32
      %get3A_841 = arith.index_cast %get3A_840 : i32 to index
      %get3A_842 = arith.index_cast %scan3A_826 : i32 to index
      %get3A_843 = arith.constant 16 : index
      %get3A_844 = tpu.vector_load %arg7[%get3A_841, %get3A_842, %get3A_843] {strides = array<i32>} : memref<4x128x64xf32, #tpu.memory_space<vmem>>, vector<1x1x16xf32>,
      %get3A_845 = vector.shape_cast %get3A_844 : vector<1x1x16xf32> to vector<16xf32>
      %swap3A_846 = arith.constant 2 : i32
      %swap3A_847 = arith.index_cast %swap3A_846 : i32 to index
      %swap3A_848 = arith.index_cast %scan3A_826 : i32 to index
      %swap3A_849 = arith.constant 16 : index
      %swap3A_850 = tpu.vector_load %arg8[%swap3A_847, %swap3A_848, %swap3A_849] {strides = array<i32>} : memref<4x128x64xf32, #tpu.memory_space<vmem>>, vector<1x1x16xf32>,
      %swap3A_851 = vector.shape_cast %swap3A_850 : vector<1x1x16xf32> to vector<16xf32>
      %swap3A_852 = vector.shape_cast %get3A_845 : vector<16xf32> to vector<1x1x16xf32>
      tpu.vector_store %arg8[%swap3A_847, %swap3A_848, %swap3A_849], %swap3A_852 {add = true, strides = array<i32>} : memref<4x128x64xf32, #tpu.memory_space<vmem>>, vector<1x1x16xf32>,
      %get3A_853 = arith.constant 2 : i32
      %get3A_854 = arith.index_cast %get3A_853 : i32 to index
      %get3A_855 = arith.index_cast %scan3A_826 : i32 to index
      %get3A_856 = arith.constant 32 : index
      %get3A_857 = tpu.vector_load %arg7[%get3A_854, %get3A_855, %get3A_856] {strides = array<i32>} : memref<4x128x64xf32, #tpu.memory_space<vmem>>, vector<1x1x16xf32>,
      %get3A_858 = vector.shape_cast %get3A_857 : vector<1x1x16xf32> to vector<16xf32>
      %swap3A_859 = arith.constant 2 : i32
      %swap3A_860 = arith.index_cast %swap3A_859 : i32 to index
      %swap3A_861 = arith.index_cast %scan3A_826 : i32 to index
      %swap3A_862 = arith.constant 32 : index
      %swap3A_863 = tpu.vector_load %arg8[%swap3A_860, %swap3A_861, %swap3A_862] {strides = array<i32>} : memref<4x128x64xf32, #tpu.memory_space<vmem>>, vector<1x1x16xf32>,
      %swap3A_864 = vector.shape_cast %swap3A_863 : vector<1x1x16xf32> to vector<16xf32>
      %swap3A_865 = vector.shape_cast %get3A_858 : vector<16xf32> to vector<1x1x16xf32>
      tpu.vector_store %arg8[%swap3A_860, %swap3A_861, %swap3A_862], %swap3A_865 {add = true, strides = array<i32>} : memref<4x128x64xf32, #tpu.memory_space<vmem>>, vector<1x1x16xf32>,
      %get3A_866 = arith.constant 2 : i32
      %get3A_867 = arith.index_cast %get3A_866 : i32 to index
      %get3A_868 = arith.index_cast %scan3A_826 : i32 to index
      %get3A_869 = arith.constant 48 : index
      %get3A_870 = tpu.vector_load %arg7[%get3A_867, %get3A_868, %get3A_869] {strides = array<i32>} : memref<4x128x64xf32, #tpu.memory_space<vmem>>, vector<1x1x16xf32>,
      %get3A_871 = vector.shape_cast %get3A_870 : vector<1x1x16xf32> to vector<16xf32>
      %swap3A_872 = arith.constant 2 : i32
      %swap3A_873 = arith.index_cast %swap3A_872 : i32 to index
      %swap3A_874 = arith.index_cast %scan3A_826 : i32 to index
      %swap3A_875 = arith.constant 48 : index
      %swap3A_876 = tpu.vector_load %arg8[%swap3A_873, %swap3A_874, %swap3A_875] {strides = array<i32>} : memref<4x128x64xf32, #tpu.memory_space<vmem>>, vector<1x1x16xf32>,
      %swap3A_877 = vector.shape_cast %swap3A_876 : vector<1x1x16xf32> to vector<16xf32>
      %swap3A_878 = vector.shape_cast %get3A_871 : vector<16xf32> to vector<1x1x16xf32>
      tpu.vector_store %arg8[%swap3A_873, %swap3A_874, %swap3A_875], %swap3A_878 {add = true, strides = array<i32>} : memref<4x128x64xf32, #tpu.memory_space<vmem>>, vector<1x1x16xf32>,
      %scan3A_879 = arith.constant 0 : i32
      %scan3A_880 = arith.constant 3 : i32
      %scan3A_881 = arith.addi %scan3A_717, %scan3A_880 : i32
      %get3A_882 = arith.constant 2 : i32
      %get3A_883 = arith.index_cast %get3A_882 : i32 to index
      %get3A_884 = arith.index_cast %scan3A_881 : i32 to index
      %get3A_885 = arith.constant 0 : index
      %get3A_886 = tpu.vector_load %arg7[%get3A_883, %get3A_884, %get3A_885] {strides = array<i32>} : memref<4x128x64xf32, #tpu.memory_space<vmem>>, vector<1x1x16xf32>,
      %get3A_887 = vector.shape_cast %get3A_886 : vector<1x1x16xf32> to vector<16xf32>
      %swap3A_888 = arith.constant 2 : i32
      %swap3A_889 = arith.index_cast %swap3A_888 : i32 to index
      %swap3A_890 = arith.index_cast %scan3A_881 : i32 to index
      %swap3A_891 = arith.constant 0 : index
      %swap3A_892 = tpu.vector_load %arg8[%swap3A_889, %swap3A_890, %swap3A_891] {strides = array<i32>} : memref<4x128x64xf32, #tpu.memory_space<vmem>>, vector<1x1x16xf32>,
      %swap3A_893 = vector.shape_cast %swap3A_892 : vector<1x1x16xf32> to vector<16xf32>
      %swap3A_894 = vector.shape_cast %get3A_887 : vector<16xf32> to vector<1x1x16xf32>
      tpu.vector_store %arg8[%swap3A_889, %swap3A_890, %swap3A_891], %swap3A_894 {add = true, strides = array<i32>} : memref<4x128x64xf32, #tpu.memory_space<vmem>>, vector<1x1x16xf32>,
      %get3A_895 = arith.constant 2 : i32
      %get3A_896 = arith.index_cast %get3A_895 : i32 to index
      %get3A_897 = arith.index_cast %scan3A_881 : i32 to index
      %get3A_898 = arith.constant 16 : index
      %get3A_899 = tpu.vector_load %arg7[%get3A_896, %get3A_897, %get3A_898] {strides = array<i32>} : memref<4x128x64xf32, #tpu.memory_space<vmem>>, vector<1x1x16xf32>,
      %get3A_900 = vector.shape_cast %get3A_899 : vector<1x1x16xf32> to vector<16xf32>
      %swap3A_901 = arith.constant 2 : i32
      %swap3A_902 = arith.index_cast %swap3A_901 : i32 to index
      %swap3A_903 = arith.index_cast %scan3A_881 : i32 to index
      %swap3A_904 = arith.constant 16 : index
      %swap3A_905 = tpu.vector_load %arg8[%swap3A_902, %swap3A_903, %swap3A_904] {strides = array<i32>} : memref<4x128x64xf32, #tpu.memory_space<vmem>>, vector<1x1x16xf32>,
      %swap3A_906 = vector.shape_cast %swap3A_905 : vector<1x1x16xf32> to vector<16xf32>
      %swap3A_907 = vector.shape_cast %get3A_900 : vector<16xf32> to vector<1x1x16xf32>
      tpu.vector_store %arg8[%swap3A_902, %swap3A_903, %swap3A_904], %swap3A_907 {add = true, strides = array<i32>} : memref<4x128x64xf32, #tpu.memory_space<vmem>>, vector<1x1x16xf32>,
      %get3A_908 = arith.constant 2 : i32
      %get3A_909 = arith.index_cast %get3A_908 : i32 to index
      %get3A_910 = arith.index_cast %scan3A_881 : i32 to index
      %get3A_911 = arith.constant 32 : index
      %get3A_912 = tpu.vector_load %arg7[%get3A_909, %get3A_910, %get3A_911] {strides = array<i32>} : memref<4x128x64xf32, #tpu.memory_space<vmem>>, vector<1x1x16xf32>,
      %get3A_913 = vector.shape_cast %get3A_912 : vector<1x1x16xf32> to vector<16xf32>
      %swap3A_914 = arith.constant 2 : i32
      %swap3A_915 = arith.index_cast %swap3A_914 : i32 to index
      %swap3A_916 = arith.index_cast %scan3A_881 : i32 to index
      %swap3A_917 = arith.constant 32 : index
      %swap3A_918 = tpu.vector_load %arg8[%swap3A_915, %swap3A_916, %swap3A_917] {strides = array<i32>} : memref<4x128x64xf32, #tpu.memory_space<vmem>>, vector<1x1x16xf32>,
      %swap3A_919 = vector.shape_cast %swap3A_918 : vector<1x1x16xf32> to vector<16xf32>
      %swap3A_920 = vector.shape_cast %get3A_913 : vector<16xf32> to vector<1x1x16xf32>
      tpu.vector_store %arg8[%swap3A_915, %swap3A_916, %swap3A_917], %swap3A_920 {add = true, strides = array<i32>} : memref<4x128x64xf32, #tpu.memory_space<vmem>>, vector<1x1x16xf32>,
      %get3A_921 = arith.constant 2 : i32
      %get3A_922 = arith.index_cast %get3A_921 : i32 to index
      %get3A_923 = arith.index_cast %scan3A_881 : i32 to index
      %get3A_924 = arith.constant 48 : index
      %get3A_925 = tpu.vector_load %arg7[%get3A_922, %get3A_923, %get3A_924] {strides = array<i32>} : memref<4x128x64xf32, #tpu.memory_space<vmem>>, vector<1x1x16xf32>,
      %get3A_926 = vector.shape_cast %get3A_925 : vector<1x1x16xf32> to vector<16xf32>
      %swap3A_927 = arith.constant 2 : i32
      %swap3A_928 = arith.index_cast %swap3A_927 : i32 to index
      %swap3A_929 = arith.index_cast %scan3A_881 : i32 to index
      %swap3A_930 = arith.constant 48 : index
      %swap3A_931 = tpu.vector_load %arg8[%swap3A_928, %swap3A_929, %swap3A_930] {strides = array<i32>} : memref<4x128x64xf32, #tpu.memory_space<vmem>>, vector<1x1x16xf32>,
      %swap3A_932 = vector.shape_cast %swap3A_931 : vector<1x1x16xf32> to vector<16xf32>
      %swap3A_933 = vector.shape_cast %get3A_926 : vector<16xf32> to vector<1x1x16xf32>
      tpu.vector_store %arg8[%swap3A_928, %swap3A_929, %swap3A_930], %swap3A_933 {add = true, strides = array<i32>} : memref<4x128x64xf32, #tpu.memory_space<vmem>>, vector<1x1x16xf32>,
      %scan3A_934 = arith.constant 0 : i32
      %scan3A_935 = arith.constant 4 : i32
      %scan3A_936 = arith.addi %scan3A_717, %scan3A_935 : i32
      %get3A_937 = arith.constant 2 : i32
      %get3A_938 = arith.index_cast %get3A_937 : i32 to index
      %get3A_939 = arith.index_cast %scan3A_936 : i32 to index
      %get3A_940 = arith.constant 0 : index
      %get3A_941 = tpu.vector_load %arg7[%get3A_938, %get3A_939, %get3A_940] {strides = array<i32>} : memref<4x128x64xf32, #tpu.memory_space<vmem>>, vector<1x1x16xf32>,
      %get3A_942 = vector.shape_cast %get3A_941 : vector<1x1x16xf32> to vector<16xf32>
      %swap3A_943 = arith.constant 2 : i32
      %swap3A_944 = arith.index_cast %swap3A_943 : i32 to index
      %swap3A_945 = arith.index_cast %scan3A_936 : i32 to index
      %swap3A_946 = arith.constant 0 : index
      %swap3A_947 = tpu.vector_load %arg8[%swap3A_944, %swap3A_945, %swap3A_946] {strides = array<i32>} : memref<4x128x64xf32, #tpu.memory_space<vmem>>, vector<1x1x16xf32>,
      %swap3A_948 = vector.shape_cast %swap3A_947 : vector<1x1x16xf32> to vector<16xf32>
      %swap3A_949 = vector.shape_cast %get3A_942 : vector<16xf32> to vector<1x1x16xf32>
      tpu.vector_store %arg8[%swap3A_944, %swap3A_945, %swap3A_946], %swap3A_949 {add = true, strides = array<i32>} : memref<4x128x64xf32, #tpu.memory_space<vmem>>, vector<1x1x16xf32>,
      %get3A_950 = arith.constant 2 : i32
      %get3A_951 = arith.index_cast %get3A_950 : i32 to index
      %get3A_952 = arith.index_cast %scan3A_936 : i32 to index
      %get3A_953 = arith.constant 16 : index
      %get3A_954 = tpu.vector_load %arg7[%get3A_951, %get3A_952, %get3A_953] {strides = array<i32>} : memref<4x128x64xf32, #tpu.memory_space<vmem>>, vector<1x1x16xf32>,
      %get3A_955 = vector.shape_cast %get3A_954 : vector<1x1x16xf32> to vector<16xf32>
      %swap3A_956 = arith.constant 2 : i32
      %swap3A_957 = arith.index_cast %swap3A_956 : i32 to index
      %swap3A_958 = arith.index_cast %scan3A_936 : i32 to index
      %swap3A_959 = arith.constant 16 : index
      %swap3A_960 = tpu.vector_load %arg8[%swap3A_957, %swap3A_958, %swap3A_959] {strides = array<i32>} : memref<4x128x64xf32, #tpu.memory_space<vmem>>, vector<1x1x16xf32>,
      %swap3A_961 = vector.shape_cast %swap3A_960 : vector<1x1x16xf32> to vector<16xf32>
      %swap3A_962 = vector.shape_cast %get3A_955 : vector<16xf32> to vector<1x1x16xf32>
      tpu.vector_store %arg8[%swap3A_957, %swap3A_958, %swap3A_959], %swap3A_962 {add = true, strides = array<i32>} : memref<4x128x64xf32, #tpu.memory_space<vmem>>, vector<1x1x16xf32>,
      %get3A_963 = arith.constant 2 : i32
      %get3A_964 = arith.index_cast %get3A_963 : i32 to index
      %get3A_965 = arith.index_cast %scan3A_936 : i32 to index
      %get3A_966 = arith.constant 32 : index
      %get3A_967 = tpu.vector_load %arg7[%get3A_964, %get3A_965, %get3A_966] {strides = array<i32>} : memref<4x128x64xf32, #tpu.memory_space<vmem>>, vector<1x1x16xf32>,
      %get3A_968 = vector.shape_cast %get3A_967 : vector<1x1x16xf32> to vector<16xf32>
      %swap3A_969 = arith.constant 2 : i32
      %swap3A_970 = arith.index_cast %swap3A_969 : i32 to index
      %swap3A_971 = arith.index_cast %scan3A_936 : i32 to index
      %swap3A_972 = arith.constant 32 : index
      %swap3A_973 = tpu.vector_load %arg8[%swap3A_970, %swap3A_971, %swap3A_972] {strides = array<i32>} : memref<4x128x64xf32, #tpu.memory_space<vmem>>, vector<1x1x16xf32>,
      %swap3A_974 = vector.shape_cast %swap3A_973 : vector<1x1x16xf32> to vector<16xf32>
      %swap3A_975 = vector.shape_cast %get3A_968 : vector<16xf32> to vector<1x1x16xf32>
      tpu.vector_store %arg8[%swap3A_970, %swap3A_971, %swap3A_972], %swap3A_975 {add = true, strides = array<i32>} : memref<4x128x64xf32, #tpu.memory_space<vmem>>, vector<1x1x16xf32>,
      %get3A_976 = arith.constant 2 : i32
      %get3A_977 = arith.index_cast %get3A_976 : i32 to index
      %get3A_978 = arith.index_cast %scan3A_936 : i32 to index
      %get3A_979 = arith.constant 48 : index
      %get3A_980 = tpu.vector_load %arg7[%get3A_977, %get3A_978, %get3A_979] {strides = array<i32>} : memref<4x128x64xf32, #tpu.memory_space<vmem>>, vector<1x1x16xf32>,
      %get3A_981 = vector.shape_cast %get3A_980 : vector<1x1x16xf32> to vector<16xf32>
      %swap3A_982 = arith.constant 2 : i32
      %swap3A_983 = arith.index_cast %swap3A_982 : i32 to index
      %swap3A_984 = arith.index_cast %scan3A_936 : i32 to index
      %swap3A_985 = arith.constant 48 : index
      %swap3A_986 = tpu.vector_load %arg8[%swap3A_983, %swap3A_984, %swap3A_985] {strides = array<i32>} : memref<4x128x64xf32, #tpu.memory_space<vmem>>, vector<1x1x16xf32>,
      %swap3A_987 = vector.shape_cast %swap3A_986 : vector<1x1x16xf32> to vector<16xf32>
      %swap3A_988 = vector.shape_cast %get3A_981 : vector<16xf32> to vector<1x1x16xf32>
      tpu.vector_store %arg8[%swap3A_983, %swap3A_984, %swap3A_985], %swap3A_988 {add = true, strides = array<i32>} : memref<4x128x64xf32, #tpu.memory_space<vmem>>, vector<1x1x16xf32>,
      %scan3A_989 = arith.constant 0 : i32
      %scan3A_990 = arith.constant 5 : i32
      %scan3A_991 = arith.addi %scan3A_717, %scan3A_990 : i32
      %get3A_992 = arith.constant 2 : i32
      %get3A_993 = arith.index_cast %get3A_992 : i32 to index
      %get3A_994 = arith.index_cast %scan3A_991 : i32 to index
      %get3A_995 = arith.constant 0 : index
      %get3A_996 = tpu.vector_load %arg7[%get3A_993, %get3A_994, %get3A_995] {strides = array<i32>} : memref<4x128x64xf32, #tpu.memory_space<vmem>>, vector<1x1x16xf32>,
      %get3A_997 = vector.shape_cast %get3A_996 : vector<1x1x16xf32> to vector<16xf32>
      %swap3A_998 = arith.constant 2 : i32
      %swap3A_999 = arith.index_cast %swap3A_998 : i32 to index
      %swap3A_1000 = arith.index_cast %scan3A_991 : i32 to index
      %swap3A_1001 = arith.constant 0 : index
      %swap3A_1002 = tpu.vector_load %arg8[%swap3A_999, %swap3A_1000, %swap3A_1001] {strides = array<i32>} : memref<4x128x64xf32, #tpu.memory_space<vmem>>, vector<1x1x16xf32>,
      %swap3A_1003 = vector.shape_cast %swap3A_1002 : vector<1x1x16xf32> to vector<16xf32>
      %swap3A_1004 = vector.shape_cast %get3A_997 : vector<16xf32> to vector<1x1x16xf32>
      tpu.vector_store %arg8[%swap3A_999, %swap3A_1000, %swap3A_1001], %swap3A_1004 {add = true, strides = array<i32>} : memref<4x128x64xf32, #tpu.memory_space<vmem>>, vector<1x1x16xf32>,
      %get3A_1005 = arith.constant 2 : i32
      %get3A_1006 = arith.index_cast %get3A_1005 : i32 to index
      %get3A_1007 = arith.index_cast %scan3A_991 : i32 to index
      %get3A_1008 = arith.constant 16 : index
      %get3A_1009 = tpu.vector_load %arg7[%get3A_1006, %get3A_1007, %get3A_1008] {strides = array<i32>} : memref<4x128x64xf32, #tpu.memory_space<vmem>>, vector<1x1x16xf32>,
      %get3A_1010 = vector.shape_cast %get3A_1009 : vector<1x1x16xf32> to vector<16xf32>
      %swap3A_1011 = arith.constant 2 : i32
      %swap3A_1012 = arith.index_cast %swap3A_1011 : i32 to index
      %swap3A_1013 = arith.index_cast %scan3A_991 : i32 to index
      %swap3A_1014 = arith.constant 16 : index
      %swap3A_1015 = tpu.vector_load %arg8[%swap3A_1012, %swap3A_1013, %swap3A_1014] {strides = array<i32>} : memref<4x128x64xf32, #tpu.memory_space<vmem>>, vector<1x1x16xf32>,
      %swap3A_1016 = vector.shape_cast %swap3A_1015 : vector<1x1x16xf32> to vector<16xf32>
      %swap3A_1017 = vector.shape_cast %get3A_1010 : vector<16xf32> to vector<1x1x16xf32>
      tpu.vector_store %arg8[%swap3A_1012, %swap3A_1013, %swap3A_1014], %swap3A_1017 {add = true, strides = array<i32>} : memref<4x128x64xf32, #tpu.memory_space<vmem>>, vector<1x1x16xf32>,
      %get3A_1018 = arith.constant 2 : i32
      %get3A_1019 = arith.index_cast %get3A_1018 : i32 to index
      %get3A_1020 = arith.index_cast %scan3A_991 : i32 to index
      %get3A_1021 = arith.constant 32 : index
      %get3A_1022 = tpu.vector_load %arg7[%get3A_1019, %get3A_1020, %get3A_1021] {strides = array<i32>} : memref<4x128x64xf32, #tpu.memory_space<vmem>>, vector<1x1x16xf32>,
      %get3A_1023 = vector.shape_cast %get3A_1022 : vector<1x1x16xf32> to vector<16xf32>
      %swap3A_1024 = arith.constant 2 : i32
      %swap3A_1025 = arith.index_cast %swap3A_1024 : i32 to index
      %swap3A_1026 = arith.index_cast %scan3A_991 : i32 to index
      %swap3A_1027 = arith.constant 32 : index
      %swap3A_1028 = tpu.vector_load %arg8[%swap3A_1025, %swap3A_1026, %swap3A_1027] {strides = array<i32>} : memref<4x128x64xf32, #tpu.memory_space<vmem>>, vector<1x1x16xf32>,
      %swap3A_1029 = vector.shape_cast %swap3A_1028 : vector<1x1x16xf32> to vector<16xf32>
      %swap3A_1030 = vector.shape_cast %get3A_1023 : vector<16xf32> to vector<1x1x16xf32>
      tpu.vector_store %arg8[%swap3A_1025, %swap3A_1026, %swap3A_1027], %swap3A_1030 {add = true, strides = array<i32>} : memref<4x128x64xf32, #tpu.memory_space<vmem>>, vector<1x1x16xf32>,
      %get3A_1031 = arith.constant 2 : i32
      %get3A_1032 = arith.index_cast %get3A_1031 : i32 to index
      %get3A_1033 = arith.index_cast %scan3A_991 : i32 to index
      %get3A_1034 = arith.constant 48 : index
      %get3A_1035 = tpu.vector_load %arg7[%get3A_1032, %get3A_1033, %get3A_1034] {strides = array<i32>} : memref<4x128x64xf32, #tpu.memory_space<vmem>>, vector<1x1x16xf32>,
      %get3A_1036 = vector.shape_cast %get3A_1035 : vector<1x1x16xf32> to vector<16xf32>
      %swap3A_1037 = arith.constant 2 : i32
      %swap3A_1038 = arith.index_cast %swap3A_1037 : i32 to index
      %swap3A_1039 = arith.index_cast %scan3A_991 : i32 to index
      %swap3A_1040 = arith.constant 48 : index
      %swap3A_1041 = tpu.vector_load %arg8[%swap3A_1038, %swap3A_1039, %swap3A_1040] {strides = array<i32>} : memref<4x128x64xf32, #tpu.memory_space<vmem>>, vector<1x1x16xf32>,
      %swap3A_1042 = vector.shape_cast %swap3A_1041 : vector<1x1x16xf32> to vector<16xf32>
      %swap3A_1043 = vector.shape_cast %get3A_1036 : vector<16xf32> to vector<1x1x16xf32>
      tpu.vector_store %arg8[%swap3A_1038, %swap3A_1039, %swap3A_1040], %swap3A_1043 {add = true, strides = array<i32>} : memref<4x128x64xf32, #tpu.memory_space<vmem>>, vector<1x1x16xf32>,
      %scan3A_1044 = arith.constant 0 : i32
      %scan3A_1045 = arith.constant 6 : i32
      %scan3A_1046 = arith.addi %scan3A_717, %scan3A_1045 : i32
      %get3A_1047 = arith.constant 2 : i32
      %get3A_1048 = arith.index_cast %get3A_1047 : i32 to index
      %get3A_1049 = arith.index_cast %scan3A_1046 : i32 to index
      %get3A_1050 = arith.constant 0 : index
      %get3A_1051 = tpu.vector_load %arg7[%get3A_1048, %get3A_1049, %get3A_1050] {strides = array<i32>} : memref<4x128x64xf32, #tpu.memory_space<vmem>>, vector<1x1x16xf32>,
      %get3A_1052 = vector.shape_cast %get3A_1051 : vector<1x1x16xf32> to vector<16xf32>
      %swap3A_1053 = arith.constant 2 : i32
      %swap3A_1054 = arith.index_cast %swap3A_1053 : i32 to index
      %swap3A_1055 = arith.index_cast %scan3A_1046 : i32 to index
      %swap3A_1056 = arith.constant 0 : index
      %swap3A_1057 = tpu.vector_load %arg8[%swap3A_1054, %swap3A_1055, %swap3A_1056] {strides = array<i32>} : memref<4x128x64xf32, #tpu.memory_space<vmem>>, vector<1x1x16xf32>,
      %swap3A_1058 = vector.shape_cast %swap3A_1057 : vector<1x1x16xf32> to vector<16xf32>
      %swap3A_1059 = vector.shape_cast %get3A_1052 : vector<16xf32> to vector<1x1x16xf32>
      tpu.vector_store %arg8[%swap3A_1054, %swap3A_1055, %swap3A_1056], %swap3A_1059 {add = true, strides = array<i32>} : memref<4x128x64xf32, #tpu.memory_space<vmem>>, vector<1x1x16xf32>,
      %get3A_1060 = arith.constant 2 : i32
      %get3A_1061 = arith.index_cast %get3A_1060 : i32 to index
      %get3A_1062 = arith.index_cast %scan3A_1046 : i32 to index
      %get3A_1063 = arith.constant 16 : index
      %get3A_1064 = tpu.vector_load %arg7[%get3A_1061, %get3A_1062, %get3A_1063] {strides = array<i32>} : memref<4x128x64xf32, #tpu.memory_space<vmem>>, vector<1x1x16xf32>,
      %get3A_1065 = vector.shape_cast %get3A_1064 : vector<1x1x16xf32> to vector<16xf32>
      %swap3A_1066 = arith.constant 2 : i32
      %swap3A_1067 = arith.index_cast %swap3A_1066 : i32 to index
      %swap3A_1068 = arith.index_cast %scan3A_1046 : i32 to index
      %swap3A_1069 = arith.constant 16 : index
      %swap3A_1070 = tpu.vector_load %arg8[%swap3A_1067, %swap3A_1068, %swap3A_1069] {strides = array<i32>} : memref<4x128x64xf32, #tpu.memory_space<vmem>>, vector<1x1x16xf32>,
      %swap3A_1071 = vector.shape_cast %swap3A_1070 : vector<1x1x16xf32> to vector<16xf32>
      %swap3A_1072 = vector.shape_cast %get3A_1065 : vector<16xf32> to vector<1x1x16xf32>
      tpu.vector_store %arg8[%swap3A_1067, %swap3A_1068, %swap3A_1069], %swap3A_1072 {add = true, strides = array<i32>} : memref<4x128x64xf32, #tpu.memory_space<vmem>>, vector<1x1x16xf32>,
      %get3A_1073 = arith.constant 2 : i32
      %get3A_1074 = arith.index_cast %get3A_1073 : i32 to index
      %get3A_1075 = arith.index_cast %scan3A_1046 : i32 to index
      %get3A_1076 = arith.constant 32 : index
      %get3A_1077 = tpu.vector_load %arg7[%get3A_1074, %get3A_1075, %get3A_1076] {strides = array<i32>} : memref<4x128x64xf32, #tpu.memory_space<vmem>>, vector<1x1x16xf32>,
      %get3A_1078 = vector.shape_cast %get3A_1077 : vector<1x1x16xf32> to vector<16xf32>
      %swap3A_1079 = arith.constant 2 : i32
      %swap3A_1080 = arith.index_cast %swap3A_1079 : i32 to index
      %swap3A_1081 = arith.index_cast %scan3A_1046 : i32 to index
      %swap3A_1082 = arith.constant 32 : index
      %swap3A_1083 = tpu.vector_load %arg8[%swap3A_1080, %swap3A_1081, %swap3A_1082] {strides = array<i32>} : memref<4x128x64xf32, #tpu.memory_space<vmem>>, vector<1x1x16xf32>,
      %swap3A_1084 = vector.shape_cast %swap3A_1083 : vector<1x1x16xf32> to vector<16xf32>
      %swap3A_1085 = vector.shape_cast %get3A_1078 : vector<16xf32> to vector<1x1x16xf32>
      tpu.vector_store %arg8[%swap3A_1080, %swap3A_1081, %swap3A_1082], %swap3A_1085 {add = true, strides = array<i32>} : memref<4x128x64xf32, #tpu.memory_space<vmem>>, vector<1x1x16xf32>,
      %get3A_1086 = arith.constant 2 : i32
      %get3A_1087 = arith.index_cast %get3A_1086 : i32 to index
      %get3A_1088 = arith.index_cast %scan3A_1046 : i32 to index
      %get3A_1089 = arith.constant 48 : index
      %get3A_1090 = tpu.vector_load %arg7[%get3A_1087, %get3A_1088, %get3A_1089] {strides = array<i32>} : memref<4x128x64xf32, #tpu.memory_space<vmem>>, vector<1x1x16xf32>,
      %get3A_1091 = vector.shape_cast %get3A_1090 : vector<1x1x16xf32> to vector<16xf32>
      %swap3A_1092 = arith.constant 2 : i32
      %swap3A_1093 = arith.index_cast %swap3A_1092 : i32 to index
      %swap3A_1094 = arith.index_cast %scan3A_1046 : i32 to index
      %swap3A_1095 = arith.constant 48 : index
      %swap3A_1096 = tpu.vector_load %arg8[%swap3A_1093, %swap3A_1094, %swap3A_1095] {strides = array<i32>} : memref<4x128x64xf32, #tpu.memory_space<vmem>>, vector<1x1x16xf32>,
      %swap3A_1097 = vector.shape_cast %swap3A_1096 : vector<1x1x16xf32> to vector<16xf32>
      %swap3A_1098 = vector.shape_cast %get3A_1091 : vector<16xf32> to vector<1x1x16xf32>
      tpu.vector_store %arg8[%swap3A_1093, %swap3A_1094, %swap3A_1095], %swap3A_1098 {add = true, strides = array<i32>} : memref<4x128x64xf32, #tpu.memory_space<vmem>>, vector<1x1x16xf32>,
      %scan3A_1099 = arith.constant 0 : i32
      %scan3A_1100 = arith.constant 7 : i32
      %scan3A_1101 = arith.addi %scan3A_717, %scan3A_1100 : i32
      %get3A_1102 = arith.constant 2 : i32
      %get3A_1103 = arith.index_cast %get3A_1102 : i32 to index
      %get3A_1104 = arith.index_cast %scan3A_1101 : i32 to index
      %get3A_1105 = arith.constant 0 : index
      %get3A_1106 = tpu.vector_load %arg7[%get3A_1103, %get3A_1104, %get3A_1105] {strides = array<i32>} : memref<4x128x64xf32, #tpu.memory_space<vmem>>, vector<1x1x16xf32>,
      %get3A_1107 = vector.shape_cast %get3A_1106 : vector<1x1x16xf32> to vector<16xf32>
      %swap3A_1108 = arith.constant 2 : i32
      %swap3A_1109 = arith.index_cast %swap3A_1108 : i32 to index
      %swap3A_1110 = arith.index_cast %scan3A_1101 : i32 to index
      %swap3A_1111 = arith.constant 0 : index
      %swap3A_1112 = tpu.vector_load %arg8[%swap3A_1109, %swap3A_1110, %swap3A_1111] {strides = array<i32>} : memref<4x128x64xf32, #tpu.memory_space<vmem>>, vector<1x1x16xf32>,
      %swap3A_1113 = vector.shape_cast %swap3A_1112 : vector<1x1x16xf32> to vector<16xf32>
      %swap3A_1114 = vector.shape_cast %get3A_1107 : vector<16xf32> to vector<1x1x16xf32>
      tpu.vector_store %arg8[%swap3A_1109, %swap3A_1110, %swap3A_1111], %swap3A_1114 {add = true, strides = array<i32>} : memref<4x128x64xf32, #tpu.memory_space<vmem>>, vector<1x1x16xf32>,
      %get3A_1115 = arith.constant 2 : i32
      %get3A_1116 = arith.index_cast %get3A_1115 : i32 to index
      %get3A_1117 = arith.index_cast %scan3A_1101 : i32 to index
      %get3A_1118 = arith.constant 16 : index
      %get3A_1119 = tpu.vector_load %arg7[%get3A_1116, %get3A_1117, %get3A_1118] {strides = array<i32>} : memref<4x128x64xf32, #tpu.memory_space<vmem>>, vector<1x1x16xf32>,
      %get3A_1120 = vector.shape_cast %get3A_1119 : vector<1x1x16xf32> to vector<16xf32>
      %swap3A_1121 = arith.constant 2 : i32
      %swap3A_1122 = arith.index_cast %swap3A_1121 : i32 to index
      %swap3A_1123 = arith.index_cast %scan3A_1101 : i32 to index
      %swap3A_1124 = arith.constant 16 : index
      %swap3A_1125 = tpu.vector_load %arg8[%swap3A_1122, %swap3A_1123, %swap3A_1124] {strides = array<i32>} : memref<4x128x64xf32, #tpu.memory_space<vmem>>, vector<1x1x16xf32>,
      %swap3A_1126 = vector.shape_cast %swap3A_1125 : vector<1x1x16xf32> to vector<16xf32>
      %swap3A_1127 = vector.shape_cast %get3A_1120 : vector<16xf32> to vector<1x1x16xf32>
      tpu.vector_store %arg8[%swap3A_1122, %swap3A_1123, %swap3A_1124], %swap3A_1127 {add = true, strides = array<i32>} : memref<4x128x64xf32, #tpu.memory_space<vmem>>, vector<1x1x16xf32>,
      %get3A_1128 = arith.constant 2 : i32
      %get3A_1129 = arith.index_cast %get3A_1128 : i32 to index
      %get3A_1130 = arith.index_cast %scan3A_1101 : i32 to index
      %get3A_1131 = arith.constant 32 : index
      %get3A_1132 = tpu.vector_load %arg7[%get3A_1129, %get3A_1130, %get3A_1131] {strides = array<i32>} : memref<4x128x64xf32, #tpu.memory_space<vmem>>, vector<1x1x16xf32>,
      %get3A_1133 = vector.shape_cast %get3A_1132 : vector<1x1x16xf32> to vector<16xf32>
      %swap3A_1134 = arith.constant 2 : i32
      %swap3A_1135 = arith.index_cast %swap3A_1134 : i32 to index
      %swap3A_1136 = arith.index_cast %scan3A_1101 : i32 to index
      %swap3A_1137 = arith.constant 32 : index
      %swap3A_1138 = tpu.vector_load %arg8[%swap3A_1135, %swap3A_1136, %swap3A_1137] {strides = array<i32>} : memref<4x128x64xf32, #tpu.memory_space<vmem>>, vector<1x1x16xf32>,
      %swap3A_1139 = vector.shape_cast %swap3A_1138 : vector<1x1x16xf32> to vector<16xf32>
      %swap3A_1140 = vector.shape_cast %get3A_1133 : vector<16xf32> to vector<1x1x16xf32>
      tpu.vector_store %arg8[%swap3A_1135, %swap3A_1136, %swap3A_1137], %swap3A_1140 {add = true, strides = array<i32>} : memref<4x128x64xf32, #tpu.memory_space<vmem>>, vector<1x1x16xf32>,
      %get3A_1141 = arith.constant 2 : i32
      %get3A_1142 = arith.index_cast %get3A_1141 : i32 to index
      %get3A_1143 = arith.index_cast %scan3A_1101 : i32 to index
      %get3A_1144 = arith.constant 48 : index
      %get3A_1145 = tpu.vector_load %arg7[%get3A_1142, %get3A_1143, %get3A_1144] {strides = array<i32>} : memref<4x128x64xf32, #tpu.memory_space<vmem>>, vector<1x1x16xf32>,
      %get3A_1146 = vector.shape_cast %get3A_1145 : vector<1x1x16xf32> to vector<16xf32>
      %swap3A_1147 = arith.constant 2 : i32
      %swap3A_1148 = arith.index_cast %swap3A_1147 : i32 to index
      %swap3A_1149 = arith.index_cast %scan3A_1101 : i32 to index
      %swap3A_1150 = arith.constant 48 : index
      %swap3A_1151 = tpu.vector_load %arg8[%swap3A_1148, %swap3A_1149, %swap3A_1150] {strides = array<i32>} : memref<4x128x64xf32, #tpu.memory_space<vmem>>, vector<1x1x16xf32>,
      %swap3A_1152 = vector.shape_cast %swap3A_1151 : vector<1x1x16xf32> to vector<16xf32>
      %swap3A_1153 = vector.shape_cast %get3A_1146 : vector<16xf32> to vector<1x1x16xf32>
      tpu.vector_store %arg8[%swap3A_1148, %swap3A_1149, %swap3A_1150], %swap3A_1153 {add = true, strides = array<i32>} : memref<4x128x64xf32, #tpu.memory_space<vmem>>, vector<1x1x16xf32>,
      %scan3A_1154 = arith.constant 0 : i32
      scf.yield %scan3A_1154 : i32
    }
    %scan3A_285 = arith.constant 128 : i32
    %add3A_286 = arith.constant 256 : i32
    %add3A_287 = arith.addi %multiple_of3A, %add3A_286 : i32
    %multiple_of3A_288 = tpu.assume_multiple %add3A_287, 128 : i32
    %dma_start3A_289 = arith.constant 2 : i32
    %dma_start3A_290 = arith.constant 0 : i32
    %dma_start3A_291 = arith.constant 0 : i32
    %dma_start3A_292 = tpu.memref_slice %arg8[%dma_start3A_289, %dma_start3A_290, %dma_start3A_291] : memref<4x128x64xf32, #tpu.memory_space<vmem>> -> memref<1x128x64xf32, #tpu.memory_space<vmem>>
    %dma_start3A_293 = tpu.memref_squeeze %dma_start3A_292 : memref<1x128x64xf32, #tpu.memory_space<vmem>> -> memref<128x64xf32, #tpu.memory_space<vmem>>
    %dma_start3A_294 = arith.constant 0 : i32
    %dma_start3A_295 = tpu.memref_slice %arg5[%multiple_of3A_288, %dma_start3A_294] : memref<32768x64xf32, #tpu.memory_space<hbm>> -> memref<128x64xf32, #tpu.memory_space<hbm>>
    %dma_start3A_296 = arith.constant 0 : i32
    %dma_start3A_297 = tpu.memref_slice %arg5[%multiple_of3A_288, %dma_start3A_296] : memref<32768x64xf32, #tpu.memory_space<hbm>> -> memref<128x64xf32, #tpu.memory_space<hbm>>
    %dma_start3A_298 = arith.constant 0 : i32
    %dma_start3A_299 = arith.constant 0 : i32
    %dma_start3A_300 = tpu.memref_slice %arg8[%dma_start3A_289, %dma_start3A_298, %dma_start3A_299] : memref<4x128x64xf32, #tpu.memory_space<vmem>> -> memref<1x128x64xf32, #tpu.memory_space<vmem>>
    %dma_start3A_301 = tpu.memref_squeeze %dma_start3A_300 : memref<1x128x64xf32, #tpu.memory_space<vmem>> -> memref<128x64xf32, #tpu.memory_space<vmem>>
    tpu.enqueue_dma source(%dma_start3A_301 : memref<128x64xf32, #tpu.memory_space<vmem>>) target(%dma_start3A_297 : memref<128x64xf32, #tpu.memory_space<hbm>>) target_semaphore(%arg10 : memref<!tpu.dma_semaphore, #tpu.memory_space<semaphore_mem>>)
    %dma_wait3A_302 = arith.constant 1 : i32
    %dma_wait3A_303 = arith.constant 0 : i32
    %dma_wait3A_304 = arith.constant 0 : i32
    %dma_wait3A_305 = tpu.memref_slice %arg8[%dma_wait3A_302, %dma_wait3A_303, %dma_wait3A_304] : memref<4x128x64xf32, #tpu.memory_space<vmem>> -> memref<1x128x64xf32, #tpu.memory_space<vmem>>
    %dma_wait3A_306 = tpu.memref_squeeze %dma_wait3A_305 : memref<1x128x64xf32, #tpu.memory_space<vmem>> -> memref<128x64xf32, #tpu.memory_space<vmem>>
    %dma_wait3A_307 = arith.constant 0 : i32
    %dma_wait3A_308 = tpu.memref_slice %arg5[%multiple_of3A_199, %dma_wait3A_307] : memref<32768x64xf32, #tpu.memory_space<hbm>> -> memref<128x64xf32, #tpu.memory_space<hbm>>
    %dma_wait3A_309 = arith.constant 0 : i32
    %dma_wait3A_310 = tpu.memref_slice %arg5[%multiple_of3A_199, %dma_wait3A_309] : memref<32768x64xf32, #tpu.memory_space<hbm>> -> memref<128x64xf32, #tpu.memory_space<hbm>>
    %dma_wait3A_311 = arith.constant 0 : i32
    %dma_wait3A_312 = arith.constant 0 : i32
    %dma_wait3A_313 = tpu.memref_slice %arg8[%dma_wait3A_302, %dma_wait3A_311, %dma_wait3A_312] : memref<4x128x64xf32, #tpu.memory_space<vmem>> -> memref<1x128x64xf32, #tpu.memory_space<vmem>>
    %dma_wait3A_314 = tpu.memref_squeeze %dma_wait3A_313 : memref<1x128x64xf32, #tpu.memory_space<vmem>> -> memref<128x64xf32, #tpu.memory_space<vmem>>
    tpu.wait_dma2 semaphore(%arg10 : memref<!tpu.dma_semaphore, #tpu.memory_space<semaphore_mem>>) src(%dma_wait3A_314 : memref<128x64xf32, #tpu.memory_space<vmem>>) dst(%dma_wait3A_310 : memref<128x64xf32, #tpu.memory_space<hbm>>)
    %dma_start3A_315 = arith.constant 5 : i32
    %dma_start3A_316 = arith.constant 1 : i32
    %dma_start3A_317 = arith.constant 0 : i32
    %dma_start3A_318 = arith.constant 0 : i32
    %dma_start3A_319 = tpu.memref_slice %arg7[%dma_start3A_316, %dma_start3A_317, %dma_start3A_318] : memref<4x128x64xf32, #tpu.memory_space<vmem>> -> memref<1x128x64xf32, #tpu.memory_space<vmem>>
    %dma_start3A_320 = tpu.memref_squeeze %dma_start3A_319 : memref<1x128x64xf32, #tpu.memory_space<vmem>> -> memref<128x64xf32, #tpu.memory_space<vmem>>
    %dma_start3A_321 = arith.constant 0 : i32
    %dma_start3A_322 = tpu.memref_slice %arg6[%dma_start3A_315, %dma_start3A_321] : memref<8x128xi32, #tpu.memory_space<vmem>> -> memref<1x128xi32, #tpu.memory_space<vmem>>
    %dma_start3A_323 = tpu.memref_squeeze %dma_start3A_322 : memref<1x128xi32, #tpu.memory_space<vmem>> -> memref<128xi32, #tpu.memory_space<vmem>>
    %dma_start3A_324 = arith.constant 0 : i32
    %dma_start3A_325 = arith.constant 0 : i32
    %dma_start3A_326 = tpu.memref_slice %arg3[%dma_start3A_324, %dma_start3A_325] : memref<100000x64xf32, #tpu.memory_space<hbm>> -> memref<100000x64xf32, #tpu.memory_space<hbm>>
    tpu.enqueue_indirect_dma source(%dma_start3A_326 : memref<100000x64xf32, #tpu.memory_space<hbm>>) target(%dma_start3A_320 : memref<128x64xf32, #tpu.memory_space<vmem>>) offsets(%dma_start3A_323 : memref<128xi32, #tpu.memory_space<vmem>>) semaphore(%arg9 : memref<!tpu.dma_semaphore, #tpu.memory_space<semaphore_mem>>)
    %add3A_327 = arith.constant 640 : i32
    %add3A_328 = arith.addi %multiple_of3A_4, %add3A_327 : i32
    %multiple_of3A_329 = tpu.assume_multiple %add3A_328, 128 : i32
    %dma_start3A_330 = arith.constant 1 : i32
    %dma_start3A_331 = arith.constant 0 : i32
    %dma_start3A_332 = arith.constant 0 : i32
    %dma_start3A_333 = tpu.memref_slice %arg8[%dma_start3A_330, %dma_start3A_331, %dma_start3A_332] : memref<4x128x64xf32, #tpu.memory_space<vmem>> -> memref<1x128x64xf32, #tpu.memory_space<vmem>>
    %dma_start3A_334 = tpu.memref_squeeze %dma_start3A_333 : memref<1x128x64xf32, #tpu.memory_space<vmem>> -> memref<128x64xf32, #tpu.memory_space<vmem>>
    %dma_start3A_335 = arith.constant 0 : i32
    %dma_start3A_336 = tpu.memref_slice %arg4[%multiple_of3A_329, %dma_start3A_335] : memref<8192x64xf32, #tpu.memory_space<hbm>> -> memref<128x64xf32, #tpu.memory_space<hbm>>
    %dma_start3A_337 = arith.constant 0 : i32
    %dma_start3A_338 = arith.constant 0 : i32
    %dma_start3A_339 = tpu.memref_slice %arg8[%dma_start3A_330, %dma_start3A_337, %dma_start3A_338] : memref<4x128x64xf32, #tpu.memory_space<vmem>> -> memref<1x128x64xf32, #tpu.memory_space<vmem>>
    %dma_start3A_340 = tpu.memref_squeeze %dma_start3A_339 : memref<1x128x64xf32, #tpu.memory_space<vmem>> -> memref<128x64xf32, #tpu.memory_space<vmem>>
    %dma_start3A_341 = arith.constant 0 : i32
    %dma_start3A_342 = tpu.memref_slice %arg4[%multiple_of3A_329, %dma_start3A_341] : memref<8192x64xf32, #tpu.memory_space<hbm>> -> memref<128x64xf32, #tpu.memory_space<hbm>>
    tpu.enqueue_dma source(%dma_start3A_342 : memref<128x64xf32, #tpu.memory_space<hbm>>) target(%dma_start3A_340 : memref<128x64xf32, #tpu.memory_space<vmem>>) target_semaphore(%arg11 : memref<!tpu.dma_semaphore, #tpu.memory_space<semaphore_mem>>)
    %dma_wait3A_343 = arith.constant 3 : i32
    %dma_wait3A_344 = arith.constant 3 : i32
    %dma_wait3A_345 = arith.constant 0 : i32
    %dma_wait3A_346 = arith.constant 0 : i32
    %dma_wait3A_347 = tpu.memref_slice %arg7[%dma_wait3A_344, %dma_wait3A_345, %dma_wait3A_346] : memref<4x128x64xf32, #tpu.memory_space<vmem>> -> memref<1x128x64xf32, #tpu.memory_space<vmem>>
    %dma_wait3A_348 = tpu.memref_squeeze %dma_wait3A_347 : memref<1x128x64xf32, #tpu.memory_space<vmem>> -> memref<128x64xf32, #tpu.memory_space<vmem>>
    %dma_wait3A_349 = arith.constant 0 : i32
    %dma_wait3A_350 = tpu.memref_slice %arg6[%dma_wait3A_343, %dma_wait3A_349] : memref<8x128xi32, #tpu.memory_space<vmem>> -> memref<1x128xi32, #tpu.memory_space<vmem>>
    %dma_wait3A_351 = tpu.memref_squeeze %dma_wait3A_350 : memref<1x128xi32, #tpu.memory_space<vmem>> -> memref<128xi32, #tpu.memory_space<vmem>>
    %dma_wait3A_352 = arith.constant 0 : i32
    %dma_wait3A_353 = arith.constant 0 : i32
    %dma_wait3A_354 = tpu.memref_slice %arg3[%dma_wait3A_352, %dma_wait3A_353] : memref<100000x64xf32, #tpu.memory_space<hbm>> -> memref<100000x64xf32, #tpu.memory_space<hbm>>
    tpu.wait_indirect_dma semaphore(%arg9 : memref<!tpu.dma_semaphore, #tpu.memory_space<semaphore_mem>>) src(%dma_wait3A_354 : memref<100000x64xf32, #tpu.memory_space<hbm>>) dst(%dma_wait3A_348 : memref<128x64xf32, #tpu.memory_space<vmem>>)
    %dma_wait3A_355 = arith.constant 3 : i32
    %dma_wait3A_356 = arith.constant 0 : i32
    %dma_wait3A_357 = arith.constant 0 : i32
    %dma_wait3A_358 = tpu.memref_slice %arg8[%dma_wait3A_355, %dma_wait3A_356, %dma_wait3A_357] : memref<4x128x64xf32, #tpu.memory_space<vmem>> -> memref<1x128x64xf32, #tpu.memory_space<vmem>>
    %dma_wait3A_359 = tpu.memref_squeeze %dma_wait3A_358 : memref<1x128x64xf32, #tpu.memory_space<vmem>> -> memref<128x64xf32, #tpu.memory_space<vmem>>
    %dma_wait3A_360 = arith.constant 0 : i32
    %dma_wait3A_361 = tpu.memref_slice %arg4[%multiple_of3A_151, %dma_wait3A_360] : memref<8192x64xf32, #tpu.memory_space<hbm>> -> memref<128x64xf32, #tpu.memory_space<hbm>>
    %dma_wait3A_362 = arith.constant 0 : i32
    %dma_wait3A_363 = arith.constant 0 : i32
    %dma_wait3A_364 = tpu.memref_slice %arg8[%dma_wait3A_355, %dma_wait3A_362, %dma_wait3A_363] : memref<4x128x64xf32, #tpu.memory_space<vmem>> -> memref<1x128x64xf32, #tpu.memory_space<vmem>>
    %dma_wait3A_365 = tpu.memref_squeeze %dma_wait3A_364 : memref<1x128x64xf32, #tpu.memory_space<vmem>> -> memref<128x64xf32, #tpu.memory_space<vmem>>
    %dma_wait3A_366 = arith.constant 0 : i32
    %dma_wait3A_367 = tpu.memref_slice %arg4[%multiple_of3A_151, %dma_wait3A_366] : memref<8192x64xf32, #tpu.memory_space<hbm>> -> memref<128x64xf32, #tpu.memory_space<hbm>>
    tpu.wait_dma2 semaphore(%arg11 : memref<!tpu.dma_semaphore, #tpu.memory_space<semaphore_mem>>) src(%dma_wait3A_367 : memref<128x64xf32, #tpu.memory_space<hbm>>) dst(%dma_wait3A_365 : memref<128x64xf32, #tpu.memory_space<vmem>>)
    %scan3A_368 = arith.constant 0 : i32
    %scan3A_369 = arith.constant 0 : i32
    %scan3A_370 = arith.constant 128 : i32
    %scan3A_371 = arith.addi %scan3A_369, %scan3A_370 : i32
    %scan3A_372 = arith.constant 8 : i32
    %scan3A_373 = scf.for %scan3A_717 = %scan3A_369 to %scan3A_371 step %scan3A_372 iter_args(%scan3A_718 = %scan3A_368) -> (i32)  : i32 {
      %get3A = arith.constant 3 : i32
      %get3A_719 = arith.index_cast %get3A : i32 to index
      %get3A_720 = arith.index_cast %scan3A_717 : i32 to index
      %get3A_721 = arith.constant 0 : index
      %get3A_722 = tpu.vector_load %arg7[%get3A_719, %get3A_720, %get3A_721] {strides = array<i32>} : memref<4x128x64xf32, #tpu.memory_space<vmem>>, vector<1x1x16xf32>,
      %get3A_723 = vector.shape_cast %get3A_722 : vector<1x1x16xf32> to vector<16xf32>
      %swap3A = arith.constant 3 : i32
      %swap3A_724 = arith.index_cast %swap3A : i32 to index
      %swap3A_725 = arith.index_cast %scan3A_717 : i32 to index
      %swap3A_726 = arith.constant 0 : index
      %swap3A_727 = tpu.vector_load %arg8[%swap3A_724, %swap3A_725, %swap3A_726] {strides = array<i32>} : memref<4x128x64xf32, #tpu.memory_space<vmem>>, vector<1x1x16xf32>,
      %swap3A_728 = vector.shape_cast %swap3A_727 : vector<1x1x16xf32> to vector<16xf32>
      %swap3A_729 = vector.shape_cast %get3A_723 : vector<16xf32> to vector<1x1x16xf32>
      tpu.vector_store %arg8[%swap3A_724, %swap3A_725, %swap3A_726], %swap3A_729 {add = true, strides = array<i32>} : memref<4x128x64xf32, #tpu.memory_space<vmem>>, vector<1x1x16xf32>,
      %get3A_730 = arith.constant 3 : i32
      %get3A_731 = arith.index_cast %get3A_730 : i32 to index
      %get3A_732 = arith.index_cast %scan3A_717 : i32 to index
      %get3A_733 = arith.constant 16 : index
      %get3A_734 = tpu.vector_load %arg7[%get3A_731, %get3A_732, %get3A_733] {strides = array<i32>} : memref<4x128x64xf32, #tpu.memory_space<vmem>>, vector<1x1x16xf32>,
      %get3A_735 = vector.shape_cast %get3A_734 : vector<1x1x16xf32> to vector<16xf32>
      %swap3A_736 = arith.constant 3 : i32
      %swap3A_737 = arith.index_cast %swap3A_736 : i32 to index
      %swap3A_738 = arith.index_cast %scan3A_717 : i32 to index
      %swap3A_739 = arith.constant 16 : index
      %swap3A_740 = tpu.vector_load %arg8[%swap3A_737, %swap3A_738, %swap3A_739] {strides = array<i32>} : memref<4x128x64xf32, #tpu.memory_space<vmem>>, vector<1x1x16xf32>,
      %swap3A_741 = vector.shape_cast %swap3A_740 : vector<1x1x16xf32> to vector<16xf32>
      %swap3A_742 = vector.shape_cast %get3A_735 : vector<16xf32> to vector<1x1x16xf32>
      tpu.vector_store %arg8[%swap3A_737, %swap3A_738, %swap3A_739], %swap3A_742 {add = true, strides = array<i32>} : memref<4x128x64xf32, #tpu.memory_space<vmem>>, vector<1x1x16xf32>,
      %get3A_743 = arith.constant 3 : i32
      %get3A_744 = arith.index_cast %get3A_743 : i32 to index
      %get3A_745 = arith.index_cast %scan3A_717 : i32 to index
      %get3A_746 = arith.constant 32 : index
      %get3A_747 = tpu.vector_load %arg7[%get3A_744, %get3A_745, %get3A_746] {strides = array<i32>} : memref<4x128x64xf32, #tpu.memory_space<vmem>>, vector<1x1x16xf32>,
      %get3A_748 = vector.shape_cast %get3A_747 : vector<1x1x16xf32> to vector<16xf32>
      %swap3A_749 = arith.constant 3 : i32
      %swap3A_750 = arith.index_cast %swap3A_749 : i32 to index
      %swap3A_751 = arith.index_cast %scan3A_717 : i32 to index
      %swap3A_752 = arith.constant 32 : index
      %swap3A_753 = tpu.vector_load %arg8[%swap3A_750, %swap3A_751, %swap3A_752] {strides = array<i32>} : memref<4x128x64xf32, #tpu.memory_space<vmem>>, vector<1x1x16xf32>,
      %swap3A_754 = vector.shape_cast %swap3A_753 : vector<1x1x16xf32> to vector<16xf32>
      %swap3A_755 = vector.shape_cast %get3A_748 : vector<16xf32> to vector<1x1x16xf32>
      tpu.vector_store %arg8[%swap3A_750, %swap3A_751, %swap3A_752], %swap3A_755 {add = true, strides = array<i32>} : memref<4x128x64xf32, #tpu.memory_space<vmem>>, vector<1x1x16xf32>,
      %get3A_756 = arith.constant 3 : i32
      %get3A_757 = arith.index_cast %get3A_756 : i32 to index
      %get3A_758 = arith.index_cast %scan3A_717 : i32 to index
      %get3A_759 = arith.constant 48 : index
      %get3A_760 = tpu.vector_load %arg7[%get3A_757, %get3A_758, %get3A_759] {strides = array<i32>} : memref<4x128x64xf32, #tpu.memory_space<vmem>>, vector<1x1x16xf32>,
      %get3A_761 = vector.shape_cast %get3A_760 : vector<1x1x16xf32> to vector<16xf32>
      %swap3A_762 = arith.constant 3 : i32
      %swap3A_763 = arith.index_cast %swap3A_762 : i32 to index
      %swap3A_764 = arith.index_cast %scan3A_717 : i32 to index
      %swap3A_765 = arith.constant 48 : index
      %swap3A_766 = tpu.vector_load %arg8[%swap3A_763, %swap3A_764, %swap3A_765] {strides = array<i32>} : memref<4x128x64xf32, #tpu.memory_space<vmem>>, vector<1x1x16xf32>,
      %swap3A_767 = vector.shape_cast %swap3A_766 : vector<1x1x16xf32> to vector<16xf32>
      %swap3A_768 = vector.shape_cast %get3A_761 : vector<16xf32> to vector<1x1x16xf32>
      tpu.vector_store %arg8[%swap3A_763, %swap3A_764, %swap3A_765], %swap3A_768 {add = true, strides = array<i32>} : memref<4x128x64xf32, #tpu.memory_space<vmem>>, vector<1x1x16xf32>,
      %scan3A_769 = arith.constant 0 : i32
      %scan3A_770 = arith.constant 1 : i32
      %scan3A_771 = arith.addi %scan3A_717, %scan3A_770 : i32
      %get3A_772 = arith.constant 3 : i32
      %get3A_773 = arith.index_cast %get3A_772 : i32 to index
      %get3A_774 = arith.index_cast %scan3A_771 : i32 to index
      %get3A_775 = arith.constant 0 : index
      %get3A_776 = tpu.vector_load %arg7[%get3A_773, %get3A_774, %get3A_775] {strides = array<i32>} : memref<4x128x64xf32, #tpu.memory_space<vmem>>, vector<1x1x16xf32>,
      %get3A_777 = vector.shape_cast %get3A_776 : vector<1x1x16xf32> to vector<16xf32>
      %swap3A_778 = arith.constant 3 : i32
      %swap3A_779 = arith.index_cast %swap3A_778 : i32 to index
      %swap3A_780 = arith.index_cast %scan3A_771 : i32 to index
      %swap3A_781 = arith.constant 0 : index
      %swap3A_782 = tpu.vector_load %arg8[%swap3A_779, %swap3A_780, %swap3A_781] {strides = array<i32>} : memref<4x128x64xf32, #tpu.memory_space<vmem>>, vector<1x1x16xf32>,
      %swap3A_783 = vector.shape_cast %swap3A_782 : vector<1x1x16xf32> to vector<16xf32>
      %swap3A_784 = vector.shape_cast %get3A_777 : vector<16xf32> to vector<1x1x16xf32>
      tpu.vector_store %arg8[%swap3A_779, %swap3A_780, %swap3A_781], %swap3A_784 {add = true, strides = array<i32>} : memref<4x128x64xf32, #tpu.memory_space<vmem>>, vector<1x1x16xf32>,
      %get3A_785 = arith.constant 3 : i32
      %get3A_786 = arith.index_cast %get3A_785 : i32 to index
      %get3A_787 = arith.index_cast %scan3A_771 : i32 to index
      %get3A_788 = arith.constant 16 : index
      %get3A_789 = tpu.vector_load %arg7[%get3A_786, %get3A_787, %get3A_788] {strides = array<i32>} : memref<4x128x64xf32, #tpu.memory_space<vmem>>, vector<1x1x16xf32>,
      %get3A_790 = vector.shape_cast %get3A_789 : vector<1x1x16xf32> to vector<16xf32>
      %swap3A_791 = arith.constant 3 : i32
      %swap3A_792 = arith.index_cast %swap3A_791 : i32 to index
      %swap3A_793 = arith.index_cast %scan3A_771 : i32 to index
      %swap3A_794 = arith.constant 16 : index
      %swap3A_795 = tpu.vector_load %arg8[%swap3A_792, %swap3A_793, %swap3A_794] {strides = array<i32>} : memref<4x128x64xf32, #tpu.memory_space<vmem>>, vector<1x1x16xf32>,
      %swap3A_796 = vector.shape_cast %swap3A_795 : vector<1x1x16xf32> to vector<16xf32>
      %swap3A_797 = vector.shape_cast %get3A_790 : vector<16xf32> to vector<1x1x16xf32>
      tpu.vector_store %arg8[%swap3A_792, %swap3A_793, %swap3A_794], %swap3A_797 {add = true, strides = array<i32>} : memref<4x128x64xf32, #tpu.memory_space<vmem>>, vector<1x1x16xf32>,
      %get3A_798 = arith.constant 3 : i32
      %get3A_799 = arith.index_cast %get3A_798 : i32 to index
      %get3A_800 = arith.index_cast %scan3A_771 : i32 to index
      %get3A_801 = arith.constant 32 : index
      %get3A_802 = tpu.vector_load %arg7[%get3A_799, %get3A_800, %get3A_801] {strides = array<i32>} : memref<4x128x64xf32, #tpu.memory_space<vmem>>, vector<1x1x16xf32>,
      %get3A_803 = vector.shape_cast %get3A_802 : vector<1x1x16xf32> to vector<16xf32>
      %swap3A_804 = arith.constant 3 : i32
      %swap3A_805 = arith.index_cast %swap3A_804 : i32 to index
      %swap3A_806 = arith.index_cast %scan3A_771 : i32 to index
      %swap3A_807 = arith.constant 32 : index
      %swap3A_808 = tpu.vector_load %arg8[%swap3A_805, %swap3A_806, %swap3A_807] {strides = array<i32>} : memref<4x128x64xf32, #tpu.memory_space<vmem>>, vector<1x1x16xf32>,
      %swap3A_809 = vector.shape_cast %swap3A_808 : vector<1x1x16xf32> to vector<16xf32>
      %swap3A_810 = vector.shape_cast %get3A_803 : vector<16xf32> to vector<1x1x16xf32>
      tpu.vector_store %arg8[%swap3A_805, %swap3A_806, %swap3A_807], %swap3A_810 {add = true, strides = array<i32>} : memref<4x128x64xf32, #tpu.memory_space<vmem>>, vector<1x1x16xf32>,
      %get3A_811 = arith.constant 3 : i32
      %get3A_812 = arith.index_cast %get3A_811 : i32 to index
      %get3A_813 = arith.index_cast %scan3A_771 : i32 to index
      %get3A_814 = arith.constant 48 : index
      %get3A_815 = tpu.vector_load %arg7[%get3A_812, %get3A_813, %get3A_814] {strides = array<i32>} : memref<4x128x64xf32, #tpu.memory_space<vmem>>, vector<1x1x16xf32>,
      %get3A_816 = vector.shape_cast %get3A_815 : vector<1x1x16xf32> to vector<16xf32>
      %swap3A_817 = arith.constant 3 : i32
      %swap3A_818 = arith.index_cast %swap3A_817 : i32 to index
      %swap3A_819 = arith.index_cast %scan3A_771 : i32 to index
      %swap3A_820 = arith.constant 48 : index
      %swap3A_821 = tpu.vector_load %arg8[%swap3A_818, %swap3A_819, %swap3A_820] {strides = array<i32>} : memref<4x128x64xf32, #tpu.memory_space<vmem>>, vector<1x1x16xf32>,
      %swap3A_822 = vector.shape_cast %swap3A_821 : vector<1x1x16xf32> to vector<16xf32>
      %swap3A_823 = vector.shape_cast %get3A_816 : vector<16xf32> to vector<1x1x16xf32>
      tpu.vector_store %arg8[%swap3A_818, %swap3A_819, %swap3A_820], %swap3A_823 {add = true, strides = array<i32>} : memref<4x128x64xf32, #tpu.memory_space<vmem>>, vector<1x1x16xf32>,
      %scan3A_824 = arith.constant 0 : i32
      %scan3A_825 = arith.constant 2 : i32
      %scan3A_826 = arith.addi %scan3A_717, %scan3A_825 : i32
      %get3A_827 = arith.constant 3 : i32
      %get3A_828 = arith.index_cast %get3A_827 : i32 to index
      %get3A_829 = arith.index_cast %scan3A_826 : i32 to index
      %get3A_830 = arith.constant 0 : index
      %get3A_831 = tpu.vector_load %arg7[%get3A_828, %get3A_829, %get3A_830] {strides = array<i32>} : memref<4x128x64xf32, #tpu.memory_space<vmem>>, vector<1x1x16xf32>,
      %get3A_832 = vector.shape_cast %get3A_831 : vector<1x1x16xf32> to vector<16xf32>
      %swap3A_833 = arith.constant 3 : i32
      %swap3A_834 = arith.index_cast %swap3A_833 : i32 to index
      %swap3A_835 = arith.index_cast %scan3A_826 : i32 to index
      %swap3A_836 = arith.constant 0 : index
      %swap3A_837 = tpu.vector_load %arg8[%swap3A_834, %swap3A_835, %swap3A_836] {strides = array<i32>} : memref<4x128x64xf32, #tpu.memory_space<vmem>>, vector<1x1x16xf32>,
      %swap3A_838 = vector.shape_cast %swap3A_837 : vector<1x1x16xf32> to vector<16xf32>
      %swap3A_839 = vector.shape_cast %get3A_832 : vector<16xf32> to vector<1x1x16xf32>
      tpu.vector_store %arg8[%swap3A_834, %swap3A_835, %swap3A_836], %swap3A_839 {add = true, strides = array<i32>} : memref<4x128x64xf32, #tpu.memory_space<vmem>>, vector<1x1x16xf32>,
      %get3A_840 = arith.constant 3 : i32
      %get3A_841 = arith.index_cast %get3A_840 : i32 to index
      %get3A_842 = arith.index_cast %scan3A_826 : i32 to index
      %get3A_843 = arith.constant 16 : index
      %get3A_844 = tpu.vector_load %arg7[%get3A_841, %get3A_842, %get3A_843] {strides = array<i32>} : memref<4x128x64xf32, #tpu.memory_space<vmem>>, vector<1x1x16xf32>,
      %get3A_845 = vector.shape_cast %get3A_844 : vector<1x1x16xf32> to vector<16xf32>
      %swap3A_846 = arith.constant 3 : i32
      %swap3A_847 = arith.index_cast %swap3A_846 : i32 to index
      %swap3A_848 = arith.index_cast %scan3A_826 : i32 to index
      %swap3A_849 = arith.constant 16 : index
      %swap3A_850 = tpu.vector_load %arg8[%swap3A_847, %swap3A_848, %swap3A_849] {strides = array<i32>} : memref<4x128x64xf32, #tpu.memory_space<vmem>>, vector<1x1x16xf32>,
      %swap3A_851 = vector.shape_cast %swap3A_850 : vector<1x1x16xf32> to vector<16xf32>
      %swap3A_852 = vector.shape_cast %get3A_845 : vector<16xf32> to vector<1x1x16xf32>
      tpu.vector_store %arg8[%swap3A_847, %swap3A_848, %swap3A_849], %swap3A_852 {add = true, strides = array<i32>} : memref<4x128x64xf32, #tpu.memory_space<vmem>>, vector<1x1x16xf32>,
      %get3A_853 = arith.constant 3 : i32
      %get3A_854 = arith.index_cast %get3A_853 : i32 to index
      %get3A_855 = arith.index_cast %scan3A_826 : i32 to index
      %get3A_856 = arith.constant 32 : index
      %get3A_857 = tpu.vector_load %arg7[%get3A_854, %get3A_855, %get3A_856] {strides = array<i32>} : memref<4x128x64xf32, #tpu.memory_space<vmem>>, vector<1x1x16xf32>,
      %get3A_858 = vector.shape_cast %get3A_857 : vector<1x1x16xf32> to vector<16xf32>
      %swap3A_859 = arith.constant 3 : i32
      %swap3A_860 = arith.index_cast %swap3A_859 : i32 to index
      %swap3A_861 = arith.index_cast %scan3A_826 : i32 to index
      %swap3A_862 = arith.constant 32 : index
      %swap3A_863 = tpu.vector_load %arg8[%swap3A_860, %swap3A_861, %swap3A_862] {strides = array<i32>} : memref<4x128x64xf32, #tpu.memory_space<vmem>>, vector<1x1x16xf32>,
      %swap3A_864 = vector.shape_cast %swap3A_863 : vector<1x1x16xf32> to vector<16xf32>
      %swap3A_865 = vector.shape_cast %get3A_858 : vector<16xf32> to vector<1x1x16xf32>
      tpu.vector_store %arg8[%swap3A_860, %swap3A_861, %swap3A_862], %swap3A_865 {add = true, strides = array<i32>} : memref<4x128x64xf32, #tpu.memory_space<vmem>>, vector<1x1x16xf32>,
      %get3A_866 = arith.constant 3 : i32
      %get3A_867 = arith.index_cast %get3A_866 : i32 to index
      %get3A_868 = arith.index_cast %scan3A_826 : i32 to index
      %get3A_869 = arith.constant 48 : index
      %get3A_870 = tpu.vector_load %arg7[%get3A_867, %get3A_868, %get3A_869] {strides = array<i32>} : memref<4x128x64xf32, #tpu.memory_space<vmem>>, vector<1x1x16xf32>,
      %get3A_871 = vector.shape_cast %get3A_870 : vector<1x1x16xf32> to vector<16xf32>
      %swap3A_872 = arith.constant 3 : i32
      %swap3A_873 = arith.index_cast %swap3A_872 : i32 to index
      %swap3A_874 = arith.index_cast %scan3A_826 : i32 to index
      %swap3A_875 = arith.constant 48 : index
      %swap3A_876 = tpu.vector_load %arg8[%swap3A_873, %swap3A_874, %swap3A_875] {strides = array<i32>} : memref<4x128x64xf32, #tpu.memory_space<vmem>>, vector<1x1x16xf32>,
      %swap3A_877 = vector.shape_cast %swap3A_876 : vector<1x1x16xf32> to vector<16xf32>
      %swap3A_878 = vector.shape_cast %get3A_871 : vector<16xf32> to vector<1x1x16xf32>
      tpu.vector_store %arg8[%swap3A_873, %swap3A_874, %swap3A_875], %swap3A_878 {add = true, strides = array<i32>} : memref<4x128x64xf32, #tpu.memory_space<vmem>>, vector<1x1x16xf32>,
      %scan3A_879 = arith.constant 0 : i32
      %scan3A_880 = arith.constant 3 : i32
      %scan3A_881 = arith.addi %scan3A_717, %scan3A_880 : i32
      %get3A_882 = arith.constant 3 : i32
      %get3A_883 = arith.index_cast %get3A_882 : i32 to index
      %get3A_884 = arith.index_cast %scan3A_881 : i32 to index
      %get3A_885 = arith.constant 0 : index
      %get3A_886 = tpu.vector_load %arg7[%get3A_883, %get3A_884, %get3A_885] {strides = array<i32>} : memref<4x128x64xf32, #tpu.memory_space<vmem>>, vector<1x1x16xf32>,
      %get3A_887 = vector.shape_cast %get3A_886 : vector<1x1x16xf32> to vector<16xf32>
      %swap3A_888 = arith.constant 3 : i32
      %swap3A_889 = arith.index_cast %swap3A_888 : i32 to index
      %swap3A_890 = arith.index_cast %scan3A_881 : i32 to index
      %swap3A_891 = arith.constant 0 : index
      %swap3A_892 = tpu.vector_load %arg8[%swap3A_889, %swap3A_890, %swap3A_891] {strides = array<i32>} : memref<4x128x64xf32, #tpu.memory_space<vmem>>, vector<1x1x16xf32>,
      %swap3A_893 = vector.shape_cast %swap3A_892 : vector<1x1x16xf32> to vector<16xf32>
      %swap3A_894 = vector.shape_cast %get3A_887 : vector<16xf32> to vector<1x1x16xf32>
      tpu.vector_store %arg8[%swap3A_889, %swap3A_890, %swap3A_891], %swap3A_894 {add = true, strides = array<i32>} : memref<4x128x64xf32, #tpu.memory_space<vmem>>, vector<1x1x16xf32>,
      %get3A_895 = arith.constant 3 : i32
      %get3A_896 = arith.index_cast %get3A_895 : i32 to index
      %get3A_897 = arith.index_cast %scan3A_881 : i32 to index
      %get3A_898 = arith.constant 16 : index
      %get3A_899 = tpu.vector_load %arg7[%get3A_896, %get3A_897, %get3A_898] {strides = array<i32>} : memref<4x128x64xf32, #tpu.memory_space<vmem>>, vector<1x1x16xf32>,
      %get3A_900 = vector.shape_cast %get3A_899 : vector<1x1x16xf32> to vector<16xf32>
      %swap3A_901 = arith.constant 3 : i32
      %swap3A_902 = arith.index_cast %swap3A_901 : i32 to index
      %swap3A_903 = arith.index_cast %scan3A_881 : i32 to index
      %swap3A_904 = arith.constant 16 : index
      %swap3A_905 = tpu.vector_load %arg8[%swap3A_902, %swap3A_903, %swap3A_904] {strides = array<i32>} : memref<4x128x64xf32, #tpu.memory_space<vmem>>, vector<1x1x16xf32>,
      %swap3A_906 = vector.shape_cast %swap3A_905 : vector<1x1x16xf32> to vector<16xf32>
      %swap3A_907 = vector.shape_cast %get3A_900 : vector<16xf32> to vector<1x1x16xf32>
      tpu.vector_store %arg8[%swap3A_902, %swap3A_903, %swap3A_904], %swap3A_907 {add = true, strides = array<i32>} : memref<4x128x64xf32, #tpu.memory_space<vmem>>, vector<1x1x16xf32>,
      %get3A_908 = arith.constant 3 : i32
      %get3A_909 = arith.index_cast %get3A_908 : i32 to index
      %get3A_910 = arith.index_cast %scan3A_881 : i32 to index
      %get3A_911 = arith.constant 32 : index
      %get3A_912 = tpu.vector_load %arg7[%get3A_909, %get3A_910, %get3A_911] {strides = array<i32>} : memref<4x128x64xf32, #tpu.memory_space<vmem>>, vector<1x1x16xf32>,
      %get3A_913 = vector.shape_cast %get3A_912 : vector<1x1x16xf32> to vector<16xf32>
      %swap3A_914 = arith.constant 3 : i32
      %swap3A_915 = arith.index_cast %swap3A_914 : i32 to index
      %swap3A_916 = arith.index_cast %scan3A_881 : i32 to index
      %swap3A_917 = arith.constant 32 : index
      %swap3A_918 = tpu.vector_load %arg8[%swap3A_915, %swap3A_916, %swap3A_917] {strides = array<i32>} : memref<4x128x64xf32, #tpu.memory_space<vmem>>, vector<1x1x16xf32>,
      %swap3A_919 = vector.shape_cast %swap3A_918 : vector<1x1x16xf32> to vector<16xf32>
      %swap3A_920 = vector.shape_cast %get3A_913 : vector<16xf32> to vector<1x1x16xf32>
      tpu.vector_store %arg8[%swap3A_915, %swap3A_916, %swap3A_917], %swap3A_920 {add = true, strides = array<i32>} : memref<4x128x64xf32, #tpu.memory_space<vmem>>, vector<1x1x16xf32>,
      %get3A_921 = arith.constant 3 : i32
      %get3A_922 = arith.index_cast %get3A_921 : i32 to index
      %get3A_923 = arith.index_cast %scan3A_881 : i32 to index
      %get3A_924 = arith.constant 48 : index
      %get3A_925 = tpu.vector_load %arg7[%get3A_922, %get3A_923, %get3A_924] {strides = array<i32>} : memref<4x128x64xf32, #tpu.memory_space<vmem>>, vector<1x1x16xf32>,
      %get3A_926 = vector.shape_cast %get3A_925 : vector<1x1x16xf32> to vector<16xf32>
      %swap3A_927 = arith.constant 3 : i32
      %swap3A_928 = arith.index_cast %swap3A_927 : i32 to index
      %swap3A_929 = arith.index_cast %scan3A_881 : i32 to index
      %swap3A_930 = arith.constant 48 : index
      %swap3A_931 = tpu.vector_load %arg8[%swap3A_928, %swap3A_929, %swap3A_930] {strides = array<i32>} : memref<4x128x64xf32, #tpu.memory_space<vmem>>, vector<1x1x16xf32>,
      %swap3A_932 = vector.shape_cast %swap3A_931 : vector<1x1x16xf32> to vector<16xf32>
      %swap3A_933 = vector.shape_cast %get3A_926 : vector<16xf32> to vector<1x1x16xf32>
      tpu.vector_store %arg8[%swap3A_928, %swap3A_929, %swap3A_930], %swap3A_933 {add = true, strides = array<i32>} : memref<4x128x64xf32, #tpu.memory_space<vmem>>, vector<1x1x16xf32>,
      %scan3A_934 = arith.constant 0 : i32
      %scan3A_935 = arith.constant 4 : i32
      %scan3A_936 = arith.addi %scan3A_717, %scan3A_935 : i32
      %get3A_937 = arith.constant 3 : i32
      %get3A_938 = arith.index_cast %get3A_937 : i32 to index
      %get3A_939 = arith.index_cast %scan3A_936 : i32 to index
      %get3A_940 = arith.constant 0 : index
      %get3A_941 = tpu.vector_load %arg7[%get3A_938, %get3A_939, %get3A_940] {strides = array<i32>} : memref<4x128x64xf32, #tpu.memory_space<vmem>>, vector<1x1x16xf32>,
      %get3A_942 = vector.shape_cast %get3A_941 : vector<1x1x16xf32> to vector<16xf32>
      %swap3A_943 = arith.constant 3 : i32
      %swap3A_944 = arith.index_cast %swap3A_943 : i32 to index
      %swap3A_945 = arith.index_cast %scan3A_936 : i32 to index
      %swap3A_946 = arith.constant 0 : index
      %swap3A_947 = tpu.vector_load %arg8[%swap3A_944, %swap3A_945, %swap3A_946] {strides = array<i32>} : memref<4x128x64xf32, #tpu.memory_space<vmem>>, vector<1x1x16xf32>,
      %swap3A_948 = vector.shape_cast %swap3A_947 : vector<1x1x16xf32> to vector<16xf32>
      %swap3A_949 = vector.shape_cast %get3A_942 : vector<16xf32> to vector<1x1x16xf32>
      tpu.vector_store %arg8[%swap3A_944, %swap3A_945, %swap3A_946], %swap3A_949 {add = true, strides = array<i32>} : memref<4x128x64xf32, #tpu.memory_space<vmem>>, vector<1x1x16xf32>,
      %get3A_950 = arith.constant 3 : i32
      %get3A_951 = arith.index_cast %get3A_950 : i32 to index
      %get3A_952 = arith.index_cast %scan3A_936 : i32 to index
      %get3A_953 = arith.constant 16 : index
      %get3A_954 = tpu.vector_load %arg7[%get3A_951, %get3A_952, %get3A_953] {strides = array<i32>} : memref<4x128x64xf32, #tpu.memory_space<vmem>>, vector<1x1x16xf32>,
      %get3A_955 = vector.shape_cast %get3A_954 : vector<1x1x16xf32> to vector<16xf32>
      %swap3A_956 = arith.constant 3 : i32
      %swap3A_957 = arith.index_cast %swap3A_956 : i32 to index
      %swap3A_958 = arith.index_cast %scan3A_936 : i32 to index
      %swap3A_959 = arith.constant 16 : index
      %swap3A_960 = tpu.vector_load %arg8[%swap3A_957, %swap3A_958, %swap3A_959] {strides = array<i32>} : memref<4x128x64xf32, #tpu.memory_space<vmem>>, vector<1x1x16xf32>,
      %swap3A_961 = vector.shape_cast %swap3A_960 : vector<1x1x16xf32> to vector<16xf32>
      %swap3A_962 = vector.shape_cast %get3A_955 : vector<16xf32> to vector<1x1x16xf32>
      tpu.vector_store %arg8[%swap3A_957, %swap3A_958, %swap3A_959], %swap3A_962 {add = true, strides = array<i32>} : memref<4x128x64xf32, #tpu.memory_space<vmem>>, vector<1x1x16xf32>,
      %get3A_963 = arith.constant 3 : i32
      %get3A_964 = arith.index_cast %get3A_963 : i32 to index
      %get3A_965 = arith.index_cast %scan3A_936 : i32 to index
      %get3A_966 = arith.constant 32 : index
      %get3A_967 = tpu.vector_load %arg7[%get3A_964, %get3A_965, %get3A_966] {strides = array<i32>} : memref<4x128x64xf32, #tpu.memory_space<vmem>>, vector<1x1x16xf32>,
      %get3A_968 = vector.shape_cast %get3A_967 : vector<1x1x16xf32> to vector<16xf32>
      %swap3A_969 = arith.constant 3 : i32
      %swap3A_970 = arith.index_cast %swap3A_969 : i32 to index
      %swap3A_971 = arith.index_cast %scan3A_936 : i32 to index
      %swap3A_972 = arith.constant 32 : index
      %swap3A_973 = tpu.vector_load %arg8[%swap3A_970, %swap3A_971, %swap3A_972] {strides = array<i32>} : memref<4x128x64xf32, #tpu.memory_space<vmem>>, vector<1x1x16xf32>,
      %swap3A_974 = vector.shape_cast %swap3A_973 : vector<1x1x16xf32> to vector<16xf32>
      %swap3A_975 = vector.shape_cast %get3A_968 : vector<16xf32> to vector<1x1x16xf32>
      tpu.vector_store %arg8[%swap3A_970, %swap3A_971, %swap3A_972], %swap3A_975 {add = true, strides = array<i32>} : memref<4x128x64xf32, #tpu.memory_space<vmem>>, vector<1x1x16xf32>,
      %get3A_976 = arith.constant 3 : i32
      %get3A_977 = arith.index_cast %get3A_976 : i32 to index
      %get3A_978 = arith.index_cast %scan3A_936 : i32 to index
      %get3A_979 = arith.constant 48 : index
      %get3A_980 = tpu.vector_load %arg7[%get3A_977, %get3A_978, %get3A_979] {strides = array<i32>} : memref<4x128x64xf32, #tpu.memory_space<vmem>>, vector<1x1x16xf32>,
      %get3A_981 = vector.shape_cast %get3A_980 : vector<1x1x16xf32> to vector<16xf32>
      %swap3A_982 = arith.constant 3 : i32
      %swap3A_983 = arith.index_cast %swap3A_982 : i32 to index
      %swap3A_984 = arith.index_cast %scan3A_936 : i32 to index
      %swap3A_985 = arith.constant 48 : index
      %swap3A_986 = tpu.vector_load %arg8[%swap3A_983, %swap3A_984, %swap3A_985] {strides = array<i32>} : memref<4x128x64xf32, #tpu.memory_space<vmem>>, vector<1x1x16xf32>,
      %swap3A_987 = vector.shape_cast %swap3A_986 : vector<1x1x16xf32> to vector<16xf32>
      %swap3A_988 = vector.shape_cast %get3A_981 : vector<16xf32> to vector<1x1x16xf32>
      tpu.vector_store %arg8[%swap3A_983, %swap3A_984, %swap3A_985], %swap3A_988 {add = true, strides = array<i32>} : memref<4x128x64xf32, #tpu.memory_space<vmem>>, vector<1x1x16xf32>,
      %scan3A_989 = arith.constant 0 : i32
      %scan3A_990 = arith.constant 5 : i32
      %scan3A_991 = arith.addi %scan3A_717, %scan3A_990 : i32
      %get3A_992 = arith.constant 3 : i32
      %get3A_993 = arith.index_cast %get3A_992 : i32 to index
      %get3A_994 = arith.index_cast %scan3A_991 : i32 to index
      %get3A_995 = arith.constant 0 : index
      %get3A_996 = tpu.vector_load %arg7[%get3A_993, %get3A_994, %get3A_995] {strides = array<i32>} : memref<4x128x64xf32, #tpu.memory_space<vmem>>, vector<1x1x16xf32>,
      %get3A_997 = vector.shape_cast %get3A_996 : vector<1x1x16xf32> to vector<16xf32>
      %swap3A_998 = arith.constant 3 : i32
      %swap3A_999 = arith.index_cast %swap3A_998 : i32 to index
      %swap3A_1000 = arith.index_cast %scan3A_991 : i32 to index
      %swap3A_1001 = arith.constant 0 : index
      %swap3A_1002 = tpu.vector_load %arg8[%swap3A_999, %swap3A_1000, %swap3A_1001] {strides = array<i32>} : memref<4x128x64xf32, #tpu.memory_space<vmem>>, vector<1x1x16xf32>,
      %swap3A_1003 = vector.shape_cast %swap3A_1002 : vector<1x1x16xf32> to vector<16xf32>
      %swap3A_1004 = vector.shape_cast %get3A_997 : vector<16xf32> to vector<1x1x16xf32>
      tpu.vector_store %arg8[%swap3A_999, %swap3A_1000, %swap3A_1001], %swap3A_1004 {add = true, strides = array<i32>} : memref<4x128x64xf32, #tpu.memory_space<vmem>>, vector<1x1x16xf32>,
      %get3A_1005 = arith.constant 3 : i32
      %get3A_1006 = arith.index_cast %get3A_1005 : i32 to index
      %get3A_1007 = arith.index_cast %scan3A_991 : i32 to index
      %get3A_1008 = arith.constant 16 : index
      %get3A_1009 = tpu.vector_load %arg7[%get3A_1006, %get3A_1007, %get3A_1008] {strides = array<i32>} : memref<4x128x64xf32, #tpu.memory_space<vmem>>, vector<1x1x16xf32>,
      %get3A_1010 = vector.shape_cast %get3A_1009 : vector<1x1x16xf32> to vector<16xf32>
      %swap3A_1011 = arith.constant 3 : i32
      %swap3A_1012 = arith.index_cast %swap3A_1011 : i32 to index
      %swap3A_1013 = arith.index_cast %scan3A_991 : i32 to index
      %swap3A_1014 = arith.constant 16 : index
      %swap3A_1015 = tpu.vector_load %arg8[%swap3A_1012, %swap3A_1013, %swap3A_1014] {strides = array<i32>} : memref<4x128x64xf32, #tpu.memory_space<vmem>>, vector<1x1x16xf32>,
      %swap3A_1016 = vector.shape_cast %swap3A_1015 : vector<1x1x16xf32> to vector<16xf32>
      %swap3A_1017 = vector.shape_cast %get3A_1010 : vector<16xf32> to vector<1x1x16xf32>
      tpu.vector_store %arg8[%swap3A_1012, %swap3A_1013, %swap3A_1014], %swap3A_1017 {add = true, strides = array<i32>} : memref<4x128x64xf32, #tpu.memory_space<vmem>>, vector<1x1x16xf32>,
      %get3A_1018 = arith.constant 3 : i32
      %get3A_1019 = arith.index_cast %get3A_1018 : i32 to index
      %get3A_1020 = arith.index_cast %scan3A_991 : i32 to index
      %get3A_1021 = arith.constant 32 : index
      %get3A_1022 = tpu.vector_load %arg7[%get3A_1019, %get3A_1020, %get3A_1021] {strides = array<i32>} : memref<4x128x64xf32, #tpu.memory_space<vmem>>, vector<1x1x16xf32>,
      %get3A_1023 = vector.shape_cast %get3A_1022 : vector<1x1x16xf32> to vector<16xf32>
      %swap3A_1024 = arith.constant 3 : i32
      %swap3A_1025 = arith.index_cast %swap3A_1024 : i32 to index
      %swap3A_1026 = arith.index_cast %scan3A_991 : i32 to index
      %swap3A_1027 = arith.constant 32 : index
      %swap3A_1028 = tpu.vector_load %arg8[%swap3A_1025, %swap3A_1026, %swap3A_1027] {strides = array<i32>} : memref<4x128x64xf32, #tpu.memory_space<vmem>>, vector<1x1x16xf32>,
      %swap3A_1029 = vector.shape_cast %swap3A_1028 : vector<1x1x16xf32> to vector<16xf32>
      %swap3A_1030 = vector.shape_cast %get3A_1023 : vector<16xf32> to vector<1x1x16xf32>
      tpu.vector_store %arg8[%swap3A_1025, %swap3A_1026, %swap3A_1027], %swap3A_1030 {add = true, strides = array<i32>} : memref<4x128x64xf32, #tpu.memory_space<vmem>>, vector<1x1x16xf32>,
      %get3A_1031 = arith.constant 3 : i32
      %get3A_1032 = arith.index_cast %get3A_1031 : i32 to index
      %get3A_1033 = arith.index_cast %scan3A_991 : i32 to index
      %get3A_1034 = arith.constant 48 : index
      %get3A_1035 = tpu.vector_load %arg7[%get3A_1032, %get3A_1033, %get3A_1034] {strides = array<i32>} : memref<4x128x64xf32, #tpu.memory_space<vmem>>, vector<1x1x16xf32>,
      %get3A_1036 = vector.shape_cast %get3A_1035 : vector<1x1x16xf32> to vector<16xf32>
      %swap3A_1037 = arith.constant 3 : i32
      %swap3A_1038 = arith.index_cast %swap3A_1037 : i32 to index
      %swap3A_1039 = arith.index_cast %scan3A_991 : i32 to index
      %swap3A_1040 = arith.constant 48 : index
      %swap3A_1041 = tpu.vector_load %arg8[%swap3A_1038, %swap3A_1039, %swap3A_1040] {strides = array<i32>} : memref<4x128x64xf32, #tpu.memory_space<vmem>>, vector<1x1x16xf32>,
      %swap3A_1042 = vector.shape_cast %swap3A_1041 : vector<1x1x16xf32> to vector<16xf32>
      %swap3A_1043 = vector.shape_cast %get3A_1036 : vector<16xf32> to vector<1x1x16xf32>
      tpu.vector_store %arg8[%swap3A_1038, %swap3A_1039, %swap3A_1040], %swap3A_1043 {add = true, strides = array<i32>} : memref<4x128x64xf32, #tpu.memory_space<vmem>>, vector<1x1x16xf32>,
      %scan3A_1044 = arith.constant 0 : i32
      %scan3A_1045 = arith.constant 6 : i32
      %scan3A_1046 = arith.addi %scan3A_717, %scan3A_1045 : i32
      %get3A_1047 = arith.constant 3 : i32
      %get3A_1048 = arith.index_cast %get3A_1047 : i32 to index
      %get3A_1049 = arith.index_cast %scan3A_1046 : i32 to index
      %get3A_1050 = arith.constant 0 : index
      %get3A_1051 = tpu.vector_load %arg7[%get3A_1048, %get3A_1049, %get3A_1050] {strides = array<i32>} : memref<4x128x64xf32, #tpu.memory_space<vmem>>, vector<1x1x16xf32>,
      %get3A_1052 = vector.shape_cast %get3A_1051 : vector<1x1x16xf32> to vector<16xf32>
      %swap3A_1053 = arith.constant 3 : i32
      %swap3A_1054 = arith.index_cast %swap3A_1053 : i32 to index
      %swap3A_1055 = arith.index_cast %scan3A_1046 : i32 to index
      %swap3A_1056 = arith.constant 0 : index
      %swap3A_1057 = tpu.vector_load %arg8[%swap3A_1054, %swap3A_1055, %swap3A_1056] {strides = array<i32>} : memref<4x128x64xf32, #tpu.memory_space<vmem>>, vector<1x1x16xf32>,
      %swap3A_1058 = vector.shape_cast %swap3A_1057 : vector<1x1x16xf32> to vector<16xf32>
      %swap3A_1059 = vector.shape_cast %get3A_1052 : vector<16xf32> to vector<1x1x16xf32>
      tpu.vector_store %arg8[%swap3A_1054, %swap3A_1055, %swap3A_1056], %swap3A_1059 {add = true, strides = array<i32>} : memref<4x128x64xf32, #tpu.memory_space<vmem>>, vector<1x1x16xf32>,
      %get3A_1060 = arith.constant 3 : i32
      %get3A_1061 = arith.index_cast %get3A_1060 : i32 to index
      %get3A_1062 = arith.index_cast %scan3A_1046 : i32 to index
      %get3A_1063 = arith.constant 16 : index
      %get3A_1064 = tpu.vector_load %arg7[%get3A_1061, %get3A_1062, %get3A_1063] {strides = array<i32>} : memref<4x128x64xf32, #tpu.memory_space<vmem>>, vector<1x1x16xf32>,
      %get3A_1065 = vector.shape_cast %get3A_1064 : vector<1x1x16xf32> to vector<16xf32>
      %swap3A_1066 = arith.constant 3 : i32
      %swap3A_1067 = arith.index_cast %swap3A_1066 : i32 to index
      %swap3A_1068 = arith.index_cast %scan3A_1046 : i32 to index
      %swap3A_1069 = arith.constant 16 : index
      %swap3A_1070 = tpu.vector_load %arg8[%swap3A_1067, %swap3A_1068, %swap3A_1069] {strides = array<i32>} : memref<4x128x64xf32, #tpu.memory_space<vmem>>, vector<1x1x16xf32>,
      %swap3A_1071 = vector.shape_cast %swap3A_1070 : vector<1x1x16xf32> to vector<16xf32>
      %swap3A_1072 = vector.shape_cast %get3A_1065 : vector<16xf32> to vector<1x1x16xf32>
      tpu.vector_store %arg8[%swap3A_1067, %swap3A_1068, %swap3A_1069], %swap3A_1072 {add = true, strides = array<i32>} : memref<4x128x64xf32, #tpu.memory_space<vmem>>, vector<1x1x16xf32>,
      %get3A_1073 = arith.constant 3 : i32
      %get3A_1074 = arith.index_cast %get3A_1073 : i32 to index
      %get3A_1075 = arith.index_cast %scan3A_1046 : i32 to index
      %get3A_1076 = arith.constant 32 : index
      %get3A_1077 = tpu.vector_load %arg7[%get3A_1074, %get3A_1075, %get3A_1076] {strides = array<i32>} : memref<4x128x64xf32, #tpu.memory_space<vmem>>, vector<1x1x16xf32>,
      %get3A_1078 = vector.shape_cast %get3A_1077 : vector<1x1x16xf32> to vector<16xf32>
      %swap3A_1079 = arith.constant 3 : i32
      %swap3A_1080 = arith.index_cast %swap3A_1079 : i32 to index
      %swap3A_1081 = arith.index_cast %scan3A_1046 : i32 to index
      %swap3A_1082 = arith.constant 32 : index
      %swap3A_1083 = tpu.vector_load %arg8[%swap3A_1080, %swap3A_1081, %swap3A_1082] {strides = array<i32>} : memref<4x128x64xf32, #tpu.memory_space<vmem>>, vector<1x1x16xf32>,
      %swap3A_1084 = vector.shape_cast %swap3A_1083 : vector<1x1x16xf32> to vector<16xf32>
      %swap3A_1085 = vector.shape_cast %get3A_1078 : vector<16xf32> to vector<1x1x16xf32>
      tpu.vector_store %arg8[%swap3A_1080, %swap3A_1081, %swap3A_1082], %swap3A_1085 {add = true, strides = array<i32>} : memref<4x128x64xf32, #tpu.memory_space<vmem>>, vector<1x1x16xf32>,
      %get3A_1086 = arith.constant 3 : i32
      %get3A_1087 = arith.index_cast %get3A_1086 : i32 to index
      %get3A_1088 = arith.index_cast %scan3A_1046 : i32 to index
      %get3A_1089 = arith.constant 48 : index
      %get3A_1090 = tpu.vector_load %arg7[%get3A_1087, %get3A_1088, %get3A_1089] {strides = array<i32>} : memref<4x128x64xf32, #tpu.memory_space<vmem>>, vector<1x1x16xf32>,
      %get3A_1091 = vector.shape_cast %get3A_1090 : vector<1x1x16xf32> to vector<16xf32>
      %swap3A_1092 = arith.constant 3 : i32
      %swap3A_1093 = arith.index_cast %swap3A_1092 : i32 to index
      %swap3A_1094 = arith.index_cast %scan3A_1046 : i32 to index
      %swap3A_1095 = arith.constant 48 : index
      %swap3A_1096 = tpu.vector_load %arg8[%swap3A_1093, %swap3A_1094, %swap3A_1095] {strides = array<i32>} : memref<4x128x64xf32, #tpu.memory_space<vmem>>, vector<1x1x16xf32>,
      %swap3A_1097 = vector.shape_cast %swap3A_1096 : vector<1x1x16xf32> to vector<16xf32>
      %swap3A_1098 = vector.shape_cast %get3A_1091 : vector<16xf32> to vector<1x1x16xf32>
      tpu.vector_store %arg8[%swap3A_1093, %swap3A_1094, %swap3A_1095], %swap3A_1098 {add = true, strides = array<i32>} : memref<4x128x64xf32, #tpu.memory_space<vmem>>, vector<1x1x16xf32>,
      %scan3A_1099 = arith.constant 0 : i32
      %scan3A_1100 = arith.constant 7 : i32
      %scan3A_1101 = arith.addi %scan3A_717, %scan3A_1100 : i32
      %get3A_1102 = arith.constant 3 : i32
      %get3A_1103 = arith.index_cast %get3A_1102 : i32 to index
      %get3A_1104 = arith.index_cast %scan3A_1101 : i32 to index
      %get3A_1105 = arith.constant 0 : index
      %get3A_1106 = tpu.vector_load %arg7[%get3A_1103, %get3A_1104, %get3A_1105] {strides = array<i32>} : memref<4x128x64xf32, #tpu.memory_space<vmem>>, vector<1x1x16xf32>,
      %get3A_1107 = vector.shape_cast %get3A_1106 : vector<1x1x16xf32> to vector<16xf32>
      %swap3A_1108 = arith.constant 3 : i32
      %swap3A_1109 = arith.index_cast %swap3A_1108 : i32 to index
      %swap3A_1110 = arith.index_cast %scan3A_1101 : i32 to index
      %swap3A_1111 = arith.constant 0 : index
      %swap3A_1112 = tpu.vector_load %arg8[%swap3A_1109, %swap3A_1110, %swap3A_1111] {strides = array<i32>} : memref<4x128x64xf32, #tpu.memory_space<vmem>>, vector<1x1x16xf32>,
      %swap3A_1113 = vector.shape_cast %swap3A_1112 : vector<1x1x16xf32> to vector<16xf32>
      %swap3A_1114 = vector.shape_cast %get3A_1107 : vector<16xf32> to vector<1x1x16xf32>
      tpu.vector_store %arg8[%swap3A_1109, %swap3A_1110, %swap3A_1111], %swap3A_1114 {add = true, strides = array<i32>} : memref<4x128x64xf32, #tpu.memory_space<vmem>>, vector<1x1x16xf32>,
      %get3A_1115 = arith.constant 3 : i32
      %get3A_1116 = arith.index_cast %get3A_1115 : i32 to index
      %get3A_1117 = arith.index_cast %scan3A_1101 : i32 to index
      %get3A_1118 = arith.constant 16 : index
      %get3A_1119 = tpu.vector_load %arg7[%get3A_1116, %get3A_1117, %get3A_1118] {strides = array<i32>} : memref<4x128x64xf32, #tpu.memory_space<vmem>>, vector<1x1x16xf32>,
      %get3A_1120 = vector.shape_cast %get3A_1119 : vector<1x1x16xf32> to vector<16xf32>
      %swap3A_1121 = arith.constant 3 : i32
      %swap3A_1122 = arith.index_cast %swap3A_1121 : i32 to index
      %swap3A_1123 = arith.index_cast %scan3A_1101 : i32 to index
      %swap3A_1124 = arith.constant 16 : index
      %swap3A_1125 = tpu.vector_load %arg8[%swap3A_1122, %swap3A_1123, %swap3A_1124] {strides = array<i32>} : memref<4x128x64xf32, #tpu.memory_space<vmem>>, vector<1x1x16xf32>,
      %swap3A_1126 = vector.shape_cast %swap3A_1125 : vector<1x1x16xf32> to vector<16xf32>
      %swap3A_1127 = vector.shape_cast %get3A_1120 : vector<16xf32> to vector<1x1x16xf32>
      tpu.vector_store %arg8[%swap3A_1122, %swap3A_1123, %swap3A_1124], %swap3A_1127 {add = true, strides = array<i32>} : memref<4x128x64xf32, #tpu.memory_space<vmem>>, vector<1x1x16xf32>,
      %get3A_1128 = arith.constant 3 : i32
      %get3A_1129 = arith.index_cast %get3A_1128 : i32 to index
      %get3A_1130 = arith.index_cast %scan3A_1101 : i32 to index
      %get3A_1131 = arith.constant 32 : index
      %get3A_1132 = tpu.vector_load %arg7[%get3A_1129, %get3A_1130, %get3A_1131] {strides = array<i32>} : memref<4x128x64xf32, #tpu.memory_space<vmem>>, vector<1x1x16xf32>,
      %get3A_1133 = vector.shape_cast %get3A_1132 : vector<1x1x16xf32> to vector<16xf32>
      %swap3A_1134 = arith.constant 3 : i32
      %swap3A_1135 = arith.index_cast %swap3A_1134 : i32 to index
      %swap3A_1136 = arith.index_cast %scan3A_1101 : i32 to index
      %swap3A_1137 = arith.constant 32 : index
      %swap3A_1138 = tpu.vector_load %arg8[%swap3A_1135, %swap3A_1136, %swap3A_1137] {strides = array<i32>} : memref<4x128x64xf32, #tpu.memory_space<vmem>>, vector<1x1x16xf32>,
      %swap3A_1139 = vector.shape_cast %swap3A_1138 : vector<1x1x16xf32> to vector<16xf32>
      %swap3A_1140 = vector.shape_cast %get3A_1133 : vector<16xf32> to vector<1x1x16xf32>
      tpu.vector_store %arg8[%swap3A_1135, %swap3A_1136, %swap3A_1137], %swap3A_1140 {add = true, strides = array<i32>} : memref<4x128x64xf32, #tpu.memory_space<vmem>>, vector<1x1x16xf32>,
      %get3A_1141 = arith.constant 3 : i32
      %get3A_1142 = arith.index_cast %get3A_1141 : i32 to index
      %get3A_1143 = arith.index_cast %scan3A_1101 : i32 to index
      %get3A_1144 = arith.constant 48 : index
      %get3A_1145 = tpu.vector_load %arg7[%get3A_1142, %get3A_1143, %get3A_1144] {strides = array<i32>} : memref<4x128x64xf32, #tpu.memory_space<vmem>>, vector<1x1x16xf32>,
      %get3A_1146 = vector.shape_cast %get3A_1145 : vector<1x1x16xf32> to vector<16xf32>
      %swap3A_1147 = arith.constant 3 : i32
      %swap3A_1148 = arith.index_cast %swap3A_1147 : i32 to index
      %swap3A_1149 = arith.index_cast %scan3A_1101 : i32 to index
      %swap3A_1150 = arith.constant 48 : index
      %swap3A_1151 = tpu.vector_load %arg8[%swap3A_1148, %swap3A_1149, %swap3A_1150] {strides = array<i32>} : memref<4x128x64xf32, #tpu.memory_space<vmem>>, vector<1x1x16xf32>,
      %swap3A_1152 = vector.shape_cast %swap3A_1151 : vector<1x1x16xf32> to vector<16xf32>
      %swap3A_1153 = vector.shape_cast %get3A_1146 : vector<16xf32> to vector<1x1x16xf32>
      tpu.vector_store %arg8[%swap3A_1148, %swap3A_1149, %swap3A_1150], %swap3A_1153 {add = true, strides = array<i32>} : memref<4x128x64xf32, #tpu.memory_space<vmem>>, vector<1x1x16xf32>,
      %scan3A_1154 = arith.constant 0 : i32
      scf.yield %scan3A_1154 : i32
    }
    %scan3A_374 = arith.constant 128 : i32
    %add3A_375 = arith.constant 384 : i32
    %add3A_376 = arith.addi %multiple_of3A, %add3A_375 : i32
    %multiple_of3A_377 = tpu.assume_multiple %add3A_376, 128 : i32
    %dma_start3A_378 = arith.constant 3 : i32
    %dma_start3A_379 = arith.constant 0 : i32
    %dma_start3A_380 = arith.constant 0 : i32
    %dma_start3A_381 = tpu.memref_slice %arg8[%dma_start3A_378, %dma_start3A_379, %dma_start3A_380] : memref<4x128x64xf32, #tpu.memory_space<vmem>> -> memref<1x128x64xf32, #tpu.memory_space<vmem>>
    %dma_start3A_382 = tpu.memref_squeeze %dma_start3A_381 : memref<1x128x64xf32, #tpu.memory_space<vmem>> -> memref<128x64xf32, #tpu.memory_space<vmem>>
    %dma_start3A_383 = arith.constant 0 : i32
    %dma_start3A_384 = tpu.memref_slice %arg5[%multiple_of3A_377, %dma_start3A_383] : memref<32768x64xf32, #tpu.memory_space<hbm>> -> memref<128x64xf32, #tpu.memory_space<hbm>>
    %dma_start3A_385 = arith.constant 0 : i32
    %dma_start3A_386 = tpu.memref_slice %arg5[%multiple_of3A_377, %dma_start3A_385] : memref<32768x64xf32, #tpu.memory_space<hbm>> -> memref<128x64xf32, #tpu.memory_space<hbm>>
    %dma_start3A_387 = arith.constant 0 : i32
    %dma_start3A_388 = arith.constant 0 : i32
    %dma_start3A_389 = tpu.memref_slice %arg8[%dma_start3A_378, %dma_start3A_387, %dma_start3A_388] : memref<4x128x64xf32, #tpu.memory_space<vmem>> -> memref<1x128x64xf32, #tpu.memory_space<vmem>>
    %dma_start3A_390 = tpu.memref_squeeze %dma_start3A_389 : memref<1x128x64xf32, #tpu.memory_space<vmem>> -> memref<128x64xf32, #tpu.memory_space<vmem>>
    tpu.enqueue_dma source(%dma_start3A_390 : memref<128x64xf32, #tpu.memory_space<vmem>>) target(%dma_start3A_386 : memref<128x64xf32, #tpu.memory_space<hbm>>) target_semaphore(%arg10 : memref<!tpu.dma_semaphore, #tpu.memory_space<semaphore_mem>>)
    %dma_wait3A_391 = arith.constant 2 : i32
    %dma_wait3A_392 = arith.constant 0 : i32
    %dma_wait3A_393 = arith.constant 0 : i32
    %dma_wait3A_394 = tpu.memref_slice %arg8[%dma_wait3A_391, %dma_wait3A_392, %dma_wait3A_393] : memref<4x128x64xf32, #tpu.memory_space<vmem>> -> memref<1x128x64xf32, #tpu.memory_space<vmem>>
    %dma_wait3A_395 = tpu.memref_squeeze %dma_wait3A_394 : memref<1x128x64xf32, #tpu.memory_space<vmem>> -> memref<128x64xf32, #tpu.memory_space<vmem>>
    %dma_wait3A_396 = arith.constant 0 : i32
    %dma_wait3A_397 = tpu.memref_slice %arg5[%multiple_of3A_288, %dma_wait3A_396] : memref<32768x64xf32, #tpu.memory_space<hbm>> -> memref<128x64xf32, #tpu.memory_space<hbm>>
    %dma_wait3A_398 = arith.constant 0 : i32
    %dma_wait3A_399 = tpu.memref_slice %arg5[%multiple_of3A_288, %dma_wait3A_398] : memref<32768x64xf32, #tpu.memory_space<hbm>> -> memref<128x64xf32, #tpu.memory_space<hbm>>
    %dma_wait3A_400 = arith.constant 0 : i32
    %dma_wait3A_401 = arith.constant 0 : i32
    %dma_wait3A_402 = tpu.memref_slice %arg8[%dma_wait3A_391, %dma_wait3A_400, %dma_wait3A_401] : memref<4x128x64xf32, #tpu.memory_space<vmem>> -> memref<1x128x64xf32, #tpu.memory_space<vmem>>
    %dma_wait3A_403 = tpu.memref_squeeze %dma_wait3A_402 : memref<1x128x64xf32, #tpu.memory_space<vmem>> -> memref<128x64xf32, #tpu.memory_space<vmem>>
    tpu.wait_dma2 semaphore(%arg10 : memref<!tpu.dma_semaphore, #tpu.memory_space<semaphore_mem>>) src(%dma_wait3A_403 : memref<128x64xf32, #tpu.memory_space<vmem>>) dst(%dma_wait3A_399 : memref<128x64xf32, #tpu.memory_space<hbm>>)
    %dma_start3A_404 = arith.constant 6 : i32
    %dma_start3A_405 = arith.constant 2 : i32
    %dma_start3A_406 = arith.constant 0 : i32
    %dma_start3A_407 = arith.constant 0 : i32
    %dma_start3A_408 = tpu.memref_slice %arg7[%dma_start3A_405, %dma_start3A_406, %dma_start3A_407] : memref<4x128x64xf32, #tpu.memory_space<vmem>> -> memref<1x128x64xf32, #tpu.memory_space<vmem>>
    %dma_start3A_409 = tpu.memref_squeeze %dma_start3A_408 : memref<1x128x64xf32, #tpu.memory_space<vmem>> -> memref<128x64xf32, #tpu.memory_space<vmem>>
    %dma_start3A_410 = arith.constant 0 : i32
    %dma_start3A_411 = tpu.memref_slice %arg6[%dma_start3A_404, %dma_start3A_410] : memref<8x128xi32, #tpu.memory_space<vmem>> -> memref<1x128xi32, #tpu.memory_space<vmem>>
    %dma_start3A_412 = tpu.memref_squeeze %dma_start3A_411 : memref<1x128xi32, #tpu.memory_space<vmem>> -> memref<128xi32, #tpu.memory_space<vmem>>
    %dma_start3A_413 = arith.constant 0 : i32
    %dma_start3A_414 = arith.constant 0 : i32
    %dma_start3A_415 = tpu.memref_slice %arg3[%dma_start3A_413, %dma_start3A_414] : memref<100000x64xf32, #tpu.memory_space<hbm>> -> memref<100000x64xf32, #tpu.memory_space<hbm>>
    tpu.enqueue_indirect_dma source(%dma_start3A_415 : memref<100000x64xf32, #tpu.memory_space<hbm>>) target(%dma_start3A_409 : memref<128x64xf32, #tpu.memory_space<vmem>>) offsets(%dma_start3A_412 : memref<128xi32, #tpu.memory_space<vmem>>) semaphore(%arg9 : memref<!tpu.dma_semaphore, #tpu.memory_space<semaphore_mem>>)
    %add3A_416 = arith.constant 768 : i32
    %add3A_417 = arith.addi %multiple_of3A_4, %add3A_416 : i32
    %multiple_of3A_418 = tpu.assume_multiple %add3A_417, 128 : i32
    %dma_start3A_419 = arith.constant 2 : i32
    %dma_start3A_420 = arith.constant 0 : i32
    %dma_start3A_421 = arith.constant 0 : i32
    %dma_start3A_422 = tpu.memref_slice %arg8[%dma_start3A_419, %dma_start3A_420, %dma_start3A_421] : memref<4x128x64xf32, #tpu.memory_space<vmem>> -> memref<1x128x64xf32, #tpu.memory_space<vmem>>
    %dma_start3A_423 = tpu.memref_squeeze %dma_start3A_422 : memref<1x128x64xf32, #tpu.memory_space<vmem>> -> memref<128x64xf32, #tpu.memory_space<vmem>>
    %dma_start3A_424 = arith.constant 0 : i32
    %dma_start3A_425 = tpu.memref_slice %arg4[%multiple_of3A_418, %dma_start3A_424] : memref<8192x64xf32, #tpu.memory_space<hbm>> -> memref<128x64xf32, #tpu.memory_space<hbm>>
    %dma_start3A_426 = arith.constant 0 : i32
    %dma_start3A_427 = arith.constant 0 : i32
    %dma_start3A_428 = tpu.memref_slice %arg8[%dma_start3A_419, %dma_start3A_426, %dma_start3A_427] : memref<4x128x64xf32, #tpu.memory_space<vmem>> -> memref<1x128x64xf32, #tpu.memory_space<vmem>>
    %dma_start3A_429 = tpu.memref_squeeze %dma_start3A_428 : memref<1x128x64xf32, #tpu.memory_space<vmem>> -> memref<128x64xf32, #tpu.memory_space<vmem>>
    %dma_start3A_430 = arith.constant 0 : i32
    %dma_start3A_431 = tpu.memref_slice %arg4[%multiple_of3A_418, %dma_start3A_430] : memref<8192x64xf32, #tpu.memory_space<hbm>> -> memref<128x64xf32, #tpu.memory_space<hbm>>
    tpu.enqueue_dma source(%dma_start3A_431 : memref<128x64xf32, #tpu.memory_space<hbm>>) target(%dma_start3A_429 : memref<128x64xf32, #tpu.memory_space<vmem>>) target_semaphore(%arg11 : memref<!tpu.dma_semaphore, #tpu.memory_space<semaphore_mem>>)
    %dma_wait3A_432 = arith.constant 4 : i32
    %dma_wait3A_433 = arith.constant 0 : i32
    %dma_wait3A_434 = arith.constant 0 : i32
    %dma_wait3A_435 = arith.constant 0 : i32
    %dma_wait3A_436 = tpu.memref_slice %arg7[%dma_wait3A_433, %dma_wait3A_434, %dma_wait3A_435] : memref<4x128x64xf32, #tpu.memory_space<vmem>> -> memref<1x128x64xf32, #tpu.memory_space<vmem>>
    %dma_wait3A_437 = tpu.memref_squeeze %dma_wait3A_436 : memref<1x128x64xf32, #tpu.memory_space<vmem>> -> memref<128x64xf32, #tpu.memory_space<vmem>>
    %dma_wait3A_438 = arith.constant 0 : i32
    %dma_wait3A_439 = tpu.memref_slice %arg6[%dma_wait3A_432, %dma_wait3A_438] : memref<8x128xi32, #tpu.memory_space<vmem>> -> memref<1x128xi32, #tpu.memory_space<vmem>>
    %dma_wait3A_440 = tpu.memref_squeeze %dma_wait3A_439 : memref<1x128xi32, #tpu.memory_space<vmem>> -> memref<128xi32, #tpu.memory_space<vmem>>
    %dma_wait3A_441 = arith.constant 0 : i32
    %dma_wait3A_442 = arith.constant 0 : i32
    %dma_wait3A_443 = tpu.memref_slice %arg3[%dma_wait3A_441, %dma_wait3A_442] : memref<100000x64xf32, #tpu.memory_space<hbm>> -> memref<100000x64xf32, #tpu.memory_space<hbm>>
    tpu.wait_indirect_dma semaphore(%arg9 : memref<!tpu.dma_semaphore, #tpu.memory_space<semaphore_mem>>) src(%dma_wait3A_443 : memref<100000x64xf32, #tpu.memory_space<hbm>>) dst(%dma_wait3A_437 : memref<128x64xf32, #tpu.memory_space<vmem>>)
    %dma_wait3A_444 = arith.constant 0 : i32
    %dma_wait3A_445 = arith.constant 0 : i32
    %dma_wait3A_446 = arith.constant 0 : i32
    %dma_wait3A_447 = tpu.memref_slice %arg8[%dma_wait3A_444, %dma_wait3A_445, %dma_wait3A_446] : memref<4x128x64xf32, #tpu.memory_space<vmem>> -> memref<1x128x64xf32, #tpu.memory_space<vmem>>
    %dma_wait3A_448 = tpu.memref_squeeze %dma_wait3A_447 : memref<1x128x64xf32, #tpu.memory_space<vmem>> -> memref<128x64xf32, #tpu.memory_space<vmem>>
    %dma_wait3A_449 = arith.constant 0 : i32
    %dma_wait3A_450 = tpu.memref_slice %arg4[%multiple_of3A_240, %dma_wait3A_449] : memref<8192x64xf32, #tpu.memory_space<hbm>> -> memref<128x64xf32, #tpu.memory_space<hbm>>
    %dma_wait3A_451 = arith.constant 0 : i32
    %dma_wait3A_452 = arith.constant 0 : i32
    %dma_wait3A_453 = tpu.memref_slice %arg8[%dma_wait3A_444, %dma_wait3A_451, %dma_wait3A_452] : memref<4x128x64xf32, #tpu.memory_space<vmem>> -> memref<1x128x64xf32, #tpu.memory_space<vmem>>
    %dma_wait3A_454 = tpu.memref_squeeze %dma_wait3A_453 : memref<1x128x64xf32, #tpu.memory_space<vmem>> -> memref<128x64xf32, #tpu.memory_space<vmem>>
    %dma_wait3A_455 = arith.constant 0 : i32
    %dma_wait3A_456 = tpu.memref_slice %arg4[%multiple_of3A_240, %dma_wait3A_455] : memref<8192x64xf32, #tpu.memory_space<hbm>> -> memref<128x64xf32, #tpu.memory_space<hbm>>
    tpu.wait_dma2 semaphore(%arg11 : memref<!tpu.dma_semaphore, #tpu.memory_space<semaphore_mem>>) src(%dma_wait3A_456 : memref<128x64xf32, #tpu.memory_space<hbm>>) dst(%dma_wait3A_454 : memref<128x64xf32, #tpu.memory_space<vmem>>)
    %scan3A_457 = arith.constant 0 : i32
    %scan3A_458 = arith.constant 0 : i32
    %scan3A_459 = arith.constant 128 : i32
    %scan3A_460 = arith.addi %scan3A_458, %scan3A_459 : i32
    %scan3A_461 = arith.constant 8 : i32
    %scan3A_462 = scf.for %scan3A_717 = %scan3A_458 to %scan3A_460 step %scan3A_461 iter_args(%scan3A_718 = %scan3A_457) -> (i32)  : i32 {
      %get3A = arith.constant 0 : i32
      %get3A_719 = arith.index_cast %get3A : i32 to index
      %get3A_720 = arith.index_cast %scan3A_717 : i32 to index
      %get3A_721 = arith.constant 0 : index
      %get3A_722 = tpu.vector_load %arg7[%get3A_719, %get3A_720, %get3A_721] {strides = array<i32>} : memref<4x128x64xf32, #tpu.memory_space<vmem>>, vector<1x1x16xf32>,
      %get3A_723 = vector.shape_cast %get3A_722 : vector<1x1x16xf32> to vector<16xf32>
      %swap3A = arith.constant 0 : i32
      %swap3A_724 = arith.index_cast %swap3A : i32 to index
      %swap3A_725 = arith.index_cast %scan3A_717 : i32 to index
      %swap3A_726 = arith.constant 0 : index
      %swap3A_727 = tpu.vector_load %arg8[%swap3A_724, %swap3A_725, %swap3A_726] {strides = array<i32>} : memref<4x128x64xf32, #tpu.memory_space<vmem>>, vector<1x1x16xf32>,
      %swap3A_728 = vector.shape_cast %swap3A_727 : vector<1x1x16xf32> to vector<16xf32>
      %swap3A_729 = vector.shape_cast %get3A_723 : vector<16xf32> to vector<1x1x16xf32>
      tpu.vector_store %arg8[%swap3A_724, %swap3A_725, %swap3A_726], %swap3A_729 {add = true, strides = array<i32>} : memref<4x128x64xf32, #tpu.memory_space<vmem>>, vector<1x1x16xf32>,
      %get3A_730 = arith.constant 0 : i32
      %get3A_731 = arith.index_cast %get3A_730 : i32 to index
      %get3A_732 = arith.index_cast %scan3A_717 : i32 to index
      %get3A_733 = arith.constant 16 : index
      %get3A_734 = tpu.vector_load %arg7[%get3A_731, %get3A_732, %get3A_733] {strides = array<i32>} : memref<4x128x64xf32, #tpu.memory_space<vmem>>, vector<1x1x16xf32>,
      %get3A_735 = vector.shape_cast %get3A_734 : vector<1x1x16xf32> to vector<16xf32>
      %swap3A_736 = arith.constant 0 : i32
      %swap3A_737 = arith.index_cast %swap3A_736 : i32 to index
      %swap3A_738 = arith.index_cast %scan3A_717 : i32 to index
      %swap3A_739 = arith.constant 16 : index
      %swap3A_740 = tpu.vector_load %arg8[%swap3A_737, %swap3A_738, %swap3A_739] {strides = array<i32>} : memref<4x128x64xf32, #tpu.memory_space<vmem>>, vector<1x1x16xf32>,
      %swap3A_741 = vector.shape_cast %swap3A_740 : vector<1x1x16xf32> to vector<16xf32>
      %swap3A_742 = vector.shape_cast %get3A_735 : vector<16xf32> to vector<1x1x16xf32>
      tpu.vector_store %arg8[%swap3A_737, %swap3A_738, %swap3A_739], %swap3A_742 {add = true, strides = array<i32>} : memref<4x128x64xf32, #tpu.memory_space<vmem>>, vector<1x1x16xf32>,
      %get3A_743 = arith.constant 0 : i32
      %get3A_744 = arith.index_cast %get3A_743 : i32 to index
      %get3A_745 = arith.index_cast %scan3A_717 : i32 to index
      %get3A_746 = arith.constant 32 : index
      %get3A_747 = tpu.vector_load %arg7[%get3A_744, %get3A_745, %get3A_746] {strides = array<i32>} : memref<4x128x64xf32, #tpu.memory_space<vmem>>, vector<1x1x16xf32>,
      %get3A_748 = vector.shape_cast %get3A_747 : vector<1x1x16xf32> to vector<16xf32>
      %swap3A_749 = arith.constant 0 : i32
      %swap3A_750 = arith.index_cast %swap3A_749 : i32 to index
      %swap3A_751 = arith.index_cast %scan3A_717 : i32 to index
      %swap3A_752 = arith.constant 32 : index
      %swap3A_753 = tpu.vector_load %arg8[%swap3A_750, %swap3A_751, %swap3A_752] {strides = array<i32>} : memref<4x128x64xf32, #tpu.memory_space<vmem>>, vector<1x1x16xf32>,
      %swap3A_754 = vector.shape_cast %swap3A_753 : vector<1x1x16xf32> to vector<16xf32>
      %swap3A_755 = vector.shape_cast %get3A_748 : vector<16xf32> to vector<1x1x16xf32>
      tpu.vector_store %arg8[%swap3A_750, %swap3A_751, %swap3A_752], %swap3A_755 {add = true, strides = array<i32>} : memref<4x128x64xf32, #tpu.memory_space<vmem>>, vector<1x1x16xf32>,
      %get3A_756 = arith.constant 0 : i32
      %get3A_757 = arith.index_cast %get3A_756 : i32 to index
      %get3A_758 = arith.index_cast %scan3A_717 : i32 to index
      %get3A_759 = arith.constant 48 : index
      %get3A_760 = tpu.vector_load %arg7[%get3A_757, %get3A_758, %get3A_759] {strides = array<i32>} : memref<4x128x64xf32, #tpu.memory_space<vmem>>, vector<1x1x16xf32>,
      %get3A_761 = vector.shape_cast %get3A_760 : vector<1x1x16xf32> to vector<16xf32>
      %swap3A_762 = arith.constant 0 : i32
      %swap3A_763 = arith.index_cast %swap3A_762 : i32 to index
      %swap3A_764 = arith.index_cast %scan3A_717 : i32 to index
      %swap3A_765 = arith.constant 48 : index
      %swap3A_766 = tpu.vector_load %arg8[%swap3A_763, %swap3A_764, %swap3A_765] {strides = array<i32>} : memref<4x128x64xf32, #tpu.memory_space<vmem>>, vector<1x1x16xf32>,
      %swap3A_767 = vector.shape_cast %swap3A_766 : vector<1x1x16xf32> to vector<16xf32>
      %swap3A_768 = vector.shape_cast %get3A_761 : vector<16xf32> to vector<1x1x16xf32>
      tpu.vector_store %arg8[%swap3A_763, %swap3A_764, %swap3A_765], %swap3A_768 {add = true, strides = array<i32>} : memref<4x128x64xf32, #tpu.memory_space<vmem>>, vector<1x1x16xf32>,
      %scan3A_769 = arith.constant 0 : i32
      %scan3A_770 = arith.constant 1 : i32
      %scan3A_771 = arith.addi %scan3A_717, %scan3A_770 : i32
      %get3A_772 = arith.constant 0 : i32
      %get3A_773 = arith.index_cast %get3A_772 : i32 to index
      %get3A_774 = arith.index_cast %scan3A_771 : i32 to index
      %get3A_775 = arith.constant 0 : index
      %get3A_776 = tpu.vector_load %arg7[%get3A_773, %get3A_774, %get3A_775] {strides = array<i32>} : memref<4x128x64xf32, #tpu.memory_space<vmem>>, vector<1x1x16xf32>,
      %get3A_777 = vector.shape_cast %get3A_776 : vector<1x1x16xf32> to vector<16xf32>
      %swap3A_778 = arith.constant 0 : i32
      %swap3A_779 = arith.index_cast %swap3A_778 : i32 to index
      %swap3A_780 = arith.index_cast %scan3A_771 : i32 to index
      %swap3A_781 = arith.constant 0 : index
      %swap3A_782 = tpu.vector_load %arg8[%swap3A_779, %swap3A_780, %swap3A_781] {strides = array<i32>} : memref<4x128x64xf32, #tpu.memory_space<vmem>>, vector<1x1x16xf32>,
      %swap3A_783 = vector.shape_cast %swap3A_782 : vector<1x1x16xf32> to vector<16xf32>
      %swap3A_784 = vector.shape_cast %get3A_777 : vector<16xf32> to vector<1x1x16xf32>
      tpu.vector_store %arg8[%swap3A_779, %swap3A_780, %swap3A_781], %swap3A_784 {add = true, strides = array<i32>} : memref<4x128x64xf32, #tpu.memory_space<vmem>>, vector<1x1x16xf32>,
      %get3A_785 = arith.constant 0 : i32
      %get3A_786 = arith.index_cast %get3A_785 : i32 to index
      %get3A_787 = arith.index_cast %scan3A_771 : i32 to index
      %get3A_788 = arith.constant 16 : index
      %get3A_789 = tpu.vector_load %arg7[%get3A_786, %get3A_787, %get3A_788] {strides = array<i32>} : memref<4x128x64xf32, #tpu.memory_space<vmem>>, vector<1x1x16xf32>,
      %get3A_790 = vector.shape_cast %get3A_789 : vector<1x1x16xf32> to vector<16xf32>
      %swap3A_791 = arith.constant 0 : i32
      %swap3A_792 = arith.index_cast %swap3A_791 : i32 to index
      %swap3A_793 = arith.index_cast %scan3A_771 : i32 to index
      %swap3A_794 = arith.constant 16 : index
      %swap3A_795 = tpu.vector_load %arg8[%swap3A_792, %swap3A_793, %swap3A_794] {strides = array<i32>} : memref<4x128x64xf32, #tpu.memory_space<vmem>>, vector<1x1x16xf32>,
      %swap3A_796 = vector.shape_cast %swap3A_795 : vector<1x1x16xf32> to vector<16xf32>
      %swap3A_797 = vector.shape_cast %get3A_790 : vector<16xf32> to vector<1x1x16xf32>
      tpu.vector_store %arg8[%swap3A_792, %swap3A_793, %swap3A_794], %swap3A_797 {add = true, strides = array<i32>} : memref<4x128x64xf32, #tpu.memory_space<vmem>>, vector<1x1x16xf32>,
      %get3A_798 = arith.constant 0 : i32
      %get3A_799 = arith.index_cast %get3A_798 : i32 to index
      %get3A_800 = arith.index_cast %scan3A_771 : i32 to index
      %get3A_801 = arith.constant 32 : index
      %get3A_802 = tpu.vector_load %arg7[%get3A_799, %get3A_800, %get3A_801] {strides = array<i32>} : memref<4x128x64xf32, #tpu.memory_space<vmem>>, vector<1x1x16xf32>,
      %get3A_803 = vector.shape_cast %get3A_802 : vector<1x1x16xf32> to vector<16xf32>
      %swap3A_804 = arith.constant 0 : i32
      %swap3A_805 = arith.index_cast %swap3A_804 : i32 to index
      %swap3A_806 = arith.index_cast %scan3A_771 : i32 to index
      %swap3A_807 = arith.constant 32 : index
      %swap3A_808 = tpu.vector_load %arg8[%swap3A_805, %swap3A_806, %swap3A_807] {strides = array<i32>} : memref<4x128x64xf32, #tpu.memory_space<vmem>>, vector<1x1x16xf32>,
      %swap3A_809 = vector.shape_cast %swap3A_808 : vector<1x1x16xf32> to vector<16xf32>
      %swap3A_810 = vector.shape_cast %get3A_803 : vector<16xf32> to vector<1x1x16xf32>
      tpu.vector_store %arg8[%swap3A_805, %swap3A_806, %swap3A_807], %swap3A_810 {add = true, strides = array<i32>} : memref<4x128x64xf32, #tpu.memory_space<vmem>>, vector<1x1x16xf32>,
      %get3A_811 = arith.constant 0 : i32
      %get3A_812 = arith.index_cast %get3A_811 : i32 to index
      %get3A_813 = arith.index_cast %scan3A_771 : i32 to index
      %get3A_814 = arith.constant 48 : index
      %get3A_815 = tpu.vector_load %arg7[%get3A_812, %get3A_813, %get3A_814] {strides = array<i32>} : memref<4x128x64xf32, #tpu.memory_space<vmem>>, vector<1x1x16xf32>,
      %get3A_816 = vector.shape_cast %get3A_815 : vector<1x1x16xf32> to vector<16xf32>
      %swap3A_817 = arith.constant 0 : i32
      %swap3A_818 = arith.index_cast %swap3A_817 : i32 to index
      %swap3A_819 = arith.index_cast %scan3A_771 : i32 to index
      %swap3A_820 = arith.constant 48 : index
      %swap3A_821 = tpu.vector_load %arg8[%swap3A_818, %swap3A_819, %swap3A_820] {strides = array<i32>} : memref<4x128x64xf32, #tpu.memory_space<vmem>>, vector<1x1x16xf32>,
      %swap3A_822 = vector.shape_cast %swap3A_821 : vector<1x1x16xf32> to vector<16xf32>
      %swap3A_823 = vector.shape_cast %get3A_816 : vector<16xf32> to vector<1x1x16xf32>
      tpu.vector_store %arg8[%swap3A_818, %swap3A_819, %swap3A_820], %swap3A_823 {add = true, strides = array<i32>} : memref<4x128x64xf32, #tpu.memory_space<vmem>>, vector<1x1x16xf32>,
      %scan3A_824 = arith.constant 0 : i32
      %scan3A_825 = arith.constant 2 : i32
      %scan3A_826 = arith.addi %scan3A_717, %scan3A_825 : i32
      %get3A_827 = arith.constant 0 : i32
      %get3A_828 = arith.index_cast %get3A_827 : i32 to index
      %get3A_829 = arith.index_cast %scan3A_826 : i32 to index
      %get3A_830 = arith.constant 0 : index
      %get3A_831 = tpu.vector_load %arg7[%get3A_828, %get3A_829, %get3A_830] {strides = array<i32>} : memref<4x128x64xf32, #tpu.memory_space<vmem>>, vector<1x1x16xf32>,
      %get3A_832 = vector.shape_cast %get3A_831 : vector<1x1x16xf32> to vector<16xf32>
      %swap3A_833 = arith.constant 0 : i32
      %swap3A_834 = arith.index_cast %swap3A_833 : i32 to index
      %swap3A_835 = arith.index_cast %scan3A_826 : i32 to index
      %swap3A_836 = arith.constant 0 : index
      %swap3A_837 = tpu.vector_load %arg8[%swap3A_834, %swap3A_835, %swap3A_836] {strides = array<i32>} : memref<4x128x64xf32, #tpu.memory_space<vmem>>, vector<1x1x16xf32>,
      %swap3A_838 = vector.shape_cast %swap3A_837 : vector<1x1x16xf32> to vector<16xf32>
      %swap3A_839 = vector.shape_cast %get3A_832 : vector<16xf32> to vector<1x1x16xf32>
      tpu.vector_store %arg8[%swap3A_834, %swap3A_835, %swap3A_836], %swap3A_839 {add = true, strides = array<i32>} : memref<4x128x64xf32, #tpu.memory_space<vmem>>, vector<1x1x16xf32>,
      %get3A_840 = arith.constant 0 : i32
      %get3A_841 = arith.index_cast %get3A_840 : i32 to index
      %get3A_842 = arith.index_cast %scan3A_826 : i32 to index
      %get3A_843 = arith.constant 16 : index
      %get3A_844 = tpu.vector_load %arg7[%get3A_841, %get3A_842, %get3A_843] {strides = array<i32>} : memref<4x128x64xf32, #tpu.memory_space<vmem>>, vector<1x1x16xf32>,
      %get3A_845 = vector.shape_cast %get3A_844 : vector<1x1x16xf32> to vector<16xf32>
      %swap3A_846 = arith.constant 0 : i32
      %swap3A_847 = arith.index_cast %swap3A_846 : i32 to index
      %swap3A_848 = arith.index_cast %scan3A_826 : i32 to index
      %swap3A_849 = arith.constant 16 : index
      %swap3A_850 = tpu.vector_load %arg8[%swap3A_847, %swap3A_848, %swap3A_849] {strides = array<i32>} : memref<4x128x64xf32, #tpu.memory_space<vmem>>, vector<1x1x16xf32>,
      %swap3A_851 = vector.shape_cast %swap3A_850 : vector<1x1x16xf32> to vector<16xf32>
      %swap3A_852 = vector.shape_cast %get3A_845 : vector<16xf32> to vector<1x1x16xf32>
      tpu.vector_store %arg8[%swap3A_847, %swap3A_848, %swap3A_849], %swap3A_852 {add = true, strides = array<i32>} : memref<4x128x64xf32, #tpu.memory_space<vmem>>, vector<1x1x16xf32>,
      %get3A_853 = arith.constant 0 : i32
      %get3A_854 = arith.index_cast %get3A_853 : i32 to index
      %get3A_855 = arith.index_cast %scan3A_826 : i32 to index
      %get3A_856 = arith.constant 32 : index
      %get3A_857 = tpu.vector_load %arg7[%get3A_854, %get3A_855, %get3A_856] {strides = array<i32>} : memref<4x128x64xf32, #tpu.memory_space<vmem>>, vector<1x1x16xf32>,
      %get3A_858 = vector.shape_cast %get3A_857 : vector<1x1x16xf32> to vector<16xf32>
      %swap3A_859 = arith.constant 0 : i32
      %swap3A_860 = arith.index_cast %swap3A_859 : i32 to index
      %swap3A_861 = arith.index_cast %scan3A_826 : i32 to index
      %swap3A_862 = arith.constant 32 : index
      %swap3A_863 = tpu.vector_load %arg8[%swap3A_860, %swap3A_861, %swap3A_862] {strides = array<i32>} : memref<4x128x64xf32, #tpu.memory_space<vmem>>, vector<1x1x16xf32>,
      %swap3A_864 = vector.shape_cast %swap3A_863 : vector<1x1x16xf32> to vector<16xf32>
      %swap3A_865 = vector.shape_cast %get3A_858 : vector<16xf32> to vector<1x1x16xf32>
      tpu.vector_store %arg8[%swap3A_860, %swap3A_861, %swap3A_862], %swap3A_865 {add = true, strides = array<i32>} : memref<4x128x64xf32, #tpu.memory_space<vmem>>, vector<1x1x16xf32>,
      %get3A_866 = arith.constant 0 : i32
      %get3A_867 = arith.index_cast %get3A_866 : i32 to index
      %get3A_868 = arith.index_cast %scan3A_826 : i32 to index
      %get3A_869 = arith.constant 48 : index
      %get3A_870 = tpu.vector_load %arg7[%get3A_867, %get3A_868, %get3A_869] {strides = array<i32>} : memref<4x128x64xf32, #tpu.memory_space<vmem>>, vector<1x1x16xf32>,
      %get3A_871 = vector.shape_cast %get3A_870 : vector<1x1x16xf32> to vector<16xf32>
      %swap3A_872 = arith.constant 0 : i32
      %swap3A_873 = arith.index_cast %swap3A_872 : i32 to index
      %swap3A_874 = arith.index_cast %scan3A_826 : i32 to index
      %swap3A_875 = arith.constant 48 : index
      %swap3A_876 = tpu.vector_load %arg8[%swap3A_873, %swap3A_874, %swap3A_875] {strides = array<i32>} : memref<4x128x64xf32, #tpu.memory_space<vmem>>, vector<1x1x16xf32>,
      %swap3A_877 = vector.shape_cast %swap3A_876 : vector<1x1x16xf32> to vector<16xf32>
      %swap3A_878 = vector.shape_cast %get3A_871 : vector<16xf32> to vector<1x1x16xf32>
      tpu.vector_store %arg8[%swap3A_873, %swap3A_874, %swap3A_875], %swap3A_878 {add = true, strides = array<i32>} : memref<4x128x64xf32, #tpu.memory_space<vmem>>, vector<1x1x16xf32>,
      %scan3A_879 = arith.constant 0 : i32
      %scan3A_880 = arith.constant 3 : i32
      %scan3A_881 = arith.addi %scan3A_717, %scan3A_880 : i32
      %get3A_882 = arith.constant 0 : i32
      %get3A_883 = arith.index_cast %get3A_882 : i32 to index
      %get3A_884 = arith.index_cast %scan3A_881 : i32 to index
      %get3A_885 = arith.constant 0 : index
      %get3A_886 = tpu.vector_load %arg7[%get3A_883, %get3A_884, %get3A_885] {strides = array<i32>} : memref<4x128x64xf32, #tpu.memory_space<vmem>>, vector<1x1x16xf32>,
      %get3A_887 = vector.shape_cast %get3A_886 : vector<1x1x16xf32> to vector<16xf32>
      %swap3A_888 = arith.constant 0 : i32
      %swap3A_889 = arith.index_cast %swap3A_888 : i32 to index
      %swap3A_890 = arith.index_cast %scan3A_881 : i32 to index
      %swap3A_891 = arith.constant 0 : index
      %swap3A_892 = tpu.vector_load %arg8[%swap3A_889, %swap3A_890, %swap3A_891] {strides = array<i32>} : memref<4x128x64xf32, #tpu.memory_space<vmem>>, vector<1x1x16xf32>,
      %swap3A_893 = vector.shape_cast %swap3A_892 : vector<1x1x16xf32> to vector<16xf32>
      %swap3A_894 = vector.shape_cast %get3A_887 : vector<16xf32> to vector<1x1x16xf32>
      tpu.vector_store %arg8[%swap3A_889, %swap3A_890, %swap3A_891], %swap3A_894 {add = true, strides = array<i32>} : memref<4x128x64xf32, #tpu.memory_space<vmem>>, vector<1x1x16xf32>,
      %get3A_895 = arith.constant 0 : i32
      %get3A_896 = arith.index_cast %get3A_895 : i32 to index
      %get3A_897 = arith.index_cast %scan3A_881 : i32 to index
      %get3A_898 = arith.constant 16 : index
      %get3A_899 = tpu.vector_load %arg7[%get3A_896, %get3A_897, %get3A_898] {strides = array<i32>} : memref<4x128x64xf32, #tpu.memory_space<vmem>>, vector<1x1x16xf32>,
      %get3A_900 = vector.shape_cast %get3A_899 : vector<1x1x16xf32> to vector<16xf32>
      %swap3A_901 = arith.constant 0 : i32
      %swap3A_902 = arith.index_cast %swap3A_901 : i32 to index
      %swap3A_903 = arith.index_cast %scan3A_881 : i32 to index
      %swap3A_904 = arith.constant 16 : index
      %swap3A_905 = tpu.vector_load %arg8[%swap3A_902, %swap3A_903, %swap3A_904] {strides = array<i32>} : memref<4x128x64xf32, #tpu.memory_space<vmem>>, vector<1x1x16xf32>,
      %swap3A_906 = vector.shape_cast %swap3A_905 : vector<1x1x16xf32> to vector<16xf32>
      %swap3A_907 = vector.shape_cast %get3A_900 : vector<16xf32> to vector<1x1x16xf32>
      tpu.vector_store %arg8[%swap3A_902, %swap3A_903, %swap3A_904], %swap3A_907 {add = true, strides = array<i32>} : memref<4x128x64xf32, #tpu.memory_space<vmem>>, vector<1x1x16xf32>,
      %get3A_908 = arith.constant 0 : i32
      %get3A_909 = arith.index_cast %get3A_908 : i32 to index
      %get3A_910 = arith.index_cast %scan3A_881 : i32 to index
      %get3A_911 = arith.constant 32 : index
      %get3A_912 = tpu.vector_load %arg7[%get3A_909, %get3A_910, %get3A_911] {strides = array<i32>} : memref<4x128x64xf32, #tpu.memory_space<vmem>>, vector<1x1x16xf32>,
      %get3A_913 = vector.shape_cast %get3A_912 : vector<1x1x16xf32> to vector<16xf32>
      %swap3A_914 = arith.constant 0 : i32
      %swap3A_915 = arith.index_cast %swap3A_914 : i32 to index
      %swap3A_916 = arith.index_cast %scan3A_881 : i32 to index
      %swap3A_917 = arith.constant 32 : index
      %swap3A_918 = tpu.vector_load %arg8[%swap3A_915, %swap3A_916, %swap3A_917] {strides = array<i32>} : memref<4x128x64xf32, #tpu.memory_space<vmem>>, vector<1x1x16xf32>,
      %swap3A_919 = vector.shape_cast %swap3A_918 : vector<1x1x16xf32> to vector<16xf32>
      %swap3A_920 = vector.shape_cast %get3A_913 : vector<16xf32> to vector<1x1x16xf32>
      tpu.vector_store %arg8[%swap3A_915, %swap3A_916, %swap3A_917], %swap3A_920 {add = true, strides = array<i32>} : memref<4x128x64xf32, #tpu.memory_space<vmem>>, vector<1x1x16xf32>,
      %get3A_921 = arith.constant 0 : i32
      %get3A_922 = arith.index_cast %get3A_921 : i32 to index
      %get3A_923 = arith.index_cast %scan3A_881 : i32 to index
      %get3A_924 = arith.constant 48 : index
      %get3A_925 = tpu.vector_load %arg7[%get3A_922, %get3A_923, %get3A_924] {strides = array<i32>} : memref<4x128x64xf32, #tpu.memory_space<vmem>>, vector<1x1x16xf32>,
      %get3A_926 = vector.shape_cast %get3A_925 : vector<1x1x16xf32> to vector<16xf32>
      %swap3A_927 = arith.constant 0 : i32
      %swap3A_928 = arith.index_cast %swap3A_927 : i32 to index
      %swap3A_929 = arith.index_cast %scan3A_881 : i32 to index
      %swap3A_930 = arith.constant 48 : index
      %swap3A_931 = tpu.vector_load %arg8[%swap3A_928, %swap3A_929, %swap3A_930] {strides = array<i32>} : memref<4x128x64xf32, #tpu.memory_space<vmem>>, vector<1x1x16xf32>,
      %swap3A_932 = vector.shape_cast %swap3A_931 : vector<1x1x16xf32> to vector<16xf32>
      %swap3A_933 = vector.shape_cast %get3A_926 : vector<16xf32> to vector<1x1x16xf32>
      tpu.vector_store %arg8[%swap3A_928, %swap3A_929, %swap3A_930], %swap3A_933 {add = true, strides = array<i32>} : memref<4x128x64xf32, #tpu.memory_space<vmem>>, vector<1x1x16xf32>,
      %scan3A_934 = arith.constant 0 : i32
      %scan3A_935 = arith.constant 4 : i32
      %scan3A_936 = arith.addi %scan3A_717, %scan3A_935 : i32
      %get3A_937 = arith.constant 0 : i32
      %get3A_938 = arith.index_cast %get3A_937 : i32 to index
      %get3A_939 = arith.index_cast %scan3A_936 : i32 to index
      %get3A_940 = arith.constant 0 : index
      %get3A_941 = tpu.vector_load %arg7[%get3A_938, %get3A_939, %get3A_940] {strides = array<i32>} : memref<4x128x64xf32, #tpu.memory_space<vmem>>, vector<1x1x16xf32>,
      %get3A_942 = vector.shape_cast %get3A_941 : vector<1x1x16xf32> to vector<16xf32>
      %swap3A_943 = arith.constant 0 : i32
      %swap3A_944 = arith.index_cast %swap3A_943 : i32 to index
      %swap3A_945 = arith.index_cast %scan3A_936 : i32 to index
      %swap3A_946 = arith.constant 0 : index
      %swap3A_947 = tpu.vector_load %arg8[%swap3A_944, %swap3A_945, %swap3A_946] {strides = array<i32>} : memref<4x128x64xf32, #tpu.memory_space<vmem>>, vector<1x1x16xf32>,
      %swap3A_948 = vector.shape_cast %swap3A_947 : vector<1x1x16xf32> to vector<16xf32>
      %swap3A_949 = vector.shape_cast %get3A_942 : vector<16xf32> to vector<1x1x16xf32>
      tpu.vector_store %arg8[%swap3A_944, %swap3A_945, %swap3A_946], %swap3A_949 {add = true, strides = array<i32>} : memref<4x128x64xf32, #tpu.memory_space<vmem>>, vector<1x1x16xf32>,
      %get3A_950 = arith.constant 0 : i32
      %get3A_951 = arith.index_cast %get3A_950 : i32 to index
      %get3A_952 = arith.index_cast %scan3A_936 : i32 to index
      %get3A_953 = arith.constant 16 : index
      %get3A_954 = tpu.vector_load %arg7[%get3A_951, %get3A_952, %get3A_953] {strides = array<i32>} : memref<4x128x64xf32, #tpu.memory_space<vmem>>, vector<1x1x16xf32>,
      %get3A_955 = vector.shape_cast %get3A_954 : vector<1x1x16xf32> to vector<16xf32>
      %swap3A_956 = arith.constant 0 : i32
      %swap3A_957 = arith.index_cast %swap3A_956 : i32 to index
      %swap3A_958 = arith.index_cast %scan3A_936 : i32 to index
      %swap3A_959 = arith.constant 16 : index
      %swap3A_960 = tpu.vector_load %arg8[%swap3A_957, %swap3A_958, %swap3A_959] {strides = array<i32>} : memref<4x128x64xf32, #tpu.memory_space<vmem>>, vector<1x1x16xf32>,
      %swap3A_961 = vector.shape_cast %swap3A_960 : vector<1x1x16xf32> to vector<16xf32>
      %swap3A_962 = vector.shape_cast %get3A_955 : vector<16xf32> to vector<1x1x16xf32>
      tpu.vector_store %arg8[%swap3A_957, %swap3A_958, %swap3A_959], %swap3A_962 {add = true, strides = array<i32>} : memref<4x128x64xf32, #tpu.memory_space<vmem>>, vector<1x1x16xf32>,
      %get3A_963 = arith.constant 0 : i32
      %get3A_964 = arith.index_cast %get3A_963 : i32 to index
      %get3A_965 = arith.index_cast %scan3A_936 : i32 to index
      %get3A_966 = arith.constant 32 : index
      %get3A_967 = tpu.vector_load %arg7[%get3A_964, %get3A_965, %get3A_966] {strides = array<i32>} : memref<4x128x64xf32, #tpu.memory_space<vmem>>, vector<1x1x16xf32>,
      %get3A_968 = vector.shape_cast %get3A_967 : vector<1x1x16xf32> to vector<16xf32>
      %swap3A_969 = arith.constant 0 : i32
      %swap3A_970 = arith.index_cast %swap3A_969 : i32 to index
      %swap3A_971 = arith.index_cast %scan3A_936 : i32 to index
      %swap3A_972 = arith.constant 32 : index
      %swap3A_973 = tpu.vector_load %arg8[%swap3A_970, %swap3A_971, %swap3A_972] {strides = array<i32>} : memref<4x128x64xf32, #tpu.memory_space<vmem>>, vector<1x1x16xf32>,
      %swap3A_974 = vector.shape_cast %swap3A_973 : vector<1x1x16xf32> to vector<16xf32>
      %swap3A_975 = vector.shape_cast %get3A_968 : vector<16xf32> to vector<1x1x16xf32>
      tpu.vector_store %arg8[%swap3A_970, %swap3A_971, %swap3A_972], %swap3A_975 {add = true, strides = array<i32>} : memref<4x128x64xf32, #tpu.memory_space<vmem>>, vector<1x1x16xf32>,
      %get3A_976 = arith.constant 0 : i32
      %get3A_977 = arith.index_cast %get3A_976 : i32 to index
      %get3A_978 = arith.index_cast %scan3A_936 : i32 to index
      %get3A_979 = arith.constant 48 : index
      %get3A_980 = tpu.vector_load %arg7[%get3A_977, %get3A_978, %get3A_979] {strides = array<i32>} : memref<4x128x64xf32, #tpu.memory_space<vmem>>, vector<1x1x16xf32>,
      %get3A_981 = vector.shape_cast %get3A_980 : vector<1x1x16xf32> to vector<16xf32>
      %swap3A_982 = arith.constant 0 : i32
      %swap3A_983 = arith.index_cast %swap3A_982 : i32 to index
      %swap3A_984 = arith.index_cast %scan3A_936 : i32 to index
      %swap3A_985 = arith.constant 48 : index
      %swap3A_986 = tpu.vector_load %arg8[%swap3A_983, %swap3A_984, %swap3A_985] {strides = array<i32>} : memref<4x128x64xf32, #tpu.memory_space<vmem>>, vector<1x1x16xf32>,
      %swap3A_987 = vector.shape_cast %swap3A_986 : vector<1x1x16xf32> to vector<16xf32>
      %swap3A_988 = vector.shape_cast %get3A_981 : vector<16xf32> to vector<1x1x16xf32>
      tpu.vector_store %arg8[%swap3A_983, %swap3A_984, %swap3A_985], %swap3A_988 {add = true, strides = array<i32>} : memref<4x128x64xf32, #tpu.memory_space<vmem>>, vector<1x1x16xf32>,
      %scan3A_989 = arith.constant 0 : i32
      %scan3A_990 = arith.constant 5 : i32
      %scan3A_991 = arith.addi %scan3A_717, %scan3A_990 : i32
      %get3A_992 = arith.constant 0 : i32
      %get3A_993 = arith.index_cast %get3A_992 : i32 to index
      %get3A_994 = arith.index_cast %scan3A_991 : i32 to index
      %get3A_995 = arith.constant 0 : index
      %get3A_996 = tpu.vector_load %arg7[%get3A_993, %get3A_994, %get3A_995] {strides = array<i32>} : memref<4x128x64xf32, #tpu.memory_space<vmem>>, vector<1x1x16xf32>,
      %get3A_997 = vector.shape_cast %get3A_996 : vector<1x1x16xf32> to vector<16xf32>
      %swap3A_998 = arith.constant 0 : i32
      %swap3A_999 = arith.index_cast %swap3A_998 : i32 to index
      %swap3A_1000 = arith.index_cast %scan3A_991 : i32 to index
      %swap3A_1001 = arith.constant 0 : index
      %swap3A_1002 = tpu.vector_load %arg8[%swap3A_999, %swap3A_1000, %swap3A_1001] {strides = array<i32>} : memref<4x128x64xf32, #tpu.memory_space<vmem>>, vector<1x1x16xf32>,
      %swap3A_1003 = vector.shape_cast %swap3A_1002 : vector<1x1x16xf32> to vector<16xf32>
      %swap3A_1004 = vector.shape_cast %get3A_997 : vector<16xf32> to vector<1x1x16xf32>
      tpu.vector_store %arg8[%swap3A_999, %swap3A_1000, %swap3A_1001], %swap3A_1004 {add = true, strides = array<i32>} : memref<4x128x64xf32, #tpu.memory_space<vmem>>, vector<1x1x16xf32>,
      %get3A_1005 = arith.constant 0 : i32
      %get3A_1006 = arith.index_cast %get3A_1005 : i32 to index
      %get3A_1007 = arith.index_cast %scan3A_991 : i32 to index
      %get3A_1008 = arith.constant 16 : index
      %get3A_1009 = tpu.vector_load %arg7[%get3A_1006, %get3A_1007, %get3A_1008] {strides = array<i32>} : memref<4x128x64xf32, #tpu.memory_space<vmem>>, vector<1x1x16xf32>,
      %get3A_1010 = vector.shape_cast %get3A_1009 : vector<1x1x16xf32> to vector<16xf32>
      %swap3A_1011 = arith.constant 0 : i32
      %swap3A_1012 = arith.index_cast %swap3A_1011 : i32 to index
      %swap3A_1013 = arith.index_cast %scan3A_991 : i32 to index
      %swap3A_1014 = arith.constant 16 : index
      %swap3A_1015 = tpu.vector_load %arg8[%swap3A_1012, %swap3A_1013, %swap3A_1014] {strides = array<i32>} : memref<4x128x64xf32, #tpu.memory_space<vmem>>, vector<1x1x16xf32>,
      %swap3A_1016 = vector.shape_cast %swap3A_1015 : vector<1x1x16xf32> to vector<16xf32>
      %swap3A_1017 = vector.shape_cast %get3A_1010 : vector<16xf32> to vector<1x1x16xf32>
      tpu.vector_store %arg8[%swap3A_1012, %swap3A_1013, %swap3A_1014], %swap3A_1017 {add = true, strides = array<i32>} : memref<4x128x64xf32, #tpu.memory_space<vmem>>, vector<1x1x16xf32>,
      %get3A_1018 = arith.constant 0 : i32
      %get3A_1019 = arith.index_cast %get3A_1018 : i32 to index
      %get3A_1020 = arith.index_cast %scan3A_991 : i32 to index
      %get3A_1021 = arith.constant 32 : index
      %get3A_1022 = tpu.vector_load %arg7[%get3A_1019, %get3A_1020, %get3A_1021] {strides = array<i32>} : memref<4x128x64xf32, #tpu.memory_space<vmem>>, vector<1x1x16xf32>,
      %get3A_1023 = vector.shape_cast %get3A_1022 : vector<1x1x16xf32> to vector<16xf32>
      %swap3A_1024 = arith.constant 0 : i32
      %swap3A_1025 = arith.index_cast %swap3A_1024 : i32 to index
      %swap3A_1026 = arith.index_cast %scan3A_991 : i32 to index
      %swap3A_1027 = arith.constant 32 : index
      %swap3A_1028 = tpu.vector_load %arg8[%swap3A_1025, %swap3A_1026, %swap3A_1027] {strides = array<i32>} : memref<4x128x64xf32, #tpu.memory_space<vmem>>, vector<1x1x16xf32>,
      %swap3A_1029 = vector.shape_cast %swap3A_1028 : vector<1x1x16xf32> to vector<16xf32>
      %swap3A_1030 = vector.shape_cast %get3A_1023 : vector<16xf32> to vector<1x1x16xf32>
      tpu.vector_store %arg8[%swap3A_1025, %swap3A_1026, %swap3A_1027], %swap3A_1030 {add = true, strides = array<i32>} : memref<4x128x64xf32, #tpu.memory_space<vmem>>, vector<1x1x16xf32>,
      %get3A_1031 = arith.constant 0 : i32
      %get3A_1032 = arith.index_cast %get3A_1031 : i32 to index
      %get3A_1033 = arith.index_cast %scan3A_991 : i32 to index
      %get3A_1034 = arith.constant 48 : index
      %get3A_1035 = tpu.vector_load %arg7[%get3A_1032, %get3A_1033, %get3A_1034] {strides = array<i32>} : memref<4x128x64xf32, #tpu.memory_space<vmem>>, vector<1x1x16xf32>,
      %get3A_1036 = vector.shape_cast %get3A_1035 : vector<1x1x16xf32> to vector<16xf32>
      %swap3A_1037 = arith.constant 0 : i32
      %swap3A_1038 = arith.index_cast %swap3A_1037 : i32 to index
      %swap3A_1039 = arith.index_cast %scan3A_991 : i32 to index
      %swap3A_1040 = arith.constant 48 : index
      %swap3A_1041 = tpu.vector_load %arg8[%swap3A_1038, %swap3A_1039, %swap3A_1040] {strides = array<i32>} : memref<4x128x64xf32, #tpu.memory_space<vmem>>, vector<1x1x16xf32>,
      %swap3A_1042 = vector.shape_cast %swap3A_1041 : vector<1x1x16xf32> to vector<16xf32>
      %swap3A_1043 = vector.shape_cast %get3A_1036 : vector<16xf32> to vector<1x1x16xf32>
      tpu.vector_store %arg8[%swap3A_1038, %swap3A_1039, %swap3A_1040], %swap3A_1043 {add = true, strides = array<i32>} : memref<4x128x64xf32, #tpu.memory_space<vmem>>, vector<1x1x16xf32>,
      %scan3A_1044 = arith.constant 0 : i32
      %scan3A_1045 = arith.constant 6 : i32
      %scan3A_1046 = arith.addi %scan3A_717, %scan3A_1045 : i32
      %get3A_1047 = arith.constant 0 : i32
      %get3A_1048 = arith.index_cast %get3A_1047 : i32 to index
      %get3A_1049 = arith.index_cast %scan3A_1046 : i32 to index
      %get3A_1050 = arith.constant 0 : index
      %get3A_1051 = tpu.vector_load %arg7[%get3A_1048, %get3A_1049, %get3A_1050] {strides = array<i32>} : memref<4x128x64xf32, #tpu.memory_space<vmem>>, vector<1x1x16xf32>,
      %get3A_1052 = vector.shape_cast %get3A_1051 : vector<1x1x16xf32> to vector<16xf32>
      %swap3A_1053 = arith.constant 0 : i32
      %swap3A_1054 = arith.index_cast %swap3A_1053 : i32 to index
      %swap3A_1055 = arith.index_cast %scan3A_1046 : i32 to index
      %swap3A_1056 = arith.constant 0 : index
      %swap3A_1057 = tpu.vector_load %arg8[%swap3A_1054, %swap3A_1055, %swap3A_1056] {strides = array<i32>} : memref<4x128x64xf32, #tpu.memory_space<vmem>>, vector<1x1x16xf32>,
      %swap3A_1058 = vector.shape_cast %swap3A_1057 : vector<1x1x16xf32> to vector<16xf32>
      %swap3A_1059 = vector.shape_cast %get3A_1052 : vector<16xf32> to vector<1x1x16xf32>
      tpu.vector_store %arg8[%swap3A_1054, %swap3A_1055, %swap3A_1056], %swap3A_1059 {add = true, strides = array<i32>} : memref<4x128x64xf32, #tpu.memory_space<vmem>>, vector<1x1x16xf32>,
      %get3A_1060 = arith.constant 0 : i32
      %get3A_1061 = arith.index_cast %get3A_1060 : i32 to index
      %get3A_1062 = arith.index_cast %scan3A_1046 : i32 to index
      %get3A_1063 = arith.constant 16 : index
      %get3A_1064 = tpu.vector_load %arg7[%get3A_1061, %get3A_1062, %get3A_1063] {strides = array<i32>} : memref<4x128x64xf32, #tpu.memory_space<vmem>>, vector<1x1x16xf32>,
      %get3A_1065 = vector.shape_cast %get3A_1064 : vector<1x1x16xf32> to vector<16xf32>
      %swap3A_1066 = arith.constant 0 : i32
      %swap3A_1067 = arith.index_cast %swap3A_1066 : i32 to index
      %swap3A_1068 = arith.index_cast %scan3A_1046 : i32 to index
      %swap3A_1069 = arith.constant 16 : index
      %swap3A_1070 = tpu.vector_load %arg8[%swap3A_1067, %swap3A_1068, %swap3A_1069] {strides = array<i32>} : memref<4x128x64xf32, #tpu.memory_space<vmem>>, vector<1x1x16xf32>,
      %swap3A_1071 = vector.shape_cast %swap3A_1070 : vector<1x1x16xf32> to vector<16xf32>
      %swap3A_1072 = vector.shape_cast %get3A_1065 : vector<16xf32> to vector<1x1x16xf32>
      tpu.vector_store %arg8[%swap3A_1067, %swap3A_1068, %swap3A_1069], %swap3A_1072 {add = true, strides = array<i32>} : memref<4x128x64xf32, #tpu.memory_space<vmem>>, vector<1x1x16xf32>,
      %get3A_1073 = arith.constant 0 : i32
      %get3A_1074 = arith.index_cast %get3A_1073 : i32 to index
      %get3A_1075 = arith.index_cast %scan3A_1046 : i32 to index
      %get3A_1076 = arith.constant 32 : index
      %get3A_1077 = tpu.vector_load %arg7[%get3A_1074, %get3A_1075, %get3A_1076] {strides = array<i32>} : memref<4x128x64xf32, #tpu.memory_space<vmem>>, vector<1x1x16xf32>,
      %get3A_1078 = vector.shape_cast %get3A_1077 : vector<1x1x16xf32> to vector<16xf32>
      %swap3A_1079 = arith.constant 0 : i32
      %swap3A_1080 = arith.index_cast %swap3A_1079 : i32 to index
      %swap3A_1081 = arith.index_cast %scan3A_1046 : i32 to index
      %swap3A_1082 = arith.constant 32 : index
      %swap3A_1083 = tpu.vector_load %arg8[%swap3A_1080, %swap3A_1081, %swap3A_1082] {strides = array<i32>} : memref<4x128x64xf32, #tpu.memory_space<vmem>>, vector<1x1x16xf32>,
      %swap3A_1084 = vector.shape_cast %swap3A_1083 : vector<1x1x16xf32> to vector<16xf32>
      %swap3A_1085 = vector.shape_cast %get3A_1078 : vector<16xf32> to vector<1x1x16xf32>
      tpu.vector_store %arg8[%swap3A_1080, %swap3A_1081, %swap3A_1082], %swap3A_1085 {add = true, strides = array<i32>} : memref<4x128x64xf32, #tpu.memory_space<vmem>>, vector<1x1x16xf32>,
      %get3A_1086 = arith.constant 0 : i32
      %get3A_1087 = arith.index_cast %get3A_1086 : i32 to index
      %get3A_1088 = arith.index_cast %scan3A_1046 : i32 to index
      %get3A_1089 = arith.constant 48 : index
      %get3A_1090 = tpu.vector_load %arg7[%get3A_1087, %get3A_1088, %get3A_1089] {strides = array<i32>} : memref<4x128x64xf32, #tpu.memory_space<vmem>>, vector<1x1x16xf32>,
      %get3A_1091 = vector.shape_cast %get3A_1090 : vector<1x1x16xf32> to vector<16xf32>
      %swap3A_1092 = arith.constant 0 : i32
      %swap3A_1093 = arith.index_cast %swap3A_1092 : i32 to index
      %swap3A_1094 = arith.index_cast %scan3A_1046 : i32 to index
      %swap3A_1095 = arith.constant 48 : index
      %swap3A_1096 = tpu.vector_load %arg8[%swap3A_1093, %swap3A_1094, %swap3A_1095] {strides = array<i32>} : memref<4x128x64xf32, #tpu.memory_space<vmem>>, vector<1x1x16xf32>,
      %swap3A_1097 = vector.shape_cast %swap3A_1096 : vector<1x1x16xf32> to vector<16xf32>
      %swap3A_1098 = vector.shape_cast %get3A_1091 : vector<16xf32> to vector<1x1x16xf32>
      tpu.vector_store %arg8[%swap3A_1093, %swap3A_1094, %swap3A_1095], %swap3A_1098 {add = true, strides = array<i32>} : memref<4x128x64xf32, #tpu.memory_space<vmem>>, vector<1x1x16xf32>,
      %scan3A_1099 = arith.constant 0 : i32
      %scan3A_1100 = arith.constant 7 : i32
      %scan3A_1101 = arith.addi %scan3A_717, %scan3A_1100 : i32
      %get3A_1102 = arith.constant 0 : i32
      %get3A_1103 = arith.index_cast %get3A_1102 : i32 to index
      %get3A_1104 = arith.index_cast %scan3A_1101 : i32 to index
      %get3A_1105 = arith.constant 0 : index
      %get3A_1106 = tpu.vector_load %arg7[%get3A_1103, %get3A_1104, %get3A_1105] {strides = array<i32>} : memref<4x128x64xf32, #tpu.memory_space<vmem>>, vector<1x1x16xf32>,
      %get3A_1107 = vector.shape_cast %get3A_1106 : vector<1x1x16xf32> to vector<16xf32>
      %swap3A_1108 = arith.constant 0 : i32
      %swap3A_1109 = arith.index_cast %swap3A_1108 : i32 to index
      %swap3A_1110 = arith.index_cast %scan3A_1101 : i32 to index
      %swap3A_1111 = arith.constant 0 : index
      %swap3A_1112 = tpu.vector_load %arg8[%swap3A_1109, %swap3A_1110, %swap3A_1111] {strides = array<i32>} : memref<4x128x64xf32, #tpu.memory_space<vmem>>, vector<1x1x16xf32>,
      %swap3A_1113 = vector.shape_cast %swap3A_1112 : vector<1x1x16xf32> to vector<16xf32>
      %swap3A_1114 = vector.shape_cast %get3A_1107 : vector<16xf32> to vector<1x1x16xf32>
      tpu.vector_store %arg8[%swap3A_1109, %swap3A_1110, %swap3A_1111], %swap3A_1114 {add = true, strides = array<i32>} : memref<4x128x64xf32, #tpu.memory_space<vmem>>, vector<1x1x16xf32>,
      %get3A_1115 = arith.constant 0 : i32
      %get3A_1116 = arith.index_cast %get3A_1115 : i32 to index
      %get3A_1117 = arith.index_cast %scan3A_1101 : i32 to index
      %get3A_1118 = arith.constant 16 : index
      %get3A_1119 = tpu.vector_load %arg7[%get3A_1116, %get3A_1117, %get3A_1118] {strides = array<i32>} : memref<4x128x64xf32, #tpu.memory_space<vmem>>, vector<1x1x16xf32>,
      %get3A_1120 = vector.shape_cast %get3A_1119 : vector<1x1x16xf32> to vector<16xf32>
      %swap3A_1121 = arith.constant 0 : i32
      %swap3A_1122 = arith.index_cast %swap3A_1121 : i32 to index
      %swap3A_1123 = arith.index_cast %scan3A_1101 : i32 to index
      %swap3A_1124 = arith.constant 16 : index
      %swap3A_1125 = tpu.vector_load %arg8[%swap3A_1122, %swap3A_1123, %swap3A_1124] {strides = array<i32>} : memref<4x128x64xf32, #tpu.memory_space<vmem>>, vector<1x1x16xf32>,
      %swap3A_1126 = vector.shape_cast %swap3A_1125 : vector<1x1x16xf32> to vector<16xf32>
      %swap3A_1127 = vector.shape_cast %get3A_1120 : vector<16xf32> to vector<1x1x16xf32>
      tpu.vector_store %arg8[%swap3A_1122, %swap3A_1123, %swap3A_1124], %swap3A_1127 {add = true, strides = array<i32>} : memref<4x128x64xf32, #tpu.memory_space<vmem>>, vector<1x1x16xf32>,
      %get3A_1128 = arith.constant 0 : i32
      %get3A_1129 = arith.index_cast %get3A_1128 : i32 to index
      %get3A_1130 = arith.index_cast %scan3A_1101 : i32 to index
      %get3A_1131 = arith.constant 32 : index
      %get3A_1132 = tpu.vector_load %arg7[%get3A_1129, %get3A_1130, %get3A_1131] {strides = array<i32>} : memref<4x128x64xf32, #tpu.memory_space<vmem>>, vector<1x1x16xf32>,
      %get3A_1133 = vector.shape_cast %get3A_1132 : vector<1x1x16xf32> to vector<16xf32>
      %swap3A_1134 = arith.constant 0 : i32
      %swap3A_1135 = arith.index_cast %swap3A_1134 : i32 to index
      %swap3A_1136 = arith.index_cast %scan3A_1101 : i32 to index
      %swap3A_1137 = arith.constant 32 : index
      %swap3A_1138 = tpu.vector_load %arg8[%swap3A_1135, %swap3A_1136, %swap3A_1137] {strides = array<i32>} : memref<4x128x64xf32, #tpu.memory_space<vmem>>, vector<1x1x16xf32>,
      %swap3A_1139 = vector.shape_cast %swap3A_1138 : vector<1x1x16xf32> to vector<16xf32>
      %swap3A_1140 = vector.shape_cast %get3A_1133 : vector<16xf32> to vector<1x1x16xf32>
      tpu.vector_store %arg8[%swap3A_1135, %swap3A_1136, %swap3A_1137], %swap3A_1140 {add = true, strides = array<i32>} : memref<4x128x64xf32, #tpu.memory_space<vmem>>, vector<1x1x16xf32>,
      %get3A_1141 = arith.constant 0 : i32
      %get3A_1142 = arith.index_cast %get3A_1141 : i32 to index
      %get3A_1143 = arith.index_cast %scan3A_1101 : i32 to index
      %get3A_1144 = arith.constant 48 : index
      %get3A_1145 = tpu.vector_load %arg7[%get3A_1142, %get3A_1143, %get3A_1144] {strides = array<i32>} : memref<4x128x64xf32, #tpu.memory_space<vmem>>, vector<1x1x16xf32>,
      %get3A_1146 = vector.shape_cast %get3A_1145 : vector<1x1x16xf32> to vector<16xf32>
      %swap3A_1147 = arith.constant 0 : i32
      %swap3A_1148 = arith.index_cast %swap3A_1147 : i32 to index
      %swap3A_1149 = arith.index_cast %scan3A_1101 : i32 to index
      %swap3A_1150 = arith.constant 48 : index
      %swap3A_1151 = tpu.vector_load %arg8[%swap3A_1148, %swap3A_1149, %swap3A_1150] {strides = array<i32>} : memref<4x128x64xf32, #tpu.memory_space<vmem>>, vector<1x1x16xf32>,
      %swap3A_1152 = vector.shape_cast %swap3A_1151 : vector<1x1x16xf32> to vector<16xf32>
      %swap3A_1153 = vector.shape_cast %get3A_1146 : vector<16xf32> to vector<1x1x16xf32>
      tpu.vector_store %arg8[%swap3A_1148, %swap3A_1149, %swap3A_1150], %swap3A_1153 {add = true, strides = array<i32>} : memref<4x128x64xf32, #tpu.memory_space<vmem>>, vector<1x1x16xf32>,
      %scan3A_1154 = arith.constant 0 : i32
      scf.yield %scan3A_1154 : i32
    }
    %scan3A_463 = arith.constant 128 : i32
    %add3A_464 = arith.constant 512 : i32
    %add3A_465 = arith.addi %multiple_of3A, %add3A_464 : i32
    %multiple_of3A_466 = tpu.assume_multiple %add3A_465, 128 : i32
    %dma_start3A_467 = arith.constant 0 : i32
    %dma_start3A_468 = arith.constant 0 : i32
    %dma_start3A_469 = arith.constant 0 : i32
    %dma_start3A_470 = tpu.memref_slice %arg8[%dma_start3A_467, %dma_start3A_468, %dma_start3A_469] : memref<4x128x64xf32, #tpu.memory_space<vmem>> -> memref<1x128x64xf32, #tpu.memory_space<vmem>>
    %dma_start3A_471 = tpu.memref_squeeze %dma_start3A_470 : memref<1x128x64xf32, #tpu.memory_space<vmem>> -> memref<128x64xf32, #tpu.memory_space<vmem>>
    %dma_start3A_472 = arith.constant 0 : i32
    %dma_start3A_473 = tpu.memref_slice %arg5[%multiple_of3A_466, %dma_start3A_472] : memref<32768x64xf32, #tpu.memory_space<hbm>> -> memref<128x64xf32, #tpu.memory_space<hbm>>
    %dma_start3A_474 = arith.constant 0 : i32
    %dma_start3A_475 = tpu.memref_slice %arg5[%multiple_of3A_466, %dma_start3A_474] : memref<32768x64xf32, #tpu.memory_space<hbm>> -> memref<128x64xf32, #tpu.memory_space<hbm>>
    %dma_start3A_476 = arith.constant 0 : i32
    %dma_start3A_477 = arith.constant 0 : i32
    %dma_start3A_478 = tpu.memref_slice %arg8[%dma_start3A_467, %dma_start3A_476, %dma_start3A_477] : memref<4x128x64xf32, #tpu.memory_space<vmem>> -> memref<1x128x64xf32, #tpu.memory_space<vmem>>
    %dma_start3A_479 = tpu.memref_squeeze %dma_start3A_478 : memref<1x128x64xf32, #tpu.memory_space<vmem>> -> memref<128x64xf32, #tpu.memory_space<vmem>>
    tpu.enqueue_dma source(%dma_start3A_479 : memref<128x64xf32, #tpu.memory_space<vmem>>) target(%dma_start3A_475 : memref<128x64xf32, #tpu.memory_space<hbm>>) target_semaphore(%arg10 : memref<!tpu.dma_semaphore, #tpu.memory_space<semaphore_mem>>)
    %dma_wait3A_480 = arith.constant 3 : i32
    %dma_wait3A_481 = arith.constant 0 : i32
    %dma_wait3A_482 = arith.constant 0 : i32
    %dma_wait3A_483 = tpu.memref_slice %arg8[%dma_wait3A_480, %dma_wait3A_481, %dma_wait3A_482] : memref<4x128x64xf32, #tpu.memory_space<vmem>> -> memref<1x128x64xf32, #tpu.memory_space<vmem>>
    %dma_wait3A_484 = tpu.memref_squeeze %dma_wait3A_483 : memref<1x128x64xf32, #tpu.memory_space<vmem>> -> memref<128x64xf32, #tpu.memory_space<vmem>>
    %dma_wait3A_485 = arith.constant 0 : i32
    %dma_wait3A_486 = tpu.memref_slice %arg5[%multiple_of3A_377, %dma_wait3A_485] : memref<32768x64xf32, #tpu.memory_space<hbm>> -> memref<128x64xf32, #tpu.memory_space<hbm>>
    %dma_wait3A_487 = arith.constant 0 : i32
    %dma_wait3A_488 = tpu.memref_slice %arg5[%multiple_of3A_377, %dma_wait3A_487] : memref<32768x64xf32, #tpu.memory_space<hbm>> -> memref<128x64xf32, #tpu.memory_space<hbm>>
    %dma_wait3A_489 = arith.constant 0 : i32
    %dma_wait3A_490 = arith.constant 0 : i32
    %dma_wait3A_491 = tpu.memref_slice %arg8[%dma_wait3A_480, %dma_wait3A_489, %dma_wait3A_490] : memref<4x128x64xf32, #tpu.memory_space<vmem>> -> memref<1x128x64xf32, #tpu.memory_space<vmem>>
    %dma_wait3A_492 = tpu.memref_squeeze %dma_wait3A_491 : memref<1x128x64xf32, #tpu.memory_space<vmem>> -> memref<128x64xf32, #tpu.memory_space<vmem>>
    tpu.wait_dma2 semaphore(%arg10 : memref<!tpu.dma_semaphore, #tpu.memory_space<semaphore_mem>>) src(%dma_wait3A_492 : memref<128x64xf32, #tpu.memory_space<vmem>>) dst(%dma_wait3A_488 : memref<128x64xf32, #tpu.memory_space<hbm>>)
    %dma_start3A_493 = arith.constant 7 : i32
    %dma_start3A_494 = arith.constant 3 : i32
    %dma_start3A_495 = arith.constant 0 : i32
    %dma_start3A_496 = arith.constant 0 : i32
    %dma_start3A_497 = tpu.memref_slice %arg7[%dma_start3A_494, %dma_start3A_495, %dma_start3A_496] : memref<4x128x64xf32, #tpu.memory_space<vmem>> -> memref<1x128x64xf32, #tpu.memory_space<vmem>>
    %dma_start3A_498 = tpu.memref_squeeze %dma_start3A_497 : memref<1x128x64xf32, #tpu.memory_space<vmem>> -> memref<128x64xf32, #tpu.memory_space<vmem>>
    %dma_start3A_499 = arith.constant 0 : i32
    %dma_start3A_500 = tpu.memref_slice %arg6[%dma_start3A_493, %dma_start3A_499] : memref<8x128xi32, #tpu.memory_space<vmem>> -> memref<1x128xi32, #tpu.memory_space<vmem>>
    %dma_start3A_501 = tpu.memref_squeeze %dma_start3A_500 : memref<1x128xi32, #tpu.memory_space<vmem>> -> memref<128xi32, #tpu.memory_space<vmem>>
    %dma_start3A_502 = arith.constant 0 : i32
    %dma_start3A_503 = arith.constant 0 : i32
    %dma_start3A_504 = tpu.memref_slice %arg3[%dma_start3A_502, %dma_start3A_503] : memref<100000x64xf32, #tpu.memory_space<hbm>> -> memref<100000x64xf32, #tpu.memory_space<hbm>>
    tpu.enqueue_indirect_dma source(%dma_start3A_504 : memref<100000x64xf32, #tpu.memory_space<hbm>>) target(%dma_start3A_498 : memref<128x64xf32, #tpu.memory_space<vmem>>) offsets(%dma_start3A_501 : memref<128xi32, #tpu.memory_space<vmem>>) semaphore(%arg9 : memref<!tpu.dma_semaphore, #tpu.memory_space<semaphore_mem>>)
    %add3A_505 = arith.constant 896 : i32
    %add3A_506 = arith.addi %multiple_of3A_4, %add3A_505 : i32
    %multiple_of3A_507 = tpu.assume_multiple %add3A_506, 128 : i32
    %dma_start3A_508 = arith.constant 3 : i32
    %dma_start3A_509 = arith.constant 0 : i32
    %dma_start3A_510 = arith.constant 0 : i32
    %dma_start3A_511 = tpu.memref_slice %arg8[%dma_start3A_508, %dma_start3A_509, %dma_start3A_510] : memref<4x128x64xf32, #tpu.memory_space<vmem>> -> memref<1x128x64xf32, #tpu.memory_space<vmem>>
    %dma_start3A_512 = tpu.memref_squeeze %dma_start3A_511 : memref<1x128x64xf32, #tpu.memory_space<vmem>> -> memref<128x64xf32, #tpu.memory_space<vmem>>
    %dma_start3A_513 = arith.constant 0 : i32
    %dma_start3A_514 = tpu.memref_slice %arg4[%multiple_of3A_507, %dma_start3A_513] : memref<8192x64xf32, #tpu.memory_space<hbm>> -> memref<128x64xf32, #tpu.memory_space<hbm>>
    %dma_start3A_515 = arith.constant 0 : i32
    %dma_start3A_516 = arith.constant 0 : i32
    %dma_start3A_517 = tpu.memref_slice %arg8[%dma_start3A_508, %dma_start3A_515, %dma_start3A_516] : memref<4x128x64xf32, #tpu.memory_space<vmem>> -> memref<1x128x64xf32, #tpu.memory_space<vmem>>
    %dma_start3A_518 = tpu.memref_squeeze %dma_start3A_517 : memref<1x128x64xf32, #tpu.memory_space<vmem>> -> memref<128x64xf32, #tpu.memory_space<vmem>>
    %dma_start3A_519 = arith.constant 0 : i32
    %dma_start3A_520 = tpu.memref_slice %arg4[%multiple_of3A_507, %dma_start3A_519] : memref<8192x64xf32, #tpu.memory_space<hbm>> -> memref<128x64xf32, #tpu.memory_space<hbm>>
    tpu.enqueue_dma source(%dma_start3A_520 : memref<128x64xf32, #tpu.memory_space<hbm>>) target(%dma_start3A_518 : memref<128x64xf32, #tpu.memory_space<vmem>>) target_semaphore(%arg11 : memref<!tpu.dma_semaphore, #tpu.memory_space<semaphore_mem>>)
    %dma_wait3A_521 = arith.constant 5 : i32
    %dma_wait3A_522 = arith.constant 1 : i32
    %dma_wait3A_523 = arith.constant 0 : i32
    %dma_wait3A_524 = arith.constant 0 : i32
    %dma_wait3A_525 = tpu.memref_slice %arg7[%dma_wait3A_522, %dma_wait3A_523, %dma_wait3A_524] : memref<4x128x64xf32, #tpu.memory_space<vmem>> -> memref<1x128x64xf32, #tpu.memory_space<vmem>>
    %dma_wait3A_526 = tpu.memref_squeeze %dma_wait3A_525 : memref<1x128x64xf32, #tpu.memory_space<vmem>> -> memref<128x64xf32, #tpu.memory_space<vmem>>
    %dma_wait3A_527 = arith.constant 0 : i32
    %dma_wait3A_528 = tpu.memref_slice %arg6[%dma_wait3A_521, %dma_wait3A_527] : memref<8x128xi32, #tpu.memory_space<vmem>> -> memref<1x128xi32, #tpu.memory_space<vmem>>
    %dma_wait3A_529 = tpu.memref_squeeze %dma_wait3A_528 : memref<1x128xi32, #tpu.memory_space<vmem>> -> memref<128xi32, #tpu.memory_space<vmem>>
    %dma_wait3A_530 = arith.constant 0 : i32
    %dma_wait3A_531 = arith.constant 0 : i32
    %dma_wait3A_532 = tpu.memref_slice %arg3[%dma_wait3A_530, %dma_wait3A_531] : memref<100000x64xf32, #tpu.memory_space<hbm>> -> memref<100000x64xf32, #tpu.memory_space<hbm>>
    tpu.wait_indirect_dma semaphore(%arg9 : memref<!tpu.dma_semaphore, #tpu.memory_space<semaphore_mem>>) src(%dma_wait3A_532 : memref<100000x64xf32, #tpu.memory_space<hbm>>) dst(%dma_wait3A_526 : memref<128x64xf32, #tpu.memory_space<vmem>>)
    %dma_wait3A_533 = arith.constant 1 : i32
    %dma_wait3A_534 = arith.constant 0 : i32
    %dma_wait3A_535 = arith.constant 0 : i32
    %dma_wait3A_536 = tpu.memref_slice %arg8[%dma_wait3A_533, %dma_wait3A_534, %dma_wait3A_535] : memref<4x128x64xf32, #tpu.memory_space<vmem>> -> memref<1x128x64xf32, #tpu.memory_space<vmem>>
    %dma_wait3A_537 = tpu.memref_squeeze %dma_wait3A_536 : memref<1x128x64xf32, #tpu.memory_space<vmem>> -> memref<128x64xf32, #tpu.memory_space<vmem>>
    %dma_wait3A_538 = arith.constant 0 : i32
    %dma_wait3A_539 = tpu.memref_slice %arg4[%multiple_of3A_329, %dma_wait3A_538] : memref<8192x64xf32, #tpu.memory_space<hbm>> -> memref<128x64xf32, #tpu.memory_space<hbm>>
    %dma_wait3A_540 = arith.constant 0 : i32
    %dma_wait3A_541 = arith.constant 0 : i32
    %dma_wait3A_542 = tpu.memref_slice %arg8[%dma_wait3A_533, %dma_wait3A_540, %dma_wait3A_541] : memref<4x128x64xf32, #tpu.memory_space<vmem>> -> memref<1x128x64xf32, #tpu.memory_space<vmem>>
    %dma_wait3A_543 = tpu.memref_squeeze %dma_wait3A_542 : memref<1x128x64xf32, #tpu.memory_space<vmem>> -> memref<128x64xf32, #tpu.memory_space<vmem>>
    %dma_wait3A_544 = arith.constant 0 : i32
    %dma_wait3A_545 = tpu.memref_slice %arg4[%multiple_of3A_329, %dma_wait3A_544] : memref<8192x64xf32, #tpu.memory_space<hbm>> -> memref<128x64xf32, #tpu.memory_space<hbm>>
    tpu.wait_dma2 semaphore(%arg11 : memref<!tpu.dma_semaphore, #tpu.memory_space<semaphore_mem>>) src(%dma_wait3A_545 : memref<128x64xf32, #tpu.memory_space<hbm>>) dst(%dma_wait3A_543 : memref<128x64xf32, #tpu.memory_space<vmem>>)
    %scan3A_546 = arith.constant 0 : i32
    %scan3A_547 = arith.constant 0 : i32
    %scan3A_548 = arith.constant 128 : i32
    %scan3A_549 = arith.addi %scan3A_547, %scan3A_548 : i32
    %scan3A_550 = arith.constant 8 : i32
    %scan3A_551 = scf.for %scan3A_717 = %scan3A_547 to %scan3A_549 step %scan3A_550 iter_args(%scan3A_718 = %scan3A_546) -> (i32)  : i32 {
      %get3A = arith.constant 1 : i32
      %get3A_719 = arith.index_cast %get3A : i32 to index
      %get3A_720 = arith.index_cast %scan3A_717 : i32 to index
      %get3A_721 = arith.constant 0 : index
      %get3A_722 = tpu.vector_load %arg7[%get3A_719, %get3A_720, %get3A_721] {strides = array<i32>} : memref<4x128x64xf32, #tpu.memory_space<vmem>>, vector<1x1x16xf32>,
      %get3A_723 = vector.shape_cast %get3A_722 : vector<1x1x16xf32> to vector<16xf32>
      %swap3A = arith.constant 1 : i32
      %swap3A_724 = arith.index_cast %swap3A : i32 to index
      %swap3A_725 = arith.index_cast %scan3A_717 : i32 to index
      %swap3A_726 = arith.constant 0 : index
      %swap3A_727 = tpu.vector_load %arg8[%swap3A_724, %swap3A_725, %swap3A_726] {strides = array<i32>} : memref<4x128x64xf32, #tpu.memory_space<vmem>>, vector<1x1x16xf32>,
      %swap3A_728 = vector.shape_cast %swap3A_727 : vector<1x1x16xf32> to vector<16xf32>
      %swap3A_729 = vector.shape_cast %get3A_723 : vector<16xf32> to vector<1x1x16xf32>
      tpu.vector_store %arg8[%swap3A_724, %swap3A_725, %swap3A_726], %swap3A_729 {add = true, strides = array<i32>} : memref<4x128x64xf32, #tpu.memory_space<vmem>>, vector<1x1x16xf32>,
      %get3A_730 = arith.constant 1 : i32
      %get3A_731 = arith.index_cast %get3A_730 : i32 to index
      %get3A_732 = arith.index_cast %scan3A_717 : i32 to index
      %get3A_733 = arith.constant 16 : index
      %get3A_734 = tpu.vector_load %arg7[%get3A_731, %get3A_732, %get3A_733] {strides = array<i32>} : memref<4x128x64xf32, #tpu.memory_space<vmem>>, vector<1x1x16xf32>,
      %get3A_735 = vector.shape_cast %get3A_734 : vector<1x1x16xf32> to vector<16xf32>
      %swap3A_736 = arith.constant 1 : i32
      %swap3A_737 = arith.index_cast %swap3A_736 : i32 to index
      %swap3A_738 = arith.index_cast %scan3A_717 : i32 to index
      %swap3A_739 = arith.constant 16 : index
      %swap3A_740 = tpu.vector_load %arg8[%swap3A_737, %swap3A_738, %swap3A_739] {strides = array<i32>} : memref<4x128x64xf32, #tpu.memory_space<vmem>>, vector<1x1x16xf32>,
      %swap3A_741 = vector.shape_cast %swap3A_740 : vector<1x1x16xf32> to vector<16xf32>
      %swap3A_742 = vector.shape_cast %get3A_735 : vector<16xf32> to vector<1x1x16xf32>
      tpu.vector_store %arg8[%swap3A_737, %swap3A_738, %swap3A_739], %swap3A_742 {add = true, strides = array<i32>} : memref<4x128x64xf32, #tpu.memory_space<vmem>>, vector<1x1x16xf32>,
      %get3A_743 = arith.constant 1 : i32
      %get3A_744 = arith.index_cast %get3A_743 : i32 to index
      %get3A_745 = arith.index_cast %scan3A_717 : i32 to index
      %get3A_746 = arith.constant 32 : index
      %get3A_747 = tpu.vector_load %arg7[%get3A_744, %get3A_745, %get3A_746] {strides = array<i32>} : memref<4x128x64xf32, #tpu.memory_space<vmem>>, vector<1x1x16xf32>,
      %get3A_748 = vector.shape_cast %get3A_747 : vector<1x1x16xf32> to vector<16xf32>
      %swap3A_749 = arith.constant 1 : i32
      %swap3A_750 = arith.index_cast %swap3A_749 : i32 to index
      %swap3A_751 = arith.index_cast %scan3A_717 : i32 to index
      %swap3A_752 = arith.constant 32 : index
      %swap3A_753 = tpu.vector_load %arg8[%swap3A_750, %swap3A_751, %swap3A_752] {strides = array<i32>} : memref<4x128x64xf32, #tpu.memory_space<vmem>>, vector<1x1x16xf32>,
      %swap3A_754 = vector.shape_cast %swap3A_753 : vector<1x1x16xf32> to vector<16xf32>
      %swap3A_755 = vector.shape_cast %get3A_748 : vector<16xf32> to vector<1x1x16xf32>
      tpu.vector_store %arg8[%swap3A_750, %swap3A_751, %swap3A_752], %swap3A_755 {add = true, strides = array<i32>} : memref<4x128x64xf32, #tpu.memory_space<vmem>>, vector<1x1x16xf32>,
      %get3A_756 = arith.constant 1 : i32
      %get3A_757 = arith.index_cast %get3A_756 : i32 to index
      %get3A_758 = arith.index_cast %scan3A_717 : i32 to index
      %get3A_759 = arith.constant 48 : index
      %get3A_760 = tpu.vector_load %arg7[%get3A_757, %get3A_758, %get3A_759] {strides = array<i32>} : memref<4x128x64xf32, #tpu.memory_space<vmem>>, vector<1x1x16xf32>,
      %get3A_761 = vector.shape_cast %get3A_760 : vector<1x1x16xf32> to vector<16xf32>
      %swap3A_762 = arith.constant 1 : i32
      %swap3A_763 = arith.index_cast %swap3A_762 : i32 to index
      %swap3A_764 = arith.index_cast %scan3A_717 : i32 to index
      %swap3A_765 = arith.constant 48 : index
      %swap3A_766 = tpu.vector_load %arg8[%swap3A_763, %swap3A_764, %swap3A_765] {strides = array<i32>} : memref<4x128x64xf32, #tpu.memory_space<vmem>>, vector<1x1x16xf32>,
      %swap3A_767 = vector.shape_cast %swap3A_766 : vector<1x1x16xf32> to vector<16xf32>
      %swap3A_768 = vector.shape_cast %get3A_761 : vector<16xf32> to vector<1x1x16xf32>
      tpu.vector_store %arg8[%swap3A_763, %swap3A_764, %swap3A_765], %swap3A_768 {add = true, strides = array<i32>} : memref<4x128x64xf32, #tpu.memory_space<vmem>>, vector<1x1x16xf32>,
      %scan3A_769 = arith.constant 0 : i32
      %scan3A_770 = arith.constant 1 : i32
      %scan3A_771 = arith.addi %scan3A_717, %scan3A_770 : i32
      %get3A_772 = arith.constant 1 : i32
      %get3A_773 = arith.index_cast %get3A_772 : i32 to index
      %get3A_774 = arith.index_cast %scan3A_771 : i32 to index
      %get3A_775 = arith.constant 0 : index
      %get3A_776 = tpu.vector_load %arg7[%get3A_773, %get3A_774, %get3A_775] {strides = array<i32>} : memref<4x128x64xf32, #tpu.memory_space<vmem>>, vector<1x1x16xf32>,
      %get3A_777 = vector.shape_cast %get3A_776 : vector<1x1x16xf32> to vector<16xf32>
      %swap3A_778 = arith.constant 1 : i32
      %swap3A_779 = arith.index_cast %swap3A_778 : i32 to index
      %swap3A_780 = arith.index_cast %scan3A_771 : i32 to index
      %swap3A_781 = arith.constant 0 : index
      %swap3A_782 = tpu.vector_load %arg8[%swap3A_779, %swap3A_780, %swap3A_781] {strides = array<i32>} : memref<4x128x64xf32, #tpu.memory_space<vmem>>, vector<1x1x16xf32>,
      %swap3A_783 = vector.shape_cast %swap3A_782 : vector<1x1x16xf32> to vector<16xf32>
      %swap3A_784 = vector.shape_cast %get3A_777 : vector<16xf32> to vector<1x1x16xf32>
      tpu.vector_store %arg8[%swap3A_779, %swap3A_780, %swap3A_781], %swap3A_784 {add = true, strides = array<i32>} : memref<4x128x64xf32, #tpu.memory_space<vmem>>, vector<1x1x16xf32>,
      %get3A_785 = arith.constant 1 : i32
      %get3A_786 = arith.index_cast %get3A_785 : i32 to index
      %get3A_787 = arith.index_cast %scan3A_771 : i32 to index
      %get3A_788 = arith.constant 16 : index
      %get3A_789 = tpu.vector_load %arg7[%get3A_786, %get3A_787, %get3A_788] {strides = array<i32>} : memref<4x128x64xf32, #tpu.memory_space<vmem>>, vector<1x1x16xf32>,
      %get3A_790 = vector.shape_cast %get3A_789 : vector<1x1x16xf32> to vector<16xf32>
      %swap3A_791 = arith.constant 1 : i32
      %swap3A_792 = arith.index_cast %swap3A_791 : i32 to index
      %swap3A_793 = arith.index_cast %scan3A_771 : i32 to index
      %swap3A_794 = arith.constant 16 : index
      %swap3A_795 = tpu.vector_load %arg8[%swap3A_792, %swap3A_793, %swap3A_794] {strides = array<i32>} : memref<4x128x64xf32, #tpu.memory_space<vmem>>, vector<1x1x16xf32>,
      %swap3A_796 = vector.shape_cast %swap3A_795 : vector<1x1x16xf32> to vector<16xf32>
      %swap3A_797 = vector.shape_cast %get3A_790 : vector<16xf32> to vector<1x1x16xf32>
      tpu.vector_store %arg8[%swap3A_792, %swap3A_793, %swap3A_794], %swap3A_797 {add = true, strides = array<i32>} : memref<4x128x64xf32, #tpu.memory_space<vmem>>, vector<1x1x16xf32>,
      %get3A_798 = arith.constant 1 : i32
      %get3A_799 = arith.index_cast %get3A_798 : i32 to index
      %get3A_800 = arith.index_cast %scan3A_771 : i32 to index
      %get3A_801 = arith.constant 32 : index
      %get3A_802 = tpu.vector_load %arg7[%get3A_799, %get3A_800, %get3A_801] {strides = array<i32>} : memref<4x128x64xf32, #tpu.memory_space<vmem>>, vector<1x1x16xf32>,
      %get3A_803 = vector.shape_cast %get3A_802 : vector<1x1x16xf32> to vector<16xf32>
      %swap3A_804 = arith.constant 1 : i32
      %swap3A_805 = arith.index_cast %swap3A_804 : i32 to index
      %swap3A_806 = arith.index_cast %scan3A_771 : i32 to index
      %swap3A_807 = arith.constant 32 : index
      %swap3A_808 = tpu.vector_load %arg8[%swap3A_805, %swap3A_806, %swap3A_807] {strides = array<i32>} : memref<4x128x64xf32, #tpu.memory_space<vmem>>, vector<1x1x16xf32>,
      %swap3A_809 = vector.shape_cast %swap3A_808 : vector<1x1x16xf32> to vector<16xf32>
      %swap3A_810 = vector.shape_cast %get3A_803 : vector<16xf32> to vector<1x1x16xf32>
      tpu.vector_store %arg8[%swap3A_805, %swap3A_806, %swap3A_807], %swap3A_810 {add = true, strides = array<i32>} : memref<4x128x64xf32, #tpu.memory_space<vmem>>, vector<1x1x16xf32>,
      %get3A_811 = arith.constant 1 : i32
      %get3A_812 = arith.index_cast %get3A_811 : i32 to index
      %get3A_813 = arith.index_cast %scan3A_771 : i32 to index
      %get3A_814 = arith.constant 48 : index
      %get3A_815 = tpu.vector_load %arg7[%get3A_812, %get3A_813, %get3A_814] {strides = array<i32>} : memref<4x128x64xf32, #tpu.memory_space<vmem>>, vector<1x1x16xf32>,
      %get3A_816 = vector.shape_cast %get3A_815 : vector<1x1x16xf32> to vector<16xf32>
      %swap3A_817 = arith.constant 1 : i32
      %swap3A_818 = arith.index_cast %swap3A_817 : i32 to index
      %swap3A_819 = arith.index_cast %scan3A_771 : i32 to index
      %swap3A_820 = arith.constant 48 : index
      %swap3A_821 = tpu.vector_load %arg8[%swap3A_818, %swap3A_819, %swap3A_820] {strides = array<i32>} : memref<4x128x64xf32, #tpu.memory_space<vmem>>, vector<1x1x16xf32>,
      %swap3A_822 = vector.shape_cast %swap3A_821 : vector<1x1x16xf32> to vector<16xf32>
      %swap3A_823 = vector.shape_cast %get3A_816 : vector<16xf32> to vector<1x1x16xf32>
      tpu.vector_store %arg8[%swap3A_818, %swap3A_819, %swap3A_820], %swap3A_823 {add = true, strides = array<i32>} : memref<4x128x64xf32, #tpu.memory_space<vmem>>, vector<1x1x16xf32>,
      %scan3A_824 = arith.constant 0 : i32
      %scan3A_825 = arith.constant 2 : i32
      %scan3A_826 = arith.addi %scan3A_717, %scan3A_825 : i32
      %get3A_827 = arith.constant 1 : i32
      %get3A_828 = arith.index_cast %get3A_827 : i32 to index
      %get3A_829 = arith.index_cast %scan3A_826 : i32 to index
      %get3A_830 = arith.constant 0 : index
      %get3A_831 = tpu.vector_load %arg7[%get3A_828, %get3A_829, %get3A_830] {strides = array<i32>} : memref<4x128x64xf32, #tpu.memory_space<vmem>>, vector<1x1x16xf32>,
      %get3A_832 = vector.shape_cast %get3A_831 : vector<1x1x16xf32> to vector<16xf32>
      %swap3A_833 = arith.constant 1 : i32
      %swap3A_834 = arith.index_cast %swap3A_833 : i32 to index
      %swap3A_835 = arith.index_cast %scan3A_826 : i32 to index
      %swap3A_836 = arith.constant 0 : index
      %swap3A_837 = tpu.vector_load %arg8[%swap3A_834, %swap3A_835, %swap3A_836] {strides = array<i32>} : memref<4x128x64xf32, #tpu.memory_space<vmem>>, vector<1x1x16xf32>,
      %swap3A_838 = vector.shape_cast %swap3A_837 : vector<1x1x16xf32> to vector<16xf32>
      %swap3A_839 = vector.shape_cast %get3A_832 : vector<16xf32> to vector<1x1x16xf32>
      tpu.vector_store %arg8[%swap3A_834, %swap3A_835, %swap3A_836], %swap3A_839 {add = true, strides = array<i32>} : memref<4x128x64xf32, #tpu.memory_space<vmem>>, vector<1x1x16xf32>,
      %get3A_840 = arith.constant 1 : i32
      %get3A_841 = arith.index_cast %get3A_840 : i32 to index
      %get3A_842 = arith.index_cast %scan3A_826 : i32 to index
      %get3A_843 = arith.constant 16 : index
      %get3A_844 = tpu.vector_load %arg7[%get3A_841, %get3A_842, %get3A_843] {strides = array<i32>} : memref<4x128x64xf32, #tpu.memory_space<vmem>>, vector<1x1x16xf32>,
      %get3A_845 = vector.shape_cast %get3A_844 : vector<1x1x16xf32> to vector<16xf32>
      %swap3A_846 = arith.constant 1 : i32
      %swap3A_847 = arith.index_cast %swap3A_846 : i32 to index
      %swap3A_848 = arith.index_cast %scan3A_826 : i32 to index
      %swap3A_849 = arith.constant 16 : index
      %swap3A_850 = tpu.vector_load %arg8[%swap3A_847, %swap3A_848, %swap3A_849] {strides = array<i32>} : memref<4x128x64xf32, #tpu.memory_space<vmem>>, vector<1x1x16xf32>,
      %swap3A_851 = vector.shape_cast %swap3A_850 : vector<1x1x16xf32> to vector<16xf32>
      %swap3A_852 = vector.shape_cast %get3A_845 : vector<16xf32> to vector<1x1x16xf32>
      tpu.vector_store %arg8[%swap3A_847, %swap3A_848, %swap3A_849], %swap3A_852 {add = true, strides = array<i32>} : memref<4x128x64xf32, #tpu.memory_space<vmem>>, vector<1x1x16xf32>,
      %get3A_853 = arith.constant 1 : i32
      %get3A_854 = arith.index_cast %get3A_853 : i32 to index
      %get3A_855 = arith.index_cast %scan3A_826 : i32 to index
      %get3A_856 = arith.constant 32 : index
      %get3A_857 = tpu.vector_load %arg7[%get3A_854, %get3A_855, %get3A_856] {strides = array<i32>} : memref<4x128x64xf32, #tpu.memory_space<vmem>>, vector<1x1x16xf32>,
      %get3A_858 = vector.shape_cast %get3A_857 : vector<1x1x16xf32> to vector<16xf32>
      %swap3A_859 = arith.constant 1 : i32
      %swap3A_860 = arith.index_cast %swap3A_859 : i32 to index
      %swap3A_861 = arith.index_cast %scan3A_826 : i32 to index
      %swap3A_862 = arith.constant 32 : index
      %swap3A_863 = tpu.vector_load %arg8[%swap3A_860, %swap3A_861, %swap3A_862] {strides = array<i32>} : memref<4x128x64xf32, #tpu.memory_space<vmem>>, vector<1x1x16xf32>,
      %swap3A_864 = vector.shape_cast %swap3A_863 : vector<1x1x16xf32> to vector<16xf32>
      %swap3A_865 = vector.shape_cast %get3A_858 : vector<16xf32> to vector<1x1x16xf32>
      tpu.vector_store %arg8[%swap3A_860, %swap3A_861, %swap3A_862], %swap3A_865 {add = true, strides = array<i32>} : memref<4x128x64xf32, #tpu.memory_space<vmem>>, vector<1x1x16xf32>,
      %get3A_866 = arith.constant 1 : i32
      %get3A_867 = arith.index_cast %get3A_866 : i32 to index
      %get3A_868 = arith.index_cast %scan3A_826 : i32 to index
      %get3A_869 = arith.constant 48 : index
      %get3A_870 = tpu.vector_load %arg7[%get3A_867, %get3A_868, %get3A_869] {strides = array<i32>} : memref<4x128x64xf32, #tpu.memory_space<vmem>>, vector<1x1x16xf32>,
      %get3A_871 = vector.shape_cast %get3A_870 : vector<1x1x16xf32> to vector<16xf32>
      %swap3A_872 = arith.constant 1 : i32
      %swap3A_873 = arith.index_cast %swap3A_872 : i32 to index
      %swap3A_874 = arith.index_cast %scan3A_826 : i32 to index
      %swap3A_875 = arith.constant 48 : index
      %swap3A_876 = tpu.vector_load %arg8[%swap3A_873, %swap3A_874, %swap3A_875] {strides = array<i32>} : memref<4x128x64xf32, #tpu.memory_space<vmem>>, vector<1x1x16xf32>,
      %swap3A_877 = vector.shape_cast %swap3A_876 : vector<1x1x16xf32> to vector<16xf32>
      %swap3A_878 = vector.shape_cast %get3A_871 : vector<16xf32> to vector<1x1x16xf32>
      tpu.vector_store %arg8[%swap3A_873, %swap3A_874, %swap3A_875], %swap3A_878 {add = true, strides = array<i32>} : memref<4x128x64xf32, #tpu.memory_space<vmem>>, vector<1x1x16xf32>,
      %scan3A_879 = arith.constant 0 : i32
      %scan3A_880 = arith.constant 3 : i32
      %scan3A_881 = arith.addi %scan3A_717, %scan3A_880 : i32
      %get3A_882 = arith.constant 1 : i32
      %get3A_883 = arith.index_cast %get3A_882 : i32 to index
      %get3A_884 = arith.index_cast %scan3A_881 : i32 to index
      %get3A_885 = arith.constant 0 : index
      %get3A_886 = tpu.vector_load %arg7[%get3A_883, %get3A_884, %get3A_885] {strides = array<i32>} : memref<4x128x64xf32, #tpu.memory_space<vmem>>, vector<1x1x16xf32>,
      %get3A_887 = vector.shape_cast %get3A_886 : vector<1x1x16xf32> to vector<16xf32>
      %swap3A_888 = arith.constant 1 : i32
      %swap3A_889 = arith.index_cast %swap3A_888 : i32 to index
      %swap3A_890 = arith.index_cast %scan3A_881 : i32 to index
      %swap3A_891 = arith.constant 0 : index
      %swap3A_892 = tpu.vector_load %arg8[%swap3A_889, %swap3A_890, %swap3A_891] {strides = array<i32>} : memref<4x128x64xf32, #tpu.memory_space<vmem>>, vector<1x1x16xf32>,
      %swap3A_893 = vector.shape_cast %swap3A_892 : vector<1x1x16xf32> to vector<16xf32>
      %swap3A_894 = vector.shape_cast %get3A_887 : vector<16xf32> to vector<1x1x16xf32>
      tpu.vector_store %arg8[%swap3A_889, %swap3A_890, %swap3A_891], %swap3A_894 {add = true, strides = array<i32>} : memref<4x128x64xf32, #tpu.memory_space<vmem>>, vector<1x1x16xf32>,
      %get3A_895 = arith.constant 1 : i32
      %get3A_896 = arith.index_cast %get3A_895 : i32 to index
      %get3A_897 = arith.index_cast %scan3A_881 : i32 to index
      %get3A_898 = arith.constant 16 : index
      %get3A_899 = tpu.vector_load %arg7[%get3A_896, %get3A_897, %get3A_898] {strides = array<i32>} : memref<4x128x64xf32, #tpu.memory_space<vmem>>, vector<1x1x16xf32>,
      %get3A_900 = vector.shape_cast %get3A_899 : vector<1x1x16xf32> to vector<16xf32>
      %swap3A_901 = arith.constant 1 : i32
      %swap3A_902 = arith.index_cast %swap3A_901 : i32 to index
      %swap3A_903 = arith.index_cast %scan3A_881 : i32 to index
      %swap3A_904 = arith.constant 16 : index
      %swap3A_905 = tpu.vector_load %arg8[%swap3A_902, %swap3A_903, %swap3A_904] {strides = array<i32>} : memref<4x128x64xf32, #tpu.memory_space<vmem>>, vector<1x1x16xf32>,
      %swap3A_906 = vector.shape_cast %swap3A_905 : vector<1x1x16xf32> to vector<16xf32>
      %swap3A_907 = vector.shape_cast %get3A_900 : vector<16xf32> to vector<1x1x16xf32>
      tpu.vector_store %arg8[%swap3A_902, %swap3A_903, %swap3A_904], %swap3A_907 {add = true, strides = array<i32>} : memref<4x128x64xf32, #tpu.memory_space<vmem>>, vector<1x1x16xf32>,
      %get3A_908 = arith.constant 1 : i32
      %get3A_909 = arith.index_cast %get3A_908 : i32 to index
      %get3A_910 = arith.index_cast %scan3A_881 : i32 to index
      %get3A_911 = arith.constant 32 : index
      %get3A_912 = tpu.vector_load %arg7[%get3A_909, %get3A_910, %get3A_911] {strides = array<i32>} : memref<4x128x64xf32, #tpu.memory_space<vmem>>, vector<1x1x16xf32>,
      %get3A_913 = vector.shape_cast %get3A_912 : vector<1x1x16xf32> to vector<16xf32>
      %swap3A_914 = arith.constant 1 : i32
      %swap3A_915 = arith.index_cast %swap3A_914 : i32 to index
      %swap3A_916 = arith.index_cast %scan3A_881 : i32 to index
      %swap3A_917 = arith.constant 32 : index
      %swap3A_918 = tpu.vector_load %arg8[%swap3A_915, %swap3A_916, %swap3A_917] {strides = array<i32>} : memref<4x128x64xf32, #tpu.memory_space<vmem>>, vector<1x1x16xf32>,
      %swap3A_919 = vector.shape_cast %swap3A_918 : vector<1x1x16xf32> to vector<16xf32>
      %swap3A_920 = vector.shape_cast %get3A_913 : vector<16xf32> to vector<1x1x16xf32>
      tpu.vector_store %arg8[%swap3A_915, %swap3A_916, %swap3A_917], %swap3A_920 {add = true, strides = array<i32>} : memref<4x128x64xf32, #tpu.memory_space<vmem>>, vector<1x1x16xf32>,
      %get3A_921 = arith.constant 1 : i32
      %get3A_922 = arith.index_cast %get3A_921 : i32 to index
      %get3A_923 = arith.index_cast %scan3A_881 : i32 to index
      %get3A_924 = arith.constant 48 : index
      %get3A_925 = tpu.vector_load %arg7[%get3A_922, %get3A_923, %get3A_924] {strides = array<i32>} : memref<4x128x64xf32, #tpu.memory_space<vmem>>, vector<1x1x16xf32>,
      %get3A_926 = vector.shape_cast %get3A_925 : vector<1x1x16xf32> to vector<16xf32>
      %swap3A_927 = arith.constant 1 : i32
      %swap3A_928 = arith.index_cast %swap3A_927 : i32 to index
      %swap3A_929 = arith.index_cast %scan3A_881 : i32 to index
      %swap3A_930 = arith.constant 48 : index
      %swap3A_931 = tpu.vector_load %arg8[%swap3A_928, %swap3A_929, %swap3A_930] {strides = array<i32>} : memref<4x128x64xf32, #tpu.memory_space<vmem>>, vector<1x1x16xf32>,
      %swap3A_932 = vector.shape_cast %swap3A_931 : vector<1x1x16xf32> to vector<16xf32>
      %swap3A_933 = vector.shape_cast %get3A_926 : vector<16xf32> to vector<1x1x16xf32>
      tpu.vector_store %arg8[%swap3A_928, %swap3A_929, %swap3A_930], %swap3A_933 {add = true, strides = array<i32>} : memref<4x128x64xf32, #tpu.memory_space<vmem>>, vector<1x1x16xf32>,
      %scan3A_934 = arith.constant 0 : i32
      %scan3A_935 = arith.constant 4 : i32
      %scan3A_936 = arith.addi %scan3A_717, %scan3A_935 : i32
      %get3A_937 = arith.constant 1 : i32
      %get3A_938 = arith.index_cast %get3A_937 : i32 to index
      %get3A_939 = arith.index_cast %scan3A_936 : i32 to index
      %get3A_940 = arith.constant 0 : index
      %get3A_941 = tpu.vector_load %arg7[%get3A_938, %get3A_939, %get3A_940] {strides = array<i32>} : memref<4x128x64xf32, #tpu.memory_space<vmem>>, vector<1x1x16xf32>,
      %get3A_942 = vector.shape_cast %get3A_941 : vector<1x1x16xf32> to vector<16xf32>
      %swap3A_943 = arith.constant 1 : i32
      %swap3A_944 = arith.index_cast %swap3A_943 : i32 to index
      %swap3A_945 = arith.index_cast %scan3A_936 : i32 to index
      %swap3A_946 = arith.constant 0 : index
      %swap3A_947 = tpu.vector_load %arg8[%swap3A_944, %swap3A_945, %swap3A_946] {strides = array<i32>} : memref<4x128x64xf32, #tpu.memory_space<vmem>>, vector<1x1x16xf32>,
      %swap3A_948 = vector.shape_cast %swap3A_947 : vector<1x1x16xf32> to vector<16xf32>
      %swap3A_949 = vector.shape_cast %get3A_942 : vector<16xf32> to vector<1x1x16xf32>
      tpu.vector_store %arg8[%swap3A_944, %swap3A_945, %swap3A_946], %swap3A_949 {add = true, strides = array<i32>} : memref<4x128x64xf32, #tpu.memory_space<vmem>>, vector<1x1x16xf32>,
      %get3A_950 = arith.constant 1 : i32
      %get3A_951 = arith.index_cast %get3A_950 : i32 to index
      %get3A_952 = arith.index_cast %scan3A_936 : i32 to index
      %get3A_953 = arith.constant 16 : index
      %get3A_954 = tpu.vector_load %arg7[%get3A_951, %get3A_952, %get3A_953] {strides = array<i32>} : memref<4x128x64xf32, #tpu.memory_space<vmem>>, vector<1x1x16xf32>,
      %get3A_955 = vector.shape_cast %get3A_954 : vector<1x1x16xf32> to vector<16xf32>
      %swap3A_956 = arith.constant 1 : i32
      %swap3A_957 = arith.index_cast %swap3A_956 : i32 to index
      %swap3A_958 = arith.index_cast %scan3A_936 : i32 to index
      %swap3A_959 = arith.constant 16 : index
      %swap3A_960 = tpu.vector_load %arg8[%swap3A_957, %swap3A_958, %swap3A_959] {strides = array<i32>} : memref<4x128x64xf32, #tpu.memory_space<vmem>>, vector<1x1x16xf32>,
      %swap3A_961 = vector.shape_cast %swap3A_960 : vector<1x1x16xf32> to vector<16xf32>
      %swap3A_962 = vector.shape_cast %get3A_955 : vector<16xf32> to vector<1x1x16xf32>
      tpu.vector_store %arg8[%swap3A_957, %swap3A_958, %swap3A_959], %swap3A_962 {add = true, strides = array<i32>} : memref<4x128x64xf32, #tpu.memory_space<vmem>>, vector<1x1x16xf32>,
      %get3A_963 = arith.constant 1 : i32
      %get3A_964 = arith.index_cast %get3A_963 : i32 to index
      %get3A_965 = arith.index_cast %scan3A_936 : i32 to index
      %get3A_966 = arith.constant 32 : index
      %get3A_967 = tpu.vector_load %arg7[%get3A_964, %get3A_965, %get3A_966] {strides = array<i32>} : memref<4x128x64xf32, #tpu.memory_space<vmem>>, vector<1x1x16xf32>,
      %get3A_968 = vector.shape_cast %get3A_967 : vector<1x1x16xf32> to vector<16xf32>
      %swap3A_969 = arith.constant 1 : i32
      %swap3A_970 = arith.index_cast %swap3A_969 : i32 to index
      %swap3A_971 = arith.index_cast %scan3A_936 : i32 to index
      %swap3A_972 = arith.constant 32 : index
      %swap3A_973 = tpu.vector_load %arg8[%swap3A_970, %swap3A_971, %swap3A_972] {strides = array<i32>} : memref<4x128x64xf32, #tpu.memory_space<vmem>>, vector<1x1x16xf32>,
      %swap3A_974 = vector.shape_cast %swap3A_973 : vector<1x1x16xf32> to vector<16xf32>
      %swap3A_975 = vector.shape_cast %get3A_968 : vector<16xf32> to vector<1x1x16xf32>
      tpu.vector_store %arg8[%swap3A_970, %swap3A_971, %swap3A_972], %swap3A_975 {add = true, strides = array<i32>} : memref<4x128x64xf32, #tpu.memory_space<vmem>>, vector<1x1x16xf32>,
      %get3A_976 = arith.constant 1 : i32
      %get3A_977 = arith.index_cast %get3A_976 : i32 to index
      %get3A_978 = arith.index_cast %scan3A_936 : i32 to index
      %get3A_979 = arith.constant 48 : index
      %get3A_980 = tpu.vector_load %arg7[%get3A_977, %get3A_978, %get3A_979] {strides = array<i32>} : memref<4x128x64xf32, #tpu.memory_space<vmem>>, vector<1x1x16xf32>,
      %get3A_981 = vector.shape_cast %get3A_980 : vector<1x1x16xf32> to vector<16xf32>
      %swap3A_982 = arith.constant 1 : i32
      %swap3A_983 = arith.index_cast %swap3A_982 : i32 to index
      %swap3A_984 = arith.index_cast %scan3A_936 : i32 to index
      %swap3A_985 = arith.constant 48 : index
      %swap3A_986 = tpu.vector_load %arg8[%swap3A_983, %swap3A_984, %swap3A_985] {strides = array<i32>} : memref<4x128x64xf32, #tpu.memory_space<vmem>>, vector<1x1x16xf32>,
      %swap3A_987 = vector.shape_cast %swap3A_986 : vector<1x1x16xf32> to vector<16xf32>
      %swap3A_988 = vector.shape_cast %get3A_981 : vector<16xf32> to vector<1x1x16xf32>
      tpu.vector_store %arg8[%swap3A_983, %swap3A_984, %swap3A_985], %swap3A_988 {add = true, strides = array<i32>} : memref<4x128x64xf32, #tpu.memory_space<vmem>>, vector<1x1x16xf32>,
      %scan3A_989 = arith.constant 0 : i32
      %scan3A_990 = arith.constant 5 : i32
      %scan3A_991 = arith.addi %scan3A_717, %scan3A_990 : i32
      %get3A_992 = arith.constant 1 : i32
      %get3A_993 = arith.index_cast %get3A_992 : i32 to index
      %get3A_994 = arith.index_cast %scan3A_991 : i32 to index
      %get3A_995 = arith.constant 0 : index
      %get3A_996 = tpu.vector_load %arg7[%get3A_993, %get3A_994, %get3A_995] {strides = array<i32>} : memref<4x128x64xf32, #tpu.memory_space<vmem>>, vector<1x1x16xf32>,
      %get3A_997 = vector.shape_cast %get3A_996 : vector<1x1x16xf32> to vector<16xf32>
      %swap3A_998 = arith.constant 1 : i32
      %swap3A_999 = arith.index_cast %swap3A_998 : i32 to index
      %swap3A_1000 = arith.index_cast %scan3A_991 : i32 to index
      %swap3A_1001 = arith.constant 0 : index
      %swap3A_1002 = tpu.vector_load %arg8[%swap3A_999, %swap3A_1000, %swap3A_1001] {strides = array<i32>} : memref<4x128x64xf32, #tpu.memory_space<vmem>>, vector<1x1x16xf32>,
      %swap3A_1003 = vector.shape_cast %swap3A_1002 : vector<1x1x16xf32> to vector<16xf32>
      %swap3A_1004 = vector.shape_cast %get3A_997 : vector<16xf32> to vector<1x1x16xf32>
      tpu.vector_store %arg8[%swap3A_999, %swap3A_1000, %swap3A_1001], %swap3A_1004 {add = true, strides = array<i32>} : memref<4x128x64xf32, #tpu.memory_space<vmem>>, vector<1x1x16xf32>,
      %get3A_1005 = arith.constant 1 : i32
      %get3A_1006 = arith.index_cast %get3A_1005 : i32 to index
      %get3A_1007 = arith.index_cast %scan3A_991 : i32 to index
      %get3A_1008 = arith.constant 16 : index
      %get3A_1009 = tpu.vector_load %arg7[%get3A_1006, %get3A_1007, %get3A_1008] {strides = array<i32>} : memref<4x128x64xf32, #tpu.memory_space<vmem>>, vector<1x1x16xf32>,
      %get3A_1010 = vector.shape_cast %get3A_1009 : vector<1x1x16xf32> to vector<16xf32>
      %swap3A_1011 = arith.constant 1 : i32
      %swap3A_1012 = arith.index_cast %swap3A_1011 : i32 to index
      %swap3A_1013 = arith.index_cast %scan3A_991 : i32 to index
      %swap3A_1014 = arith.constant 16 : index
      %swap3A_1015 = tpu.vector_load %arg8[%swap3A_1012, %swap3A_1013, %swap3A_1014] {strides = array<i32>} : memref<4x128x64xf32, #tpu.memory_space<vmem>>, vector<1x1x16xf32>,
      %swap3A_1016 = vector.shape_cast %swap3A_1015 : vector<1x1x16xf32> to vector<16xf32>
      %swap3A_1017 = vector.shape_cast %get3A_1010 : vector<16xf32> to vector<1x1x16xf32>
      tpu.vector_store %arg8[%swap3A_1012, %swap3A_1013, %swap3A_1014], %swap3A_1017 {add = true, strides = array<i32>} : memref<4x128x64xf32, #tpu.memory_space<vmem>>, vector<1x1x16xf32>,
      %get3A_1018 = arith.constant 1 : i32
      %get3A_1019 = arith.index_cast %get3A_1018 : i32 to index
      %get3A_1020 = arith.index_cast %scan3A_991 : i32 to index
      %get3A_1021 = arith.constant 32 : index
      %get3A_1022 = tpu.vector_load %arg7[%get3A_1019, %get3A_1020, %get3A_1021] {strides = array<i32>} : memref<4x128x64xf32, #tpu.memory_space<vmem>>, vector<1x1x16xf32>,
      %get3A_1023 = vector.shape_cast %get3A_1022 : vector<1x1x16xf32> to vector<16xf32>
      %swap3A_1024 = arith.constant 1 : i32
      %swap3A_1025 = arith.index_cast %swap3A_1024 : i32 to index
      %swap3A_1026 = arith.index_cast %scan3A_991 : i32 to index
      %swap3A_1027 = arith.constant 32 : index
      %swap3A_1028 = tpu.vector_load %arg8[%swap3A_1025, %swap3A_1026, %swap3A_1027] {strides = array<i32>} : memref<4x128x64xf32, #tpu.memory_space<vmem>>, vector<1x1x16xf32>,
      %swap3A_1029 = vector.shape_cast %swap3A_1028 : vector<1x1x16xf32> to vector<16xf32>
      %swap3A_1030 = vector.shape_cast %get3A_1023 : vector<16xf32> to vector<1x1x16xf32>
      tpu.vector_store %arg8[%swap3A_1025, %swap3A_1026, %swap3A_1027], %swap3A_1030 {add = true, strides = array<i32>} : memref<4x128x64xf32, #tpu.memory_space<vmem>>, vector<1x1x16xf32>,
      %get3A_1031 = arith.constant 1 : i32
      %get3A_1032 = arith.index_cast %get3A_1031 : i32 to index
      %get3A_1033 = arith.index_cast %scan3A_991 : i32 to index
      %get3A_1034 = arith.constant 48 : index
      %get3A_1035 = tpu.vector_load %arg7[%get3A_1032, %get3A_1033, %get3A_1034] {strides = array<i32>} : memref<4x128x64xf32, #tpu.memory_space<vmem>>, vector<1x1x16xf32>,
      %get3A_1036 = vector.shape_cast %get3A_1035 : vector<1x1x16xf32> to vector<16xf32>
      %swap3A_1037 = arith.constant 1 : i32
      %swap3A_1038 = arith.index_cast %swap3A_1037 : i32 to index
      %swap3A_1039 = arith.index_cast %scan3A_991 : i32 to index
      %swap3A_1040 = arith.constant 48 : index
      %swap3A_1041 = tpu.vector_load %arg8[%swap3A_1038, %swap3A_1039, %swap3A_1040] {strides = array<i32>} : memref<4x128x64xf32, #tpu.memory_space<vmem>>, vector<1x1x16xf32>,
      %swap3A_1042 = vector.shape_cast %swap3A_1041 : vector<1x1x16xf32> to vector<16xf32>
      %swap3A_1043 = vector.shape_cast %get3A_1036 : vector<16xf32> to vector<1x1x16xf32>
      tpu.vector_store %arg8[%swap3A_1038, %swap3A_1039, %swap3A_1040], %swap3A_1043 {add = true, strides = array<i32>} : memref<4x128x64xf32, #tpu.memory_space<vmem>>, vector<1x1x16xf32>,
      %scan3A_1044 = arith.constant 0 : i32
      %scan3A_1045 = arith.constant 6 : i32
      %scan3A_1046 = arith.addi %scan3A_717, %scan3A_1045 : i32
      %get3A_1047 = arith.constant 1 : i32
      %get3A_1048 = arith.index_cast %get3A_1047 : i32 to index
      %get3A_1049 = arith.index_cast %scan3A_1046 : i32 to index
      %get3A_1050 = arith.constant 0 : index
      %get3A_1051 = tpu.vector_load %arg7[%get3A_1048, %get3A_1049, %get3A_1050] {strides = array<i32>} : memref<4x128x64xf32, #tpu.memory_space<vmem>>, vector<1x1x16xf32>,
      %get3A_1052 = vector.shape_cast %get3A_1051 : vector<1x1x16xf32> to vector<16xf32>
      %swap3A_1053 = arith.constant 1 : i32
      %swap3A_1054 = arith.index_cast %swap3A_1053 : i32 to index
      %swap3A_1055 = arith.index_cast %scan3A_1046 : i32 to index
      %swap3A_1056 = arith.constant 0 : index
      %swap3A_1057 = tpu.vector_load %arg8[%swap3A_1054, %swap3A_1055, %swap3A_1056] {strides = array<i32>} : memref<4x128x64xf32, #tpu.memory_space<vmem>>, vector<1x1x16xf32>,
      %swap3A_1058 = vector.shape_cast %swap3A_1057 : vector<1x1x16xf32> to vector<16xf32>
      %swap3A_1059 = vector.shape_cast %get3A_1052 : vector<16xf32> to vector<1x1x16xf32>
      tpu.vector_store %arg8[%swap3A_1054, %swap3A_1055, %swap3A_1056], %swap3A_1059 {add = true, strides = array<i32>} : memref<4x128x64xf32, #tpu.memory_space<vmem>>, vector<1x1x16xf32>,
      %get3A_1060 = arith.constant 1 : i32
      %get3A_1061 = arith.index_cast %get3A_1060 : i32 to index
      %get3A_1062 = arith.index_cast %scan3A_1046 : i32 to index
      %get3A_1063 = arith.constant 16 : index
      %get3A_1064 = tpu.vector_load %arg7[%get3A_1061, %get3A_1062, %get3A_1063] {strides = array<i32>} : memref<4x128x64xf32, #tpu.memory_space<vmem>>, vector<1x1x16xf32>,
      %get3A_1065 = vector.shape_cast %get3A_1064 : vector<1x1x16xf32> to vector<16xf32>
      %swap3A_1066 = arith.constant 1 : i32
      %swap3A_1067 = arith.index_cast %swap3A_1066 : i32 to index
      %swap3A_1068 = arith.index_cast %scan3A_1046 : i32 to index
      %swap3A_1069 = arith.constant 16 : index
      %swap3A_1070 = tpu.vector_load %arg8[%swap3A_1067, %swap3A_1068, %swap3A_1069] {strides = array<i32>} : memref<4x128x64xf32, #tpu.memory_space<vmem>>, vector<1x1x16xf32>,
      %swap3A_1071 = vector.shape_cast %swap3A_1070 : vector<1x1x16xf32> to vector<16xf32>
      %swap3A_1072 = vector.shape_cast %get3A_1065 : vector<16xf32> to vector<1x1x16xf32>
      tpu.vector_store %arg8[%swap3A_1067, %swap3A_1068, %swap3A_1069], %swap3A_1072 {add = true, strides = array<i32>} : memref<4x128x64xf32, #tpu.memory_space<vmem>>, vector<1x1x16xf32>,
      %get3A_1073 = arith.constant 1 : i32
      %get3A_1074 = arith.index_cast %get3A_1073 : i32 to index
      %get3A_1075 = arith.index_cast %scan3A_1046 : i32 to index
      %get3A_1076 = arith.constant 32 : index
      %get3A_1077 = tpu.vector_load %arg7[%get3A_1074, %get3A_1075, %get3A_1076] {strides = array<i32>} : memref<4x128x64xf32, #tpu.memory_space<vmem>>, vector<1x1x16xf32>,
      %get3A_1078 = vector.shape_cast %get3A_1077 : vector<1x1x16xf32> to vector<16xf32>
      %swap3A_1079 = arith.constant 1 : i32
      %swap3A_1080 = arith.index_cast %swap3A_1079 : i32 to index
      %swap3A_1081 = arith.index_cast %scan3A_1046 : i32 to index
      %swap3A_1082 = arith.constant 32 : index
      %swap3A_1083 = tpu.vector_load %arg8[%swap3A_1080, %swap3A_1081, %swap3A_1082] {strides = array<i32>} : memref<4x128x64xf32, #tpu.memory_space<vmem>>, vector<1x1x16xf32>,
      %swap3A_1084 = vector.shape_cast %swap3A_1083 : vector<1x1x16xf32> to vector<16xf32>
      %swap3A_1085 = vector.shape_cast %get3A_1078 : vector<16xf32> to vector<1x1x16xf32>
      tpu.vector_store %arg8[%swap3A_1080, %swap3A_1081, %swap3A_1082], %swap3A_1085 {add = true, strides = array<i32>} : memref<4x128x64xf32, #tpu.memory_space<vmem>>, vector<1x1x16xf32>,
      %get3A_1086 = arith.constant 1 : i32
      %get3A_1087 = arith.index_cast %get3A_1086 : i32 to index
      %get3A_1088 = arith.index_cast %scan3A_1046 : i32 to index
      %get3A_1089 = arith.constant 48 : index
      %get3A_1090 = tpu.vector_load %arg7[%get3A_1087, %get3A_1088, %get3A_1089] {strides = array<i32>} : memref<4x128x64xf32, #tpu.memory_space<vmem>>, vector<1x1x16xf32>,
      %get3A_1091 = vector.shape_cast %get3A_1090 : vector<1x1x16xf32> to vector<16xf32>
      %swap3A_1092 = arith.constant 1 : i32
      %swap3A_1093 = arith.index_cast %swap3A_1092 : i32 to index
      %swap3A_1094 = arith.index_cast %scan3A_1046 : i32 to index
      %swap3A_1095 = arith.constant 48 : index
      %swap3A_1096 = tpu.vector_load %arg8[%swap3A_1093, %swap3A_1094, %swap3A_1095] {strides = array<i32>} : memref<4x128x64xf32, #tpu.memory_space<vmem>>, vector<1x1x16xf32>,
      %swap3A_1097 = vector.shape_cast %swap3A_1096 : vector<1x1x16xf32> to vector<16xf32>
      %swap3A_1098 = vector.shape_cast %get3A_1091 : vector<16xf32> to vector<1x1x16xf32>
      tpu.vector_store %arg8[%swap3A_1093, %swap3A_1094, %swap3A_1095], %swap3A_1098 {add = true, strides = array<i32>} : memref<4x128x64xf32, #tpu.memory_space<vmem>>, vector<1x1x16xf32>,
      %scan3A_1099 = arith.constant 0 : i32
      %scan3A_1100 = arith.constant 7 : i32
      %scan3A_1101 = arith.addi %scan3A_717, %scan3A_1100 : i32
      %get3A_1102 = arith.constant 1 : i32
      %get3A_1103 = arith.index_cast %get3A_1102 : i32 to index
      %get3A_1104 = arith.index_cast %scan3A_1101 : i32 to index
      %get3A_1105 = arith.constant 0 : index
      %get3A_1106 = tpu.vector_load %arg7[%get3A_1103, %get3A_1104, %get3A_1105] {strides = array<i32>} : memref<4x128x64xf32, #tpu.memory_space<vmem>>, vector<1x1x16xf32>,
      %get3A_1107 = vector.shape_cast %get3A_1106 : vector<1x1x16xf32> to vector<16xf32>
      %swap3A_1108 = arith.constant 1 : i32
      %swap3A_1109 = arith.index_cast %swap3A_1108 : i32 to index
      %swap3A_1110 = arith.index_cast %scan3A_1101 : i32 to index
      %swap3A_1111 = arith.constant 0 : index
      %swap3A_1112 = tpu.vector_load %arg8[%swap3A_1109, %swap3A_1110, %swap3A_1111] {strides = array<i32>} : memref<4x128x64xf32, #tpu.memory_space<vmem>>, vector<1x1x16xf32>,
      %swap3A_1113 = vector.shape_cast %swap3A_1112 : vector<1x1x16xf32> to vector<16xf32>
      %swap3A_1114 = vector.shape_cast %get3A_1107 : vector<16xf32> to vector<1x1x16xf32>
      tpu.vector_store %arg8[%swap3A_1109, %swap3A_1110, %swap3A_1111], %swap3A_1114 {add = true, strides = array<i32>} : memref<4x128x64xf32, #tpu.memory_space<vmem>>, vector<1x1x16xf32>,
      %get3A_1115 = arith.constant 1 : i32
      %get3A_1116 = arith.index_cast %get3A_1115 : i32 to index
      %get3A_1117 = arith.index_cast %scan3A_1101 : i32 to index
      %get3A_1118 = arith.constant 16 : index
      %get3A_1119 = tpu.vector_load %arg7[%get3A_1116, %get3A_1117, %get3A_1118] {strides = array<i32>} : memref<4x128x64xf32, #tpu.memory_space<vmem>>, vector<1x1x16xf32>,
      %get3A_1120 = vector.shape_cast %get3A_1119 : vector<1x1x16xf32> to vector<16xf32>
      %swap3A_1121 = arith.constant 1 : i32
      %swap3A_1122 = arith.index_cast %swap3A_1121 : i32 to index
      %swap3A_1123 = arith.index_cast %scan3A_1101 : i32 to index
      %swap3A_1124 = arith.constant 16 : index
      %swap3A_1125 = tpu.vector_load %arg8[%swap3A_1122, %swap3A_1123, %swap3A_1124] {strides = array<i32>} : memref<4x128x64xf32, #tpu.memory_space<vmem>>, vector<1x1x16xf32>,
      %swap3A_1126 = vector.shape_cast %swap3A_1125 : vector<1x1x16xf32> to vector<16xf32>
      %swap3A_1127 = vector.shape_cast %get3A_1120 : vector<16xf32> to vector<1x1x16xf32>
      tpu.vector_store %arg8[%swap3A_1122, %swap3A_1123, %swap3A_1124], %swap3A_1127 {add = true, strides = array<i32>} : memref<4x128x64xf32, #tpu.memory_space<vmem>>, vector<1x1x16xf32>,
      %get3A_1128 = arith.constant 1 : i32
      %get3A_1129 = arith.index_cast %get3A_1128 : i32 to index
      %get3A_1130 = arith.index_cast %scan3A_1101 : i32 to index
      %get3A_1131 = arith.constant 32 : index
      %get3A_1132 = tpu.vector_load %arg7[%get3A_1129, %get3A_1130, %get3A_1131] {strides = array<i32>} : memref<4x128x64xf32, #tpu.memory_space<vmem>>, vector<1x1x16xf32>,
      %get3A_1133 = vector.shape_cast %get3A_1132 : vector<1x1x16xf32> to vector<16xf32>
      %swap3A_1134 = arith.constant 1 : i32
      %swap3A_1135 = arith.index_cast %swap3A_1134 : i32 to index
      %swap3A_1136 = arith.index_cast %scan3A_1101 : i32 to index
      %swap3A_1137 = arith.constant 32 : index
      %swap3A_1138 = tpu.vector_load %arg8[%swap3A_1135, %swap3A_1136, %swap3A_1137] {strides = array<i32>} : memref<4x128x64xf32, #tpu.memory_space<vmem>>, vector<1x1x16xf32>,
      %swap3A_1139 = vector.shape_cast %swap3A_1138 : vector<1x1x16xf32> to vector<16xf32>
      %swap3A_1140 = vector.shape_cast %get3A_1133 : vector<16xf32> to vector<1x1x16xf32>
      tpu.vector_store %arg8[%swap3A_1135, %swap3A_1136, %swap3A_1137], %swap3A_1140 {add = true, strides = array<i32>} : memref<4x128x64xf32, #tpu.memory_space<vmem>>, vector<1x1x16xf32>,
      %get3A_1141 = arith.constant 1 : i32
      %get3A_1142 = arith.index_cast %get3A_1141 : i32 to index
      %get3A_1143 = arith.index_cast %scan3A_1101 : i32 to index
      %get3A_1144 = arith.constant 48 : index
      %get3A_1145 = tpu.vector_load %arg7[%get3A_1142, %get3A_1143, %get3A_1144] {strides = array<i32>} : memref<4x128x64xf32, #tpu.memory_space<vmem>>, vector<1x1x16xf32>,
      %get3A_1146 = vector.shape_cast %get3A_1145 : vector<1x1x16xf32> to vector<16xf32>
      %swap3A_1147 = arith.constant 1 : i32
      %swap3A_1148 = arith.index_cast %swap3A_1147 : i32 to index
      %swap3A_1149 = arith.index_cast %scan3A_1101 : i32 to index
      %swap3A_1150 = arith.constant 48 : index
      %swap3A_1151 = tpu.vector_load %arg8[%swap3A_1148, %swap3A_1149, %swap3A_1150] {strides = array<i32>} : memref<4x128x64xf32, #tpu.memory_space<vmem>>, vector<1x1x16xf32>,
      %swap3A_1152 = vector.shape_cast %swap3A_1151 : vector<1x1x16xf32> to vector<16xf32>
      %swap3A_1153 = vector.shape_cast %get3A_1146 : vector<16xf32> to vector<1x1x16xf32>
      tpu.vector_store %arg8[%swap3A_1148, %swap3A_1149, %swap3A_1150], %swap3A_1153 {add = true, strides = array<i32>} : memref<4x128x64xf32, #tpu.memory_space<vmem>>, vector<1x1x16xf32>,
      %scan3A_1154 = arith.constant 0 : i32
      scf.yield %scan3A_1154 : i32
    }
    %scan3A_552 = arith.constant 128 : i32
    %add3A_553 = arith.constant 640 : i32
    %add3A_554 = arith.addi %multiple_of3A, %add3A_553 : i32
    %multiple_of3A_555 = tpu.assume_multiple %add3A_554, 128 : i32
    %dma_start3A_556 = arith.constant 1 : i32
    %dma_start3A_557 = arith.constant 0 : i32
    %dma_start3A_558 = arith.constant 0 : i32
    %dma_start3A_559 = tpu.memref_slice %arg8[%dma_start3A_556, %dma_start3A_557, %dma_start3A_558] : memref<4x128x64xf32, #tpu.memory_space<vmem>> -> memref<1x128x64xf32, #tpu.memory_space<vmem>>
    %dma_start3A_560 = tpu.memref_squeeze %dma_start3A_559 : memref<1x128x64xf32, #tpu.memory_space<vmem>> -> memref<128x64xf32, #tpu.memory_space<vmem>>
    %dma_start3A_561 = arith.constant 0 : i32
    %dma_start3A_562 = tpu.memref_slice %arg5[%multiple_of3A_555, %dma_start3A_561] : memref<32768x64xf32, #tpu.memory_space<hbm>> -> memref<128x64xf32, #tpu.memory_space<hbm>>
    %dma_start3A_563 = arith.constant 0 : i32
    %dma_start3A_564 = tpu.memref_slice %arg5[%multiple_of3A_555, %dma_start3A_563] : memref<32768x64xf32, #tpu.memory_space<hbm>> -> memref<128x64xf32, #tpu.memory_space<hbm>>
    %dma_start3A_565 = arith.constant 0 : i32
    %dma_start3A_566 = arith.constant 0 : i32
    %dma_start3A_567 = tpu.memref_slice %arg8[%dma_start3A_556, %dma_start3A_565, %dma_start3A_566] : memref<4x128x64xf32, #tpu.memory_space<vmem>> -> memref<1x128x64xf32, #tpu.memory_space<vmem>>
    %dma_start3A_568 = tpu.memref_squeeze %dma_start3A_567 : memref<1x128x64xf32, #tpu.memory_space<vmem>> -> memref<128x64xf32, #tpu.memory_space<vmem>>
    tpu.enqueue_dma source(%dma_start3A_568 : memref<128x64xf32, #tpu.memory_space<vmem>>) target(%dma_start3A_564 : memref<128x64xf32, #tpu.memory_space<hbm>>) target_semaphore(%arg10 : memref<!tpu.dma_semaphore, #tpu.memory_space<semaphore_mem>>)
    %dma_wait3A_569 = arith.constant 6 : i32
    %dma_wait3A_570 = arith.constant 2 : i32
    %dma_wait3A_571 = arith.constant 0 : i32
    %dma_wait3A_572 = arith.constant 0 : i32
    %dma_wait3A_573 = tpu.memref_slice %arg7[%dma_wait3A_570, %dma_wait3A_571, %dma_wait3A_572] : memref<4x128x64xf32, #tpu.memory_space<vmem>> -> memref<1x128x64xf32, #tpu.memory_space<vmem>>
    %dma_wait3A_574 = tpu.memref_squeeze %dma_wait3A_573 : memref<1x128x64xf32, #tpu.memory_space<vmem>> -> memref<128x64xf32, #tpu.memory_space<vmem>>
    %dma_wait3A_575 = arith.constant 0 : i32
    %dma_wait3A_576 = tpu.memref_slice %arg6[%dma_wait3A_569, %dma_wait3A_575] : memref<8x128xi32, #tpu.memory_space<vmem>> -> memref<1x128xi32, #tpu.memory_space<vmem>>
    %dma_wait3A_577 = tpu.memref_squeeze %dma_wait3A_576 : memref<1x128xi32, #tpu.memory_space<vmem>> -> memref<128xi32, #tpu.memory_space<vmem>>
    %dma_wait3A_578 = arith.constant 0 : i32
    %dma_wait3A_579 = arith.constant 0 : i32
    %dma_wait3A_580 = tpu.memref_slice %arg3[%dma_wait3A_578, %dma_wait3A_579] : memref<100000x64xf32, #tpu.memory_space<hbm>> -> memref<100000x64xf32, #tpu.memory_space<hbm>>
    tpu.wait_indirect_dma semaphore(%arg9 : memref<!tpu.dma_semaphore, #tpu.memory_space<semaphore_mem>>) src(%dma_wait3A_580 : memref<100000x64xf32, #tpu.memory_space<hbm>>) dst(%dma_wait3A_574 : memref<128x64xf32, #tpu.memory_space<vmem>>)
    %dma_wait3A_581 = arith.constant 2 : i32
    %dma_wait3A_582 = arith.constant 0 : i32
    %dma_wait3A_583 = arith.constant 0 : i32
    %dma_wait3A_584 = tpu.memref_slice %arg8[%dma_wait3A_581, %dma_wait3A_582, %dma_wait3A_583] : memref<4x128x64xf32, #tpu.memory_space<vmem>> -> memref<1x128x64xf32, #tpu.memory_space<vmem>>
    %dma_wait3A_585 = tpu.memref_squeeze %dma_wait3A_584 : memref<1x128x64xf32, #tpu.memory_space<vmem>> -> memref<128x64xf32, #tpu.memory_space<vmem>>
    %dma_wait3A_586 = arith.constant 0 : i32
    %dma_wait3A_587 = tpu.memref_slice %arg4[%multiple_of3A_418, %dma_wait3A_586] : memref<8192x64xf32, #tpu.memory_space<hbm>> -> memref<128x64xf32, #tpu.memory_space<hbm>>
    %dma_wait3A_588 = arith.constant 0 : i32
    %dma_wait3A_589 = arith.constant 0 : i32
    %dma_wait3A_590 = tpu.memref_slice %arg8[%dma_wait3A_581, %dma_wait3A_588, %dma_wait3A_589] : memref<4x128x64xf32, #tpu.memory_space<vmem>> -> memref<1x128x64xf32, #tpu.memory_space<vmem>>
    %dma_wait3A_591 = tpu.memref_squeeze %dma_wait3A_590 : memref<1x128x64xf32, #tpu.memory_space<vmem>> -> memref<128x64xf32, #tpu.memory_space<vmem>>
    %dma_wait3A_592 = arith.constant 0 : i32
    %dma_wait3A_593 = tpu.memref_slice %arg4[%multiple_of3A_418, %dma_wait3A_592] : memref<8192x64xf32, #tpu.memory_space<hbm>> -> memref<128x64xf32, #tpu.memory_space<hbm>>
    tpu.wait_dma2 semaphore(%arg11 : memref<!tpu.dma_semaphore, #tpu.memory_space<semaphore_mem>>) src(%dma_wait3A_593 : memref<128x64xf32, #tpu.memory_space<hbm>>) dst(%dma_wait3A_591 : memref<128x64xf32, #tpu.memory_space<vmem>>)
    %scan3A_594 = arith.constant 0 : i32
    %scan3A_595 = arith.constant 0 : i32
    %scan3A_596 = arith.constant 128 : i32
    %scan3A_597 = arith.addi %scan3A_595, %scan3A_596 : i32
    %scan3A_598 = arith.constant 8 : i32
    %scan3A_599 = scf.for %scan3A_717 = %scan3A_595 to %scan3A_597 step %scan3A_598 iter_args(%scan3A_718 = %scan3A_594) -> (i32)  : i32 {
      %get3A = arith.constant 2 : i32
      %get3A_719 = arith.index_cast %get3A : i32 to index
      %get3A_720 = arith.index_cast %scan3A_717 : i32 to index
      %get3A_721 = arith.constant 0 : index
      %get3A_722 = tpu.vector_load %arg7[%get3A_719, %get3A_720, %get3A_721] {strides = array<i32>} : memref<4x128x64xf32, #tpu.memory_space<vmem>>, vector<1x1x16xf32>,
      %get3A_723 = vector.shape_cast %get3A_722 : vector<1x1x16xf32> to vector<16xf32>
      %swap3A = arith.constant 2 : i32
      %swap3A_724 = arith.index_cast %swap3A : i32 to index
      %swap3A_725 = arith.index_cast %scan3A_717 : i32 to index
      %swap3A_726 = arith.constant 0 : index
      %swap3A_727 = tpu.vector_load %arg8[%swap3A_724, %swap3A_725, %swap3A_726] {strides = array<i32>} : memref<4x128x64xf32, #tpu.memory_space<vmem>>, vector<1x1x16xf32>,
      %swap3A_728 = vector.shape_cast %swap3A_727 : vector<1x1x16xf32> to vector<16xf32>
      %swap3A_729 = vector.shape_cast %get3A_723 : vector<16xf32> to vector<1x1x16xf32>
      tpu.vector_store %arg8[%swap3A_724, %swap3A_725, %swap3A_726], %swap3A_729 {add = true, strides = array<i32>} : memref<4x128x64xf32, #tpu.memory_space<vmem>>, vector<1x1x16xf32>,
      %get3A_730 = arith.constant 2 : i32
      %get3A_731 = arith.index_cast %get3A_730 : i32 to index
      %get3A_732 = arith.index_cast %scan3A_717 : i32 to index
      %get3A_733 = arith.constant 16 : index
      %get3A_734 = tpu.vector_load %arg7[%get3A_731, %get3A_732, %get3A_733] {strides = array<i32>} : memref<4x128x64xf32, #tpu.memory_space<vmem>>, vector<1x1x16xf32>,
      %get3A_735 = vector.shape_cast %get3A_734 : vector<1x1x16xf32> to vector<16xf32>
      %swap3A_736 = arith.constant 2 : i32
      %swap3A_737 = arith.index_cast %swap3A_736 : i32 to index
      %swap3A_738 = arith.index_cast %scan3A_717 : i32 to index
      %swap3A_739 = arith.constant 16 : index
      %swap3A_740 = tpu.vector_load %arg8[%swap3A_737, %swap3A_738, %swap3A_739] {strides = array<i32>} : memref<4x128x64xf32, #tpu.memory_space<vmem>>, vector<1x1x16xf32>,
      %swap3A_741 = vector.shape_cast %swap3A_740 : vector<1x1x16xf32> to vector<16xf32>
      %swap3A_742 = vector.shape_cast %get3A_735 : vector<16xf32> to vector<1x1x16xf32>
      tpu.vector_store %arg8[%swap3A_737, %swap3A_738, %swap3A_739], %swap3A_742 {add = true, strides = array<i32>} : memref<4x128x64xf32, #tpu.memory_space<vmem>>, vector<1x1x16xf32>,
      %get3A_743 = arith.constant 2 : i32
      %get3A_744 = arith.index_cast %get3A_743 : i32 to index
      %get3A_745 = arith.index_cast %scan3A_717 : i32 to index
      %get3A_746 = arith.constant 32 : index
      %get3A_747 = tpu.vector_load %arg7[%get3A_744, %get3A_745, %get3A_746] {strides = array<i32>} : memref<4x128x64xf32, #tpu.memory_space<vmem>>, vector<1x1x16xf32>,
      %get3A_748 = vector.shape_cast %get3A_747 : vector<1x1x16xf32> to vector<16xf32>
      %swap3A_749 = arith.constant 2 : i32
      %swap3A_750 = arith.index_cast %swap3A_749 : i32 to index
      %swap3A_751 = arith.index_cast %scan3A_717 : i32 to index
      %swap3A_752 = arith.constant 32 : index
      %swap3A_753 = tpu.vector_load %arg8[%swap3A_750, %swap3A_751, %swap3A_752] {strides = array<i32>} : memref<4x128x64xf32, #tpu.memory_space<vmem>>, vector<1x1x16xf32>,
      %swap3A_754 = vector.shape_cast %swap3A_753 : vector<1x1x16xf32> to vector<16xf32>
      %swap3A_755 = vector.shape_cast %get3A_748 : vector<16xf32> to vector<1x1x16xf32>
      tpu.vector_store %arg8[%swap3A_750, %swap3A_751, %swap3A_752], %swap3A_755 {add = true, strides = array<i32>} : memref<4x128x64xf32, #tpu.memory_space<vmem>>, vector<1x1x16xf32>,
      %get3A_756 = arith.constant 2 : i32
      %get3A_757 = arith.index_cast %get3A_756 : i32 to index
      %get3A_758 = arith.index_cast %scan3A_717 : i32 to index
      %get3A_759 = arith.constant 48 : index
      %get3A_760 = tpu.vector_load %arg7[%get3A_757, %get3A_758, %get3A_759] {strides = array<i32>} : memref<4x128x64xf32, #tpu.memory_space<vmem>>, vector<1x1x16xf32>,
      %get3A_761 = vector.shape_cast %get3A_760 : vector<1x1x16xf32> to vector<16xf32>
      %swap3A_762 = arith.constant 2 : i32
      %swap3A_763 = arith.index_cast %swap3A_762 : i32 to index
      %swap3A_764 = arith.index_cast %scan3A_717 : i32 to index
      %swap3A_765 = arith.constant 48 : index
      %swap3A_766 = tpu.vector_load %arg8[%swap3A_763, %swap3A_764, %swap3A_765] {strides = array<i32>} : memref<4x128x64xf32, #tpu.memory_space<vmem>>, vector<1x1x16xf32>,
      %swap3A_767 = vector.shape_cast %swap3A_766 : vector<1x1x16xf32> to vector<16xf32>
      %swap3A_768 = vector.shape_cast %get3A_761 : vector<16xf32> to vector<1x1x16xf32>
      tpu.vector_store %arg8[%swap3A_763, %swap3A_764, %swap3A_765], %swap3A_768 {add = true, strides = array<i32>} : memref<4x128x64xf32, #tpu.memory_space<vmem>>, vector<1x1x16xf32>,
      %scan3A_769 = arith.constant 0 : i32
      %scan3A_770 = arith.constant 1 : i32
      %scan3A_771 = arith.addi %scan3A_717, %scan3A_770 : i32
      %get3A_772 = arith.constant 2 : i32
      %get3A_773 = arith.index_cast %get3A_772 : i32 to index
      %get3A_774 = arith.index_cast %scan3A_771 : i32 to index
      %get3A_775 = arith.constant 0 : index
      %get3A_776 = tpu.vector_load %arg7[%get3A_773, %get3A_774, %get3A_775] {strides = array<i32>} : memref<4x128x64xf32, #tpu.memory_space<vmem>>, vector<1x1x16xf32>,
      %get3A_777 = vector.shape_cast %get3A_776 : vector<1x1x16xf32> to vector<16xf32>
      %swap3A_778 = arith.constant 2 : i32
      %swap3A_779 = arith.index_cast %swap3A_778 : i32 to index
      %swap3A_780 = arith.index_cast %scan3A_771 : i32 to index
      %swap3A_781 = arith.constant 0 : index
      %swap3A_782 = tpu.vector_load %arg8[%swap3A_779, %swap3A_780, %swap3A_781] {strides = array<i32>} : memref<4x128x64xf32, #tpu.memory_space<vmem>>, vector<1x1x16xf32>,
      %swap3A_783 = vector.shape_cast %swap3A_782 : vector<1x1x16xf32> to vector<16xf32>
      %swap3A_784 = vector.shape_cast %get3A_777 : vector<16xf32> to vector<1x1x16xf32>
      tpu.vector_store %arg8[%swap3A_779, %swap3A_780, %swap3A_781], %swap3A_784 {add = true, strides = array<i32>} : memref<4x128x64xf32, #tpu.memory_space<vmem>>, vector<1x1x16xf32>,
      %get3A_785 = arith.constant 2 : i32
      %get3A_786 = arith.index_cast %get3A_785 : i32 to index
      %get3A_787 = arith.index_cast %scan3A_771 : i32 to index
      %get3A_788 = arith.constant 16 : index
      %get3A_789 = tpu.vector_load %arg7[%get3A_786, %get3A_787, %get3A_788] {strides = array<i32>} : memref<4x128x64xf32, #tpu.memory_space<vmem>>, vector<1x1x16xf32>,
      %get3A_790 = vector.shape_cast %get3A_789 : vector<1x1x16xf32> to vector<16xf32>
      %swap3A_791 = arith.constant 2 : i32
      %swap3A_792 = arith.index_cast %swap3A_791 : i32 to index
      %swap3A_793 = arith.index_cast %scan3A_771 : i32 to index
      %swap3A_794 = arith.constant 16 : index
      %swap3A_795 = tpu.vector_load %arg8[%swap3A_792, %swap3A_793, %swap3A_794] {strides = array<i32>} : memref<4x128x64xf32, #tpu.memory_space<vmem>>, vector<1x1x16xf32>,
      %swap3A_796 = vector.shape_cast %swap3A_795 : vector<1x1x16xf32> to vector<16xf32>
      %swap3A_797 = vector.shape_cast %get3A_790 : vector<16xf32> to vector<1x1x16xf32>
      tpu.vector_store %arg8[%swap3A_792, %swap3A_793, %swap3A_794], %swap3A_797 {add = true, strides = array<i32>} : memref<4x128x64xf32, #tpu.memory_space<vmem>>, vector<1x1x16xf32>,
      %get3A_798 = arith.constant 2 : i32
      %get3A_799 = arith.index_cast %get3A_798 : i32 to index
      %get3A_800 = arith.index_cast %scan3A_771 : i32 to index
      %get3A_801 = arith.constant 32 : index
      %get3A_802 = tpu.vector_load %arg7[%get3A_799, %get3A_800, %get3A_801] {strides = array<i32>} : memref<4x128x64xf32, #tpu.memory_space<vmem>>, vector<1x1x16xf32>,
      %get3A_803 = vector.shape_cast %get3A_802 : vector<1x1x16xf32> to vector<16xf32>
      %swap3A_804 = arith.constant 2 : i32
      %swap3A_805 = arith.index_cast %swap3A_804 : i32 to index
      %swap3A_806 = arith.index_cast %scan3A_771 : i32 to index
      %swap3A_807 = arith.constant 32 : index
      %swap3A_808 = tpu.vector_load %arg8[%swap3A_805, %swap3A_806, %swap3A_807] {strides = array<i32>} : memref<4x128x64xf32, #tpu.memory_space<vmem>>, vector<1x1x16xf32>,
      %swap3A_809 = vector.shape_cast %swap3A_808 : vector<1x1x16xf32> to vector<16xf32>
      %swap3A_810 = vector.shape_cast %get3A_803 : vector<16xf32> to vector<1x1x16xf32>
      tpu.vector_store %arg8[%swap3A_805, %swap3A_806, %swap3A_807], %swap3A_810 {add = true, strides = array<i32>} : memref<4x128x64xf32, #tpu.memory_space<vmem>>, vector<1x1x16xf32>,
      %get3A_811 = arith.constant 2 : i32
      %get3A_812 = arith.index_cast %get3A_811 : i32 to index
      %get3A_813 = arith.index_cast %scan3A_771 : i32 to index
      %get3A_814 = arith.constant 48 : index
      %get3A_815 = tpu.vector_load %arg7[%get3A_812, %get3A_813, %get3A_814] {strides = array<i32>} : memref<4x128x64xf32, #tpu.memory_space<vmem>>, vector<1x1x16xf32>,
      %get3A_816 = vector.shape_cast %get3A_815 : vector<1x1x16xf32> to vector<16xf32>
      %swap3A_817 = arith.constant 2 : i32
      %swap3A_818 = arith.index_cast %swap3A_817 : i32 to index
      %swap3A_819 = arith.index_cast %scan3A_771 : i32 to index
      %swap3A_820 = arith.constant 48 : index
      %swap3A_821 = tpu.vector_load %arg8[%swap3A_818, %swap3A_819, %swap3A_820] {strides = array<i32>} : memref<4x128x64xf32, #tpu.memory_space<vmem>>, vector<1x1x16xf32>,
      %swap3A_822 = vector.shape_cast %swap3A_821 : vector<1x1x16xf32> to vector<16xf32>
      %swap3A_823 = vector.shape_cast %get3A_816 : vector<16xf32> to vector<1x1x16xf32>
      tpu.vector_store %arg8[%swap3A_818, %swap3A_819, %swap3A_820], %swap3A_823 {add = true, strides = array<i32>} : memref<4x128x64xf32, #tpu.memory_space<vmem>>, vector<1x1x16xf32>,
      %scan3A_824 = arith.constant 0 : i32
      %scan3A_825 = arith.constant 2 : i32
      %scan3A_826 = arith.addi %scan3A_717, %scan3A_825 : i32
      %get3A_827 = arith.constant 2 : i32
      %get3A_828 = arith.index_cast %get3A_827 : i32 to index
      %get3A_829 = arith.index_cast %scan3A_826 : i32 to index
      %get3A_830 = arith.constant 0 : index
      %get3A_831 = tpu.vector_load %arg7[%get3A_828, %get3A_829, %get3A_830] {strides = array<i32>} : memref<4x128x64xf32, #tpu.memory_space<vmem>>, vector<1x1x16xf32>,
      %get3A_832 = vector.shape_cast %get3A_831 : vector<1x1x16xf32> to vector<16xf32>
      %swap3A_833 = arith.constant 2 : i32
      %swap3A_834 = arith.index_cast %swap3A_833 : i32 to index
      %swap3A_835 = arith.index_cast %scan3A_826 : i32 to index
      %swap3A_836 = arith.constant 0 : index
      %swap3A_837 = tpu.vector_load %arg8[%swap3A_834, %swap3A_835, %swap3A_836] {strides = array<i32>} : memref<4x128x64xf32, #tpu.memory_space<vmem>>, vector<1x1x16xf32>,
      %swap3A_838 = vector.shape_cast %swap3A_837 : vector<1x1x16xf32> to vector<16xf32>
      %swap3A_839 = vector.shape_cast %get3A_832 : vector<16xf32> to vector<1x1x16xf32>
      tpu.vector_store %arg8[%swap3A_834, %swap3A_835, %swap3A_836], %swap3A_839 {add = true, strides = array<i32>} : memref<4x128x64xf32, #tpu.memory_space<vmem>>, vector<1x1x16xf32>,
      %get3A_840 = arith.constant 2 : i32
      %get3A_841 = arith.index_cast %get3A_840 : i32 to index
      %get3A_842 = arith.index_cast %scan3A_826 : i32 to index
      %get3A_843 = arith.constant 16 : index
      %get3A_844 = tpu.vector_load %arg7[%get3A_841, %get3A_842, %get3A_843] {strides = array<i32>} : memref<4x128x64xf32, #tpu.memory_space<vmem>>, vector<1x1x16xf32>,
      %get3A_845 = vector.shape_cast %get3A_844 : vector<1x1x16xf32> to vector<16xf32>
      %swap3A_846 = arith.constant 2 : i32
      %swap3A_847 = arith.index_cast %swap3A_846 : i32 to index
      %swap3A_848 = arith.index_cast %scan3A_826 : i32 to index
      %swap3A_849 = arith.constant 16 : index
      %swap3A_850 = tpu.vector_load %arg8[%swap3A_847, %swap3A_848, %swap3A_849] {strides = array<i32>} : memref<4x128x64xf32, #tpu.memory_space<vmem>>, vector<1x1x16xf32>,
      %swap3A_851 = vector.shape_cast %swap3A_850 : vector<1x1x16xf32> to vector<16xf32>
      %swap3A_852 = vector.shape_cast %get3A_845 : vector<16xf32> to vector<1x1x16xf32>
      tpu.vector_store %arg8[%swap3A_847, %swap3A_848, %swap3A_849], %swap3A_852 {add = true, strides = array<i32>} : memref<4x128x64xf32, #tpu.memory_space<vmem>>, vector<1x1x16xf32>,
      %get3A_853 = arith.constant 2 : i32
      %get3A_854 = arith.index_cast %get3A_853 : i32 to index
      %get3A_855 = arith.index_cast %scan3A_826 : i32 to index
      %get3A_856 = arith.constant 32 : index
      %get3A_857 = tpu.vector_load %arg7[%get3A_854, %get3A_855, %get3A_856] {strides = array<i32>} : memref<4x128x64xf32, #tpu.memory_space<vmem>>, vector<1x1x16xf32>,
      %get3A_858 = vector.shape_cast %get3A_857 : vector<1x1x16xf32> to vector<16xf32>
      %swap3A_859 = arith.constant 2 : i32
      %swap3A_860 = arith.index_cast %swap3A_859 : i32 to index
      %swap3A_861 = arith.index_cast %scan3A_826 : i32 to index
      %swap3A_862 = arith.constant 32 : index
      %swap3A_863 = tpu.vector_load %arg8[%swap3A_860, %swap3A_861, %swap3A_862] {strides = array<i32>} : memref<4x128x64xf32, #tpu.memory_space<vmem>>, vector<1x1x16xf32>,
      %swap3A_864 = vector.shape_cast %swap3A_863 : vector<1x1x16xf32> to vector<16xf32>
      %swap3A_865 = vector.shape_cast %get3A_858 : vector<16xf32> to vector<1x1x16xf32>
      tpu.vector_store %arg8[%swap3A_860, %swap3A_861, %swap3A_862], %swap3A_865 {add = true, strides = array<i32>} : memref<4x128x64xf32, #tpu.memory_space<vmem>>, vector<1x1x16xf32>,
      %get3A_866 = arith.constant 2 : i32
      %get3A_867 = arith.index_cast %get3A_866 : i32 to index
      %get3A_868 = arith.index_cast %scan3A_826 : i32 to index
      %get3A_869 = arith.constant 48 : index
      %get3A_870 = tpu.vector_load %arg7[%get3A_867, %get3A_868, %get3A_869] {strides = array<i32>} : memref<4x128x64xf32, #tpu.memory_space<vmem>>, vector<1x1x16xf32>,
      %get3A_871 = vector.shape_cast %get3A_870 : vector<1x1x16xf32> to vector<16xf32>
      %swap3A_872 = arith.constant 2 : i32
      %swap3A_873 = arith.index_cast %swap3A_872 : i32 to index
      %swap3A_874 = arith.index_cast %scan3A_826 : i32 to index
      %swap3A_875 = arith.constant 48 : index
      %swap3A_876 = tpu.vector_load %arg8[%swap3A_873, %swap3A_874, %swap3A_875] {strides = array<i32>} : memref<4x128x64xf32, #tpu.memory_space<vmem>>, vector<1x1x16xf32>,
      %swap3A_877 = vector.shape_cast %swap3A_876 : vector<1x1x16xf32> to vector<16xf32>
      %swap3A_878 = vector.shape_cast %get3A_871 : vector<16xf32> to vector<1x1x16xf32>
      tpu.vector_store %arg8[%swap3A_873, %swap3A_874, %swap3A_875], %swap3A_878 {add = true, strides = array<i32>} : memref<4x128x64xf32, #tpu.memory_space<vmem>>, vector<1x1x16xf32>,
      %scan3A_879 = arith.constant 0 : i32
      %scan3A_880 = arith.constant 3 : i32
      %scan3A_881 = arith.addi %scan3A_717, %scan3A_880 : i32
      %get3A_882 = arith.constant 2 : i32
      %get3A_883 = arith.index_cast %get3A_882 : i32 to index
      %get3A_884 = arith.index_cast %scan3A_881 : i32 to index
      %get3A_885 = arith.constant 0 : index
      %get3A_886 = tpu.vector_load %arg7[%get3A_883, %get3A_884, %get3A_885] {strides = array<i32>} : memref<4x128x64xf32, #tpu.memory_space<vmem>>, vector<1x1x16xf32>,
      %get3A_887 = vector.shape_cast %get3A_886 : vector<1x1x16xf32> to vector<16xf32>
      %swap3A_888 = arith.constant 2 : i32
      %swap3A_889 = arith.index_cast %swap3A_888 : i32 to index
      %swap3A_890 = arith.index_cast %scan3A_881 : i32 to index
      %swap3A_891 = arith.constant 0 : index
      %swap3A_892 = tpu.vector_load %arg8[%swap3A_889, %swap3A_890, %swap3A_891] {strides = array<i32>} : memref<4x128x64xf32, #tpu.memory_space<vmem>>, vector<1x1x16xf32>,
      %swap3A_893 = vector.shape_cast %swap3A_892 : vector<1x1x16xf32> to vector<16xf32>
      %swap3A_894 = vector.shape_cast %get3A_887 : vector<16xf32> to vector<1x1x16xf32>
      tpu.vector_store %arg8[%swap3A_889, %swap3A_890, %swap3A_891], %swap3A_894 {add = true, strides = array<i32>} : memref<4x128x64xf32, #tpu.memory_space<vmem>>, vector<1x1x16xf32>,
      %get3A_895 = arith.constant 2 : i32
      %get3A_896 = arith.index_cast %get3A_895 : i32 to index
      %get3A_897 = arith.index_cast %scan3A_881 : i32 to index
      %get3A_898 = arith.constant 16 : index
      %get3A_899 = tpu.vector_load %arg7[%get3A_896, %get3A_897, %get3A_898] {strides = array<i32>} : memref<4x128x64xf32, #tpu.memory_space<vmem>>, vector<1x1x16xf32>,
      %get3A_900 = vector.shape_cast %get3A_899 : vector<1x1x16xf32> to vector<16xf32>
      %swap3A_901 = arith.constant 2 : i32
      %swap3A_902 = arith.index_cast %swap3A_901 : i32 to index
      %swap3A_903 = arith.index_cast %scan3A_881 : i32 to index
      %swap3A_904 = arith.constant 16 : index
      %swap3A_905 = tpu.vector_load %arg8[%swap3A_902, %swap3A_903, %swap3A_904] {strides = array<i32>} : memref<4x128x64xf32, #tpu.memory_space<vmem>>, vector<1x1x16xf32>,
      %swap3A_906 = vector.shape_cast %swap3A_905 : vector<1x1x16xf32> to vector<16xf32>
      %swap3A_907 = vector.shape_cast %get3A_900 : vector<16xf32> to vector<1x1x16xf32>
      tpu.vector_store %arg8[%swap3A_902, %swap3A_903, %swap3A_904], %swap3A_907 {add = true, strides = array<i32>} : memref<4x128x64xf32, #tpu.memory_space<vmem>>, vector<1x1x16xf32>,
      %get3A_908 = arith.constant 2 : i32
      %get3A_909 = arith.index_cast %get3A_908 : i32 to index
      %get3A_910 = arith.index_cast %scan3A_881 : i32 to index
      %get3A_911 = arith.constant 32 : index
      %get3A_912 = tpu.vector_load %arg7[%get3A_909, %get3A_910, %get3A_911] {strides = array<i32>} : memref<4x128x64xf32, #tpu.memory_space<vmem>>, vector<1x1x16xf32>,
      %get3A_913 = vector.shape_cast %get3A_912 : vector<1x1x16xf32> to vector<16xf32>
      %swap3A_914 = arith.constant 2 : i32
      %swap3A_915 = arith.index_cast %swap3A_914 : i32 to index
      %swap3A_916 = arith.index_cast %scan3A_881 : i32 to index
      %swap3A_917 = arith.constant 32 : index
      %swap3A_918 = tpu.vector_load %arg8[%swap3A_915, %swap3A_916, %swap3A_917] {strides = array<i32>} : memref<4x128x64xf32, #tpu.memory_space<vmem>>, vector<1x1x16xf32>,
      %swap3A_919 = vector.shape_cast %swap3A_918 : vector<1x1x16xf32> to vector<16xf32>
      %swap3A_920 = vector.shape_cast %get3A_913 : vector<16xf32> to vector<1x1x16xf32>
      tpu.vector_store %arg8[%swap3A_915, %swap3A_916, %swap3A_917], %swap3A_920 {add = true, strides = array<i32>} : memref<4x128x64xf32, #tpu.memory_space<vmem>>, vector<1x1x16xf32>,
      %get3A_921 = arith.constant 2 : i32
      %get3A_922 = arith.index_cast %get3A_921 : i32 to index
      %get3A_923 = arith.index_cast %scan3A_881 : i32 to index
      %get3A_924 = arith.constant 48 : index
      %get3A_925 = tpu.vector_load %arg7[%get3A_922, %get3A_923, %get3A_924] {strides = array<i32>} : memref<4x128x64xf32, #tpu.memory_space<vmem>>, vector<1x1x16xf32>,
      %get3A_926 = vector.shape_cast %get3A_925 : vector<1x1x16xf32> to vector<16xf32>
      %swap3A_927 = arith.constant 2 : i32
      %swap3A_928 = arith.index_cast %swap3A_927 : i32 to index
      %swap3A_929 = arith.index_cast %scan3A_881 : i32 to index
      %swap3A_930 = arith.constant 48 : index
      %swap3A_931 = tpu.vector_load %arg8[%swap3A_928, %swap3A_929, %swap3A_930] {strides = array<i32>} : memref<4x128x64xf32, #tpu.memory_space<vmem>>, vector<1x1x16xf32>,
      %swap3A_932 = vector.shape_cast %swap3A_931 : vector<1x1x16xf32> to vector<16xf32>
      %swap3A_933 = vector.shape_cast %get3A_926 : vector<16xf32> to vector<1x1x16xf32>
      tpu.vector_store %arg8[%swap3A_928, %swap3A_929, %swap3A_930], %swap3A_933 {add = true, strides = array<i32>} : memref<4x128x64xf32, #tpu.memory_space<vmem>>, vector<1x1x16xf32>,
      %scan3A_934 = arith.constant 0 : i32
      %scan3A_935 = arith.constant 4 : i32
      %scan3A_936 = arith.addi %scan3A_717, %scan3A_935 : i32
      %get3A_937 = arith.constant 2 : i32
      %get3A_938 = arith.index_cast %get3A_937 : i32 to index
      %get3A_939 = arith.index_cast %scan3A_936 : i32 to index
      %get3A_940 = arith.constant 0 : index
      %get3A_941 = tpu.vector_load %arg7[%get3A_938, %get3A_939, %get3A_940] {strides = array<i32>} : memref<4x128x64xf32, #tpu.memory_space<vmem>>, vector<1x1x16xf32>,
      %get3A_942 = vector.shape_cast %get3A_941 : vector<1x1x16xf32> to vector<16xf32>
      %swap3A_943 = arith.constant 2 : i32
      %swap3A_944 = arith.index_cast %swap3A_943 : i32 to index
      %swap3A_945 = arith.index_cast %scan3A_936 : i32 to index
      %swap3A_946 = arith.constant 0 : index
      %swap3A_947 = tpu.vector_load %arg8[%swap3A_944, %swap3A_945, %swap3A_946] {strides = array<i32>} : memref<4x128x64xf32, #tpu.memory_space<vmem>>, vector<1x1x16xf32>,
      %swap3A_948 = vector.shape_cast %swap3A_947 : vector<1x1x16xf32> to vector<16xf32>
      %swap3A_949 = vector.shape_cast %get3A_942 : vector<16xf32> to vector<1x1x16xf32>
      tpu.vector_store %arg8[%swap3A_944, %swap3A_945, %swap3A_946], %swap3A_949 {add = true, strides = array<i32>} : memref<4x128x64xf32, #tpu.memory_space<vmem>>, vector<1x1x16xf32>,
      %get3A_950 = arith.constant 2 : i32
      %get3A_951 = arith.index_cast %get3A_950 : i32 to index
      %get3A_952 = arith.index_cast %scan3A_936 : i32 to index
      %get3A_953 = arith.constant 16 : index
      %get3A_954 = tpu.vector_load %arg7[%get3A_951, %get3A_952, %get3A_953] {strides = array<i32>} : memref<4x128x64xf32, #tpu.memory_space<vmem>>, vector<1x1x16xf32>,
      %get3A_955 = vector.shape_cast %get3A_954 : vector<1x1x16xf32> to vector<16xf32>
      %swap3A_956 = arith.constant 2 : i32
      %swap3A_957 = arith.index_cast %swap3A_956 : i32 to index
      %swap3A_958 = arith.index_cast %scan3A_936 : i32 to index
      %swap3A_959 = arith.constant 16 : index
      %swap3A_960 = tpu.vector_load %arg8[%swap3A_957, %swap3A_958, %swap3A_959] {strides = array<i32>} : memref<4x128x64xf32, #tpu.memory_space<vmem>>, vector<1x1x16xf32>,
      %swap3A_961 = vector.shape_cast %swap3A_960 : vector<1x1x16xf32> to vector<16xf32>
      %swap3A_962 = vector.shape_cast %get3A_955 : vector<16xf32> to vector<1x1x16xf32>
      tpu.vector_store %arg8[%swap3A_957, %swap3A_958, %swap3A_959], %swap3A_962 {add = true, strides = array<i32>} : memref<4x128x64xf32, #tpu.memory_space<vmem>>, vector<1x1x16xf32>,
      %get3A_963 = arith.constant 2 : i32
      %get3A_964 = arith.index_cast %get3A_963 : i32 to index
      %get3A_965 = arith.index_cast %scan3A_936 : i32 to index
      %get3A_966 = arith.constant 32 : index
      %get3A_967 = tpu.vector_load %arg7[%get3A_964, %get3A_965, %get3A_966] {strides = array<i32>} : memref<4x128x64xf32, #tpu.memory_space<vmem>>, vector<1x1x16xf32>,
      %get3A_968 = vector.shape_cast %get3A_967 : vector<1x1x16xf32> to vector<16xf32>
      %swap3A_969 = arith.constant 2 : i32
      %swap3A_970 = arith.index_cast %swap3A_969 : i32 to index
      %swap3A_971 = arith.index_cast %scan3A_936 : i32 to index
      %swap3A_972 = arith.constant 32 : index
      %swap3A_973 = tpu.vector_load %arg8[%swap3A_970, %swap3A_971, %swap3A_972] {strides = array<i32>} : memref<4x128x64xf32, #tpu.memory_space<vmem>>, vector<1x1x16xf32>,
      %swap3A_974 = vector.shape_cast %swap3A_973 : vector<1x1x16xf32> to vector<16xf32>
      %swap3A_975 = vector.shape_cast %get3A_968 : vector<16xf32> to vector<1x1x16xf32>
      tpu.vector_store %arg8[%swap3A_970, %swap3A_971, %swap3A_972], %swap3A_975 {add = true, strides = array<i32>} : memref<4x128x64xf32, #tpu.memory_space<vmem>>, vector<1x1x16xf32>,
      %get3A_976 = arith.constant 2 : i32
      %get3A_977 = arith.index_cast %get3A_976 : i32 to index
      %get3A_978 = arith.index_cast %scan3A_936 : i32 to index
      %get3A_979 = arith.constant 48 : index
      %get3A_980 = tpu.vector_load %arg7[%get3A_977, %get3A_978, %get3A_979] {strides = array<i32>} : memref<4x128x64xf32, #tpu.memory_space<vmem>>, vector<1x1x16xf32>,
      %get3A_981 = vector.shape_cast %get3A_980 : vector<1x1x16xf32> to vector<16xf32>
      %swap3A_982 = arith.constant 2 : i32
      %swap3A_983 = arith.index_cast %swap3A_982 : i32 to index
      %swap3A_984 = arith.index_cast %scan3A_936 : i32 to index
      %swap3A_985 = arith.constant 48 : index
      %swap3A_986 = tpu.vector_load %arg8[%swap3A_983, %swap3A_984, %swap3A_985] {strides = array<i32>} : memref<4x128x64xf32, #tpu.memory_space<vmem>>, vector<1x1x16xf32>,
      %swap3A_987 = vector.shape_cast %swap3A_986 : vector<1x1x16xf32> to vector<16xf32>
      %swap3A_988 = vector.shape_cast %get3A_981 : vector<16xf32> to vector<1x1x16xf32>
      tpu.vector_store %arg8[%swap3A_983, %swap3A_984, %swap3A_985], %swap3A_988 {add = true, strides = array<i32>} : memref<4x128x64xf32, #tpu.memory_space<vmem>>, vector<1x1x16xf32>,
      %scan3A_989 = arith.constant 0 : i32
      %scan3A_990 = arith.constant 5 : i32
      %scan3A_991 = arith.addi %scan3A_717, %scan3A_990 : i32
      %get3A_992 = arith.constant 2 : i32
      %get3A_993 = arith.index_cast %get3A_992 : i32 to index
      %get3A_994 = arith.index_cast %scan3A_991 : i32 to index
      %get3A_995 = arith.constant 0 : index
      %get3A_996 = tpu.vector_load %arg7[%get3A_993, %get3A_994, %get3A_995] {strides = array<i32>} : memref<4x128x64xf32, #tpu.memory_space<vmem>>, vector<1x1x16xf32>,
      %get3A_997 = vector.shape_cast %get3A_996 : vector<1x1x16xf32> to vector<16xf32>
      %swap3A_998 = arith.constant 2 : i32
      %swap3A_999 = arith.index_cast %swap3A_998 : i32 to index
      %swap3A_1000 = arith.index_cast %scan3A_991 : i32 to index
      %swap3A_1001 = arith.constant 0 : index
      %swap3A_1002 = tpu.vector_load %arg8[%swap3A_999, %swap3A_1000, %swap3A_1001] {strides = array<i32>} : memref<4x128x64xf32, #tpu.memory_space<vmem>>, vector<1x1x16xf32>,
      %swap3A_1003 = vector.shape_cast %swap3A_1002 : vector<1x1x16xf32> to vector<16xf32>
      %swap3A_1004 = vector.shape_cast %get3A_997 : vector<16xf32> to vector<1x1x16xf32>
      tpu.vector_store %arg8[%swap3A_999, %swap3A_1000, %swap3A_1001], %swap3A_1004 {add = true, strides = array<i32>} : memref<4x128x64xf32, #tpu.memory_space<vmem>>, vector<1x1x16xf32>,
      %get3A_1005 = arith.constant 2 : i32
      %get3A_1006 = arith.index_cast %get3A_1005 : i32 to index
      %get3A_1007 = arith.index_cast %scan3A_991 : i32 to index
      %get3A_1008 = arith.constant 16 : index
      %get3A_1009 = tpu.vector_load %arg7[%get3A_1006, %get3A_1007, %get3A_1008] {strides = array<i32>} : memref<4x128x64xf32, #tpu.memory_space<vmem>>, vector<1x1x16xf32>,
      %get3A_1010 = vector.shape_cast %get3A_1009 : vector<1x1x16xf32> to vector<16xf32>
      %swap3A_1011 = arith.constant 2 : i32
      %swap3A_1012 = arith.index_cast %swap3A_1011 : i32 to index
      %swap3A_1013 = arith.index_cast %scan3A_991 : i32 to index
      %swap3A_1014 = arith.constant 16 : index
      %swap3A_1015 = tpu.vector_load %arg8[%swap3A_1012, %swap3A_1013, %swap3A_1014] {strides = array<i32>} : memref<4x128x64xf32, #tpu.memory_space<vmem>>, vector<1x1x16xf32>,
      %swap3A_1016 = vector.shape_cast %swap3A_1015 : vector<1x1x16xf32> to vector<16xf32>
      %swap3A_1017 = vector.shape_cast %get3A_1010 : vector<16xf32> to vector<1x1x16xf32>
      tpu.vector_store %arg8[%swap3A_1012, %swap3A_1013, %swap3A_1014], %swap3A_1017 {add = true, strides = array<i32>} : memref<4x128x64xf32, #tpu.memory_space<vmem>>, vector<1x1x16xf32>,
      %get3A_1018 = arith.constant 2 : i32
      %get3A_1019 = arith.index_cast %get3A_1018 : i32 to index
      %get3A_1020 = arith.index_cast %scan3A_991 : i32 to index
      %get3A_1021 = arith.constant 32 : index
      %get3A_1022 = tpu.vector_load %arg7[%get3A_1019, %get3A_1020, %get3A_1021] {strides = array<i32>} : memref<4x128x64xf32, #tpu.memory_space<vmem>>, vector<1x1x16xf32>,
      %get3A_1023 = vector.shape_cast %get3A_1022 : vector<1x1x16xf32> to vector<16xf32>
      %swap3A_1024 = arith.constant 2 : i32
      %swap3A_1025 = arith.index_cast %swap3A_1024 : i32 to index
      %swap3A_1026 = arith.index_cast %scan3A_991 : i32 to index
      %swap3A_1027 = arith.constant 32 : index
      %swap3A_1028 = tpu.vector_load %arg8[%swap3A_1025, %swap3A_1026, %swap3A_1027] {strides = array<i32>} : memref<4x128x64xf32, #tpu.memory_space<vmem>>, vector<1x1x16xf32>,
      %swap3A_1029 = vector.shape_cast %swap3A_1028 : vector<1x1x16xf32> to vector<16xf32>
      %swap3A_1030 = vector.shape_cast %get3A_1023 : vector<16xf32> to vector<1x1x16xf32>
      tpu.vector_store %arg8[%swap3A_1025, %swap3A_1026, %swap3A_1027], %swap3A_1030 {add = true, strides = array<i32>} : memref<4x128x64xf32, #tpu.memory_space<vmem>>, vector<1x1x16xf32>,
      %get3A_1031 = arith.constant 2 : i32
      %get3A_1032 = arith.index_cast %get3A_1031 : i32 to index
      %get3A_1033 = arith.index_cast %scan3A_991 : i32 to index
      %get3A_1034 = arith.constant 48 : index
      %get3A_1035 = tpu.vector_load %arg7[%get3A_1032, %get3A_1033, %get3A_1034] {strides = array<i32>} : memref<4x128x64xf32, #tpu.memory_space<vmem>>, vector<1x1x16xf32>,
      %get3A_1036 = vector.shape_cast %get3A_1035 : vector<1x1x16xf32> to vector<16xf32>
      %swap3A_1037 = arith.constant 2 : i32
      %swap3A_1038 = arith.index_cast %swap3A_1037 : i32 to index
      %swap3A_1039 = arith.index_cast %scan3A_991 : i32 to index
      %swap3A_1040 = arith.constant 48 : index
      %swap3A_1041 = tpu.vector_load %arg8[%swap3A_1038, %swap3A_1039, %swap3A_1040] {strides = array<i32>} : memref<4x128x64xf32, #tpu.memory_space<vmem>>, vector<1x1x16xf32>,
      %swap3A_1042 = vector.shape_cast %swap3A_1041 : vector<1x1x16xf32> to vector<16xf32>
      %swap3A_1043 = vector.shape_cast %get3A_1036 : vector<16xf32> to vector<1x1x16xf32>
      tpu.vector_store %arg8[%swap3A_1038, %swap3A_1039, %swap3A_1040], %swap3A_1043 {add = true, strides = array<i32>} : memref<4x128x64xf32, #tpu.memory_space<vmem>>, vector<1x1x16xf32>,
      %scan3A_1044 = arith.constant 0 : i32
      %scan3A_1045 = arith.constant 6 : i32
      %scan3A_1046 = arith.addi %scan3A_717, %scan3A_1045 : i32
      %get3A_1047 = arith.constant 2 : i32
      %get3A_1048 = arith.index_cast %get3A_1047 : i32 to index
      %get3A_1049 = arith.index_cast %scan3A_1046 : i32 to index
      %get3A_1050 = arith.constant 0 : index
      %get3A_1051 = tpu.vector_load %arg7[%get3A_1048, %get3A_1049, %get3A_1050] {strides = array<i32>} : memref<4x128x64xf32, #tpu.memory_space<vmem>>, vector<1x1x16xf32>,
      %get3A_1052 = vector.shape_cast %get3A_1051 : vector<1x1x16xf32> to vector<16xf32>
      %swap3A_1053 = arith.constant 2 : i32
      %swap3A_1054 = arith.index_cast %swap3A_1053 : i32 to index
      %swap3A_1055 = arith.index_cast %scan3A_1046 : i32 to index
      %swap3A_1056 = arith.constant 0 : index
      %swap3A_1057 = tpu.vector_load %arg8[%swap3A_1054, %swap3A_1055, %swap3A_1056] {strides = array<i32>} : memref<4x128x64xf32, #tpu.memory_space<vmem>>, vector<1x1x16xf32>,
      %swap3A_1058 = vector.shape_cast %swap3A_1057 : vector<1x1x16xf32> to vector<16xf32>
      %swap3A_1059 = vector.shape_cast %get3A_1052 : vector<16xf32> to vector<1x1x16xf32>
      tpu.vector_store %arg8[%swap3A_1054, %swap3A_1055, %swap3A_1056], %swap3A_1059 {add = true, strides = array<i32>} : memref<4x128x64xf32, #tpu.memory_space<vmem>>, vector<1x1x16xf32>,
      %get3A_1060 = arith.constant 2 : i32
      %get3A_1061 = arith.index_cast %get3A_1060 : i32 to index
      %get3A_1062 = arith.index_cast %scan3A_1046 : i32 to index
      %get3A_1063 = arith.constant 16 : index
      %get3A_1064 = tpu.vector_load %arg7[%get3A_1061, %get3A_1062, %get3A_1063] {strides = array<i32>} : memref<4x128x64xf32, #tpu.memory_space<vmem>>, vector<1x1x16xf32>,
      %get3A_1065 = vector.shape_cast %get3A_1064 : vector<1x1x16xf32> to vector<16xf32>
      %swap3A_1066 = arith.constant 2 : i32
      %swap3A_1067 = arith.index_cast %swap3A_1066 : i32 to index
      %swap3A_1068 = arith.index_cast %scan3A_1046 : i32 to index
      %swap3A_1069 = arith.constant 16 : index
      %swap3A_1070 = tpu.vector_load %arg8[%swap3A_1067, %swap3A_1068, %swap3A_1069] {strides = array<i32>} : memref<4x128x64xf32, #tpu.memory_space<vmem>>, vector<1x1x16xf32>,
      %swap3A_1071 = vector.shape_cast %swap3A_1070 : vector<1x1x16xf32> to vector<16xf32>
      %swap3A_1072 = vector.shape_cast %get3A_1065 : vector<16xf32> to vector<1x1x16xf32>
      tpu.vector_store %arg8[%swap3A_1067, %swap3A_1068, %swap3A_1069], %swap3A_1072 {add = true, strides = array<i32>} : memref<4x128x64xf32, #tpu.memory_space<vmem>>, vector<1x1x16xf32>,
      %get3A_1073 = arith.constant 2 : i32
      %get3A_1074 = arith.index_cast %get3A_1073 : i32 to index
      %get3A_1075 = arith.index_cast %scan3A_1046 : i32 to index
      %get3A_1076 = arith.constant 32 : index
      %get3A_1077 = tpu.vector_load %arg7[%get3A_1074, %get3A_1075, %get3A_1076] {strides = array<i32>} : memref<4x128x64xf32, #tpu.memory_space<vmem>>, vector<1x1x16xf32>,
      %get3A_1078 = vector.shape_cast %get3A_1077 : vector<1x1x16xf32> to vector<16xf32>
      %swap3A_1079 = arith.constant 2 : i32
      %swap3A_1080 = arith.index_cast %swap3A_1079 : i32 to index
      %swap3A_1081 = arith.index_cast %scan3A_1046 : i32 to index
      %swap3A_1082 = arith.constant 32 : index
      %swap3A_1083 = tpu.vector_load %arg8[%swap3A_1080, %swap3A_1081, %swap3A_1082] {strides = array<i32>} : memref<4x128x64xf32, #tpu.memory_space<vmem>>, vector<1x1x16xf32>,
      %swap3A_1084 = vector.shape_cast %swap3A_1083 : vector<1x1x16xf32> to vector<16xf32>
      %swap3A_1085 = vector.shape_cast %get3A_1078 : vector<16xf32> to vector<1x1x16xf32>
      tpu.vector_store %arg8[%swap3A_1080, %swap3A_1081, %swap3A_1082], %swap3A_1085 {add = true, strides = array<i32>} : memref<4x128x64xf32, #tpu.memory_space<vmem>>, vector<1x1x16xf32>,
      %get3A_1086 = arith.constant 2 : i32
      %get3A_1087 = arith.index_cast %get3A_1086 : i32 to index
      %get3A_1088 = arith.index_cast %scan3A_1046 : i32 to index
      %get3A_1089 = arith.constant 48 : index
      %get3A_1090 = tpu.vector_load %arg7[%get3A_1087, %get3A_1088, %get3A_1089] {strides = array<i32>} : memref<4x128x64xf32, #tpu.memory_space<vmem>>, vector<1x1x16xf32>,
      %get3A_1091 = vector.shape_cast %get3A_1090 : vector<1x1x16xf32> to vector<16xf32>
      %swap3A_1092 = arith.constant 2 : i32
      %swap3A_1093 = arith.index_cast %swap3A_1092 : i32 to index
      %swap3A_1094 = arith.index_cast %scan3A_1046 : i32 to index
      %swap3A_1095 = arith.constant 48 : index
      %swap3A_1096 = tpu.vector_load %arg8[%swap3A_1093, %swap3A_1094, %swap3A_1095] {strides = array<i32>} : memref<4x128x64xf32, #tpu.memory_space<vmem>>, vector<1x1x16xf32>,
      %swap3A_1097 = vector.shape_cast %swap3A_1096 : vector<1x1x16xf32> to vector<16xf32>
      %swap3A_1098 = vector.shape_cast %get3A_1091 : vector<16xf32> to vector<1x1x16xf32>
      tpu.vector_store %arg8[%swap3A_1093, %swap3A_1094, %swap3A_1095], %swap3A_1098 {add = true, strides = array<i32>} : memref<4x128x64xf32, #tpu.memory_space<vmem>>, vector<1x1x16xf32>,
      %scan3A_1099 = arith.constant 0 : i32
      %scan3A_1100 = arith.constant 7 : i32
      %scan3A_1101 = arith.addi %scan3A_717, %scan3A_1100 : i32
      %get3A_1102 = arith.constant 2 : i32
      %get3A_1103 = arith.index_cast %get3A_1102 : i32 to index
      %get3A_1104 = arith.index_cast %scan3A_1101 : i32 to index
      %get3A_1105 = arith.constant 0 : index
      %get3A_1106 = tpu.vector_load %arg7[%get3A_1103, %get3A_1104, %get3A_1105] {strides = array<i32>} : memref<4x128x64xf32, #tpu.memory_space<vmem>>, vector<1x1x16xf32>,
      %get3A_1107 = vector.shape_cast %get3A_1106 : vector<1x1x16xf32> to vector<16xf32>
      %swap3A_1108 = arith.constant 2 : i32
      %swap3A_1109 = arith.index_cast %swap3A_1108 : i32 to index
      %swap3A_1110 = arith.index_cast %scan3A_1101 : i32 to index
      %swap3A_1111 = arith.constant 0 : index
      %swap3A_1112 = tpu.vector_load %arg8[%swap3A_1109, %swap3A_1110, %swap3A_1111] {strides = array<i32>} : memref<4x128x64xf32, #tpu.memory_space<vmem>>, vector<1x1x16xf32>,
      %swap3A_1113 = vector.shape_cast %swap3A_1112 : vector<1x1x16xf32> to vector<16xf32>
      %swap3A_1114 = vector.shape_cast %get3A_1107 : vector<16xf32> to vector<1x1x16xf32>
      tpu.vector_store %arg8[%swap3A_1109, %swap3A_1110, %swap3A_1111], %swap3A_1114 {add = true, strides = array<i32>} : memref<4x128x64xf32, #tpu.memory_space<vmem>>, vector<1x1x16xf32>,
      %get3A_1115 = arith.constant 2 : i32
      %get3A_1116 = arith.index_cast %get3A_1115 : i32 to index
      %get3A_1117 = arith.index_cast %scan3A_1101 : i32 to index
      %get3A_1118 = arith.constant 16 : index
      %get3A_1119 = tpu.vector_load %arg7[%get3A_1116, %get3A_1117, %get3A_1118] {strides = array<i32>} : memref<4x128x64xf32, #tpu.memory_space<vmem>>, vector<1x1x16xf32>,
      %get3A_1120 = vector.shape_cast %get3A_1119 : vector<1x1x16xf32> to vector<16xf32>
      %swap3A_1121 = arith.constant 2 : i32
      %swap3A_1122 = arith.index_cast %swap3A_1121 : i32 to index
      %swap3A_1123 = arith.index_cast %scan3A_1101 : i32 to index
      %swap3A_1124 = arith.constant 16 : index
      %swap3A_1125 = tpu.vector_load %arg8[%swap3A_1122, %swap3A_1123, %swap3A_1124] {strides = array<i32>} : memref<4x128x64xf32, #tpu.memory_space<vmem>>, vector<1x1x16xf32>,
      %swap3A_1126 = vector.shape_cast %swap3A_1125 : vector<1x1x16xf32> to vector<16xf32>
      %swap3A_1127 = vector.shape_cast %get3A_1120 : vector<16xf32> to vector<1x1x16xf32>
      tpu.vector_store %arg8[%swap3A_1122, %swap3A_1123, %swap3A_1124], %swap3A_1127 {add = true, strides = array<i32>} : memref<4x128x64xf32, #tpu.memory_space<vmem>>, vector<1x1x16xf32>,
      %get3A_1128 = arith.constant 2 : i32
      %get3A_1129 = arith.index_cast %get3A_1128 : i32 to index
      %get3A_1130 = arith.index_cast %scan3A_1101 : i32 to index
      %get3A_1131 = arith.constant 32 : index
      %get3A_1132 = tpu.vector_load %arg7[%get3A_1129, %get3A_1130, %get3A_1131] {strides = array<i32>} : memref<4x128x64xf32, #tpu.memory_space<vmem>>, vector<1x1x16xf32>,
      %get3A_1133 = vector.shape_cast %get3A_1132 : vector<1x1x16xf32> to vector<16xf32>
      %swap3A_1134 = arith.constant 2 : i32
      %swap3A_1135 = arith.index_cast %swap3A_1134 : i32 to index
      %swap3A_1136 = arith.index_cast %scan3A_1101 : i32 to index
      %swap3A_1137 = arith.constant 32 : index
      %swap3A_1138 = tpu.vector_load %arg8[%swap3A_1135, %swap3A_1136, %swap3A_1137] {strides = array<i32>} : memref<4x128x64xf32, #tpu.memory_space<vmem>>, vector<1x1x16xf32>,
      %swap3A_1139 = vector.shape_cast %swap3A_1138 : vector<1x1x16xf32> to vector<16xf32>
      %swap3A_1140 = vector.shape_cast %get3A_1133 : vector<16xf32> to vector<1x1x16xf32>
      tpu.vector_store %arg8[%swap3A_1135, %swap3A_1136, %swap3A_1137], %swap3A_1140 {add = true, strides = array<i32>} : memref<4x128x64xf32, #tpu.memory_space<vmem>>, vector<1x1x16xf32>,
      %get3A_1141 = arith.constant 2 : i32
      %get3A_1142 = arith.index_cast %get3A_1141 : i32 to index
      %get3A_1143 = arith.index_cast %scan3A_1101 : i32 to index
      %get3A_1144 = arith.constant 48 : index
      %get3A_1145 = tpu.vector_load %arg7[%get3A_1142, %get3A_1143, %get3A_1144] {strides = array<i32>} : memref<4x128x64xf32, #tpu.memory_space<vmem>>, vector<1x1x16xf32>,
      %get3A_1146 = vector.shape_cast %get3A_1145 : vector<1x1x16xf32> to vector<16xf32>
      %swap3A_1147 = arith.constant 2 : i32
      %swap3A_1148 = arith.index_cast %swap3A_1147 : i32 to index
      %swap3A_1149 = arith.index_cast %scan3A_1101 : i32 to index
      %swap3A_1150 = arith.constant 48 : index
      %swap3A_1151 = tpu.vector_load %arg8[%swap3A_1148, %swap3A_1149, %swap3A_1150] {strides = array<i32>} : memref<4x128x64xf32, #tpu.memory_space<vmem>>, vector<1x1x16xf32>,
      %swap3A_1152 = vector.shape_cast %swap3A_1151 : vector<1x1x16xf32> to vector<16xf32>
      %swap3A_1153 = vector.shape_cast %get3A_1146 : vector<16xf32> to vector<1x1x16xf32>
      tpu.vector_store %arg8[%swap3A_1148, %swap3A_1149, %swap3A_1150], %swap3A_1153 {add = true, strides = array<i32>} : memref<4x128x64xf32, #tpu.memory_space<vmem>>, vector<1x1x16xf32>,
      %scan3A_1154 = arith.constant 0 : i32
      scf.yield %scan3A_1154 : i32
    }
    %scan3A_600 = arith.constant 128 : i32
    %add3A_601 = arith.constant 768 : i32
    %add3A_602 = arith.addi %multiple_of3A, %add3A_601 : i32
    %multiple_of3A_603 = tpu.assume_multiple %add3A_602, 128 : i32
    %dma_start3A_604 = arith.constant 2 : i32
    %dma_start3A_605 = arith.constant 0 : i32
    %dma_start3A_606 = arith.constant 0 : i32
    %dma_start3A_607 = tpu.memref_slice %arg8[%dma_start3A_604, %dma_start3A_605, %dma_start3A_606] : memref<4x128x64xf32, #tpu.memory_space<vmem>> -> memref<1x128x64xf32, #tpu.memory_space<vmem>>
    %dma_start3A_608 = tpu.memref_squeeze %dma_start3A_607 : memref<1x128x64xf32, #tpu.memory_space<vmem>> -> memref<128x64xf32, #tpu.memory_space<vmem>>
    %dma_start3A_609 = arith.constant 0 : i32
    %dma_start3A_610 = tpu.memref_slice %arg5[%multiple_of3A_603, %dma_start3A_609] : memref<32768x64xf32, #tpu.memory_space<hbm>> -> memref<128x64xf32, #tpu.memory_space<hbm>>
    %dma_start3A_611 = arith.constant 0 : i32
    %dma_start3A_612 = tpu.memref_slice %arg5[%multiple_of3A_603, %dma_start3A_611] : memref<32768x64xf32, #tpu.memory_space<hbm>> -> memref<128x64xf32, #tpu.memory_space<hbm>>
    %dma_start3A_613 = arith.constant 0 : i32
    %dma_start3A_614 = arith.constant 0 : i32
    %dma_start3A_615 = tpu.memref_slice %arg8[%dma_start3A_604, %dma_start3A_613, %dma_start3A_614] : memref<4x128x64xf32, #tpu.memory_space<vmem>> -> memref<1x128x64xf32, #tpu.memory_space<vmem>>
    %dma_start3A_616 = tpu.memref_squeeze %dma_start3A_615 : memref<1x128x64xf32, #tpu.memory_space<vmem>> -> memref<128x64xf32, #tpu.memory_space<vmem>>
    tpu.enqueue_dma source(%dma_start3A_616 : memref<128x64xf32, #tpu.memory_space<vmem>>) target(%dma_start3A_612 : memref<128x64xf32, #tpu.memory_space<hbm>>) target_semaphore(%arg10 : memref<!tpu.dma_semaphore, #tpu.memory_space<semaphore_mem>>)
    %dma_wait3A_617 = arith.constant 7 : i32
    %dma_wait3A_618 = arith.constant 3 : i32
    %dma_wait3A_619 = arith.constant 0 : i32
    %dma_wait3A_620 = arith.constant 0 : i32
    %dma_wait3A_621 = tpu.memref_slice %arg7[%dma_wait3A_618, %dma_wait3A_619, %dma_wait3A_620] : memref<4x128x64xf32, #tpu.memory_space<vmem>> -> memref<1x128x64xf32, #tpu.memory_space<vmem>>
    %dma_wait3A_622 = tpu.memref_squeeze %dma_wait3A_621 : memref<1x128x64xf32, #tpu.memory_space<vmem>> -> memref<128x64xf32, #tpu.memory_space<vmem>>
    %dma_wait3A_623 = arith.constant 0 : i32
    %dma_wait3A_624 = tpu.memref_slice %arg6[%dma_wait3A_617, %dma_wait3A_623] : memref<8x128xi32, #tpu.memory_space<vmem>> -> memref<1x128xi32, #tpu.memory_space<vmem>>
    %dma_wait3A_625 = tpu.memref_squeeze %dma_wait3A_624 : memref<1x128xi32, #tpu.memory_space<vmem>> -> memref<128xi32, #tpu.memory_space<vmem>>
    %dma_wait3A_626 = arith.constant 0 : i32
    %dma_wait3A_627 = arith.constant 0 : i32
    %dma_wait3A_628 = tpu.memref_slice %arg3[%dma_wait3A_626, %dma_wait3A_627] : memref<100000x64xf32, #tpu.memory_space<hbm>> -> memref<100000x64xf32, #tpu.memory_space<hbm>>
    tpu.wait_indirect_dma semaphore(%arg9 : memref<!tpu.dma_semaphore, #tpu.memory_space<semaphore_mem>>) src(%dma_wait3A_628 : memref<100000x64xf32, #tpu.memory_space<hbm>>) dst(%dma_wait3A_622 : memref<128x64xf32, #tpu.memory_space<vmem>>)
    %dma_wait3A_629 = arith.constant 3 : i32
    %dma_wait3A_630 = arith.constant 0 : i32
    %dma_wait3A_631 = arith.constant 0 : i32
    %dma_wait3A_632 = tpu.memref_slice %arg8[%dma_wait3A_629, %dma_wait3A_630, %dma_wait3A_631] : memref<4x128x64xf32, #tpu.memory_space<vmem>> -> memref<1x128x64xf32, #tpu.memory_space<vmem>>
    %dma_wait3A_633 = tpu.memref_squeeze %dma_wait3A_632 : memref<1x128x64xf32, #tpu.memory_space<vmem>> -> memref<128x64xf32, #tpu.memory_space<vmem>>
    %dma_wait3A_634 = arith.constant 0 : i32
    %dma_wait3A_635 = tpu.memref_slice %arg4[%multiple_of3A_507, %dma_wait3A_634] : memref<8192x64xf32, #tpu.memory_space<hbm>> -> memref<128x64xf32, #tpu.memory_space<hbm>>
    %dma_wait3A_636 = arith.constant 0 : i32
    %dma_wait3A_637 = arith.constant 0 : i32
    %dma_wait3A_638 = tpu.memref_slice %arg8[%dma_wait3A_629, %dma_wait3A_636, %dma_wait3A_637] : memref<4x128x64xf32, #tpu.memory_space<vmem>> -> memref<1x128x64xf32, #tpu.memory_space<vmem>>
    %dma_wait3A_639 = tpu.memref_squeeze %dma_wait3A_638 : memref<1x128x64xf32, #tpu.memory_space<vmem>> -> memref<128x64xf32, #tpu.memory_space<vmem>>
    %dma_wait3A_640 = arith.constant 0 : i32
    %dma_wait3A_641 = tpu.memref_slice %arg4[%multiple_of3A_507, %dma_wait3A_640] : memref<8192x64xf32, #tpu.memory_space<hbm>> -> memref<128x64xf32, #tpu.memory_space<hbm>>
    tpu.wait_dma2 semaphore(%arg11 : memref<!tpu.dma_semaphore, #tpu.memory_space<semaphore_mem>>) src(%dma_wait3A_641 : memref<128x64xf32, #tpu.memory_space<hbm>>) dst(%dma_wait3A_639 : memref<128x64xf32, #tpu.memory_space<vmem>>)
    %scan3A_642 = arith.constant 0 : i32
    %scan3A_643 = arith.constant 0 : i32
    %scan3A_644 = arith.constant 128 : i32
    %scan3A_645 = arith.addi %scan3A_643, %scan3A_644 : i32
    %scan3A_646 = arith.constant 8 : i32
    %scan3A_647 = scf.for %scan3A_717 = %scan3A_643 to %scan3A_645 step %scan3A_646 iter_args(%scan3A_718 = %scan3A_642) -> (i32)  : i32 {
      %get3A = arith.constant 3 : i32
      %get3A_719 = arith.index_cast %get3A : i32 to index
      %get3A_720 = arith.index_cast %scan3A_717 : i32 to index
      %get3A_721 = arith.constant 0 : index
      %get3A_722 = tpu.vector_load %arg7[%get3A_719, %get3A_720, %get3A_721] {strides = array<i32>} : memref<4x128x64xf32, #tpu.memory_space<vmem>>, vector<1x1x16xf32>,
      %get3A_723 = vector.shape_cast %get3A_722 : vector<1x1x16xf32> to vector<16xf32>
      %swap3A = arith.constant 3 : i32
      %swap3A_724 = arith.index_cast %swap3A : i32 to index
      %swap3A_725 = arith.index_cast %scan3A_717 : i32 to index
      %swap3A_726 = arith.constant 0 : index
      %swap3A_727 = tpu.vector_load %arg8[%swap3A_724, %swap3A_725, %swap3A_726] {strides = array<i32>} : memref<4x128x64xf32, #tpu.memory_space<vmem>>, vector<1x1x16xf32>,
      %swap3A_728 = vector.shape_cast %swap3A_727 : vector<1x1x16xf32> to vector<16xf32>
      %swap3A_729 = vector.shape_cast %get3A_723 : vector<16xf32> to vector<1x1x16xf32>
      tpu.vector_store %arg8[%swap3A_724, %swap3A_725, %swap3A_726], %swap3A_729 {add = true, strides = array<i32>} : memref<4x128x64xf32, #tpu.memory_space<vmem>>, vector<1x1x16xf32>,
      %get3A_730 = arith.constant 3 : i32
      %get3A_731 = arith.index_cast %get3A_730 : i32 to index
      %get3A_732 = arith.index_cast %scan3A_717 : i32 to index
      %get3A_733 = arith.constant 16 : index
      %get3A_734 = tpu.vector_load %arg7[%get3A_731, %get3A_732, %get3A_733] {strides = array<i32>} : memref<4x128x64xf32, #tpu.memory_space<vmem>>, vector<1x1x16xf32>,
      %get3A_735 = vector.shape_cast %get3A_734 : vector<1x1x16xf32> to vector<16xf32>
      %swap3A_736 = arith.constant 3 : i32
      %swap3A_737 = arith.index_cast %swap3A_736 : i32 to index
      %swap3A_738 = arith.index_cast %scan3A_717 : i32 to index
      %swap3A_739 = arith.constant 16 : index
      %swap3A_740 = tpu.vector_load %arg8[%swap3A_737, %swap3A_738, %swap3A_739] {strides = array<i32>} : memref<4x128x64xf32, #tpu.memory_space<vmem>>, vector<1x1x16xf32>,
      %swap3A_741 = vector.shape_cast %swap3A_740 : vector<1x1x16xf32> to vector<16xf32>
      %swap3A_742 = vector.shape_cast %get3A_735 : vector<16xf32> to vector<1x1x16xf32>
      tpu.vector_store %arg8[%swap3A_737, %swap3A_738, %swap3A_739], %swap3A_742 {add = true, strides = array<i32>} : memref<4x128x64xf32, #tpu.memory_space<vmem>>, vector<1x1x16xf32>,
      %get3A_743 = arith.constant 3 : i32
      %get3A_744 = arith.index_cast %get3A_743 : i32 to index
      %get3A_745 = arith.index_cast %scan3A_717 : i32 to index
      %get3A_746 = arith.constant 32 : index
      %get3A_747 = tpu.vector_load %arg7[%get3A_744, %get3A_745, %get3A_746] {strides = array<i32>} : memref<4x128x64xf32, #tpu.memory_space<vmem>>, vector<1x1x16xf32>,
      %get3A_748 = vector.shape_cast %get3A_747 : vector<1x1x16xf32> to vector<16xf32>
      %swap3A_749 = arith.constant 3 : i32
      %swap3A_750 = arith.index_cast %swap3A_749 : i32 to index
      %swap3A_751 = arith.index_cast %scan3A_717 : i32 to index
      %swap3A_752 = arith.constant 32 : index
      %swap3A_753 = tpu.vector_load %arg8[%swap3A_750, %swap3A_751, %swap3A_752] {strides = array<i32>} : memref<4x128x64xf32, #tpu.memory_space<vmem>>, vector<1x1x16xf32>,
      %swap3A_754 = vector.shape_cast %swap3A_753 : vector<1x1x16xf32> to vector<16xf32>
      %swap3A_755 = vector.shape_cast %get3A_748 : vector<16xf32> to vector<1x1x16xf32>
      tpu.vector_store %arg8[%swap3A_750, %swap3A_751, %swap3A_752], %swap3A_755 {add = true, strides = array<i32>} : memref<4x128x64xf32, #tpu.memory_space<vmem>>, vector<1x1x16xf32>,
      %get3A_756 = arith.constant 3 : i32
      %get3A_757 = arith.index_cast %get3A_756 : i32 to index
      %get3A_758 = arith.index_cast %scan3A_717 : i32 to index
      %get3A_759 = arith.constant 48 : index
      %get3A_760 = tpu.vector_load %arg7[%get3A_757, %get3A_758, %get3A_759] {strides = array<i32>} : memref<4x128x64xf32, #tpu.memory_space<vmem>>, vector<1x1x16xf32>,
      %get3A_761 = vector.shape_cast %get3A_760 : vector<1x1x16xf32> to vector<16xf32>
      %swap3A_762 = arith.constant 3 : i32
      %swap3A_763 = arith.index_cast %swap3A_762 : i32 to index
      %swap3A_764 = arith.index_cast %scan3A_717 : i32 to index
      %swap3A_765 = arith.constant 48 : index
      %swap3A_766 = tpu.vector_load %arg8[%swap3A_763, %swap3A_764, %swap3A_765] {strides = array<i32>} : memref<4x128x64xf32, #tpu.memory_space<vmem>>, vector<1x1x16xf32>,
      %swap3A_767 = vector.shape_cast %swap3A_766 : vector<1x1x16xf32> to vector<16xf32>
      %swap3A_768 = vector.shape_cast %get3A_761 : vector<16xf32> to vector<1x1x16xf32>
      tpu.vector_store %arg8[%swap3A_763, %swap3A_764, %swap3A_765], %swap3A_768 {add = true, strides = array<i32>} : memref<4x128x64xf32, #tpu.memory_space<vmem>>, vector<1x1x16xf32>,
      %scan3A_769 = arith.constant 0 : i32
      %scan3A_770 = arith.constant 1 : i32
      %scan3A_771 = arith.addi %scan3A_717, %scan3A_770 : i32
      %get3A_772 = arith.constant 3 : i32
      %get3A_773 = arith.index_cast %get3A_772 : i32 to index
      %get3A_774 = arith.index_cast %scan3A_771 : i32 to index
      %get3A_775 = arith.constant 0 : index
      %get3A_776 = tpu.vector_load %arg7[%get3A_773, %get3A_774, %get3A_775] {strides = array<i32>} : memref<4x128x64xf32, #tpu.memory_space<vmem>>, vector<1x1x16xf32>,
      %get3A_777 = vector.shape_cast %get3A_776 : vector<1x1x16xf32> to vector<16xf32>
      %swap3A_778 = arith.constant 3 : i32
      %swap3A_779 = arith.index_cast %swap3A_778 : i32 to index
      %swap3A_780 = arith.index_cast %scan3A_771 : i32 to index
      %swap3A_781 = arith.constant 0 : index
      %swap3A_782 = tpu.vector_load %arg8[%swap3A_779, %swap3A_780, %swap3A_781] {strides = array<i32>} : memref<4x128x64xf32, #tpu.memory_space<vmem>>, vector<1x1x16xf32>,
      %swap3A_783 = vector.shape_cast %swap3A_782 : vector<1x1x16xf32> to vector<16xf32>
      %swap3A_784 = vector.shape_cast %get3A_777 : vector<16xf32> to vector<1x1x16xf32>
      tpu.vector_store %arg8[%swap3A_779, %swap3A_780, %swap3A_781], %swap3A_784 {add = true, strides = array<i32>} : memref<4x128x64xf32, #tpu.memory_space<vmem>>, vector<1x1x16xf32>,
      %get3A_785 = arith.constant 3 : i32
      %get3A_786 = arith.index_cast %get3A_785 : i32 to index
      %get3A_787 = arith.index_cast %scan3A_771 : i32 to index
      %get3A_788 = arith.constant 16 : index
      %get3A_789 = tpu.vector_load %arg7[%get3A_786, %get3A_787, %get3A_788] {strides = array<i32>} : memref<4x128x64xf32, #tpu.memory_space<vmem>>, vector<1x1x16xf32>,
      %get3A_790 = vector.shape_cast %get3A_789 : vector<1x1x16xf32> to vector<16xf32>
      %swap3A_791 = arith.constant 3 : i32
      %swap3A_792 = arith.index_cast %swap3A_791 : i32 to index
      %swap3A_793 = arith.index_cast %scan3A_771 : i32 to index
      %swap3A_794 = arith.constant 16 : index
      %swap3A_795 = tpu.vector_load %arg8[%swap3A_792, %swap3A_793, %swap3A_794] {strides = array<i32>} : memref<4x128x64xf32, #tpu.memory_space<vmem>>, vector<1x1x16xf32>,
      %swap3A_796 = vector.shape_cast %swap3A_795 : vector<1x1x16xf32> to vector<16xf32>
      %swap3A_797 = vector.shape_cast %get3A_790 : vector<16xf32> to vector<1x1x16xf32>
      tpu.vector_store %arg8[%swap3A_792, %swap3A_793, %swap3A_794], %swap3A_797 {add = true, strides = array<i32>} : memref<4x128x64xf32, #tpu.memory_space<vmem>>, vector<1x1x16xf32>,
      %get3A_798 = arith.constant 3 : i32
      %get3A_799 = arith.index_cast %get3A_798 : i32 to index
      %get3A_800 = arith.index_cast %scan3A_771 : i32 to index
      %get3A_801 = arith.constant 32 : index
      %get3A_802 = tpu.vector_load %arg7[%get3A_799, %get3A_800, %get3A_801] {strides = array<i32>} : memref<4x128x64xf32, #tpu.memory_space<vmem>>, vector<1x1x16xf32>,
      %get3A_803 = vector.shape_cast %get3A_802 : vector<1x1x16xf32> to vector<16xf32>
      %swap3A_804 = arith.constant 3 : i32
      %swap3A_805 = arith.index_cast %swap3A_804 : i32 to index
      %swap3A_806 = arith.index_cast %scan3A_771 : i32 to index
      %swap3A_807 = arith.constant 32 : index
      %swap3A_808 = tpu.vector_load %arg8[%swap3A_805, %swap3A_806, %swap3A_807] {strides = array<i32>} : memref<4x128x64xf32, #tpu.memory_space<vmem>>, vector<1x1x16xf32>,
      %swap3A_809 = vector.shape_cast %swap3A_808 : vector<1x1x16xf32> to vector<16xf32>
      %swap3A_810 = vector.shape_cast %get3A_803 : vector<16xf32> to vector<1x1x16xf32>
      tpu.vector_store %arg8[%swap3A_805, %swap3A_806, %swap3A_807], %swap3A_810 {add = true, strides = array<i32>} : memref<4x128x64xf32, #tpu.memory_space<vmem>>, vector<1x1x16xf32>,
      %get3A_811 = arith.constant 3 : i32
      %get3A_812 = arith.index_cast %get3A_811 : i32 to index
      %get3A_813 = arith.index_cast %scan3A_771 : i32 to index
      %get3A_814 = arith.constant 48 : index
      %get3A_815 = tpu.vector_load %arg7[%get3A_812, %get3A_813, %get3A_814] {strides = array<i32>} : memref<4x128x64xf32, #tpu.memory_space<vmem>>, vector<1x1x16xf32>,
      %get3A_816 = vector.shape_cast %get3A_815 : vector<1x1x16xf32> to vector<16xf32>
      %swap3A_817 = arith.constant 3 : i32
      %swap3A_818 = arith.index_cast %swap3A_817 : i32 to index
      %swap3A_819 = arith.index_cast %scan3A_771 : i32 to index
      %swap3A_820 = arith.constant 48 : index
      %swap3A_821 = tpu.vector_load %arg8[%swap3A_818, %swap3A_819, %swap3A_820] {strides = array<i32>} : memref<4x128x64xf32, #tpu.memory_space<vmem>>, vector<1x1x16xf32>,
      %swap3A_822 = vector.shape_cast %swap3A_821 : vector<1x1x16xf32> to vector<16xf32>
      %swap3A_823 = vector.shape_cast %get3A_816 : vector<16xf32> to vector<1x1x16xf32>
      tpu.vector_store %arg8[%swap3A_818, %swap3A_819, %swap3A_820], %swap3A_823 {add = true, strides = array<i32>} : memref<4x128x64xf32, #tpu.memory_space<vmem>>, vector<1x1x16xf32>,
      %scan3A_824 = arith.constant 0 : i32
      %scan3A_825 = arith.constant 2 : i32
      %scan3A_826 = arith.addi %scan3A_717, %scan3A_825 : i32
      %get3A_827 = arith.constant 3 : i32
      %get3A_828 = arith.index_cast %get3A_827 : i32 to index
      %get3A_829 = arith.index_cast %scan3A_826 : i32 to index
      %get3A_830 = arith.constant 0 : index
      %get3A_831 = tpu.vector_load %arg7[%get3A_828, %get3A_829, %get3A_830] {strides = array<i32>} : memref<4x128x64xf32, #tpu.memory_space<vmem>>, vector<1x1x16xf32>,
      %get3A_832 = vector.shape_cast %get3A_831 : vector<1x1x16xf32> to vector<16xf32>
      %swap3A_833 = arith.constant 3 : i32
      %swap3A_834 = arith.index_cast %swap3A_833 : i32 to index
      %swap3A_835 = arith.index_cast %scan3A_826 : i32 to index
      %swap3A_836 = arith.constant 0 : index
      %swap3A_837 = tpu.vector_load %arg8[%swap3A_834, %swap3A_835, %swap3A_836] {strides = array<i32>} : memref<4x128x64xf32, #tpu.memory_space<vmem>>, vector<1x1x16xf32>,
      %swap3A_838 = vector.shape_cast %swap3A_837 : vector<1x1x16xf32> to vector<16xf32>
      %swap3A_839 = vector.shape_cast %get3A_832 : vector<16xf32> to vector<1x1x16xf32>
      tpu.vector_store %arg8[%swap3A_834, %swap3A_835, %swap3A_836], %swap3A_839 {add = true, strides = array<i32>} : memref<4x128x64xf32, #tpu.memory_space<vmem>>, vector<1x1x16xf32>,
      %get3A_840 = arith.constant 3 : i32
      %get3A_841 = arith.index_cast %get3A_840 : i32 to index
      %get3A_842 = arith.index_cast %scan3A_826 : i32 to index
      %get3A_843 = arith.constant 16 : index
      %get3A_844 = tpu.vector_load %arg7[%get3A_841, %get3A_842, %get3A_843] {strides = array<i32>} : memref<4x128x64xf32, #tpu.memory_space<vmem>>, vector<1x1x16xf32>,
      %get3A_845 = vector.shape_cast %get3A_844 : vector<1x1x16xf32> to vector<16xf32>
      %swap3A_846 = arith.constant 3 : i32
      %swap3A_847 = arith.index_cast %swap3A_846 : i32 to index
      %swap3A_848 = arith.index_cast %scan3A_826 : i32 to index
      %swap3A_849 = arith.constant 16 : index
      %swap3A_850 = tpu.vector_load %arg8[%swap3A_847, %swap3A_848, %swap3A_849] {strides = array<i32>} : memref<4x128x64xf32, #tpu.memory_space<vmem>>, vector<1x1x16xf32>,
      %swap3A_851 = vector.shape_cast %swap3A_850 : vector<1x1x16xf32> to vector<16xf32>
      %swap3A_852 = vector.shape_cast %get3A_845 : vector<16xf32> to vector<1x1x16xf32>
      tpu.vector_store %arg8[%swap3A_847, %swap3A_848, %swap3A_849], %swap3A_852 {add = true, strides = array<i32>} : memref<4x128x64xf32, #tpu.memory_space<vmem>>, vector<1x1x16xf32>,
      %get3A_853 = arith.constant 3 : i32
      %get3A_854 = arith.index_cast %get3A_853 : i32 to index
      %get3A_855 = arith.index_cast %scan3A_826 : i32 to index
      %get3A_856 = arith.constant 32 : index
      %get3A_857 = tpu.vector_load %arg7[%get3A_854, %get3A_855, %get3A_856] {strides = array<i32>} : memref<4x128x64xf32, #tpu.memory_space<vmem>>, vector<1x1x16xf32>,
      %get3A_858 = vector.shape_cast %get3A_857 : vector<1x1x16xf32> to vector<16xf32>
      %swap3A_859 = arith.constant 3 : i32
      %swap3A_860 = arith.index_cast %swap3A_859 : i32 to index
      %swap3A_861 = arith.index_cast %scan3A_826 : i32 to index
      %swap3A_862 = arith.constant 32 : index
      %swap3A_863 = tpu.vector_load %arg8[%swap3A_860, %swap3A_861, %swap3A_862] {strides = array<i32>} : memref<4x128x64xf32, #tpu.memory_space<vmem>>, vector<1x1x16xf32>,
      %swap3A_864 = vector.shape_cast %swap3A_863 : vector<1x1x16xf32> to vector<16xf32>
      %swap3A_865 = vector.shape_cast %get3A_858 : vector<16xf32> to vector<1x1x16xf32>
      tpu.vector_store %arg8[%swap3A_860, %swap3A_861, %swap3A_862], %swap3A_865 {add = true, strides = array<i32>} : memref<4x128x64xf32, #tpu.memory_space<vmem>>, vector<1x1x16xf32>,
      %get3A_866 = arith.constant 3 : i32
      %get3A_867 = arith.index_cast %get3A_866 : i32 to index
      %get3A_868 = arith.index_cast %scan3A_826 : i32 to index
      %get3A_869 = arith.constant 48 : index
      %get3A_870 = tpu.vector_load %arg7[%get3A_867, %get3A_868, %get3A_869] {strides = array<i32>} : memref<4x128x64xf32, #tpu.memory_space<vmem>>, vector<1x1x16xf32>,
      %get3A_871 = vector.shape_cast %get3A_870 : vector<1x1x16xf32> to vector<16xf32>
      %swap3A_872 = arith.constant 3 : i32
      %swap3A_873 = arith.index_cast %swap3A_872 : i32 to index
      %swap3A_874 = arith.index_cast %scan3A_826 : i32 to index
      %swap3A_875 = arith.constant 48 : index
      %swap3A_876 = tpu.vector_load %arg8[%swap3A_873, %swap3A_874, %swap3A_875] {strides = array<i32>} : memref<4x128x64xf32, #tpu.memory_space<vmem>>, vector<1x1x16xf32>,
      %swap3A_877 = vector.shape_cast %swap3A_876 : vector<1x1x16xf32> to vector<16xf32>
      %swap3A_878 = vector.shape_cast %get3A_871 : vector<16xf32> to vector<1x1x16xf32>
      tpu.vector_store %arg8[%swap3A_873, %swap3A_874, %swap3A_875], %swap3A_878 {add = true, strides = array<i32>} : memref<4x128x64xf32, #tpu.memory_space<vmem>>, vector<1x1x16xf32>,
      %scan3A_879 = arith.constant 0 : i32
      %scan3A_880 = arith.constant 3 : i32
      %scan3A_881 = arith.addi %scan3A_717, %scan3A_880 : i32
      %get3A_882 = arith.constant 3 : i32
      %get3A_883 = arith.index_cast %get3A_882 : i32 to index
      %get3A_884 = arith.index_cast %scan3A_881 : i32 to index
      %get3A_885 = arith.constant 0 : index
      %get3A_886 = tpu.vector_load %arg7[%get3A_883, %get3A_884, %get3A_885] {strides = array<i32>} : memref<4x128x64xf32, #tpu.memory_space<vmem>>, vector<1x1x16xf32>,
      %get3A_887 = vector.shape_cast %get3A_886 : vector<1x1x16xf32> to vector<16xf32>
      %swap3A_888 = arith.constant 3 : i32
      %swap3A_889 = arith.index_cast %swap3A_888 : i32 to index
      %swap3A_890 = arith.index_cast %scan3A_881 : i32 to index
      %swap3A_891 = arith.constant 0 : index
      %swap3A_892 = tpu.vector_load %arg8[%swap3A_889, %swap3A_890, %swap3A_891] {strides = array<i32>} : memref<4x128x64xf32, #tpu.memory_space<vmem>>, vector<1x1x16xf32>,
      %swap3A_893 = vector.shape_cast %swap3A_892 : vector<1x1x16xf32> to vector<16xf32>
      %swap3A_894 = vector.shape_cast %get3A_887 : vector<16xf32> to vector<1x1x16xf32>
      tpu.vector_store %arg8[%swap3A_889, %swap3A_890, %swap3A_891], %swap3A_894 {add = true, strides = array<i32>} : memref<4x128x64xf32, #tpu.memory_space<vmem>>, vector<1x1x16xf32>,
      %get3A_895 = arith.constant 3 : i32
      %get3A_896 = arith.index_cast %get3A_895 : i32 to index
      %get3A_897 = arith.index_cast %scan3A_881 : i32 to index
      %get3A_898 = arith.constant 16 : index
      %get3A_899 = tpu.vector_load %arg7[%get3A_896, %get3A_897, %get3A_898] {strides = array<i32>} : memref<4x128x64xf32, #tpu.memory_space<vmem>>, vector<1x1x16xf32>,
      %get3A_900 = vector.shape_cast %get3A_899 : vector<1x1x16xf32> to vector<16xf32>
      %swap3A_901 = arith.constant 3 : i32
      %swap3A_902 = arith.index_cast %swap3A_901 : i32 to index
      %swap3A_903 = arith.index_cast %scan3A_881 : i32 to index
      %swap3A_904 = arith.constant 16 : index
      %swap3A_905 = tpu.vector_load %arg8[%swap3A_902, %swap3A_903, %swap3A_904] {strides = array<i32>} : memref<4x128x64xf32, #tpu.memory_space<vmem>>, vector<1x1x16xf32>,
      %swap3A_906 = vector.shape_cast %swap3A_905 : vector<1x1x16xf32> to vector<16xf32>
      %swap3A_907 = vector.shape_cast %get3A_900 : vector<16xf32> to vector<1x1x16xf32>
      tpu.vector_store %arg8[%swap3A_902, %swap3A_903, %swap3A_904], %swap3A_907 {add = true, strides = array<i32>} : memref<4x128x64xf32, #tpu.memory_space<vmem>>, vector<1x1x16xf32>,
      %get3A_908 = arith.constant 3 : i32
      %get3A_909 = arith.index_cast %get3A_908 : i32 to index
      %get3A_910 = arith.index_cast %scan3A_881 : i32 to index
      %get3A_911 = arith.constant 32 : index
      %get3A_912 = tpu.vector_load %arg7[%get3A_909, %get3A_910, %get3A_911] {strides = array<i32>} : memref<4x128x64xf32, #tpu.memory_space<vmem>>, vector<1x1x16xf32>,
      %get3A_913 = vector.shape_cast %get3A_912 : vector<1x1x16xf32> to vector<16xf32>
      %swap3A_914 = arith.constant 3 : i32
      %swap3A_915 = arith.index_cast %swap3A_914 : i32 to index
      %swap3A_916 = arith.index_cast %scan3A_881 : i32 to index
      %swap3A_917 = arith.constant 32 : index
      %swap3A_918 = tpu.vector_load %arg8[%swap3A_915, %swap3A_916, %swap3A_917] {strides = array<i32>} : memref<4x128x64xf32, #tpu.memory_space<vmem>>, vector<1x1x16xf32>,
      %swap3A_919 = vector.shape_cast %swap3A_918 : vector<1x1x16xf32> to vector<16xf32>
      %swap3A_920 = vector.shape_cast %get3A_913 : vector<16xf32> to vector<1x1x16xf32>
      tpu.vector_store %arg8[%swap3A_915, %swap3A_916, %swap3A_917], %swap3A_920 {add = true, strides = array<i32>} : memref<4x128x64xf32, #tpu.memory_space<vmem>>, vector<1x1x16xf32>,
      %get3A_921 = arith.constant 3 : i32
      %get3A_922 = arith.index_cast %get3A_921 : i32 to index
      %get3A_923 = arith.index_cast %scan3A_881 : i32 to index
      %get3A_924 = arith.constant 48 : index
      %get3A_925 = tpu.vector_load %arg7[%get3A_922, %get3A_923, %get3A_924] {strides = array<i32>} : memref<4x128x64xf32, #tpu.memory_space<vmem>>, vector<1x1x16xf32>,
      %get3A_926 = vector.shape_cast %get3A_925 : vector<1x1x16xf32> to vector<16xf32>
      %swap3A_927 = arith.constant 3 : i32
      %swap3A_928 = arith.index_cast %swap3A_927 : i32 to index
      %swap3A_929 = arith.index_cast %scan3A_881 : i32 to index
      %swap3A_930 = arith.constant 48 : index
      %swap3A_931 = tpu.vector_load %arg8[%swap3A_928, %swap3A_929, %swap3A_930] {strides = array<i32>} : memref<4x128x64xf32, #tpu.memory_space<vmem>>, vector<1x1x16xf32>,
      %swap3A_932 = vector.shape_cast %swap3A_931 : vector<1x1x16xf32> to vector<16xf32>
      %swap3A_933 = vector.shape_cast %get3A_926 : vector<16xf32> to vector<1x1x16xf32>
      tpu.vector_store %arg8[%swap3A_928, %swap3A_929, %swap3A_930], %swap3A_933 {add = true, strides = array<i32>} : memref<4x128x64xf32, #tpu.memory_space<vmem>>, vector<1x1x16xf32>,
      %scan3A_934 = arith.constant 0 : i32
      %scan3A_935 = arith.constant 4 : i32
      %scan3A_936 = arith.addi %scan3A_717, %scan3A_935 : i32
      %get3A_937 = arith.constant 3 : i32
      %get3A_938 = arith.index_cast %get3A_937 : i32 to index
      %get3A_939 = arith.index_cast %scan3A_936 : i32 to index
      %get3A_940 = arith.constant 0 : index
      %get3A_941 = tpu.vector_load %arg7[%get3A_938, %get3A_939, %get3A_940] {strides = array<i32>} : memref<4x128x64xf32, #tpu.memory_space<vmem>>, vector<1x1x16xf32>,
      %get3A_942 = vector.shape_cast %get3A_941 : vector<1x1x16xf32> to vector<16xf32>
      %swap3A_943 = arith.constant 3 : i32
      %swap3A_944 = arith.index_cast %swap3A_943 : i32 to index
      %swap3A_945 = arith.index_cast %scan3A_936 : i32 to index
      %swap3A_946 = arith.constant 0 : index
      %swap3A_947 = tpu.vector_load %arg8[%swap3A_944, %swap3A_945, %swap3A_946] {strides = array<i32>} : memref<4x128x64xf32, #tpu.memory_space<vmem>>, vector<1x1x16xf32>,
      %swap3A_948 = vector.shape_cast %swap3A_947 : vector<1x1x16xf32> to vector<16xf32>
      %swap3A_949 = vector.shape_cast %get3A_942 : vector<16xf32> to vector<1x1x16xf32>
      tpu.vector_store %arg8[%swap3A_944, %swap3A_945, %swap3A_946], %swap3A_949 {add = true, strides = array<i32>} : memref<4x128x64xf32, #tpu.memory_space<vmem>>, vector<1x1x16xf32>,
      %get3A_950 = arith.constant 3 : i32
      %get3A_951 = arith.index_cast %get3A_950 : i32 to index
      %get3A_952 = arith.index_cast %scan3A_936 : i32 to index
      %get3A_953 = arith.constant 16 : index
      %get3A_954 = tpu.vector_load %arg7[%get3A_951, %get3A_952, %get3A_953] {strides = array<i32>} : memref<4x128x64xf32, #tpu.memory_space<vmem>>, vector<1x1x16xf32>,
      %get3A_955 = vector.shape_cast %get3A_954 : vector<1x1x16xf32> to vector<16xf32>
      %swap3A_956 = arith.constant 3 : i32
      %swap3A_957 = arith.index_cast %swap3A_956 : i32 to index
      %swap3A_958 = arith.index_cast %scan3A_936 : i32 to index
      %swap3A_959 = arith.constant 16 : index
      %swap3A_960 = tpu.vector_load %arg8[%swap3A_957, %swap3A_958, %swap3A_959] {strides = array<i32>} : memref<4x128x64xf32, #tpu.memory_space<vmem>>, vector<1x1x16xf32>,
      %swap3A_961 = vector.shape_cast %swap3A_960 : vector<1x1x16xf32> to vector<16xf32>
      %swap3A_962 = vector.shape_cast %get3A_955 : vector<16xf32> to vector<1x1x16xf32>
      tpu.vector_store %arg8[%swap3A_957, %swap3A_958, %swap3A_959], %swap3A_962 {add = true, strides = array<i32>} : memref<4x128x64xf32, #tpu.memory_space<vmem>>, vector<1x1x16xf32>,
      %get3A_963 = arith.constant 3 : i32
      %get3A_964 = arith.index_cast %get3A_963 : i32 to index
      %get3A_965 = arith.index_cast %scan3A_936 : i32 to index
      %get3A_966 = arith.constant 32 : index
      %get3A_967 = tpu.vector_load %arg7[%get3A_964, %get3A_965, %get3A_966] {strides = array<i32>} : memref<4x128x64xf32, #tpu.memory_space<vmem>>, vector<1x1x16xf32>,
      %get3A_968 = vector.shape_cast %get3A_967 : vector<1x1x16xf32> to vector<16xf32>
      %swap3A_969 = arith.constant 3 : i32
      %swap3A_970 = arith.index_cast %swap3A_969 : i32 to index
      %swap3A_971 = arith.index_cast %scan3A_936 : i32 to index
      %swap3A_972 = arith.constant 32 : index
      %swap3A_973 = tpu.vector_load %arg8[%swap3A_970, %swap3A_971, %swap3A_972] {strides = array<i32>} : memref<4x128x64xf32, #tpu.memory_space<vmem>>, vector<1x1x16xf32>,
      %swap3A_974 = vector.shape_cast %swap3A_973 : vector<1x1x16xf32> to vector<16xf32>
      %swap3A_975 = vector.shape_cast %get3A_968 : vector<16xf32> to vector<1x1x16xf32>
      tpu.vector_store %arg8[%swap3A_970, %swap3A_971, %swap3A_972], %swap3A_975 {add = true, strides = array<i32>} : memref<4x128x64xf32, #tpu.memory_space<vmem>>, vector<1x1x16xf32>,
      %get3A_976 = arith.constant 3 : i32
      %get3A_977 = arith.index_cast %get3A_976 : i32 to index
      %get3A_978 = arith.index_cast %scan3A_936 : i32 to index
      %get3A_979 = arith.constant 48 : index
      %get3A_980 = tpu.vector_load %arg7[%get3A_977, %get3A_978, %get3A_979] {strides = array<i32>} : memref<4x128x64xf32, #tpu.memory_space<vmem>>, vector<1x1x16xf32>,
      %get3A_981 = vector.shape_cast %get3A_980 : vector<1x1x16xf32> to vector<16xf32>
      %swap3A_982 = arith.constant 3 : i32
      %swap3A_983 = arith.index_cast %swap3A_982 : i32 to index
      %swap3A_984 = arith.index_cast %scan3A_936 : i32 to index
      %swap3A_985 = arith.constant 48 : index
      %swap3A_986 = tpu.vector_load %arg8[%swap3A_983, %swap3A_984, %swap3A_985] {strides = array<i32>} : memref<4x128x64xf32, #tpu.memory_space<vmem>>, vector<1x1x16xf32>,
      %swap3A_987 = vector.shape_cast %swap3A_986 : vector<1x1x16xf32> to vector<16xf32>
      %swap3A_988 = vector.shape_cast %get3A_981 : vector<16xf32> to vector<1x1x16xf32>
      tpu.vector_store %arg8[%swap3A_983, %swap3A_984, %swap3A_985], %swap3A_988 {add = true, strides = array<i32>} : memref<4x128x64xf32, #tpu.memory_space<vmem>>, vector<1x1x16xf32>,
      %scan3A_989 = arith.constant 0 : i32
      %scan3A_990 = arith.constant 5 : i32
      %scan3A_991 = arith.addi %scan3A_717, %scan3A_990 : i32
      %get3A_992 = arith.constant 3 : i32
      %get3A_993 = arith.index_cast %get3A_992 : i32 to index
      %get3A_994 = arith.index_cast %scan3A_991 : i32 to index
      %get3A_995 = arith.constant 0 : index
      %get3A_996 = tpu.vector_load %arg7[%get3A_993, %get3A_994, %get3A_995] {strides = array<i32>} : memref<4x128x64xf32, #tpu.memory_space<vmem>>, vector<1x1x16xf32>,
      %get3A_997 = vector.shape_cast %get3A_996 : vector<1x1x16xf32> to vector<16xf32>
      %swap3A_998 = arith.constant 3 : i32
      %swap3A_999 = arith.index_cast %swap3A_998 : i32 to index
      %swap3A_1000 = arith.index_cast %scan3A_991 : i32 to index
      %swap3A_1001 = arith.constant 0 : index
      %swap3A_1002 = tpu.vector_load %arg8[%swap3A_999, %swap3A_1000, %swap3A_1001] {strides = array<i32>} : memref<4x128x64xf32, #tpu.memory_space<vmem>>, vector<1x1x16xf32>,
      %swap3A_1003 = vector.shape_cast %swap3A_1002 : vector<1x1x16xf32> to vector<16xf32>
      %swap3A_1004 = vector.shape_cast %get3A_997 : vector<16xf32> to vector<1x1x16xf32>
      tpu.vector_store %arg8[%swap3A_999, %swap3A_1000, %swap3A_1001], %swap3A_1004 {add = true, strides = array<i32>} : memref<4x128x64xf32, #tpu.memory_space<vmem>>, vector<1x1x16xf32>,
      %get3A_1005 = arith.constant 3 : i32
      %get3A_1006 = arith.index_cast %get3A_1005 : i32 to index
      %get3A_1007 = arith.index_cast %scan3A_991 : i32 to index
      %get3A_1008 = arith.constant 16 : index
      %get3A_1009 = tpu.vector_load %arg7[%get3A_1006, %get3A_1007, %get3A_1008] {strides = array<i32>} : memref<4x128x64xf32, #tpu.memory_space<vmem>>, vector<1x1x16xf32>,
      %get3A_1010 = vector.shape_cast %get3A_1009 : vector<1x1x16xf32> to vector<16xf32>
      %swap3A_1011 = arith.constant 3 : i32
      %swap3A_1012 = arith.index_cast %swap3A_1011 : i32 to index
      %swap3A_1013 = arith.index_cast %scan3A_991 : i32 to index
      %swap3A_1014 = arith.constant 16 : index
      %swap3A_1015 = tpu.vector_load %arg8[%swap3A_1012, %swap3A_1013, %swap3A_1014] {strides = array<i32>} : memref<4x128x64xf32, #tpu.memory_space<vmem>>, vector<1x1x16xf32>,
      %swap3A_1016 = vector.shape_cast %swap3A_1015 : vector<1x1x16xf32> to vector<16xf32>
      %swap3A_1017 = vector.shape_cast %get3A_1010 : vector<16xf32> to vector<1x1x16xf32>
      tpu.vector_store %arg8[%swap3A_1012, %swap3A_1013, %swap3A_1014], %swap3A_1017 {add = true, strides = array<i32>} : memref<4x128x64xf32, #tpu.memory_space<vmem>>, vector<1x1x16xf32>,
      %get3A_1018 = arith.constant 3 : i32
      %get3A_1019 = arith.index_cast %get3A_1018 : i32 to index
      %get3A_1020 = arith.index_cast %scan3A_991 : i32 to index
      %get3A_1021 = arith.constant 32 : index
      %get3A_1022 = tpu.vector_load %arg7[%get3A_1019, %get3A_1020, %get3A_1021] {strides = array<i32>} : memref<4x128x64xf32, #tpu.memory_space<vmem>>, vector<1x1x16xf32>,
      %get3A_1023 = vector.shape_cast %get3A_1022 : vector<1x1x16xf32> to vector<16xf32>
      %swap3A_1024 = arith.constant 3 : i32
      %swap3A_1025 = arith.index_cast %swap3A_1024 : i32 to index
      %swap3A_1026 = arith.index_cast %scan3A_991 : i32 to index
      %swap3A_1027 = arith.constant 32 : index
      %swap3A_1028 = tpu.vector_load %arg8[%swap3A_1025, %swap3A_1026, %swap3A_1027] {strides = array<i32>} : memref<4x128x64xf32, #tpu.memory_space<vmem>>, vector<1x1x16xf32>,
      %swap3A_1029 = vector.shape_cast %swap3A_1028 : vector<1x1x16xf32> to vector<16xf32>
      %swap3A_1030 = vector.shape_cast %get3A_1023 : vector<16xf32> to vector<1x1x16xf32>
      tpu.vector_store %arg8[%swap3A_1025, %swap3A_1026, %swap3A_1027], %swap3A_1030 {add = true, strides = array<i32>} : memref<4x128x64xf32, #tpu.memory_space<vmem>>, vector<1x1x16xf32>,
      %get3A_1031 = arith.constant 3 : i32
      %get3A_1032 = arith.index_cast %get3A_1031 : i32 to index
      %get3A_1033 = arith.index_cast %scan3A_991 : i32 to index
      %get3A_1034 = arith.constant 48 : index
      %get3A_1035 = tpu.vector_load %arg7[%get3A_1032, %get3A_1033, %get3A_1034] {strides = array<i32>} : memref<4x128x64xf32, #tpu.memory_space<vmem>>, vector<1x1x16xf32>,
      %get3A_1036 = vector.shape_cast %get3A_1035 : vector<1x1x16xf32> to vector<16xf32>
      %swap3A_1037 = arith.constant 3 : i32
      %swap3A_1038 = arith.index_cast %swap3A_1037 : i32 to index
      %swap3A_1039 = arith.index_cast %scan3A_991 : i32 to index
      %swap3A_1040 = arith.constant 48 : index
      %swap3A_1041 = tpu.vector_load %arg8[%swap3A_1038, %swap3A_1039, %swap3A_1040] {strides = array<i32>} : memref<4x128x64xf32, #tpu.memory_space<vmem>>, vector<1x1x16xf32>,
      %swap3A_1042 = vector.shape_cast %swap3A_1041 : vector<1x1x16xf32> to vector<16xf32>
      %swap3A_1043 = vector.shape_cast %get3A_1036 : vector<16xf32> to vector<1x1x16xf32>
      tpu.vector_store %arg8[%swap3A_1038, %swap3A_1039, %swap3A_1040], %swap3A_1043 {add = true, strides = array<i32>} : memref<4x128x64xf32, #tpu.memory_space<vmem>>, vector<1x1x16xf32>,
      %scan3A_1044 = arith.constant 0 : i32
      %scan3A_1045 = arith.constant 6 : i32
      %scan3A_1046 = arith.addi %scan3A_717, %scan3A_1045 : i32
      %get3A_1047 = arith.constant 3 : i32
      %get3A_1048 = arith.index_cast %get3A_1047 : i32 to index
      %get3A_1049 = arith.index_cast %scan3A_1046 : i32 to index
      %get3A_1050 = arith.constant 0 : index
      %get3A_1051 = tpu.vector_load %arg7[%get3A_1048, %get3A_1049, %get3A_1050] {strides = array<i32>} : memref<4x128x64xf32, #tpu.memory_space<vmem>>, vector<1x1x16xf32>,
      %get3A_1052 = vector.shape_cast %get3A_1051 : vector<1x1x16xf32> to vector<16xf32>
      %swap3A_1053 = arith.constant 3 : i32
      %swap3A_1054 = arith.index_cast %swap3A_1053 : i32 to index
      %swap3A_1055 = arith.index_cast %scan3A_1046 : i32 to index
      %swap3A_1056 = arith.constant 0 : index
      %swap3A_1057 = tpu.vector_load %arg8[%swap3A_1054, %swap3A_1055, %swap3A_1056] {strides = array<i32>} : memref<4x128x64xf32, #tpu.memory_space<vmem>>, vector<1x1x16xf32>,
      %swap3A_1058 = vector.shape_cast %swap3A_1057 : vector<1x1x16xf32> to vector<16xf32>
      %swap3A_1059 = vector.shape_cast %get3A_1052 : vector<16xf32> to vector<1x1x16xf32>
      tpu.vector_store %arg8[%swap3A_1054, %swap3A_1055, %swap3A_1056], %swap3A_1059 {add = true, strides = array<i32>} : memref<4x128x64xf32, #tpu.memory_space<vmem>>, vector<1x1x16xf32>,
      %get3A_1060 = arith.constant 3 : i32
      %get3A_1061 = arith.index_cast %get3A_1060 : i32 to index
      %get3A_1062 = arith.index_cast %scan3A_1046 : i32 to index
      %get3A_1063 = arith.constant 16 : index
      %get3A_1064 = tpu.vector_load %arg7[%get3A_1061, %get3A_1062, %get3A_1063] {strides = array<i32>} : memref<4x128x64xf32, #tpu.memory_space<vmem>>, vector<1x1x16xf32>,
      %get3A_1065 = vector.shape_cast %get3A_1064 : vector<1x1x16xf32> to vector<16xf32>
      %swap3A_1066 = arith.constant 3 : i32
      %swap3A_1067 = arith.index_cast %swap3A_1066 : i32 to index
      %swap3A_1068 = arith.index_cast %scan3A_1046 : i32 to index
      %swap3A_1069 = arith.constant 16 : index
      %swap3A_1070 = tpu.vector_load %arg8[%swap3A_1067, %swap3A_1068, %swap3A_1069] {strides = array<i32>} : memref<4x128x64xf32, #tpu.memory_space<vmem>>, vector<1x1x16xf32>,
      %swap3A_1071 = vector.shape_cast %swap3A_1070 : vector<1x1x16xf32> to vector<16xf32>
      %swap3A_1072 = vector.shape_cast %get3A_1065 : vector<16xf32> to vector<1x1x16xf32>
      tpu.vector_store %arg8[%swap3A_1067, %swap3A_1068, %swap3A_1069], %swap3A_1072 {add = true, strides = array<i32>} : memref<4x128x64xf32, #tpu.memory_space<vmem>>, vector<1x1x16xf32>,
      %get3A_1073 = arith.constant 3 : i32
      %get3A_1074 = arith.index_cast %get3A_1073 : i32 to index
      %get3A_1075 = arith.index_cast %scan3A_1046 : i32 to index
      %get3A_1076 = arith.constant 32 : index
      %get3A_1077 = tpu.vector_load %arg7[%get3A_1074, %get3A_1075, %get3A_1076] {strides = array<i32>} : memref<4x128x64xf32, #tpu.memory_space<vmem>>, vector<1x1x16xf32>,
      %get3A_1078 = vector.shape_cast %get3A_1077 : vector<1x1x16xf32> to vector<16xf32>
      %swap3A_1079 = arith.constant 3 : i32
      %swap3A_1080 = arith.index_cast %swap3A_1079 : i32 to index
      %swap3A_1081 = arith.index_cast %scan3A_1046 : i32 to index
      %swap3A_1082 = arith.constant 32 : index
      %swap3A_1083 = tpu.vector_load %arg8[%swap3A_1080, %swap3A_1081, %swap3A_1082] {strides = array<i32>} : memref<4x128x64xf32, #tpu.memory_space<vmem>>, vector<1x1x16xf32>,
      %swap3A_1084 = vector.shape_cast %swap3A_1083 : vector<1x1x16xf32> to vector<16xf32>
      %swap3A_1085 = vector.shape_cast %get3A_1078 : vector<16xf32> to vector<1x1x16xf32>
      tpu.vector_store %arg8[%swap3A_1080, %swap3A_1081, %swap3A_1082], %swap3A_1085 {add = true, strides = array<i32>} : memref<4x128x64xf32, #tpu.memory_space<vmem>>, vector<1x1x16xf32>,
      %get3A_1086 = arith.constant 3 : i32
      %get3A_1087 = arith.index_cast %get3A_1086 : i32 to index
      %get3A_1088 = arith.index_cast %scan3A_1046 : i32 to index
      %get3A_1089 = arith.constant 48 : index
      %get3A_1090 = tpu.vector_load %arg7[%get3A_1087, %get3A_1088, %get3A_1089] {strides = array<i32>} : memref<4x128x64xf32, #tpu.memory_space<vmem>>, vector<1x1x16xf32>,
      %get3A_1091 = vector.shape_cast %get3A_1090 : vector<1x1x16xf32> to vector<16xf32>
      %swap3A_1092 = arith.constant 3 : i32
      %swap3A_1093 = arith.index_cast %swap3A_1092 : i32 to index
      %swap3A_1094 = arith.index_cast %scan3A_1046 : i32 to index
      %swap3A_1095 = arith.constant 48 : index
      %swap3A_1096 = tpu.vector_load %arg8[%swap3A_1093, %swap3A_1094, %swap3A_1095] {strides = array<i32>} : memref<4x128x64xf32, #tpu.memory_space<vmem>>, vector<1x1x16xf32>,
      %swap3A_1097 = vector.shape_cast %swap3A_1096 : vector<1x1x16xf32> to vector<16xf32>
      %swap3A_1098 = vector.shape_cast %get3A_1091 : vector<16xf32> to vector<1x1x16xf32>
      tpu.vector_store %arg8[%swap3A_1093, %swap3A_1094, %swap3A_1095], %swap3A_1098 {add = true, strides = array<i32>} : memref<4x128x64xf32, #tpu.memory_space<vmem>>, vector<1x1x16xf32>,
      %scan3A_1099 = arith.constant 0 : i32
      %scan3A_1100 = arith.constant 7 : i32
      %scan3A_1101 = arith.addi %scan3A_717, %scan3A_1100 : i32
      %get3A_1102 = arith.constant 3 : i32
      %get3A_1103 = arith.index_cast %get3A_1102 : i32 to index
      %get3A_1104 = arith.index_cast %scan3A_1101 : i32 to index
      %get3A_1105 = arith.constant 0 : index
      %get3A_1106 = tpu.vector_load %arg7[%get3A_1103, %get3A_1104, %get3A_1105] {strides = array<i32>} : memref<4x128x64xf32, #tpu.memory_space<vmem>>, vector<1x1x16xf32>,
      %get3A_1107 = vector.shape_cast %get3A_1106 : vector<1x1x16xf32> to vector<16xf32>
      %swap3A_1108 = arith.constant 3 : i32
      %swap3A_1109 = arith.index_cast %swap3A_1108 : i32 to index
      %swap3A_1110 = arith.index_cast %scan3A_1101 : i32 to index
      %swap3A_1111 = arith.constant 0 : index
      %swap3A_1112 = tpu.vector_load %arg8[%swap3A_1109, %swap3A_1110, %swap3A_1111] {strides = array<i32>} : memref<4x128x64xf32, #tpu.memory_space<vmem>>, vector<1x1x16xf32>,
      %swap3A_1113 = vector.shape_cast %swap3A_1112 : vector<1x1x16xf32> to vector<16xf32>
      %swap3A_1114 = vector.shape_cast %get3A_1107 : vector<16xf32> to vector<1x1x16xf32>
      tpu.vector_store %arg8[%swap3A_1109, %swap3A_1110, %swap3A_1111], %swap3A_1114 {add = true, strides = array<i32>} : memref<4x128x64xf32, #tpu.memory_space<vmem>>, vector<1x1x16xf32>,
      %get3A_1115 = arith.constant 3 : i32
      %get3A_1116 = arith.index_cast %get3A_1115 : i32 to index
      %get3A_1117 = arith.index_cast %scan3A_1101 : i32 to index
      %get3A_1118 = arith.constant 16 : index
      %get3A_1119 = tpu.vector_load %arg7[%get3A_1116, %get3A_1117, %get3A_1118] {strides = array<i32>} : memref<4x128x64xf32, #tpu.memory_space<vmem>>, vector<1x1x16xf32>,
      %get3A_1120 = vector.shape_cast %get3A_1119 : vector<1x1x16xf32> to vector<16xf32>
      %swap3A_1121 = arith.constant 3 : i32
      %swap3A_1122 = arith.index_cast %swap3A_1121 : i32 to index
      %swap3A_1123 = arith.index_cast %scan3A_1101 : i32 to index
      %swap3A_1124 = arith.constant 16 : index
      %swap3A_1125 = tpu.vector_load %arg8[%swap3A_1122, %swap3A_1123, %swap3A_1124] {strides = array<i32>} : memref<4x128x64xf32, #tpu.memory_space<vmem>>, vector<1x1x16xf32>,
      %swap3A_1126 = vector.shape_cast %swap3A_1125 : vector<1x1x16xf32> to vector<16xf32>
      %swap3A_1127 = vector.shape_cast %get3A_1120 : vector<16xf32> to vector<1x1x16xf32>
      tpu.vector_store %arg8[%swap3A_1122, %swap3A_1123, %swap3A_1124], %swap3A_1127 {add = true, strides = array<i32>} : memref<4x128x64xf32, #tpu.memory_space<vmem>>, vector<1x1x16xf32>,
      %get3A_1128 = arith.constant 3 : i32
      %get3A_1129 = arith.index_cast %get3A_1128 : i32 to index
      %get3A_1130 = arith.index_cast %scan3A_1101 : i32 to index
      %get3A_1131 = arith.constant 32 : index
      %get3A_1132 = tpu.vector_load %arg7[%get3A_1129, %get3A_1130, %get3A_1131] {strides = array<i32>} : memref<4x128x64xf32, #tpu.memory_space<vmem>>, vector<1x1x16xf32>,
      %get3A_1133 = vector.shape_cast %get3A_1132 : vector<1x1x16xf32> to vector<16xf32>
      %swap3A_1134 = arith.constant 3 : i32
      %swap3A_1135 = arith.index_cast %swap3A_1134 : i32 to index
      %swap3A_1136 = arith.index_cast %scan3A_1101 : i32 to index
      %swap3A_1137 = arith.constant 32 : index
      %swap3A_1138 = tpu.vector_load %arg8[%swap3A_1135, %swap3A_1136, %swap3A_1137] {strides = array<i32>} : memref<4x128x64xf32, #tpu.memory_space<vmem>>, vector<1x1x16xf32>,
      %swap3A_1139 = vector.shape_cast %swap3A_1138 : vector<1x1x16xf32> to vector<16xf32>
      %swap3A_1140 = vector.shape_cast %get3A_1133 : vector<16xf32> to vector<1x1x16xf32>
      tpu.vector_store %arg8[%swap3A_1135, %swap3A_1136, %swap3A_1137], %swap3A_1140 {add = true, strides = array<i32>} : memref<4x128x64xf32, #tpu.memory_space<vmem>>, vector<1x1x16xf32>,
      %get3A_1141 = arith.constant 3 : i32
      %get3A_1142 = arith.index_cast %get3A_1141 : i32 to index
      %get3A_1143 = arith.index_cast %scan3A_1101 : i32 to index
      %get3A_1144 = arith.constant 48 : index
      %get3A_1145 = tpu.vector_load %arg7[%get3A_1142, %get3A_1143, %get3A_1144] {strides = array<i32>} : memref<4x128x64xf32, #tpu.memory_space<vmem>>, vector<1x1x16xf32>,
      %get3A_1146 = vector.shape_cast %get3A_1145 : vector<1x1x16xf32> to vector<16xf32>
      %swap3A_1147 = arith.constant 3 : i32
      %swap3A_1148 = arith.index_cast %swap3A_1147 : i32 to index
      %swap3A_1149 = arith.index_cast %scan3A_1101 : i32 to index
      %swap3A_1150 = arith.constant 48 : index
      %swap3A_1151 = tpu.vector_load %arg8[%swap3A_1148, %swap3A_1149, %swap3A_1150] {strides = array<i32>} : memref<4x128x64xf32, #tpu.memory_space<vmem>>, vector<1x1x16xf32>,
      %swap3A_1152 = vector.shape_cast %swap3A_1151 : vector<1x1x16xf32> to vector<16xf32>
      %swap3A_1153 = vector.shape_cast %get3A_1146 : vector<16xf32> to vector<1x1x16xf32>
      tpu.vector_store %arg8[%swap3A_1148, %swap3A_1149, %swap3A_1150], %swap3A_1153 {add = true, strides = array<i32>} : memref<4x128x64xf32, #tpu.memory_space<vmem>>, vector<1x1x16xf32>,
      %scan3A_1154 = arith.constant 0 : i32
      scf.yield %scan3A_1154 : i32
    }
    %scan3A_648 = arith.constant 128 : i32
    %add3A_649 = arith.constant 896 : i32
    %add3A_650 = arith.addi %multiple_of3A, %add3A_649 : i32
    %multiple_of3A_651 = tpu.assume_multiple %add3A_650, 128 : i32
    %dma_start3A_652 = arith.constant 3 : i32
    %dma_start3A_653 = arith.constant 0 : i32
    %dma_start3A_654 = arith.constant 0 : i32
    %dma_start3A_655 = tpu.memref_slice %arg8[%dma_start3A_652, %dma_start3A_653, %dma_start3A_654] : memref<4x128x64xf32, #tpu.memory_space<vmem>> -> memref<1x128x64xf32, #tpu.memory_space<vmem>>
    %dma_start3A_656 = tpu.memref_squeeze %dma_start3A_655 : memref<1x128x64xf32, #tpu.memory_space<vmem>> -> memref<128x64xf32, #tpu.memory_space<vmem>>
    %dma_start3A_657 = arith.constant 0 : i32
    %dma_start3A_658 = tpu.memref_slice %arg5[%multiple_of3A_651, %dma_start3A_657] : memref<32768x64xf32, #tpu.memory_space<hbm>> -> memref<128x64xf32, #tpu.memory_space<hbm>>
    %dma_start3A_659 = arith.constant 0 : i32
    %dma_start3A_660 = tpu.memref_slice %arg5[%multiple_of3A_651, %dma_start3A_659] : memref<32768x64xf32, #tpu.memory_space<hbm>> -> memref<128x64xf32, #tpu.memory_space<hbm>>
    %dma_start3A_661 = arith.constant 0 : i32
    %dma_start3A_662 = arith.constant 0 : i32
    %dma_start3A_663 = tpu.memref_slice %arg8[%dma_start3A_652, %dma_start3A_661, %dma_start3A_662] : memref<4x128x64xf32, #tpu.memory_space<vmem>> -> memref<1x128x64xf32, #tpu.memory_space<vmem>>
    %dma_start3A_664 = tpu.memref_squeeze %dma_start3A_663 : memref<1x128x64xf32, #tpu.memory_space<vmem>> -> memref<128x64xf32, #tpu.memory_space<vmem>>
    tpu.enqueue_dma source(%dma_start3A_664 : memref<128x64xf32, #tpu.memory_space<vmem>>) target(%dma_start3A_660 : memref<128x64xf32, #tpu.memory_space<hbm>>) target_semaphore(%arg10 : memref<!tpu.dma_semaphore, #tpu.memory_space<semaphore_mem>>)
    %dma_wait3A_665 = arith.constant 0 : i32
    %dma_wait3A_666 = arith.constant 0 : i32
    %dma_wait3A_667 = arith.constant 0 : i32
    %dma_wait3A_668 = tpu.memref_slice %arg8[%dma_wait3A_665, %dma_wait3A_666, %dma_wait3A_667] : memref<4x128x64xf32, #tpu.memory_space<vmem>> -> memref<1x128x64xf32, #tpu.memory_space<vmem>>
    %dma_wait3A_669 = tpu.memref_squeeze %dma_wait3A_668 : memref<1x128x64xf32, #tpu.memory_space<vmem>> -> memref<128x64xf32, #tpu.memory_space<vmem>>
    %dma_wait3A_670 = arith.constant 0 : i32
    %dma_wait3A_671 = tpu.memref_slice %arg5[%multiple_of3A_466, %dma_wait3A_670] : memref<32768x64xf32, #tpu.memory_space<hbm>> -> memref<128x64xf32, #tpu.memory_space<hbm>>
    %dma_wait3A_672 = arith.constant 0 : i32
    %dma_wait3A_673 = tpu.memref_slice %arg5[%multiple_of3A_466, %dma_wait3A_672] : memref<32768x64xf32, #tpu.memory_space<hbm>> -> memref<128x64xf32, #tpu.memory_space<hbm>>
    %dma_wait3A_674 = arith.constant 0 : i32
    %dma_wait3A_675 = arith.constant 0 : i32
    %dma_wait3A_676 = tpu.memref_slice %arg8[%dma_wait3A_665, %dma_wait3A_674, %dma_wait3A_675] : memref<4x128x64xf32, #tpu.memory_space<vmem>> -> memref<1x128x64xf32, #tpu.memory_space<vmem>>
    %dma_wait3A_677 = tpu.memref_squeeze %dma_wait3A_676 : memref<1x128x64xf32, #tpu.memory_space<vmem>> -> memref<128x64xf32, #tpu.memory_space<vmem>>
    tpu.wait_dma2 semaphore(%arg10 : memref<!tpu.dma_semaphore, #tpu.memory_space<semaphore_mem>>) src(%dma_wait3A_677 : memref<128x64xf32, #tpu.memory_space<vmem>>) dst(%dma_wait3A_673 : memref<128x64xf32, #tpu.memory_space<hbm>>)
    %dma_wait3A_678 = arith.constant 1 : i32
    %dma_wait3A_679 = arith.constant 0 : i32
    %dma_wait3A_680 = arith.constant 0 : i32
    %dma_wait3A_681 = tpu.memref_slice %arg8[%dma_wait3A_678, %dma_wait3A_679, %dma_wait3A_680] : memref<4x128x64xf32, #tpu.memory_space<vmem>> -> memref<1x128x64xf32, #tpu.memory_space<vmem>>
    %dma_wait3A_682 = tpu.memref_squeeze %dma_wait3A_681 : memref<1x128x64xf32, #tpu.memory_space<vmem>> -> memref<128x64xf32, #tpu.memory_space<vmem>>
    %dma_wait3A_683 = arith.constant 0 : i32
    %dma_wait3A_684 = tpu.memref_slice %arg5[%multiple_of3A_555, %dma_wait3A_683] : memref<32768x64xf32, #tpu.memory_space<hbm>> -> memref<128x64xf32, #tpu.memory_space<hbm>>
    %dma_wait3A_685 = arith.constant 0 : i32
    %dma_wait3A_686 = tpu.memref_slice %arg5[%multiple_of3A_555, %dma_wait3A_685] : memref<32768x64xf32, #tpu.memory_space<hbm>> -> memref<128x64xf32, #tpu.memory_space<hbm>>
    %dma_wait3A_687 = arith.constant 0 : i32
    %dma_wait3A_688 = arith.constant 0 : i32
    %dma_wait3A_689 = tpu.memref_slice %arg8[%dma_wait3A_678, %dma_wait3A_687, %dma_wait3A_688] : memref<4x128x64xf32, #tpu.memory_space<vmem>> -> memref<1x128x64xf32, #tpu.memory_space<vmem>>
    %dma_wait3A_690 = tpu.memref_squeeze %dma_wait3A_689 : memref<1x128x64xf32, #tpu.memory_space<vmem>> -> memref<128x64xf32, #tpu.memory_space<vmem>>
    tpu.wait_dma2 semaphore(%arg10 : memref<!tpu.dma_semaphore, #tpu.memory_space<semaphore_mem>>) src(%dma_wait3A_690 : memref<128x64xf32, #tpu.memory_space<vmem>>) dst(%dma_wait3A_686 : memref<128x64xf32, #tpu.memory_space<hbm>>)
    %dma_wait3A_691 = arith.constant 2 : i32
    %dma_wait3A_692 = arith.constant 0 : i32
    %dma_wait3A_693 = arith.constant 0 : i32
    %dma_wait3A_694 = tpu.memref_slice %arg8[%dma_wait3A_691, %dma_wait3A_692, %dma_wait3A_693] : memref<4x128x64xf32, #tpu.memory_space<vmem>> -> memref<1x128x64xf32, #tpu.memory_space<vmem>>
    %dma_wait3A_695 = tpu.memref_squeeze %dma_wait3A_694 : memref<1x128x64xf32, #tpu.memory_space<vmem>> -> memref<128x64xf32, #tpu.memory_space<vmem>>
    %dma_wait3A_696 = arith.constant 0 : i32
    %dma_wait3A_697 = tpu.memref_slice %arg5[%multiple_of3A_603, %dma_wait3A_696] : memref<32768x64xf32, #tpu.memory_space<hbm>> -> memref<128x64xf32, #tpu.memory_space<hbm>>
    %dma_wait3A_698 = arith.constant 0 : i32
    %dma_wait3A_699 = tpu.memref_slice %arg5[%multiple_of3A_603, %dma_wait3A_698] : memref<32768x64xf32, #tpu.memory_space<hbm>> -> memref<128x64xf32, #tpu.memory_space<hbm>>
    %dma_wait3A_700 = arith.constant 0 : i32
    %dma_wait3A_701 = arith.constant 0 : i32
    %dma_wait3A_702 = tpu.memref_slice %arg8[%dma_wait3A_691, %dma_wait3A_700, %dma_wait3A_701] : memref<4x128x64xf32, #tpu.memory_space<vmem>> -> memref<1x128x64xf32, #tpu.memory_space<vmem>>
    %dma_wait3A_703 = tpu.memref_squeeze %dma_wait3A_702 : memref<1x128x64xf32, #tpu.memory_space<vmem>> -> memref<128x64xf32, #tpu.memory_space<vmem>>
    tpu.wait_dma2 semaphore(%arg10 : memref<!tpu.dma_semaphore, #tpu.memory_space<semaphore_mem>>) src(%dma_wait3A_703 : memref<128x64xf32, #tpu.memory_space<vmem>>) dst(%dma_wait3A_699 : memref<128x64xf32, #tpu.memory_space<hbm>>)
    %dma_wait3A_704 = arith.constant 3 : i32
    %dma_wait3A_705 = arith.constant 0 : i32
    %dma_wait3A_706 = arith.constant 0 : i32
    %dma_wait3A_707 = tpu.memref_slice %arg8[%dma_wait3A_704, %dma_wait3A_705, %dma_wait3A_706] : memref<4x128x64xf32, #tpu.memory_space<vmem>> -> memref<1x128x64xf32, #tpu.memory_space<vmem>>
    %dma_wait3A_708 = tpu.memref_squeeze %dma_wait3A_707 : memref<1x128x64xf32, #tpu.memory_space<vmem>> -> memref<128x64xf32, #tpu.memory_space<vmem>>
    %dma_wait3A_709 = arith.constant 0 : i32
    %dma_wait3A_710 = tpu.memref_slice %arg5[%multiple_of3A_651, %dma_wait3A_709] : memref<32768x64xf32, #tpu.memory_space<hbm>> -> memref<128x64xf32, #tpu.memory_space<hbm>>
    %dma_wait3A_711 = arith.constant 0 : i32
    %dma_wait3A_712 = tpu.memref_slice %arg5[%multiple_of3A_651, %dma_wait3A_711] : memref<32768x64xf32, #tpu.memory_space<hbm>> -> memref<128x64xf32, #tpu.memory_space<hbm>>
    %dma_wait3A_713 = arith.constant 0 : i32
    %dma_wait3A_714 = arith.constant 0 : i32
    %dma_wait3A_715 = tpu.memref_slice %arg8[%dma_wait3A_704, %dma_wait3A_713, %dma_wait3A_714] : memref<4x128x64xf32, #tpu.memory_space<vmem>> -> memref<1x128x64xf32, #tpu.memory_space<vmem>>
    %dma_wait3A_716 = tpu.memref_squeeze %dma_wait3A_715 : memref<1x128x64xf32, #tpu.memory_space<vmem>> -> memref<128x64xf32, #tpu.memory_space<vmem>>
    tpu.wait_dma2 semaphore(%arg10 : memref<!tpu.dma_semaphore, #tpu.memory_space<semaphore_mem>>) src(%dma_wait3A_716 : memref<128x64xf32, #tpu.memory_space<vmem>>) dst(%dma_wait3A_712 : memref<128x64xf32, #tpu.memory_space<hbm>>)
    return
  }
}

</mosaic_0001>

<sc_bundles>
// kernel: _emb.3.cloned.1.call-start
scs
__scs_entry_jumppad:
0x0: {  	(pc) =	sbr.rel $0x88, $3  }
0x1: {  	(tag) =	ssettag $0x0;
	lr =	simm.s32 $0x1  }
0x2: {  	[smem:$0x3F9E] =	sst lr;
	_ =	strace $0xD0000000  }
0x3: {  	_ = 	snop  }
0x4: {  	_ = 	snop  }
0x5: {  	_ = 	snop  }
0x6: {  	_ = 	snop  }
0x7: {  	_ = 	snop  }
__scs_overlays_trampoline_lowered:
0x8: {  	[smem:$0x3FAD] =	sst s0  }
0x9: {  	[smem:$0x3FAE] =	sst s1  }
0xa: {  	[smem:$0x3FAF] =	sst s2  }
0xb: {  	[smem:$0x3FB0] =	sst s3  }
0xc: {  	[smem:$0x3FB1] =	sst s4  }
0xd: {  	[smem:$0x3FB2] =	sst s5  }
0xe: {  	[smem:$0x3FB3] =	sst s6  }
0xf: {  	[smem:$0x3FB4] =	sst s7  }
0x10: {  	[smem:$0x3FB5] =	sst s8  }
0x11: {  	[smem:$0x3FB6] =	sst s9;
	s0 =	simm.s32 @!p0 $0x0  }
0x12: {  	s1 =	sld [smem:$0x3F9C];
	s0 =	simm.s32 @p0 $0x1  }
0x13: {  	[smem:$0x3FB7] =	sst s0;
	s0 =	simm.s32 @!p1 $0x0  }
0x14: {  	s2 =	sld [smem:$0x3F9B];
	s0 =	simm.s32 @p1 $0x1  }
0x15: {  	[smem:$0x3FB8] =	sst s0;
	s0 =	simm.s32 @!p2 $0x0  }
0x16: {  	s3 =	sld [smem:$0x3FDB];
	s0 =	simm.s32 @p2 $0x1  }
0x17: {  	s4 =	simm.s32 $0x1BF5;
	[smem:$0x3FBA] =	sst s0  }
0x18: {  	s0 =	sld [smem:$0x3F9D];
	_ =	swait.ge [sflag:s4], $0x0  }
0x19: {  	s7 =	sld [smem:$0x3F9E]  }
0x1a: {  	s8 =	sadd.s32 $0xFFFFE003, lr  }
0x1b: {  	s9 =	sadd.s32 $0xFFFFFEF7, lr;
	s5 =	simm.s32 $0xFFFFFFFF;
	p2 =	slt.u32 s8, $0xFFFFF086  }
0x1c: {  	p1 =	slt.u32 s9, $0xF7A;
	s5 =	simm.s32 @!p2 $0x0  }
0x1d: {  	s5 =	simm.s32 @p1 $0x1;
	p0 =	seq.s32 s7, s2  }
0x1e: {  	s7 =	smul.u32 @!p0 $0xF7A, s2;
	p2 =	seq.s32 @!p0 s5, $0x0  }
0x1f: {  	s9 =	smul.u32 $0xF7A, s1;
	s8 =	simm.s32 @!p0 $0x1BF5;
	p2 =	por !p2, p0  }
0x20: {  	[sflag:s8] =	ssyncset.s32 @!p0 $0xFFFFF086;
	s6 =	sadd.s32 @!p0 s3, s7;
	s7 =	simm.s32 @!p0 $0x108  }
0x21: {  	s3 =	sadd.s32 s3, s9;
	s6 =	sadd.s32 @!p0 $0x88, s6;
	s7 =	simm.s32 @p2 $0x1082  }
0x22: {  	[simem:s7], [sflag:s8] =	dma.local @!p0 [hbm:s6], $0xF7A  }
0x23: {  	s9 =	sor.u32 $0xD0000000, s2;
	s6 =	simm.s32 $0x108;
	_ =	swait.ge @!p0 [sflag:s8], $0x0  }
0x24: {  	s3 =	sadd.s32 $0x88, s3;
	s6 =	simm.s32 @!p1 $0x1082;
	[sflag:s4] =	ssyncset.s32 $0xFFFFF086  }
0x25: {  	[simem:s6], [sflag:s4] =	dma.local [hbm:s3], $0xF7A  }
0x26: {  	[smem:$0x3F9E] =	sst s1;
	(tag) =	ssettag s2;
	_ =	strace s9  }
0x27: {  	s1 =	sld [smem:$0x3FAE]  }
0x28: {  	s2 =	sld [smem:$0x3FAF]  }
0x29: {  	s4 =	sld [smem:$0x3FB1]  }
0x2a: {  	p0 =	seq.s32 s5, $0x0;
	s5 =	sld [smem:$0x3FB2]  }
0x2b: {  	s6 =	sld [smem:$0x3FB3]  }
0x2c: {  	s7 =	sld [smem:$0x3FB4]  }
0x2d: {  	s3 =	simm.s32 $0x108;
	s8 =	sld [smem:$0x3FB5]  }
0x2e: {  	s3 =	simm.s32 @!p0 $0x1082;
	s9 =	sld [smem:$0x3FB6]  }
0x2f: {  	lr =	sadd.s32 s0, s3;
	s0 =	sld [smem:$0x3FAD]  }
0x30: {  	s3 =	sld [smem:$0x3FB0]  }
0x31: {  	[smem:$0x3FB9] =	sst s10  }
0x32: {  	s10 =	sld [smem:$0x3FB7];
	_ =	sdelay $0x3  }
0x33: {  	p0 =	seq.s32 s10, $0x1;
	s10 =	sld [smem:$0x3FB9];
	_ =	sdelay $0x3  }
0x34: {  	[smem:$0x3FB9] =	sst s10  }
0x35: {  	s10 =	sld [smem:$0x3FB8];
	_ =	sdelay $0x3  }
0x36: {  	p1 =	seq.s32 s10, $0x1;
	s10 =	sld [smem:$0x3FB9];
	_ =	sdelay $0x3  }
0x37: {  	[smem:$0x3FB9] =	sst s10  }
0x38: {  	s10 =	sld [smem:$0x3FBA]  }
0x39: {  	_ = 	snop;
	(pc) =	sbr.ind lr, $3  }
0x3a: {  	_ = 	snop  }
0x3b: {  	_ = 	snop  }
0x3c: {  	p2 =	seq.s32 s10, $0x1;
	s10 =	sld [smem:$0x3FB9]  }
0x3d: {  	_ =	shalt  }
0x3e: {  	_ =	shalt  }
0x3f: {  	_ =	shalt  }
0x40: {  	_ =	shalt  }
0x41: {  	_ =	shalt  }
0x42: {  	_ =	shalt  }
0x43: {  	_ =	shalt  }
0x44: {  	_ =	shalt  }
0x45: {  	_ =	shalt  }
0x46: {  	_ =	shalt  }
0x47: {  	_ =	shalt  }
0x48: {  	_ =	shalt  }
0x49: {  	_ =	shalt  }
0x4a: {  	_ =	shalt  }
0x4b: {  	_ =	shalt  }
0x4c: {  	_ =	shalt  }
0x4d: {  	_ =	shalt  }
0x4e: {  	_ =	shalt  }
0x4f: {  	_ =	shalt  }
0x50: {  	_ =	shalt  }
0x51: {  	_ =	shalt  }
0x52: {  	_ =	shalt  }
0x53: {  	_ =	shalt  }
0x54: {  	_ =	shalt  }
0x55: {  	_ =	shalt  }
0x56: {  	_ =	shalt  }
0x57: {  	_ =	shalt  }
0x58: {  	_ =	shalt  }
0x59: {  	_ =	shalt  }
0x5a: {  	_ =	shalt  }
0x5b: {  	_ =	shalt  }
0x5c: {  	_ =	shalt  }
0x5d: {  	_ =	shalt  }
0x5e: {  	_ =	shalt  }
0x5f: {  	_ =	shalt  }
0x60: {  	_ =	shalt  }
0x61: {  	_ =	shalt  }
0x62: {  	_ =	shalt  }
0x63: {  	_ =	shalt  }
0x64: {  	_ =	shalt  }
0x65: {  	_ =	shalt  }
0x66: {  	_ =	shalt  }
0x67: {  	_ =	shalt  }
0x68: {  	_ =	shalt  }
0x69: {  	_ =	shalt  }
0x6a: {  	_ =	shalt  }
0x6b: {  	_ =	shalt  }
0x6c: {  	_ =	shalt  }
0x6d: {  	_ =	shalt  }
0x6e: {  	_ =	shalt  }
0x6f: {  	_ =	shalt  }
0x70: {  	_ =	shalt  }
0x71: {  	_ =	shalt  }
0x72: {  	_ =	shalt  }
0x73: {  	_ =	shalt  }
0x74: {  	_ =	shalt  }
0x75: {  	_ =	shalt  }
0x76: {  	_ =	shalt  }
0x77: {  	_ =	shalt  }
0x78: {  	_ =	shalt  }
0x79: {  	_ =	shalt  }
0x7a: {  	_ =	shalt  }
0x7b: {  	_ =	shalt  }
0x7c: {  	_ =	shalt  }
0x7d: {  	_ =	shalt  }
0x7e: {  	_ =	shalt  }
0x7f: {  	_ =	shalt  }
0x80: {  	_ =	shalt  }
0x81: {  	_ =	shalt  }
0x82: {  	_ =	shalt  }
0x83: {  	_ =	shalt  }
0x84: {  	_ =	shalt  }
0x85: {  	_ =	shalt  }
0x86: {  	_ =	shalt  }
0x87: {  	_ =	shalt  }
.Lfunc_end0:
.L_simem_size_0:
called_computation_lowered:
.L_overlay_start_0:
0x88: {  	s2 =	sld [smem:$0x3FD9]  }
0x89: {  	s3 =	sld [smem:$0x3FFE];
	_ =	sdelay $0x1  }
0x8a: {  	s1 =	srdreg.scid  }
0x8b: {  	s0 =	sand.u32 $0x1, s1  }
0x8c: {  	s17 =	sshll.u32 s0, $0xA;
	s2 =	sadd.s32 s3, s2  }
0x8d: {  	s2 =	sadd.s32 s2, s17  }
0x8e: {  	[smem:$0x3FC5] =	sst s2  }
0x8f: {  	_ = 	snop  }
0x90: {  	s2 =	sld [smem:$0x3FC9]  }
0x91: {  	s18 =	sld [smem:$0x3FD0];
	(tm) =	ssettm $0x1  }
0x92: {  	s4 =	sld [smem:$0x3FFB];
	_ =	sdelay $0x3  }
0x93: {  	_ =	strace s4  }
0x94: {  	s4 =	sld [smem:$0x3FFC];
	_ =	sdelay $0x3  }
0x95: {  	_ =	strace s4  }
0x96: {  	s4 =	sld [smem:$0x3FFD];
	_ =	sdelay $0x3  }
0x97: {  	_ =	strace s4  }
0x98: {  	_ =	strace $0x8FFFFFFF  }
0x99: {  	s19 =	sld [smem:$0x3FDB];
	_ =	sdelay $0x1  }
0x9a: {  	s5 =	simm.s32 $_scs_section_size  }
0x9b: {  	s6 =	simm.s32 $_size__tile_overlayer_lowered;
	s7 =	simm.s32 $_tile_overlayer_lowered  }
0x9c: {  	s22 =	simm.s32 $0x1BFF;
	s21 =	sshll.u32 s7, $0x1;
	s4 =	sadd.s32 s5, s19  }
0x9d: {  	s8 =	simm.s32 $0x0;
	s20 =	sshll.u32 s6, $0x1;
	s6 =	sadd.s32 s21, s4  }
0x9e: {  	[timem:s8], [sflag:s22] =	dma.local [hbm:s6], s20  }
0x9f: {  	_ =	swait.ge [sflag:s22], s20  }
0xa0: {  	s5 =	ssub.s32 $0x0, s20;
	[sflag:s22] =	ssyncset.done $0x0  }
0xa1: {  	[sflag:s22] =	ssyncadd.s32 s5;
	_ =	sdelay $0x1  }
0xa2: {  	s23 =	simm.s32 $0x1B8B  }
0xa3: {  	_ =	swait.ge [sflag:s23], $0x1  }
0xa4: {  	[sflag:s23] =	ssyncset.done $0x0  }
0xa5: {  	s25 =	simm.s32 $0x1B8E;
	s24 =	sld [smem:$0x3FFE];
	[sflag:s23] =	ssyncadd.s32 $0xFFFFFFFF  }
0xa6: {  	s26 =	simm.s32 $execute0_lowered;
	[smem:$0x3FD2] =	sst s25  }
0xa7: {  	s6 =	sshll.u32 s26, $0x1;
	_ =	strace $0x80000046;
	[dreg:$0x1] =	wrdreg $0xFFFFFFFF  }
0xa8: {  	s28 =	simm.s32 $_size_execute0_lowered;
	s4 =	sadd.s32 s4, s6;
	[dreg:$0x0] =	wrdreg $0x0  }
0xa9: {  	s6 =	sshll.u32 s28, $0x1;
	[dreg:$0x2] =	wrdreg s4  }
0xaa: {  	[dreg:$0x3] =	wrdreg s6  }
0xab: {  	[dreg:$0x4] =	wrdreg $0xC0  }
0xac: {  	_ =	task [dreg:s8], $0x5FFFF  }
0xad: {  	[dreg:$0x1] =	wrdreg $0xFFFFFFFF  }
0xae: {  	[dreg:$0x0] =	wrdreg $0x60  }
0xaf: {  	[dreg:$0x2] =	wrdreg s2  }
0xb0: {  	[dreg:$0x3] =	wrdreg s24  }
0xb1: {  	[dreg:$0x4] =	wrdreg s18  }
0xb2: {  	[dreg:$0x5] =	wrdreg $0x9  }
0xb3: {  	_ =	task.clear_ibuf [dreg:s8], $0x6FFFF;
	_ =	strace $0x90000046  }
0xb4: {  	s29 =	simm.s32 $0x9;
	_ =	strace $0x80000048  }
0xb5: {  	_ =	swait.ge [sflag:s29], $0x1  }
0xb6: {  	[sflag:s29] =	ssyncadd.s32 $0xFFFFFFFF  }
0xb7: {  	_ =	strace $0x90000048  }
0xb8: {  	_ =	sfence  }
0xb9: {  	s30 =	sld [smem:$0x0];
	_ =	sdelay $0x2  }
0xba: {  	s31 =	sshll.u32 s1, $0xD;
	s1 =	sshrl.u32 s1, $0x2  }
0xbb: {  	s3 =	sand.u32 $0x4000, s31;
	s1 =	sadd.s32 s1, s30  }
0xbc: {  	s0 =	sor.u32 s3, s0;
	s1 =	sshll.u32 s1, $0x11  }
0xbd: {  	s0 =	sor.u32 s1, s0  }
0xbe: {  	s0 =	sadd.s32 $0x8F2B, s0  }
0xbf: {  	[sflag:s0] =	ssyncadd.remote.s32 $0x1  }
0xc0: {  	_ =	sfence.sel $0xFFFF  }
0xc1: {  	[dreg:$0x0] =	wrdreg $0xFFFFFFFF;
	(pc) =	sbr.abs _section_cstart, $3  }
0xc2: {  	[dreg:$0x1] =	wrdreg $0xFFFFFFFF  }
0xc3: {  	_ =	task.clear_ibuf [dreg:s8], $0x2FFFF;
	_ =	strace $0x9FFFFFFF  }
0xc4: {  	(tm) =	ssettm $0x7FFFFFFF  }
0xc5: {  	_ =	shalt  }
tec
execute0_lowered:
.L_overlay_start_1:
0x0: {  	(tag) =	ssettag $0x1  }
0x1: {  	s0 =	rddreg [dreg:$0x0]  }
0x2: {  	s1 =	rddreg [dreg:$0x1]  }
0x3: {  	s4 =	rddreg [dreg:$0x2]  }
0x4: {  	s3 =	srdreg.scid;
	s6 =	stileid.u32;
	s2 =	simm.s32 $0x0  }
0x5: {  	s22 =	simm.s32 $0x4;
	s28 =	simm.s32 $0xA400;
	s31 =	simm.s32 $0xC400  }
0x6: {  	s29 =	simm.s32 $0x6400;
	s30 =	simm.s32 $0x0;
	s5 =	sand.u32 $0x1, s3  }
0x7: {  	s23 =	sshll.u32 s6, $0x1;
	[smem:$0x7FF] =	sst s2;
	s3 =	sadd.s32 $0x187000, s1  }
0x8: {  	s6 =	sor.u32 s5, s23;
	_ =	strace $0x80000047;
	s5 =	ssub.s32 $0x2, s5  }
0x9: {  	s23 =	simm.s32 $0x80;
	s8 =	sshll.u32 s6, $0xD;
	s24 =	sshrl.u32 s5, $0x1  }
0xa: {  	s6 =	sshll.u32 s6, $0x7;
	s7 =	sand.u32 $0xE000, s8;
	s5 =	ssub.s32 s5, s24  }
0xb: {  	s0 =	sadd.s32 s0, s6;
	s8 =	sadd.s32 s4, s8;
	s24 =	simm.s32 $0xE400  }
0xc: {  	s1 =	sadd.s32 s7, s1;
	[dreg:$0x4] =	wrdreg s0;
	s10 =	sadd.s32 $0x400, s8  }
0xd: {  	s12 =	sadd.s32 $0x800, s8;
	s14 =	sadd.s32 $0xC00, s8;
	s16 =	sadd.s32 $0x1000, s8  }
0xe: {  	s18 =	sadd.s32 $0x1400, s8;
	s19 =	sadd.s32 $0x1800, s8;
	s20 =	sadd.s32 $0x1C00, s8  }
0xf: {  	s21 =	smax.u32 s5, $0x1;
	s0 =	simm.s32 $0x1;
	s25 =	sadd.s32 $0x600, s1  }
0x10: {  	s26 =	sadd.s32 $0xA00, s1;
	s7 =	sadd.s32 $0xE00, s1;
	s9 =	sadd.s32 $0x1200, s1  }
0x11: {  	s11 =	sadd.s32 $0x1600, s1;
	s13 =	sadd.s32 $0x1A00, s1;
	s15 =	sadd.s32 $0x1E00, s1  }
0x12: {  	s17 =	sadd.s32 $0x2200, s1;
	s1 =	simm.s32 $0x3;
	[dreg:$0x5] =	wrdreg s25  }
0x13: {  	[dreg:$0x6] =	wrdreg s26;
	s25 =	simm.s32 $0x8400;
	s26 =	simm.s32 $0x2  }
.LBB2_1:
0x14: {  	s4 =	rddreg [dreg:$0x4]  }
0x15: {  	[tilespmem:s2], [sflag:$0x4] =	stream.linear.gather [hbm4b:s4+s2], $0x400, $0x38;
	[tilespmem:$0x10400] =	vst v63  }
0x16: {  	_ =	swait.ge [sflag:s22], $0x400  }
0x17: {  	[sflag:s22] =	ssyncset.done $0x0  }
0x18: {  	s6 =	simm.s32 $0x400;
	[sflag:s22] =	ssyncadd.s32 $0xFFFFFC00  }
0x19: {  	[tilespmem:s6], [sflag:$0x1] =	stream.indirect.gather [hbm4b:s3+s23], $0x40, s2, s23, $0xb8;
	[tilespmem:$0x10400] =	vst v63  }
0x1a: {  	s5 =	rddreg [dreg:$0x5]  }
0x1b: {  	[tilespmem:s25], [sflag:$0x3] =	stream.linear.gather [hbm4b:s5+s2], $0x2000, $0x38;
	[tilespmem:$0x10400] =	vst v63  }
0x1c: {  	s6 =	simm.s32 $0x2400  }
0x1d: {  	[tilespmem:s6], [sflag:$0x1] =	stream.indirect.gather [hbm4b:s3+s23], $0x40, s23, s23, $0xb8;
	[tilespmem:$0x10400] =	vst v63  }
0x1e: {  	s5 =	rddreg [dreg:$0x6]  }
0x1f: {  	[tilespmem:s28], [sflag:$0x3] =	stream.linear.gather [hbm4b:s5+s2], $0x2000, $0x38;
	[tilespmem:$0x10400] =	vst v63  }
0x20: {  	s6 =	simm.s32 $0x100;
	s5 =	simm.s32 $0x4400  }
0x21: {  	[tilespmem:s5], [sflag:$0x1] =	stream.indirect.gather [hbm4b:s3+s23], $0x40, s6, s23, $0xb8;
	[tilespmem:$0x10400] =	vst v63  }
0x22: {  	_ = 	snop  }
0x23: {  	[tilespmem:s31], [sflag:$0x3] =	stream.linear.gather [hbm4b:s7+s2], $0x2000, $0x38;
	[tilespmem:$0x10400] =	vst v63  }
0x24: {  	_ =	swait.ge [sflag:s0], $0x2000  }
0x25: {  	[sflag:s0] =	ssyncset.done $0x0  }
0x26: {  	[sflag:s0] =	ssyncadd.s32 $0xFFFFE000  }
0x27: {  	_ =	swait.ge [sflag:s1], $0x2000  }
0x28: {  	[sflag:s1] =	ssyncset.done $0x0  }
0x29: {  	s4 =	simm.s32 $0x0;
	[sflag:s1] =	ssyncadd.s32 $0xFFFFE000  }
0x2a: {  	v0 =	vld [tilespmem:s4+$0x5F0]  }
0x2b: {  	v1 =	vld [tilespmem:s4+$0x400]  }
0x2c: {  	v2 =	vld [tilespmem:s4+$0x410]  }
0x2d: {  	v3 =	vld [tilespmem:s4+$0x420]  }
0x2e: {  	v4 =	vld [tilespmem:s4+$0x430]  }
0x2f: {  	v5 =	vld [tilespmem:s4+$0x440]  }
0x30: {  	v6 =	vld [tilespmem:s4+$0x450]  }
0x31: {  	v7 =	vld [tilespmem:s4+$0x460]  }
0x32: {  	v8 =	vld [tilespmem:s4+$0x470]  }
0x33: {  	v9 =	vld [tilespmem:s4+$0x480]  }
0x34: {  	v10 =	vld [tilespmem:s4+$0x490]  }
0x35: {  	v11 =	vld [tilespmem:s4+$0x4A0]  }
0x36: {  	v12 =	vld [tilespmem:s4+$0x4B0]  }
0x37: {  	v13 =	vld [tilespmem:s4+$0x4C0]  }
0x38: {  	v14 =	vld [tilespmem:s4+$0x4D0]  }
0x39: {  	v15 =	vld [tilespmem:s4+$0x4E0]  }
0x3a: {  	v16 =	vld [tilespmem:s4+$0x4F0]  }
0x3b: {  	v17 =	vld [tilespmem:s4+$0x500]  }
0x3c: {  	v18 =	vld [tilespmem:s4+$0x510]  }
0x3d: {  	v19 =	vld [tilespmem:s4+$0x520]  }
0x3e: {  	v20 =	vld [tilespmem:s4+$0x530]  }
0x3f: {  	v21 =	vld [tilespmem:s4+$0x540]  }
0x40: {  	v22 =	vld [tilespmem:s4+$0x550]  }
0x41: {  	v23 =	vld [tilespmem:s4+$0x560]  }
0x42: {  	v24 =	vld [tilespmem:s4+$0x570]  }
0x43: {  	v25 =	vld [tilespmem:s4+$0x580]  }
0x44: {  	v26 =	vld [tilespmem:s4+$0x590]  }
0x45: {  	v27 =	vld [tilespmem:s4+$0x5A0]  }
0x46: {  	v28 =	vld [tilespmem:s4+$0x5B0]  }
0x47: {  	v29 =	vld [tilespmem:s4+$0x5C0]  }
0x48: {  	v30 =	vld [tilespmem:s4+$0x5D0]  }
0x49: {  	[tilespmem:s4+$0x85F0] =	vst.add.f32.msk $0xffff, v0  }
0x4a: {  	v0 =	vld [tilespmem:s4+$0x5E0]  }
0x4b: {  	[tilespmem:s4+$0x8400] =	vst.add.f32.msk $0xffff, v1  }
0x4c: {  	[tilespmem:s4+$0x8410] =	vst.add.f32.msk $0xffff, v2  }
0x4d: {  	[tilespmem:s4+$0x8420] =	vst.add.f32.msk $0xffff, v3  }
0x4e: {  	[tilespmem:s4+$0x8430] =	vst.add.f32.msk $0xffff, v4  }
0x4f: {  	[tilespmem:s4+$0x8440] =	vst.add.f32.msk $0xffff, v5  }
0x50: {  	[tilespmem:s4+$0x8450] =	vst.add.f32.msk $0xffff, v6  }
0x51: {  	[tilespmem:s4+$0x8460] =	vst.add.f32.msk $0xffff, v7  }
0x52: {  	[tilespmem:s4+$0x8470] =	vst.add.f32.msk $0xffff, v8  }
0x53: {  	[tilespmem:s4+$0x8480] =	vst.add.f32.msk $0xffff, v9  }
0x54: {  	[tilespmem:s4+$0x8490] =	vst.add.f32.msk $0xffff, v10  }
0x55: {  	[tilespmem:s4+$0x84A0] =	vst.add.f32.msk $0xffff, v11  }
0x56: {  	[tilespmem:s4+$0x84B0] =	vst.add.f32.msk $0xffff, v12  }
0x57: {  	[tilespmem:s4+$0x84C0] =	vst.add.f32.msk $0xffff, v13  }
0x58: {  	[tilespmem:s4+$0x84D0] =	vst.add.f32.msk $0xffff, v14  }
0x59: {  	[tilespmem:s4+$0x84E0] =	vst.add.f32.msk $0xffff, v15  }
0x5a: {  	[tilespmem:s4+$0x84F0] =	vst.add.f32.msk $0xffff, v16  }
0x5b: {  	[tilespmem:s4+$0x8500] =	vst.add.f32.msk $0xffff, v17  }
0x5c: {  	[tilespmem:s4+$0x8510] =	vst.add.f32.msk $0xffff, v18  }
0x5d: {  	[tilespmem:s4+$0x8520] =	vst.add.f32.msk $0xffff, v19  }
0x5e: {  	[tilespmem:s4+$0x8530] =	vst.add.f32.msk $0xffff, v20  }
0x5f: {  	[tilespmem:s4+$0x8540] =	vst.add.f32.msk $0xffff, v21  }
0x60: {  	[tilespmem:s4+$0x8550] =	vst.add.f32.msk $0xffff, v22  }
0x61: {  	[tilespmem:s4+$0x8560] =	vst.add.f32.msk $0xffff, v23  }
0x62: {  	[tilespmem:s4+$0x8570] =	vst.add.f32.msk $0xffff, v24  }
0x63: {  	[tilespmem:s4+$0x8580] =	vst.add.f32.msk $0xffff, v25  }
0x64: {  	[tilespmem:s4+$0x8590] =	vst.add.f32.msk $0xffff, v26  }
0x65: {  	[tilespmem:s4+$0x85A0] =	vst.add.f32.msk $0xffff, v27  }
0x66: {  	[tilespmem:s4+$0x85B0] =	vst.add.f32.msk $0xffff, v28  }
0x67: {  	[tilespmem:s4+$0x85C0] =	vst.add.f32.msk $0xffff, v29  }
0x68: {  	s5 =	simm.s32 $0x0;
	s6 =	simm.s32 $0x800;
	[tilespmem:s4+$0x85D0] =	vst.add.f32.msk $0xffff, v30  }
.LBB2_2:
0x69: {  	s5 =	sadd.s32 $0x8, s5;
	[tilespmem:s4+$0x85E0] =	vst.add.f32.msk $0xffff, v0;
	s4 =	sshra.s32 s6, $0x2  }
0x6a: {  	v0 =	vld [tilespmem:s4+$0x5F0];
	p0 =	slt.u32 s5, $0x78  }
0x6b: {  	v1 =	vld [tilespmem:s4+$0x400]  }
0x6c: {  	v2 =	vld [tilespmem:s4+$0x410]  }
0x6d: {  	v3 =	vld [tilespmem:s4+$0x420]  }
0x6e: {  	v4 =	vld [tilespmem:s4+$0x430]  }
0x6f: {  	[tilespmem:s4+$0x85F0] =	vst.add.f32.msk $0xffff, v0  }
0x70: {  	v5 =	vld [tilespmem:s4+$0x440]  }
0x71: {  	v6 =	vld [tilespmem:s4+$0x450]  }
0x72: {  	v7 =	vld [tilespmem:s4+$0x460]  }
0x73: {  	v8 =	vld [tilespmem:s4+$0x470]  }
0x74: {  	v9 =	vld [tilespmem:s4+$0x480]  }
0x75: {  	v10 =	vld [tilespmem:s4+$0x490]  }
0x76: {  	v11 =	vld [tilespmem:s4+$0x4A0]  }
0x77: {  	v12 =	vld [tilespmem:s4+$0x4B0]  }
0x78: {  	v13 =	vld [tilespmem:s4+$0x4C0]  }
0x79: {  	v14 =	vld [tilespmem:s4+$0x4D0]  }
0x7a: {  	v15 =	vld [tilespmem:s4+$0x4E0]  }
0x7b: {  	v16 =	vld [tilespmem:s4+$0x4F0]  }
0x7c: {  	v17 =	vld [tilespmem:s4+$0x500]  }
0x7d: {  	v18 =	vld [tilespmem:s4+$0x510]  }
0x7e: {  	v19 =	vld [tilespmem:s4+$0x520]  }
0x7f: {  	v20 =	vld [tilespmem:s4+$0x530]  }
0x80: {  	v21 =	vld [tilespmem:s4+$0x540]  }
0x81: {  	v22 =	vld [tilespmem:s4+$0x550]  }
0x82: {  	v23 =	vld [tilespmem:s4+$0x560]  }
0x83: {  	v24 =	vld [tilespmem:s4+$0x570]  }
0x84: {  	v25 =	vld [tilespmem:s4+$0x580]  }
0x85: {  	v26 =	vld [tilespmem:s4+$0x590]  }
0x86: {  	v27 =	vld [tilespmem:s4+$0x5A0]  }
0x87: {  	v28 =	vld [tilespmem:s4+$0x5B0]  }
0x88: {  	v29 =	vld [tilespmem:s4+$0x5C0]  }
0x89: {  	v30 =	vld [tilespmem:s4+$0x5D0]  }
0x8a: {  	v0 =	vld [tilespmem:s4+$0x5E0]  }
0x8b: {  	[tilespmem:s4+$0x8400] =	vst.add.f32.msk $0xffff, v1  }
0x8c: {  	[tilespmem:s4+$0x8410] =	vst.add.f32.msk $0xffff, v2  }
0x8d: {  	[tilespmem:s4+$0x8420] =	vst.add.f32.msk $0xffff, v3  }
0x8e: {  	[tilespmem:s4+$0x8430] =	vst.add.f32.msk $0xffff, v4  }
0x8f: {  	[tilespmem:s4+$0x8440] =	vst.add.f32.msk $0xffff, v5  }
0x90: {  	[tilespmem:s4+$0x8450] =	vst.add.f32.msk $0xffff, v6  }
0x91: {  	[tilespmem:s4+$0x8460] =	vst.add.f32.msk $0xffff, v7  }
0x92: {  	[tilespmem:s4+$0x8470] =	vst.add.f32.msk $0xffff, v8  }
0x93: {  	[tilespmem:s4+$0x8480] =	vst.add.f32.msk $0xffff, v9  }
0x94: {  	[tilespmem:s4+$0x8490] =	vst.add.f32.msk $0xffff, v10  }
0x95: {  	[tilespmem:s4+$0x84A0] =	vst.add.f32.msk $0xffff, v11  }
0x96: {  	[tilespmem:s4+$0x84B0] =	vst.add.f32.msk $0xffff, v12  }
0x97: {  	[tilespmem:s4+$0x84C0] =	vst.add.f32.msk $0xffff, v13  }
0x98: {  	[tilespmem:s4+$0x84D0] =	vst.add.f32.msk $0xffff, v14  }
0x99: {  	[tilespmem:s4+$0x84E0] =	vst.add.f32.msk $0xffff, v15  }
0x9a: {  	[tilespmem:s4+$0x84F0] =	vst.add.f32.msk $0xffff, v16  }
0x9b: {  	[tilespmem:s4+$0x8500] =	vst.add.f32.msk $0xffff, v17  }
0x9c: {  	[tilespmem:s4+$0x8510] =	vst.add.f32.msk $0xffff, v18  }
0x9d: {  	[tilespmem:s4+$0x8520] =	vst.add.f32.msk $0xffff, v19  }
0x9e: {  	[tilespmem:s4+$0x8530] =	vst.add.f32.msk $0xffff, v20  }
0x9f: {  	[tilespmem:s4+$0x8540] =	vst.add.f32.msk $0xffff, v21  }
0xa0: {  	[tilespmem:s4+$0x8550] =	vst.add.f32.msk $0xffff, v22  }
0xa1: {  	[tilespmem:s4+$0x8560] =	vst.add.f32.msk $0xffff, v23  }
0xa2: {  	[tilespmem:s4+$0x8570] =	vst.add.f32.msk $0xffff, v24  }
0xa3: {  	[tilespmem:s4+$0x8580] =	vst.add.f32.msk $0xffff, v25  }
.Ltmp0:
0xa4: {  	[tilespmem:s4+$0x8590] =	vst.add.f32.msk $0xffff, v26;
	(pc) =	sbr.rel @p0 .LBB2_2-.Ltmp0, $4  }
0xa5: {  	[tilespmem:s4+$0x85A0] =	vst.add.f32.msk $0xffff, v27  }
0xa6: {  	[tilespmem:s4+$0x85B0] =	vst.add.f32.msk $0xffff, v28  }
0xa7: {  	[tilespmem:s4+$0x85C0] =	vst.add.f32.msk $0xffff, v29  }
0xa8: {  	s6 =	sadd.s32 $0x800, s6;
	[tilespmem:s4+$0x85D0] =	vst.add.f32.msk $0xffff, v30  }
0xa9: {  	[tilespmem:s4+$0x85E0] =	vst.add.f32.msk $0xffff, v0;
	s6 =	simm.s32 $0x0  }
0xaa: {  	[hbm4b:s8+s6] =	stream.linear.scatter [tilespmem:s25], [sflag:$0x2], $0x2000, $0x38;
	[tilespmem:$0x10400] =	vst v63  }
0xab: {  	s5 =	simm.s32 $0x180  }
0xac: {  	[tilespmem:s29], [sflag:$0x1] =	stream.indirect.gather [hbm4b:s3+s23], $0x40, s5, s23, $0xb8;
	[tilespmem:$0x10400] =	vst v63  }
0xad: {  	_ = 	snop  }
0xae: {  	[tilespmem:s24], [sflag:$0x3] =	stream.linear.gather [hbm4b:s9+s6], $0x2000, $0x38;
	[tilespmem:$0x10400] =	vst v63  }
0xaf: {  	_ =	swait.ge [sflag:s0], $0x2000  }
0xb0: {  	[sflag:s0] =	ssyncset.done $0x0  }
0xb1: {  	[sflag:s0] =	ssyncadd.s32 $0xFFFFE000  }
0xb2: {  	_ =	swait.ge [sflag:s1], $0x2000  }
0xb3: {  	[sflag:s1] =	ssyncset.done $0x0  }
0xb4: {  	s4 =	simm.s32 $0x0;
	[sflag:s1] =	ssyncadd.s32 $0xFFFFE000  }
0xb5: {  	v0 =	vld [tilespmem:s4+$0x25F0]  }
0xb6: {  	v1 =	vld [tilespmem:s4+$0x2400]  }
0xb7: {  	v2 =	vld [tilespmem:s4+$0x2410]  }
0xb8: {  	v3 =	vld [tilespmem:s4+$0x2420]  }
0xb9: {  	v4 =	vld [tilespmem:s4+$0x2430]  }
0xba: {  	v5 =	vld [tilespmem:s4+$0x2440]  }
0xbb: {  	v6 =	vld [tilespmem:s4+$0x2450]  }
0xbc: {  	v7 =	vld [tilespmem:s4+$0x2460]  }
0xbd: {  	v8 =	vld [tilespmem:s4+$0x2470]  }
0xbe: {  	v9 =	vld [tilespmem:s4+$0x2480]  }
0xbf: {  	v10 =	vld [tilespmem:s4+$0x2490]  }
0xc0: {  	v11 =	vld [tilespmem:s4+$0x24A0]  }
0xc1: {  	v12 =	vld [tilespmem:s4+$0x24B0]  }
0xc2: {  	v13 =	vld [tilespmem:s4+$0x24C0]  }
0xc3: {  	v14 =	vld [tilespmem:s4+$0x24D0]  }
0xc4: {  	v15 =	vld [tilespmem:s4+$0x24E0]  }
0xc5: {  	v16 =	vld [tilespmem:s4+$0x24F0]  }
0xc6: {  	v17 =	vld [tilespmem:s4+$0x2500]  }
0xc7: {  	v18 =	vld [tilespmem:s4+$0x2510]  }
0xc8: {  	v19 =	vld [tilespmem:s4+$0x2520]  }
0xc9: {  	v20 =	vld [tilespmem:s4+$0x2530]  }
0xca: {  	v21 =	vld [tilespmem:s4+$0x2540]  }
0xcb: {  	v22 =	vld [tilespmem:s4+$0x2550]  }
0xcc: {  	v23 =	vld [tilespmem:s4+$0x2560]  }
0xcd: {  	v24 =	vld [tilespmem:s4+$0x2570]  }
0xce: {  	v25 =	vld [tilespmem:s4+$0x2580]  }
0xcf: {  	v26 =	vld [tilespmem:s4+$0x2590]  }
0xd0: {  	v27 =	vld [tilespmem:s4+$0x25A0]  }
0xd1: {  	v28 =	vld [tilespmem:s4+$0x25B0]  }
0xd2: {  	v29 =	vld [tilespmem:s4+$0x25C0]  }
0xd3: {  	v30 =	vld [tilespmem:s4+$0x25D0]  }
0xd4: {  	[tilespmem:s4+$0xA5F0] =	vst.add.f32.msk $0xffff, v0  }
0xd5: {  	v0 =	vld [tilespmem:s4+$0x25E0]  }
0xd6: {  	[tilespmem:s4+$0xA400] =	vst.add.f32.msk $0xffff, v1  }
0xd7: {  	[tilespmem:s4+$0xA410] =	vst.add.f32.msk $0xffff, v2  }
0xd8: {  	[tilespmem:s4+$0xA420] =	vst.add.f32.msk $0xffff, v3  }
0xd9: {  	[tilespmem:s4+$0xA430] =	vst.add.f32.msk $0xffff, v4  }
0xda: {  	[tilespmem:s4+$0xA440] =	vst.add.f32.msk $0xffff, v5  }
0xdb: {  	[tilespmem:s4+$0xA450] =	vst.add.f32.msk $0xffff, v6  }
0xdc: {  	[tilespmem:s4+$0xA460] =	vst.add.f32.msk $0xffff, v7  }
0xdd: {  	[tilespmem:s4+$0xA470] =	vst.add.f32.msk $0xffff, v8  }
0xde: {  	[tilespmem:s4+$0xA480] =	vst.add.f32.msk $0xffff, v9  }
0xdf: {  	[tilespmem:s4+$0xA490] =	vst.add.f32.msk $0xffff, v10  }
0xe0: {  	[tilespmem:s4+$0xA4A0] =	vst.add.f32.msk $0xffff, v11  }
0xe1: {  	[tilespmem:s4+$0xA4B0] =	vst.add.f32.msk $0xffff, v12  }
0xe2: {  	[tilespmem:s4+$0xA4C0] =	vst.add.f32.msk $0xffff, v13  }
0xe3: {  	[tilespmem:s4+$0xA4D0] =	vst.add.f32.msk $0xffff, v14  }
0xe4: {  	[tilespmem:s4+$0xA4E0] =	vst.add.f32.msk $0xffff, v15  }
0xe5: {  	[tilespmem:s4+$0xA4F0] =	vst.add.f32.msk $0xffff, v16  }
0xe6: {  	[tilespmem:s4+$0xA500] =	vst.add.f32.msk $0xffff, v17  }
0xe7: {  	[tilespmem:s4+$0xA510] =	vst.add.f32.msk $0xffff, v18  }
0xe8: {  	[tilespmem:s4+$0xA520] =	vst.add.f32.msk $0xffff, v19  }
0xe9: {  	[tilespmem:s4+$0xA530] =	vst.add.f32.msk $0xffff, v20  }
0xea: {  	[tilespmem:s4+$0xA540] =	vst.add.f32.msk $0xffff, v21  }
0xeb: {  	[tilespmem:s4+$0xA550] =	vst.add.f32.msk $0xffff, v22  }
0xec: {  	[tilespmem:s4+$0xA560] =	vst.add.f32.msk $0xffff, v23  }
0xed: {  	[tilespmem:s4+$0xA570] =	vst.add.f32.msk $0xffff, v24  }
0xee: {  	[tilespmem:s4+$0xA580] =	vst.add.f32.msk $0xffff, v25  }
0xef: {  	[tilespmem:s4+$0xA590] =	vst.add.f32.msk $0xffff, v26  }
0xf0: {  	[tilespmem:s4+$0xA5A0] =	vst.add.f32.msk $0xffff, v27  }
0xf1: {  	[tilespmem:s4+$0xA5B0] =	vst.add.f32.msk $0xffff, v28  }
0xf2: {  	[tilespmem:s4+$0xA5C0] =	vst.add.f32.msk $0xffff, v29  }
0xf3: {  	s5 =	simm.s32 $0x0;
	s6 =	simm.s32 $0x800;
	[tilespmem:s4+$0xA5D0] =	vst.add.f32.msk $0xffff, v30  }
.LBB2_4:
0xf4: {  	s5 =	sadd.s32 $0x8, s5;
	[tilespmem:s4+$0xA5E0] =	vst.add.f32.msk $0xffff, v0;
	s4 =	sshra.s32 s6, $0x2  }
0xf5: {  	v0 =	vld [tilespmem:s4+$0x25F0];
	p0 =	slt.u32 s5, $0x78  }
0xf6: {  	v1 =	vld [tilespmem:s4+$0x2400]  }
0xf7: {  	v2 =	vld [tilespmem:s4+$0x2410]  }
0xf8: {  	v3 =	vld [tilespmem:s4+$0x2420]  }
0xf9: {  	v4 =	vld [tilespmem:s4+$0x2430]  }
0xfa: {  	[tilespmem:s4+$0xA5F0] =	vst.add.f32.msk $0xffff, v0  }
0xfb: {  	v5 =	vld [tilespmem:s4+$0x2440]  }
0xfc: {  	v6 =	vld [tilespmem:s4+$0x2450]  }
0xfd: {  	v7 =	vld [tilespmem:s4+$0x2460]  }
0xfe: {  	v8 =	vld [tilespmem:s4+$0x2470]  }
0xff: {  	v9 =	vld [tilespmem:s4+$0x2480]  }
0x100: {  	v10 =	vld [tilespmem:s4+$0x2490]  }
0x101: {  	v11 =	vld [tilespmem:s4+$0x24A0]  }
0x102: {  	v12 =	vld [tilespmem:s4+$0x24B0]  }
0x103: {  	v13 =	vld [tilespmem:s4+$0x24C0]  }
0x104: {  	v14 =	vld [tilespmem:s4+$0x24D0]  }
0x105: {  	v15 =	vld [tilespmem:s4+$0x24E0]  }
0x106: {  	v16 =	vld [tilespmem:s4+$0x24F0]  }
0x107: {  	v17 =	vld [tilespmem:s4+$0x2500]  }
0x108: {  	v18 =	vld [tilespmem:s4+$0x2510]  }
0x109: {  	v19 =	vld [tilespmem:s4+$0x2520]  }
0x10a: {  	v20 =	vld [tilespmem:s4+$0x2530]  }
0x10b: {  	v21 =	vld [tilespmem:s4+$0x2540]  }
0x10c: {  	v22 =	vld [tilespmem:s4+$0x2550]  }
0x10d: {  	v23 =	vld [tilespmem:s4+$0x2560]  }
0x10e: {  	v24 =	vld [tilespmem:s4+$0x2570]  }
0x10f: {  	v25 =	vld [tilespmem:s4+$0x2580]  }
0x110: {  	v26 =	vld [tilespmem:s4+$0x2590]  }
0x111: {  	v27 =	vld [tilespmem:s4+$0x25A0]  }
0x112: {  	v28 =	vld [tilespmem:s4+$0x25B0]  }
0x113: {  	v29 =	vld [tilespmem:s4+$0x25C0]  }
0x114: {  	v30 =	vld [tilespmem:s4+$0x25D0]  }
0x115: {  	v0 =	vld [tilespmem:s4+$0x25E0]  }
0x116: {  	[tilespmem:s4+$0xA400] =	vst.add.f32.msk $0xffff, v1  }
0x117: {  	[tilespmem:s4+$0xA410] =	vst.add.f32.msk $0xffff, v2  }
0x118: {  	[tilespmem:s4+$0xA420] =	vst.add.f32.msk $0xffff, v3  }
0x119: {  	[tilespmem:s4+$0xA430] =	vst.add.f32.msk $0xffff, v4  }
0x11a: {  	[tilespmem:s4+$0xA440] =	vst.add.f32.msk $0xffff, v5  }
0x11b: {  	[tilespmem:s4+$0xA450] =	vst.add.f32.msk $0xffff, v6  }
0x11c: {  	[tilespmem:s4+$0xA460] =	vst.add.f32.msk $0xffff, v7  }
0x11d: {  	[tilespmem:s4+$0xA470] =	vst.add.f32.msk $0xffff, v8  }
0x11e: {  	[tilespmem:s4+$0xA480] =	vst.add.f32.msk $0xffff, v9  }
0x11f: {  	[tilespmem:s4+$0xA490] =	vst.add.f32.msk $0xffff, v10  }
0x120: {  	[tilespmem:s4+$0xA4A0] =	vst.add.f32.msk $0xffff, v11  }
0x121: {  	[tilespmem:s4+$0xA4B0] =	vst.add.f32.msk $0xffff, v12  }
0x122: {  	[tilespmem:s4+$0xA4C0] =	vst.add.f32.msk $0xffff, v13  }
0x123: {  	[tilespmem:s4+$0xA4D0] =	vst.add.f32.msk $0xffff, v14  }
0x124: {  	[tilespmem:s4+$0xA4E0] =	vst.add.f32.msk $0xffff, v15  }
0x125: {  	[tilespmem:s4+$0xA4F0] =	vst.add.f32.msk $0xffff, v16  }
0x126: {  	[tilespmem:s4+$0xA500] =	vst.add.f32.msk $0xffff, v17  }
0x127: {  	[tilespmem:s4+$0xA510] =	vst.add.f32.msk $0xffff, v18  }
0x128: {  	[tilespmem:s4+$0xA520] =	vst.add.f32.msk $0xffff, v19  }
0x129: {  	[tilespmem:s4+$0xA530] =	vst.add.f32.msk $0xffff, v20  }
0x12a: {  	[tilespmem:s4+$0xA540] =	vst.add.f32.msk $0xffff, v21  }
0x12b: {  	[tilespmem:s4+$0xA550] =	vst.add.f32.msk $0xffff, v22  }
0x12c: {  	[tilespmem:s4+$0xA560] =	vst.add.f32.msk $0xffff, v23  }
0x12d: {  	[tilespmem:s4+$0xA570] =	vst.add.f32.msk $0xffff, v24  }
0x12e: {  	[tilespmem:s4+$0xA580] =	vst.add.f32.msk $0xffff, v25  }
.Ltmp1:
0x12f: {  	[tilespmem:s4+$0xA590] =	vst.add.f32.msk $0xffff, v26;
	(pc) =	sbr.rel @p0 .LBB2_4-.Ltmp1, $4  }
0x130: {  	[tilespmem:s4+$0xA5A0] =	vst.add.f32.msk $0xffff, v27  }
0x131: {  	[tilespmem:s4+$0xA5B0] =	vst.add.f32.msk $0xffff, v28  }
0x132: {  	[tilespmem:s4+$0xA5C0] =	vst.add.f32.msk $0xffff, v29  }
0x133: {  	s6 =	sadd.s32 $0x800, s6;
	[tilespmem:s4+$0xA5D0] =	vst.add.f32.msk $0xffff, v30  }
0x134: {  	[tilespmem:s4+$0xA5E0] =	vst.add.f32.msk $0xffff, v0;
	s4 =	simm.s32 $0x0  }
0x135: {  	[hbm4b:s10+s4] =	stream.linear.scatter [tilespmem:s28], [sflag:$0x2], $0x2000, $0x38;
	[tilespmem:$0x10400] =	vst v63  }
0x136: {  	_ =	swait.ge [sflag:s26], $0x2000  }
0x137: {  	[sflag:s26] =	ssyncset.done $0x0  }
0x138: {  	s5 =	simm.s32 $0x400;
	s6 =	simm.s32 $0x200;
	[sflag:s26] =	ssyncadd.s32 $0xFFFFE000  }
0x139: {  	[tilespmem:s5], [sflag:$0x1] =	stream.indirect.gather [hbm4b:s3+s23], $0x40, s6, s23, $0xb8;
	[tilespmem:$0x10400] =	vst v63  }
0x13a: {  	_ = 	snop  }
0x13b: {  	[tilespmem:s25], [sflag:$0x3] =	stream.linear.gather [hbm4b:s11+s4], $0x2000, $0x38;
	[tilespmem:$0x10400] =	vst v63  }
0x13c: {  	_ =	swait.ge [sflag:s0], $0x2000  }
0x13d: {  	[sflag:s0] =	ssyncset.done $0x0  }
0x13e: {  	[sflag:s0] =	ssyncadd.s32 $0xFFFFE000  }
0x13f: {  	_ =	swait.ge [sflag:s1], $0x2000  }
0x140: {  	[sflag:s1] =	ssyncset.done $0x0  }
0x141: {  	s4 =	simm.s32 $0x0;
	[sflag:s1] =	ssyncadd.s32 $0xFFFFE000  }
0x142: {  	v0 =	vld [tilespmem:s4+$0x45F0]  }
0x143: {  	v1 =	vld [tilespmem:s4+$0x4400]  }
0x144: {  	v2 =	vld [tilespmem:s4+$0x4410]  }
0x145: {  	v3 =	vld [tilespmem:s4+$0x4420]  }
0x146: {  	v4 =	vld [tilespmem:s4+$0x4430]  }
0x147: {  	v5 =	vld [tilespmem:s4+$0x4440]  }
0x148: {  	v6 =	vld [tilespmem:s4+$0x4450]  }
0x149: {  	v7 =	vld [tilespmem:s4+$0x4460]  }
0x14a: {  	v8 =	vld [tilespmem:s4+$0x4470]  }
0x14b: {  	v9 =	vld [tilespmem:s4+$0x4480]  }
0x14c: {  	v10 =	vld [tilespmem:s4+$0x4490]  }
0x14d: {  	v11 =	vld [tilespmem:s4+$0x44A0]  }
0x14e: {  	v12 =	vld [tilespmem:s4+$0x44B0]  }
0x14f: {  	v13 =	vld [tilespmem:s4+$0x44C0]  }
0x150: {  	v14 =	vld [tilespmem:s4+$0x44D0]  }
0x151: {  	v15 =	vld [tilespmem:s4+$0x44E0]  }
0x152: {  	v16 =	vld [tilespmem:s4+$0x44F0]  }
0x153: {  	v17 =	vld [tilespmem:s4+$0x4500]  }
0x154: {  	v18 =	vld [tilespmem:s4+$0x4510]  }
0x155: {  	v19 =	vld [tilespmem:s4+$0x4520]  }
0x156: {  	v20 =	vld [tilespmem:s4+$0x4530]  }
0x157: {  	v21 =	vld [tilespmem:s4+$0x4540]  }
0x158: {  	v22 =	vld [tilespmem:s4+$0x4550]  }
0x159: {  	v23 =	vld [tilespmem:s4+$0x4560]  }
0x15a: {  	v24 =	vld [tilespmem:s4+$0x4570]  }
0x15b: {  	v25 =	vld [tilespmem:s4+$0x4580]  }
0x15c: {  	v26 =	vld [tilespmem:s4+$0x4590]  }
0x15d: {  	v27 =	vld [tilespmem:s4+$0x45A0]  }
0x15e: {  	v28 =	vld [tilespmem:s4+$0x45B0]  }
0x15f: {  	v29 =	vld [tilespmem:s4+$0x45C0]  }
0x160: {  	v30 =	vld [tilespmem:s4+$0x45D0]  }
0x161: {  	[tilespmem:s4+$0xC5F0] =	vst.add.f32.msk $0xffff, v0  }
0x162: {  	v0 =	vld [tilespmem:s4+$0x45E0]  }
0x163: {  	[tilespmem:s4+$0xC400] =	vst.add.f32.msk $0xffff, v1  }
0x164: {  	[tilespmem:s4+$0xC410] =	vst.add.f32.msk $0xffff, v2  }
0x165: {  	[tilespmem:s4+$0xC420] =	vst.add.f32.msk $0xffff, v3  }
0x166: {  	[tilespmem:s4+$0xC430] =	vst.add.f32.msk $0xffff, v4  }
0x167: {  	[tilespmem:s4+$0xC440] =	vst.add.f32.msk $0xffff, v5  }
0x168: {  	[tilespmem:s4+$0xC450] =	vst.add.f32.msk $0xffff, v6  }
0x169: {  	[tilespmem:s4+$0xC460] =	vst.add.f32.msk $0xffff, v7  }
0x16a: {  	[tilespmem:s4+$0xC470] =	vst.add.f32.msk $0xffff, v8  }
0x16b: {  	[tilespmem:s4+$0xC480] =	vst.add.f32.msk $0xffff, v9  }
0x16c: {  	[tilespmem:s4+$0xC490] =	vst.add.f32.msk $0xffff, v10  }
0x16d: {  	[tilespmem:s4+$0xC4A0] =	vst.add.f32.msk $0xffff, v11  }
0x16e: {  	[tilespmem:s4+$0xC4B0] =	vst.add.f32.msk $0xffff, v12  }
0x16f: {  	[tilespmem:s4+$0xC4C0] =	vst.add.f32.msk $0xffff, v13  }
0x170: {  	[tilespmem:s4+$0xC4D0] =	vst.add.f32.msk $0xffff, v14  }
0x171: {  	[tilespmem:s4+$0xC4E0] =	vst.add.f32.msk $0xffff, v15  }
0x172: {  	[tilespmem:s4+$0xC4F0] =	vst.add.f32.msk $0xffff, v16  }
0x173: {  	[tilespmem:s4+$0xC500] =	vst.add.f32.msk $0xffff, v17  }
0x174: {  	[tilespmem:s4+$0xC510] =	vst.add.f32.msk $0xffff, v18  }
0x175: {  	[tilespmem:s4+$0xC520] =	vst.add.f32.msk $0xffff, v19  }
0x176: {  	[tilespmem:s4+$0xC530] =	vst.add.f32.msk $0xffff, v20  }
0x177: {  	[tilespmem:s4+$0xC540] =	vst.add.f32.msk $0xffff, v21  }
0x178: {  	[tilespmem:s4+$0xC550] =	vst.add.f32.msk $0xffff, v22  }
0x179: {  	[tilespmem:s4+$0xC560] =	vst.add.f32.msk $0xffff, v23  }
0x17a: {  	[tilespmem:s4+$0xC570] =	vst.add.f32.msk $0xffff, v24  }
0x17b: {  	[tilespmem:s4+$0xC580] =	vst.add.f32.msk $0xffff, v25  }
0x17c: {  	[tilespmem:s4+$0xC590] =	vst.add.f32.msk $0xffff, v26  }
0x17d: {  	[tilespmem:s4+$0xC5A0] =	vst.add.f32.msk $0xffff, v27  }
0x17e: {  	[tilespmem:s4+$0xC5B0] =	vst.add.f32.msk $0xffff, v28  }
0x17f: {  	[tilespmem:s4+$0xC5C0] =	vst.add.f32.msk $0xffff, v29  }
0x180: {  	s5 =	simm.s32 $0x0;
	s6 =	simm.s32 $0x800;
	[tilespmem:s4+$0xC5D0] =	vst.add.f32.msk $0xffff, v30  }
.LBB2_6:
0x181: {  	s5 =	sadd.s32 $0x8, s5;
	[tilespmem:s4+$0xC5E0] =	vst.add.f32.msk $0xffff, v0;
	s4 =	sshra.s32 s6, $0x2  }
0x182: {  	v0 =	vld [tilespmem:s4+$0x45F0];
	p0 =	slt.u32 s5, $0x78  }
0x183: {  	v1 =	vld [tilespmem:s4+$0x4400]  }
0x184: {  	v2 =	vld [tilespmem:s4+$0x4410]  }
0x185: {  	v3 =	vld [tilespmem:s4+$0x4420]  }
0x186: {  	v4 =	vld [tilespmem:s4+$0x4430]  }
0x187: {  	[tilespmem:s4+$0xC5F0] =	vst.add.f32.msk $0xffff, v0  }
0x188: {  	v5 =	vld [tilespmem:s4+$0x4440]  }
0x189: {  	v6 =	vld [tilespmem:s4+$0x4450]  }
0x18a: {  	v7 =	vld [tilespmem:s4+$0x4460]  }
0x18b: {  	v8 =	vld [tilespmem:s4+$0x4470]  }
0x18c: {  	v9 =	vld [tilespmem:s4+$0x4480]  }
0x18d: {  	v10 =	vld [tilespmem:s4+$0x4490]  }
0x18e: {  	v11 =	vld [tilespmem:s4+$0x44A0]  }
0x18f: {  	v12 =	vld [tilespmem:s4+$0x44B0]  }
0x190: {  	v13 =	vld [tilespmem:s4+$0x44C0]  }
0x191: {  	v14 =	vld [tilespmem:s4+$0x44D0]  }
0x192: {  	v15 =	vld [tilespmem:s4+$0x44E0]  }
0x193: {  	v16 =	vld [tilespmem:s4+$0x44F0]  }
0x194: {  	v17 =	vld [tilespmem:s4+$0x4500]  }
0x195: {  	v18 =	vld [tilespmem:s4+$0x4510]  }
0x196: {  	v19 =	vld [tilespmem:s4+$0x4520]  }
0x197: {  	v20 =	vld [tilespmem:s4+$0x4530]  }
0x198: {  	v21 =	vld [tilespmem:s4+$0x4540]  }
0x199: {  	v22 =	vld [tilespmem:s4+$0x4550]  }
0x19a: {  	v23 =	vld [tilespmem:s4+$0x4560]  }
0x19b: {  	v24 =	vld [tilespmem:s4+$0x4570]  }
0x19c: {  	v25 =	vld [tilespmem:s4+$0x4580]  }
0x19d: {  	v26 =	vld [tilespmem:s4+$0x4590]  }
0x19e: {  	v27 =	vld [tilespmem:s4+$0x45A0]  }
0x19f: {  	v28 =	vld [tilespmem:s4+$0x45B0]  }
0x1a0: {  	v29 =	vld [tilespmem:s4+$0x45C0]  }
0x1a1: {  	v30 =	vld [tilespmem:s4+$0x45D0]  }
0x1a2: {  	v0 =	vld [tilespmem:s4+$0x45E0]  }
0x1a3: {  	[tilespmem:s4+$0xC400] =	vst.add.f32.msk $0xffff, v1  }
0x1a4: {  	[tilespmem:s4+$0xC410] =	vst.add.f32.msk $0xffff, v2  }
0x1a5: {  	[tilespmem:s4+$0xC420] =	vst.add.f32.msk $0xffff, v3  }
0x1a6: {  	[tilespmem:s4+$0xC430] =	vst.add.f32.msk $0xffff, v4  }
0x1a7: {  	[tilespmem:s4+$0xC440] =	vst.add.f32.msk $0xffff, v5  }
0x1a8: {  	[tilespmem:s4+$0xC450] =	vst.add.f32.msk $0xffff, v6  }
0x1a9: {  	[tilespmem:s4+$0xC460] =	vst.add.f32.msk $0xffff, v7  }
0x1aa: {  	[tilespmem:s4+$0xC470] =	vst.add.f32.msk $0xffff, v8  }
0x1ab: {  	[tilespmem:s4+$0xC480] =	vst.add.f32.msk $0xffff, v9  }
0x1ac: {  	[tilespmem:s4+$0xC490] =	vst.add.f32.msk $0xffff, v10  }
0x1ad: {  	[tilespmem:s4+$0xC4A0] =	vst.add.f32.msk $0xffff, v11  }
0x1ae: {  	[tilespmem:s4+$0xC4B0] =	vst.add.f32.msk $0xffff, v12  }
0x1af: {  	[tilespmem:s4+$0xC4C0] =	vst.add.f32.msk $0xffff, v13  }
0x1b0: {  	[tilespmem:s4+$0xC4D0] =	vst.add.f32.msk $0xffff, v14  }
0x1b1: {  	[tilespmem:s4+$0xC4E0] =	vst.add.f32.msk $0xffff, v15  }
0x1b2: {  	[tilespmem:s4+$0xC4F0] =	vst.add.f32.msk $0xffff, v16  }
0x1b3: {  	[tilespmem:s4+$0xC500] =	vst.add.f32.msk $0xffff, v17  }
0x1b4: {  	[tilespmem:s4+$0xC510] =	vst.add.f32.msk $0xffff, v18  }
0x1b5: {  	[tilespmem:s4+$0xC520] =	vst.add.f32.msk $0xffff, v19  }
0x1b6: {  	[tilespmem:s4+$0xC530] =	vst.add.f32.msk $0xffff, v20  }
0x1b7: {  	[tilespmem:s4+$0xC540] =	vst.add.f32.msk $0xffff, v21  }
0x1b8: {  	[tilespmem:s4+$0xC550] =	vst.add.f32.msk $0xffff, v22  }
0x1b9: {  	[tilespmem:s4+$0xC560] =	vst.add.f32.msk $0xffff, v23  }
0x1ba: {  	[tilespmem:s4+$0xC570] =	vst.add.f32.msk $0xffff, v24  }
0x1bb: {  	[tilespmem:s4+$0xC580] =	vst.add.f32.msk $0xffff, v25  }
.Ltmp2:
0x1bc: {  	[tilespmem:s4+$0xC590] =	vst.add.f32.msk $0xffff, v26;
	(pc) =	sbr.rel @p0 .LBB2_6-.Ltmp2, $4  }
0x1bd: {  	[tilespmem:s4+$0xC5A0] =	vst.add.f32.msk $0xffff, v27  }
0x1be: {  	[tilespmem:s4+$0xC5B0] =	vst.add.f32.msk $0xffff, v28  }
0x1bf: {  	[tilespmem:s4+$0xC5C0] =	vst.add.f32.msk $0xffff, v29  }
0x1c0: {  	s6 =	sadd.s32 $0x800, s6;
	[tilespmem:s4+$0xC5D0] =	vst.add.f32.msk $0xffff, v30  }
0x1c1: {  	[tilespmem:s4+$0xC5E0] =	vst.add.f32.msk $0xffff, v0;
	s4 =	simm.s32 $0x0  }
0x1c2: {  	[hbm4b:s12+s4] =	stream.linear.scatter [tilespmem:s31], [sflag:$0x2], $0x2000, $0x38;
	[tilespmem:$0x10400] =	vst v63  }
0x1c3: {  	_ =	swait.ge [sflag:s26], $0x2000  }
0x1c4: {  	[sflag:s26] =	ssyncset.done $0x0  }
0x1c5: {  	s5 =	simm.s32 $0x2400;
	s6 =	simm.s32 $0x280;
	[sflag:s26] =	ssyncadd.s32 $0xFFFFE000  }
0x1c6: {  	[tilespmem:s5], [sflag:$0x1] =	stream.indirect.gather [hbm4b:s3+s23], $0x40, s6, s23, $0xb8;
	[tilespmem:$0x10400] =	vst v63  }
0x1c7: {  	_ = 	snop  }
0x1c8: {  	[tilespmem:s28], [sflag:$0x3] =	stream.linear.gather [hbm4b:s13+s4], $0x2000, $0x38;
	[tilespmem:$0x10400] =	vst v63  }
0x1c9: {  	_ =	swait.ge [sflag:s0], $0x2000  }
0x1ca: {  	[sflag:s0] =	ssyncset.done $0x0  }
0x1cb: {  	[sflag:s0] =	ssyncadd.s32 $0xFFFFE000  }
0x1cc: {  	_ =	swait.ge [sflag:s1], $0x2000  }
0x1cd: {  	[sflag:s1] =	ssyncset.done $0x0  }
0x1ce: {  	s4 =	simm.s32 $0x0;
	[sflag:s1] =	ssyncadd.s32 $0xFFFFE000  }
0x1cf: {  	v0 =	vld [tilespmem:s4+$0x65F0]  }
0x1d0: {  	v1 =	vld [tilespmem:s4+$0x6400]  }
0x1d1: {  	v2 =	vld [tilespmem:s4+$0x6410]  }
0x1d2: {  	v3 =	vld [tilespmem:s4+$0x6420]  }
0x1d3: {  	v4 =	vld [tilespmem:s4+$0x6430]  }
0x1d4: {  	v5 =	vld [tilespmem:s4+$0x6440]  }
0x1d5: {  	v6 =	vld [tilespmem:s4+$0x6450]  }
0x1d6: {  	v7 =	vld [tilespmem:s4+$0x6460]  }
0x1d7: {  	v8 =	vld [tilespmem:s4+$0x6470]  }
0x1d8: {  	v9 =	vld [tilespmem:s4+$0x6480]  }
0x1d9: {  	v10 =	vld [tilespmem:s4+$0x6490]  }
0x1da: {  	v11 =	vld [tilespmem:s4+$0x64A0]  }
0x1db: {  	v12 =	vld [tilespmem:s4+$0x64B0]  }
0x1dc: {  	v13 =	vld [tilespmem:s4+$0x64C0]  }
0x1dd: {  	v14 =	vld [tilespmem:s4+$0x64D0]  }
0x1de: {  	v15 =	vld [tilespmem:s4+$0x64E0]  }
0x1df: {  	v16 =	vld [tilespmem:s4+$0x64F0]  }
0x1e0: {  	v17 =	vld [tilespmem:s4+$0x6500]  }
0x1e1: {  	v18 =	vld [tilespmem:s4+$0x6510]  }
0x1e2: {  	v19 =	vld [tilespmem:s4+$0x6520]  }
0x1e3: {  	v20 =	vld [tilespmem:s4+$0x6530]  }
0x1e4: {  	v21 =	vld [tilespmem:s4+$0x6540]  }
0x1e5: {  	v22 =	vld [tilespmem:s4+$0x6550]  }
0x1e6: {  	v23 =	vld [tilespmem:s4+$0x6560]  }
0x1e7: {  	v24 =	vld [tilespmem:s4+$0x6570]  }
0x1e8: {  	v25 =	vld [tilespmem:s4+$0x6580]  }
0x1e9: {  	v26 =	vld [tilespmem:s4+$0x6590]  }
0x1ea: {  	v27 =	vld [tilespmem:s4+$0x65A0]  }
0x1eb: {  	v28 =	vld [tilespmem:s4+$0x65B0]  }
0x1ec: {  	v29 =	vld [tilespmem:s4+$0x65C0]  }
0x1ed: {  	v30 =	vld [tilespmem:s4+$0x65D0]  }
0x1ee: {  	[tilespmem:s4+$0xE5F0] =	vst.add.f32.msk $0xffff, v0  }
0x1ef: {  	v0 =	vld [tilespmem:s4+$0x65E0]  }
0x1f0: {  	[tilespmem:s4+$0xE400] =	vst.add.f32.msk $0xffff, v1  }
0x1f1: {  	[tilespmem:s4+$0xE410] =	vst.add.f32.msk $0xffff, v2  }
0x1f2: {  	[tilespmem:s4+$0xE420] =	vst.add.f32.msk $0xffff, v3  }
0x1f3: {  	[tilespmem:s4+$0xE430] =	vst.add.f32.msk $0xffff, v4  }
0x1f4: {  	[tilespmem:s4+$0xE440] =	vst.add.f32.msk $0xffff, v5  }
0x1f5: {  	[tilespmem:s4+$0xE450] =	vst.add.f32.msk $0xffff, v6  }
0x1f6: {  	[tilespmem:s4+$0xE460] =	vst.add.f32.msk $0xffff, v7  }
0x1f7: {  	[tilespmem:s4+$0xE470] =	vst.add.f32.msk $0xffff, v8  }
0x1f8: {  	[tilespmem:s4+$0xE480] =	vst.add.f32.msk $0xffff, v9  }
0x1f9: {  	[tilespmem:s4+$0xE490] =	vst.add.f32.msk $0xffff, v10  }
0x1fa: {  	[tilespmem:s4+$0xE4A0] =	vst.add.f32.msk $0xffff, v11  }
0x1fb: {  	[tilespmem:s4+$0xE4B0] =	vst.add.f32.msk $0xffff, v12  }
0x1fc: {  	[tilespmem:s4+$0xE4C0] =	vst.add.f32.msk $0xffff, v13  }
0x1fd: {  	[tilespmem:s4+$0xE4D0] =	vst.add.f32.msk $0xffff, v14  }
0x1fe: {  	[tilespmem:s4+$0xE4E0] =	vst.add.f32.msk $0xffff, v15  }
0x1ff: {  	[tilespmem:s4+$0xE4F0] =	vst.add.f32.msk $0xffff, v16  }
0x200: {  	[tilespmem:s4+$0xE500] =	vst.add.f32.msk $0xffff, v17  }
0x201: {  	[tilespmem:s4+$0xE510] =	vst.add.f32.msk $0xffff, v18  }
0x202: {  	[tilespmem:s4+$0xE520] =	vst.add.f32.msk $0xffff, v19  }
0x203: {  	[tilespmem:s4+$0xE530] =	vst.add.f32.msk $0xffff, v20  }
0x204: {  	[tilespmem:s4+$0xE540] =	vst.add.f32.msk $0xffff, v21  }
0x205: {  	[tilespmem:s4+$0xE550] =	vst.add.f32.msk $0xffff, v22  }
0x206: {  	[tilespmem:s4+$0xE560] =	vst.add.f32.msk $0xffff, v23  }
0x207: {  	[tilespmem:s4+$0xE570] =	vst.add.f32.msk $0xffff, v24  }
0x208: {  	[tilespmem:s4+$0xE580] =	vst.add.f32.msk $0xffff, v25  }
0x209: {  	[tilespmem:s4+$0xE590] =	vst.add.f32.msk $0xffff, v26  }
0x20a: {  	[tilespmem:s4+$0xE5A0] =	vst.add.f32.msk $0xffff, v27  }
0x20b: {  	[tilespmem:s4+$0xE5B0] =	vst.add.f32.msk $0xffff, v28  }
0x20c: {  	[tilespmem:s4+$0xE5C0] =	vst.add.f32.msk $0xffff, v29  }
0x20d: {  	s5 =	simm.s32 $0x0;
	s6 =	simm.s32 $0x800;
	[tilespmem:s4+$0xE5D0] =	vst.add.f32.msk $0xffff, v30  }
.LBB2_8:
0x20e: {  	s5 =	sadd.s32 $0x8, s5;
	[tilespmem:s4+$0xE5E0] =	vst.add.f32.msk $0xffff, v0;
	s4 =	sshra.s32 s6, $0x2  }
0x20f: {  	v0 =	vld [tilespmem:s4+$0x65F0];
	p0 =	slt.u32 s5, $0x78  }
0x210: {  	v1 =	vld [tilespmem:s4+$0x6400]  }
0x211: {  	v2 =	vld [tilespmem:s4+$0x6410]  }
0x212: {  	v3 =	vld [tilespmem:s4+$0x6420]  }
0x213: {  	v4 =	vld [tilespmem:s4+$0x6430]  }
0x214: {  	[tilespmem:s4+$0xE5F0] =	vst.add.f32.msk $0xffff, v0  }
0x215: {  	v5 =	vld [tilespmem:s4+$0x6440]  }
0x216: {  	v6 =	vld [tilespmem:s4+$0x6450]  }
0x217: {  	v7 =	vld [tilespmem:s4+$0x6460]  }
0x218: {  	v8 =	vld [tilespmem:s4+$0x6470]  }
0x219: {  	v9 =	vld [tilespmem:s4+$0x6480]  }
0x21a: {  	v10 =	vld [tilespmem:s4+$0x6490]  }
0x21b: {  	v11 =	vld [tilespmem:s4+$0x64A0]  }
0x21c: {  	v12 =	vld [tilespmem:s4+$0x64B0]  }
0x21d: {  	v13 =	vld [tilespmem:s4+$0x64C0]  }
0x21e: {  	v14 =	vld [tilespmem:s4+$0x64D0]  }
0x21f: {  	v15 =	vld [tilespmem:s4+$0x64E0]  }
0x220: {  	v16 =	vld [tilespmem:s4+$0x64F0]  }
0x221: {  	v17 =	vld [tilespmem:s4+$0x6500]  }
0x222: {  	v18 =	vld [tilespmem:s4+$0x6510]  }
0x223: {  	v19 =	vld [tilespmem:s4+$0x6520]  }
0x224: {  	v20 =	vld [tilespmem:s4+$0x6530]  }
0x225: {  	v21 =	vld [tilespmem:s4+$0x6540]  }
0x226: {  	v22 =	vld [tilespmem:s4+$0x6550]  }
0x227: {  	v23 =	vld [tilespmem:s4+$0x6560]  }
0x228: {  	v24 =	vld [tilespmem:s4+$0x6570]  }
0x229: {  	v25 =	vld [tilespmem:s4+$0x6580]  }
0x22a: {  	v26 =	vld [tilespmem:s4+$0x6590]  }
0x22b: {  	v27 =	vld [tilespmem:s4+$0x65A0]  }
0x22c: {  	v28 =	vld [tilespmem:s4+$0x65B0]  }
0x22d: {  	v29 =	vld [tilespmem:s4+$0x65C0]  }
0x22e: {  	v30 =	vld [tilespmem:s4+$0x65D0]  }
0x22f: {  	v0 =	vld [tilespmem:s4+$0x65E0]  }
0x230: {  	[tilespmem:s4+$0xE400] =	vst.add.f32.msk $0xffff, v1  }
0x231: {  	[tilespmem:s4+$0xE410] =	vst.add.f32.msk $0xffff, v2  }
0x232: {  	[tilespmem:s4+$0xE420] =	vst.add.f32.msk $0xffff, v3  }
0x233: {  	[tilespmem:s4+$0xE430] =	vst.add.f32.msk $0xffff, v4  }
0x234: {  	[tilespmem:s4+$0xE440] =	vst.add.f32.msk $0xffff, v5  }
0x235: {  	[tilespmem:s4+$0xE450] =	vst.add.f32.msk $0xffff, v6  }
0x236: {  	[tilespmem:s4+$0xE460] =	vst.add.f32.msk $0xffff, v7  }
0x237: {  	[tilespmem:s4+$0xE470] =	vst.add.f32.msk $0xffff, v8  }
0x238: {  	[tilespmem:s4+$0xE480] =	vst.add.f32.msk $0xffff, v9  }
0x239: {  	[tilespmem:s4+$0xE490] =	vst.add.f32.msk $0xffff, v10  }
0x23a: {  	[tilespmem:s4+$0xE4A0] =	vst.add.f32.msk $0xffff, v11  }
0x23b: {  	[tilespmem:s4+$0xE4B0] =	vst.add.f32.msk $0xffff, v12  }
0x23c: {  	[tilespmem:s4+$0xE4C0] =	vst.add.f32.msk $0xffff, v13  }
0x23d: {  	[tilespmem:s4+$0xE4D0] =	vst.add.f32.msk $0xffff, v14  }
0x23e: {  	[tilespmem:s4+$0xE4E0] =	vst.add.f32.msk $0xffff, v15  }
0x23f: {  	[tilespmem:s4+$0xE4F0] =	vst.add.f32.msk $0xffff, v16  }
0x240: {  	[tilespmem:s4+$0xE500] =	vst.add.f32.msk $0xffff, v17  }
0x241: {  	[tilespmem:s4+$0xE510] =	vst.add.f32.msk $0xffff, v18  }
0x242: {  	[tilespmem:s4+$0xE520] =	vst.add.f32.msk $0xffff, v19  }
0x243: {  	[tilespmem:s4+$0xE530] =	vst.add.f32.msk $0xffff, v20  }
0x244: {  	[tilespmem:s4+$0xE540] =	vst.add.f32.msk $0xffff, v21  }
0x245: {  	[tilespmem:s4+$0xE550] =	vst.add.f32.msk $0xffff, v22  }
0x246: {  	[tilespmem:s4+$0xE560] =	vst.add.f32.msk $0xffff, v23  }
0x247: {  	[tilespmem:s4+$0xE570] =	vst.add.f32.msk $0xffff, v24  }
0x248: {  	[tilespmem:s4+$0xE580] =	vst.add.f32.msk $0xffff, v25  }
.Ltmp3:
0x249: {  	[tilespmem:s4+$0xE590] =	vst.add.f32.msk $0xffff, v26;
	(pc) =	sbr.rel @p0 .LBB2_8-.Ltmp3, $4  }
0x24a: {  	[tilespmem:s4+$0xE5A0] =	vst.add.f32.msk $0xffff, v27  }
0x24b: {  	[tilespmem:s4+$0xE5B0] =	vst.add.f32.msk $0xffff, v28  }
0x24c: {  	[tilespmem:s4+$0xE5C0] =	vst.add.f32.msk $0xffff, v29  }
0x24d: {  	s6 =	sadd.s32 $0x800, s6;
	[tilespmem:s4+$0xE5D0] =	vst.add.f32.msk $0xffff, v30  }
0x24e: {  	[tilespmem:s4+$0xE5E0] =	vst.add.f32.msk $0xffff, v0;
	s4 =	simm.s32 $0x0  }
0x24f: {  	[hbm4b:s14+s4] =	stream.linear.scatter [tilespmem:s24], [sflag:$0x2], $0x2000, $0x38;
	[tilespmem:$0x10400] =	vst v63  }
0x250: {  	_ =	swait.ge [sflag:s26], $0x2000  }
0x251: {  	[sflag:s26] =	ssyncset.done $0x0  }
0x252: {  	s5 =	simm.s32 $0x4400;
	s6 =	simm.s32 $0x300;
	[sflag:s26] =	ssyncadd.s32 $0xFFFFE000  }
0x253: {  	[tilespmem:s5], [sflag:$0x1] =	stream.indirect.gather [hbm4b:s3+s23], $0x40, s6, s23, $0xb8;
	[tilespmem:$0x10400] =	vst v63  }
0x254: {  	_ = 	snop  }
0x255: {  	[tilespmem:s31], [sflag:$0x3] =	stream.linear.gather [hbm4b:s15+s4], $0x2000, $0x38;
	[tilespmem:$0x10400] =	vst v63  }
0x256: {  	_ =	swait.ge [sflag:s0], $0x2000  }
0x257: {  	[sflag:s0] =	ssyncset.done $0x0  }
0x258: {  	[sflag:s0] =	ssyncadd.s32 $0xFFFFE000  }
0x259: {  	_ =	swait.ge [sflag:s1], $0x2000  }
0x25a: {  	[sflag:s1] =	ssyncset.done $0x0  }
0x25b: {  	s4 =	simm.s32 $0x0;
	[sflag:s1] =	ssyncadd.s32 $0xFFFFE000  }
0x25c: {  	v0 =	vld [tilespmem:s4+$0x5F0]  }
0x25d: {  	v1 =	vld [tilespmem:s4+$0x400]  }
0x25e: {  	v2 =	vld [tilespmem:s4+$0x410]  }
0x25f: {  	v3 =	vld [tilespmem:s4+$0x420]  }
0x260: {  	v4 =	vld [tilespmem:s4+$0x430]  }
0x261: {  	v5 =	vld [tilespmem:s4+$0x440]  }
0x262: {  	v6 =	vld [tilespmem:s4+$0x450]  }
0x263: {  	v7 =	vld [tilespmem:s4+$0x460]  }
0x264: {  	v8 =	vld [tilespmem:s4+$0x470]  }
0x265: {  	v9 =	vld [tilespmem:s4+$0x480]  }
0x266: {  	v10 =	vld [tilespmem:s4+$0x490]  }
0x267: {  	v11 =	vld [tilespmem:s4+$0x4A0]  }
0x268: {  	v12 =	vld [tilespmem:s4+$0x4B0]  }
0x269: {  	v13 =	vld [tilespmem:s4+$0x4C0]  }
0x26a: {  	v14 =	vld [tilespmem:s4+$0x4D0]  }
0x26b: {  	v15 =	vld [tilespmem:s4+$0x4E0]  }
0x26c: {  	v16 =	vld [tilespmem:s4+$0x4F0]  }
0x26d: {  	v17 =	vld [tilespmem:s4+$0x500]  }
0x26e: {  	v18 =	vld [tilespmem:s4+$0x510]  }
0x26f: {  	v19 =	vld [tilespmem:s4+$0x520]  }
0x270: {  	v20 =	vld [tilespmem:s4+$0x530]  }
0x271: {  	v21 =	vld [tilespmem:s4+$0x540]  }
0x272: {  	v22 =	vld [tilespmem:s4+$0x550]  }
0x273: {  	v23 =	vld [tilespmem:s4+$0x560]  }
0x274: {  	v24 =	vld [tilespmem:s4+$0x570]  }
0x275: {  	v25 =	vld [tilespmem:s4+$0x580]  }
0x276: {  	v26 =	vld [tilespmem:s4+$0x590]  }
0x277: {  	v27 =	vld [tilespmem:s4+$0x5A0]  }
0x278: {  	v28 =	vld [tilespmem:s4+$0x5B0]  }
0x279: {  	v29 =	vld [tilespmem:s4+$0x5C0]  }
0x27a: {  	v30 =	vld [tilespmem:s4+$0x5D0]  }
0x27b: {  	[tilespmem:s4+$0x85F0] =	vst.add.f32.msk $0xffff, v0  }
0x27c: {  	v0 =	vld [tilespmem:s4+$0x5E0]  }
0x27d: {  	[tilespmem:s4+$0x8400] =	vst.add.f32.msk $0xffff, v1  }
0x27e: {  	[tilespmem:s4+$0x8410] =	vst.add.f32.msk $0xffff, v2  }
0x27f: {  	[tilespmem:s4+$0x8420] =	vst.add.f32.msk $0xffff, v3  }
0x280: {  	[tilespmem:s4+$0x8430] =	vst.add.f32.msk $0xffff, v4  }
0x281: {  	[tilespmem:s4+$0x8440] =	vst.add.f32.msk $0xffff, v5  }
0x282: {  	[tilespmem:s4+$0x8450] =	vst.add.f32.msk $0xffff, v6  }
0x283: {  	[tilespmem:s4+$0x8460] =	vst.add.f32.msk $0xffff, v7  }
0x284: {  	[tilespmem:s4+$0x8470] =	vst.add.f32.msk $0xffff, v8  }
0x285: {  	[tilespmem:s4+$0x8480] =	vst.add.f32.msk $0xffff, v9  }
0x286: {  	[tilespmem:s4+$0x8490] =	vst.add.f32.msk $0xffff, v10  }
0x287: {  	[tilespmem:s4+$0x84A0] =	vst.add.f32.msk $0xffff, v11  }
0x288: {  	[tilespmem:s4+$0x84B0] =	vst.add.f32.msk $0xffff, v12  }
0x289: {  	[tilespmem:s4+$0x84C0] =	vst.add.f32.msk $0xffff, v13  }
0x28a: {  	[tilespmem:s4+$0x84D0] =	vst.add.f32.msk $0xffff, v14  }
0x28b: {  	[tilespmem:s4+$0x84E0] =	vst.add.f32.msk $0xffff, v15  }
0x28c: {  	[tilespmem:s4+$0x84F0] =	vst.add.f32.msk $0xffff, v16  }
0x28d: {  	[tilespmem:s4+$0x8500] =	vst.add.f32.msk $0xffff, v17  }
0x28e: {  	[tilespmem:s4+$0x8510] =	vst.add.f32.msk $0xffff, v18  }
0x28f: {  	[tilespmem:s4+$0x8520] =	vst.add.f32.msk $0xffff, v19  }
0x290: {  	[tilespmem:s4+$0x8530] =	vst.add.f32.msk $0xffff, v20  }
0x291: {  	[tilespmem:s4+$0x8540] =	vst.add.f32.msk $0xffff, v21  }
0x292: {  	[tilespmem:s4+$0x8550] =	vst.add.f32.msk $0xffff, v22  }
0x293: {  	[tilespmem:s4+$0x8560] =	vst.add.f32.msk $0xffff, v23  }
0x294: {  	[tilespmem:s4+$0x8570] =	vst.add.f32.msk $0xffff, v24  }
0x295: {  	[tilespmem:s4+$0x8580] =	vst.add.f32.msk $0xffff, v25  }
0x296: {  	[tilespmem:s4+$0x8590] =	vst.add.f32.msk $0xffff, v26  }
0x297: {  	[tilespmem:s4+$0x85A0] =	vst.add.f32.msk $0xffff, v27  }
0x298: {  	[tilespmem:s4+$0x85B0] =	vst.add.f32.msk $0xffff, v28  }
0x299: {  	[tilespmem:s4+$0x85C0] =	vst.add.f32.msk $0xffff, v29  }
0x29a: {  	s5 =	simm.s32 $0x0;
	s6 =	simm.s32 $0x800;
	[tilespmem:s4+$0x85D0] =	vst.add.f32.msk $0xffff, v30  }
.LBB2_10:
0x29b: {  	s5 =	sadd.s32 $0x8, s5;
	[tilespmem:s4+$0x85E0] =	vst.add.f32.msk $0xffff, v0;
	s4 =	sshra.s32 s6, $0x2  }
0x29c: {  	v0 =	vld [tilespmem:s4+$0x5F0];
	p0 =	slt.u32 s5, $0x78  }
0x29d: {  	v1 =	vld [tilespmem:s4+$0x400]  }
0x29e: {  	v2 =	vld [tilespmem:s4+$0x410]  }
0x29f: {  	v3 =	vld [tilespmem:s4+$0x420]  }
0x2a0: {  	v4 =	vld [tilespmem:s4+$0x430]  }
0x2a1: {  	[tilespmem:s4+$0x85F0] =	vst.add.f32.msk $0xffff, v0  }
0x2a2: {  	v5 =	vld [tilespmem:s4+$0x440]  }
0x2a3: {  	v6 =	vld [tilespmem:s4+$0x450]  }
0x2a4: {  	v7 =	vld [tilespmem:s4+$0x460]  }
0x2a5: {  	v8 =	vld [tilespmem:s4+$0x470]  }
0x2a6: {  	v9 =	vld [tilespmem:s4+$0x480]  }
0x2a7: {  	v10 =	vld [tilespmem:s4+$0x490]  }
0x2a8: {  	v11 =	vld [tilespmem:s4+$0x4A0]  }
0x2a9: {  	v12 =	vld [tilespmem:s4+$0x4B0]  }
0x2aa: {  	v13 =	vld [tilespmem:s4+$0x4C0]  }
0x2ab: {  	v14 =	vld [tilespmem:s4+$0x4D0]  }
0x2ac: {  	v15 =	vld [tilespmem:s4+$0x4E0]  }
0x2ad: {  	v16 =	vld [tilespmem:s4+$0x4F0]  }
0x2ae: {  	v17 =	vld [tilespmem:s4+$0x500]  }
0x2af: {  	v18 =	vld [tilespmem:s4+$0x510]  }
0x2b0: {  	v19 =	vld [tilespmem:s4+$0x520]  }
0x2b1: {  	v20 =	vld [tilespmem:s4+$0x530]  }
0x2b2: {  	v21 =	vld [tilespmem:s4+$0x540]  }
0x2b3: {  	v22 =	vld [tilespmem:s4+$0x550]  }
0x2b4: {  	v23 =	vld [tilespmem:s4+$0x560]  }
0x2b5: {  	v24 =	vld [tilespmem:s4+$0x570]  }
0x2b6: {  	v25 =	vld [tilespmem:s4+$0x580]  }
0x2b7: {  	v26 =	vld [tilespmem:s4+$0x590]  }
0x2b8: {  	v27 =	vld [tilespmem:s4+$0x5A0]  }
0x2b9: {  	v28 =	vld [tilespmem:s4+$0x5B0]  }
0x2ba: {  	v29 =	vld [tilespmem:s4+$0x5C0]  }
0x2bb: {  	v30 =	vld [tilespmem:s4+$0x5D0]  }
0x2bc: {  	v0 =	vld [tilespmem:s4+$0x5E0]  }
0x2bd: {  	[tilespmem:s4+$0x8400] =	vst.add.f32.msk $0xffff, v1  }
0x2be: {  	[tilespmem:s4+$0x8410] =	vst.add.f32.msk $0xffff, v2  }
0x2bf: {  	[tilespmem:s4+$0x8420] =	vst.add.f32.msk $0xffff, v3  }
0x2c0: {  	[tilespmem:s4+$0x8430] =	vst.add.f32.msk $0xffff, v4  }
0x2c1: {  	[tilespmem:s4+$0x8440] =	vst.add.f32.msk $0xffff, v5  }
0x2c2: {  	[tilespmem:s4+$0x8450] =	vst.add.f32.msk $0xffff, v6  }
0x2c3: {  	[tilespmem:s4+$0x8460] =	vst.add.f32.msk $0xffff, v7  }
0x2c4: {  	[tilespmem:s4+$0x8470] =	vst.add.f32.msk $0xffff, v8  }
0x2c5: {  	[tilespmem:s4+$0x8480] =	vst.add.f32.msk $0xffff, v9  }
0x2c6: {  	[tilespmem:s4+$0x8490] =	vst.add.f32.msk $0xffff, v10  }
0x2c7: {  	[tilespmem:s4+$0x84A0] =	vst.add.f32.msk $0xffff, v11  }
0x2c8: {  	[tilespmem:s4+$0x84B0] =	vst.add.f32.msk $0xffff, v12  }
0x2c9: {  	[tilespmem:s4+$0x84C0] =	vst.add.f32.msk $0xffff, v13  }
0x2ca: {  	[tilespmem:s4+$0x84D0] =	vst.add.f32.msk $0xffff, v14  }
0x2cb: {  	[tilespmem:s4+$0x84E0] =	vst.add.f32.msk $0xffff, v15  }
0x2cc: {  	[tilespmem:s4+$0x84F0] =	vst.add.f32.msk $0xffff, v16  }
0x2cd: {  	[tilespmem:s4+$0x8500] =	vst.add.f32.msk $0xffff, v17  }
0x2ce: {  	[tilespmem:s4+$0x8510] =	vst.add.f32.msk $0xffff, v18  }
0x2cf: {  	[tilespmem:s4+$0x8520] =	vst.add.f32.msk $0xffff, v19  }
0x2d0: {  	[tilespmem:s4+$0x8530] =	vst.add.f32.msk $0xffff, v20  }
0x2d1: {  	[tilespmem:s4+$0x8540] =	vst.add.f32.msk $0xffff, v21  }
0x2d2: {  	[tilespmem:s4+$0x8550] =	vst.add.f32.msk $0xffff, v22  }
0x2d3: {  	[tilespmem:s4+$0x8560] =	vst.add.f32.msk $0xffff, v23  }
0x2d4: {  	[tilespmem:s4+$0x8570] =	vst.add.f32.msk $0xffff, v24  }
0x2d5: {  	[tilespmem:s4+$0x8580] =	vst.add.f32.msk $0xffff, v25  }
.Ltmp4:
0x2d6: {  	[tilespmem:s4+$0x8590] =	vst.add.f32.msk $0xffff, v26;
	(pc) =	sbr.rel @p0 .LBB2_10-.Ltmp4, $4  }
0x2d7: {  	[tilespmem:s4+$0x85A0] =	vst.add.f32.msk $0xffff, v27  }
0x2d8: {  	[tilespmem:s4+$0x85B0] =	vst.add.f32.msk $0xffff, v28  }
0x2d9: {  	[tilespmem:s4+$0x85C0] =	vst.add.f32.msk $0xffff, v29  }
0x2da: {  	s6 =	sadd.s32 $0x800, s6;
	[tilespmem:s4+$0x85D0] =	vst.add.f32.msk $0xffff, v30  }
0x2db: {  	[tilespmem:s4+$0x85E0] =	vst.add.f32.msk $0xffff, v0;
	s6 =	simm.s32 $0x0  }
0x2dc: {  	[hbm4b:s16+s6] =	stream.linear.scatter [tilespmem:s25], [sflag:$0x2], $0x2000, $0x38;
	[tilespmem:$0x10400] =	vst v63  }
0x2dd: {  	_ =	swait.ge [sflag:s26], $0x2000  }
0x2de: {  	[sflag:s26] =	ssyncset.done $0x0  }
0x2df: {  	s5 =	simm.s32 $0x380;
	[sflag:s26] =	ssyncadd.s32 $0xFFFFE000  }
0x2e0: {  	[tilespmem:s29], [sflag:$0x1] =	stream.indirect.gather [hbm4b:s3+s23], $0x40, s5, s23, $0xb8;
	[tilespmem:$0x10400] =	vst v63  }
0x2e1: {  	_ = 	snop  }
0x2e2: {  	[tilespmem:s24], [sflag:$0x3] =	stream.linear.gather [hbm4b:s17+s6], $0x2000, $0x38;
	[tilespmem:$0x10400] =	vst v63  }
0x2e3: {  	_ =	swait.ge [sflag:s0], $0x2000  }
0x2e4: {  	[sflag:s0] =	ssyncset.done $0x0  }
0x2e5: {  	[sflag:s0] =	ssyncadd.s32 $0xFFFFE000  }
0x2e6: {  	_ =	swait.ge [sflag:s1], $0x2000  }
0x2e7: {  	[sflag:s1] =	ssyncset.done $0x0  }
0x2e8: {  	s4 =	simm.s32 $0x0;
	[sflag:s1] =	ssyncadd.s32 $0xFFFFE000  }
0x2e9: {  	v0 =	vld [tilespmem:s4+$0x25F0]  }
0x2ea: {  	v1 =	vld [tilespmem:s4+$0x2400]  }
0x2eb: {  	v2 =	vld [tilespmem:s4+$0x2410]  }
0x2ec: {  	v3 =	vld [tilespmem:s4+$0x2420]  }
0x2ed: {  	v4 =	vld [tilespmem:s4+$0x2430]  }
0x2ee: {  	v5 =	vld [tilespmem:s4+$0x2440]  }
0x2ef: {  	v6 =	vld [tilespmem:s4+$0x2450]  }
0x2f0: {  	v7 =	vld [tilespmem:s4+$0x2460]  }
0x2f1: {  	v8 =	vld [tilespmem:s4+$0x2470]  }
0x2f2: {  	v9 =	vld [tilespmem:s4+$0x2480]  }
0x2f3: {  	v10 =	vld [tilespmem:s4+$0x2490]  }
0x2f4: {  	v11 =	vld [tilespmem:s4+$0x24A0]  }
0x2f5: {  	v12 =	vld [tilespmem:s4+$0x24B0]  }
0x2f6: {  	v13 =	vld [tilespmem:s4+$0x24C0]  }
0x2f7: {  	v14 =	vld [tilespmem:s4+$0x24D0]  }
0x2f8: {  	v15 =	vld [tilespmem:s4+$0x24E0]  }
0x2f9: {  	v16 =	vld [tilespmem:s4+$0x24F0]  }
0x2fa: {  	v17 =	vld [tilespmem:s4+$0x2500]  }
0x2fb: {  	v18 =	vld [tilespmem:s4+$0x2510]  }
0x2fc: {  	v19 =	vld [tilespmem:s4+$0x2520]  }
0x2fd: {  	v20 =	vld [tilespmem:s4+$0x2530]  }
0x2fe: {  	v21 =	vld [tilespmem:s4+$0x2540]  }
0x2ff: {  	v22 =	vld [tilespmem:s4+$0x2550]  }
0x300: {  	v23 =	vld [tilespmem:s4+$0x2560]  }
0x301: {  	v24 =	vld [tilespmem:s4+$0x2570]  }
0x302: {  	v25 =	vld [tilespmem:s4+$0x2580]  }
0x303: {  	v26 =	vld [tilespmem:s4+$0x2590]  }
0x304: {  	v27 =	vld [tilespmem:s4+$0x25A0]  }
0x305: {  	v28 =	vld [tilespmem:s4+$0x25B0]  }
0x306: {  	v29 =	vld [tilespmem:s4+$0x25C0]  }
0x307: {  	v30 =	vld [tilespmem:s4+$0x25D0]  }
0x308: {  	[tilespmem:s4+$0xA5F0] =	vst.add.f32.msk $0xffff, v0  }
0x309: {  	v0 =	vld [tilespmem:s4+$0x25E0]  }
0x30a: {  	[tilespmem:s4+$0xA400] =	vst.add.f32.msk $0xffff, v1  }
0x30b: {  	[tilespmem:s4+$0xA410] =	vst.add.f32.msk $0xffff, v2  }
0x30c: {  	[tilespmem:s4+$0xA420] =	vst.add.f32.msk $0xffff, v3  }
0x30d: {  	[tilespmem:s4+$0xA430] =	vst.add.f32.msk $0xffff, v4  }
0x30e: {  	[tilespmem:s4+$0xA440] =	vst.add.f32.msk $0xffff, v5  }
0x30f: {  	[tilespmem:s4+$0xA450] =	vst.add.f32.msk $0xffff, v6  }
0x310: {  	[tilespmem:s4+$0xA460] =	vst.add.f32.msk $0xffff, v7  }
0x311: {  	[tilespmem:s4+$0xA470] =	vst.add.f32.msk $0xffff, v8  }
0x312: {  	[tilespmem:s4+$0xA480] =	vst.add.f32.msk $0xffff, v9  }
0x313: {  	[tilespmem:s4+$0xA490] =	vst.add.f32.msk $0xffff, v10  }
0x314: {  	[tilespmem:s4+$0xA4A0] =	vst.add.f32.msk $0xffff, v11  }
0x315: {  	[tilespmem:s4+$0xA4B0] =	vst.add.f32.msk $0xffff, v12  }
0x316: {  	[tilespmem:s4+$0xA4C0] =	vst.add.f32.msk $0xffff, v13  }
0x317: {  	[tilespmem:s4+$0xA4D0] =	vst.add.f32.msk $0xffff, v14  }
0x318: {  	[tilespmem:s4+$0xA4E0] =	vst.add.f32.msk $0xffff, v15  }
0x319: {  	[tilespmem:s4+$0xA4F0] =	vst.add.f32.msk $0xffff, v16  }
0x31a: {  	[tilespmem:s4+$0xA500] =	vst.add.f32.msk $0xffff, v17  }
0x31b: {  	[tilespmem:s4+$0xA510] =	vst.add.f32.msk $0xffff, v18  }
0x31c: {  	[tilespmem:s4+$0xA520] =	vst.add.f32.msk $0xffff, v19  }
0x31d: {  	[tilespmem:s4+$0xA530] =	vst.add.f32.msk $0xffff, v20  }
0x31e: {  	[tilespmem:s4+$0xA540] =	vst.add.f32.msk $0xffff, v21  }
0x31f: {  	[tilespmem:s4+$0xA550] =	vst.add.f32.msk $0xffff, v22  }
0x320: {  	[tilespmem:s4+$0xA560] =	vst.add.f32.msk $0xffff, v23  }
0x321: {  	[tilespmem:s4+$0xA570] =	vst.add.f32.msk $0xffff, v24  }
0x322: {  	[tilespmem:s4+$0xA580] =	vst.add.f32.msk $0xffff, v25  }
0x323: {  	[tilespmem:s4+$0xA590] =	vst.add.f32.msk $0xffff, v26  }
0x324: {  	[tilespmem:s4+$0xA5A0] =	vst.add.f32.msk $0xffff, v27  }
0x325: {  	[tilespmem:s4+$0xA5B0] =	vst.add.f32.msk $0xffff, v28  }
0x326: {  	[tilespmem:s4+$0xA5C0] =	vst.add.f32.msk $0xffff, v29  }
0x327: {  	s5 =	simm.s32 $0x0;
	s6 =	simm.s32 $0x800;
	[tilespmem:s4+$0xA5D0] =	vst.add.f32.msk $0xffff, v30  }
.LBB2_12:
0x328: {  	s5 =	sadd.s32 $0x8, s5;
	[tilespmem:s4+$0xA5E0] =	vst.add.f32.msk $0xffff, v0;
	s4 =	sshra.s32 s6, $0x2  }
0x329: {  	v0 =	vld [tilespmem:s4+$0x25F0];
	p0 =	slt.u32 s5, $0x78  }
0x32a: {  	v1 =	vld [tilespmem:s4+$0x2400]  }
0x32b: {  	v2 =	vld [tilespmem:s4+$0x2410]  }
0x32c: {  	v3 =	vld [tilespmem:s4+$0x2420]  }
0x32d: {  	v4 =	vld [tilespmem:s4+$0x2430]  }
0x32e: {  	[tilespmem:s4+$0xA5F0] =	vst.add.f32.msk $0xffff, v0  }
0x32f: {  	v5 =	vld [tilespmem:s4+$0x2440]  }
0x330: {  	v6 =	vld [tilespmem:s4+$0x2450]  }
0x331: {  	v7 =	vld [tilespmem:s4+$0x2460]  }
0x332: {  	v8 =	vld [tilespmem:s4+$0x2470]  }
0x333: {  	v9 =	vld [tilespmem:s4+$0x2480]  }
0x334: {  	v10 =	vld [tilespmem:s4+$0x2490]  }
0x335: {  	v11 =	vld [tilespmem:s4+$0x24A0]  }
0x336: {  	v12 =	vld [tilespmem:s4+$0x24B0]  }
0x337: {  	v13 =	vld [tilespmem:s4+$0x24C0]  }
0x338: {  	v14 =	vld [tilespmem:s4+$0x24D0]  }
0x339: {  	v15 =	vld [tilespmem:s4+$0x24E0]  }
0x33a: {  	v16 =	vld [tilespmem:s4+$0x24F0]  }
0x33b: {  	v17 =	vld [tilespmem:s4+$0x2500]  }
0x33c: {  	v18 =	vld [tilespmem:s4+$0x2510]  }
0x33d: {  	v19 =	vld [tilespmem:s4+$0x2520]  }
0x33e: {  	v20 =	vld [tilespmem:s4+$0x2530]  }
0x33f: {  	v21 =	vld [tilespmem:s4+$0x2540]  }
0x340: {  	v22 =	vld [tilespmem:s4+$0x2550]  }
0x341: {  	v23 =	vld [tilespmem:s4+$0x2560]  }
0x342: {  	v24 =	vld [tilespmem:s4+$0x2570]  }
0x343: {  	v25 =	vld [tilespmem:s4+$0x2580]  }
0x344: {  	v26 =	vld [tilespmem:s4+$0x2590]  }
0x345: {  	v27 =	vld [tilespmem:s4+$0x25A0]  }
0x346: {  	v28 =	vld [tilespmem:s4+$0x25B0]  }
0x347: {  	v29 =	vld [tilespmem:s4+$0x25C0]  }
0x348: {  	v30 =	vld [tilespmem:s4+$0x25D0]  }
0x349: {  	v0 =	vld [tilespmem:s4+$0x25E0]  }
0x34a: {  	[tilespmem:s4+$0xA400] =	vst.add.f32.msk $0xffff, v1  }
0x34b: {  	[tilespmem:s4+$0xA410] =	vst.add.f32.msk $0xffff, v2  }
0x34c: {  	[tilespmem:s4+$0xA420] =	vst.add.f32.msk $0xffff, v3  }
0x34d: {  	[tilespmem:s4+$0xA430] =	vst.add.f32.msk $0xffff, v4  }
0x34e: {  	[tilespmem:s4+$0xA440] =	vst.add.f32.msk $0xffff, v5  }
0x34f: {  	[tilespmem:s4+$0xA450] =	vst.add.f32.msk $0xffff, v6  }
0x350: {  	[tilespmem:s4+$0xA460] =	vst.add.f32.msk $0xffff, v7  }
0x351: {  	[tilespmem:s4+$0xA470] =	vst.add.f32.msk $0xffff, v8  }
0x352: {  	[tilespmem:s4+$0xA480] =	vst.add.f32.msk $0xffff, v9  }
0x353: {  	[tilespmem:s4+$0xA490] =	vst.add.f32.msk $0xffff, v10  }
0x354: {  	[tilespmem:s4+$0xA4A0] =	vst.add.f32.msk $0xffff, v11  }
0x355: {  	[tilespmem:s4+$0xA4B0] =	vst.add.f32.msk $0xffff, v12  }
0x356: {  	[tilespmem:s4+$0xA4C0] =	vst.add.f32.msk $0xffff, v13  }
0x357: {  	[tilespmem:s4+$0xA4D0] =	vst.add.f32.msk $0xffff, v14  }
0x358: {  	[tilespmem:s4+$0xA4E0] =	vst.add.f32.msk $0xffff, v15  }
0x359: {  	[tilespmem:s4+$0xA4F0] =	vst.add.f32.msk $0xffff, v16  }
0x35a: {  	[tilespmem:s4+$0xA500] =	vst.add.f32.msk $0xffff, v17  }
0x35b: {  	[tilespmem:s4+$0xA510] =	vst.add.f32.msk $0xffff, v18  }
0x35c: {  	[tilespmem:s4+$0xA520] =	vst.add.f32.msk $0xffff, v19  }
0x35d: {  	[tilespmem:s4+$0xA530] =	vst.add.f32.msk $0xffff, v20  }
0x35e: {  	[tilespmem:s4+$0xA540] =	vst.add.f32.msk $0xffff, v21  }
0x35f: {  	[tilespmem:s4+$0xA550] =	vst.add.f32.msk $0xffff, v22  }
0x360: {  	[tilespmem:s4+$0xA560] =	vst.add.f32.msk $0xffff, v23  }
0x361: {  	[tilespmem:s4+$0xA570] =	vst.add.f32.msk $0xffff, v24  }
0x362: {  	[tilespmem:s4+$0xA580] =	vst.add.f32.msk $0xffff, v25  }
.Ltmp5:
0x363: {  	[tilespmem:s4+$0xA590] =	vst.add.f32.msk $0xffff, v26;
	(pc) =	sbr.rel @p0 .LBB2_12-.Ltmp5, $4  }
0x364: {  	[tilespmem:s4+$0xA5A0] =	vst.add.f32.msk $0xffff, v27  }
0x365: {  	[tilespmem:s4+$0xA5B0] =	vst.add.f32.msk $0xffff, v28  }
0x366: {  	[tilespmem:s4+$0xA5C0] =	vst.add.f32.msk $0xffff, v29  }
0x367: {  	s6 =	sadd.s32 $0x800, s6;
	[tilespmem:s4+$0xA5D0] =	vst.add.f32.msk $0xffff, v30  }
0x368: {  	[tilespmem:s4+$0xA5E0] =	vst.add.f32.msk $0xffff, v0;
	s6 =	simm.s32 $0x0  }
0x369: {  	[hbm4b:s18+s6] =	stream.linear.scatter [tilespmem:s28], [sflag:$0x2], $0x2000, $0x38;
	[tilespmem:$0x10400] =	vst v63  }
0x36a: {  	_ =	swait.ge [sflag:s0], $0x2000  }
0x36b: {  	[sflag:s0] =	ssyncset.done $0x0  }
0x36c: {  	[sflag:s0] =	ssyncadd.s32 $0xFFFFE000  }
0x36d: {  	_ =	swait.ge [sflag:s1], $0x2000  }
0x36e: {  	[sflag:s1] =	ssyncset.done $0x0  }
0x36f: {  	s4 =	simm.s32 $0x0;
	[sflag:s1] =	ssyncadd.s32 $0xFFFFE000  }
0x370: {  	v0 =	vld [tilespmem:s4+$0x45F0]  }
0x371: {  	v1 =	vld [tilespmem:s4+$0x4400]  }
0x372: {  	v2 =	vld [tilespmem:s4+$0x4410]  }
0x373: {  	v3 =	vld [tilespmem:s4+$0x4420]  }
0x374: {  	v4 =	vld [tilespmem:s4+$0x4430]  }
0x375: {  	v5 =	vld [tilespmem:s4+$0x4440]  }
0x376: {  	v6 =	vld [tilespmem:s4+$0x4450]  }
0x377: {  	v7 =	vld [tilespmem:s4+$0x4460]  }
0x378: {  	v8 =	vld [tilespmem:s4+$0x4470]  }
0x379: {  	v9 =	vld [tilespmem:s4+$0x4480]  }
0x37a: {  	v10 =	vld [tilespmem:s4+$0x4490]  }
0x37b: {  	v11 =	vld [tilespmem:s4+$0x44A0]  }
0x37c: {  	v12 =	vld [tilespmem:s4+$0x44B0]  }
0x37d: {  	v13 =	vld [tilespmem:s4+$0x44C0]  }
0x37e: {  	v14 =	vld [tilespmem:s4+$0x44D0]  }
0x37f: {  	v15 =	vld [tilespmem:s4+$0x44E0]  }
0x380: {  	v16 =	vld [tilespmem:s4+$0x44F0]  }
0x381: {  	v17 =	vld [tilespmem:s4+$0x4500]  }
0x382: {  	v18 =	vld [tilespmem:s4+$0x4510]  }
0x383: {  	v19 =	vld [tilespmem:s4+$0x4520]  }
0x384: {  	v20 =	vld [tilespmem:s4+$0x4530]  }
0x385: {  	v21 =	vld [tilespmem:s4+$0x4540]  }
0x386: {  	v22 =	vld [tilespmem:s4+$0x4550]  }
0x387: {  	v23 =	vld [tilespmem:s4+$0x4560]  }
0x388: {  	v24 =	vld [tilespmem:s4+$0x4570]  }
0x389: {  	v25 =	vld [tilespmem:s4+$0x4580]  }
0x38a: {  	v26 =	vld [tilespmem:s4+$0x4590]  }
0x38b: {  	v27 =	vld [tilespmem:s4+$0x45A0]  }
0x38c: {  	v28 =	vld [tilespmem:s4+$0x45B0]  }
0x38d: {  	v29 =	vld [tilespmem:s4+$0x45C0]  }
0x38e: {  	v30 =	vld [tilespmem:s4+$0x45D0]  }
0x38f: {  	[tilespmem:s4+$0xC5F0] =	vst.add.f32.msk $0xffff, v0  }
0x390: {  	v0 =	vld [tilespmem:s4+$0x45E0]  }
0x391: {  	[tilespmem:s4+$0xC400] =	vst.add.f32.msk $0xffff, v1  }
0x392: {  	[tilespmem:s4+$0xC410] =	vst.add.f32.msk $0xffff, v2  }
0x393: {  	[tilespmem:s4+$0xC420] =	vst.add.f32.msk $0xffff, v3  }
0x394: {  	[tilespmem:s4+$0xC430] =	vst.add.f32.msk $0xffff, v4  }
0x395: {  	[tilespmem:s4+$0xC440] =	vst.add.f32.msk $0xffff, v5  }
0x396: {  	[tilespmem:s4+$0xC450] =	vst.add.f32.msk $0xffff, v6  }
0x397: {  	[tilespmem:s4+$0xC460] =	vst.add.f32.msk $0xffff, v7  }
0x398: {  	[tilespmem:s4+$0xC470] =	vst.add.f32.msk $0xffff, v8  }
0x399: {  	[tilespmem:s4+$0xC480] =	vst.add.f32.msk $0xffff, v9  }
0x39a: {  	[tilespmem:s4+$0xC490] =	vst.add.f32.msk $0xffff, v10  }
0x39b: {  	[tilespmem:s4+$0xC4A0] =	vst.add.f32.msk $0xffff, v11  }
0x39c: {  	[tilespmem:s4+$0xC4B0] =	vst.add.f32.msk $0xffff, v12  }
0x39d: {  	[tilespmem:s4+$0xC4C0] =	vst.add.f32.msk $0xffff, v13  }
0x39e: {  	[tilespmem:s4+$0xC4D0] =	vst.add.f32.msk $0xffff, v14  }
0x39f: {  	[tilespmem:s4+$0xC4E0] =	vst.add.f32.msk $0xffff, v15  }
0x3a0: {  	[tilespmem:s4+$0xC4F0] =	vst.add.f32.msk $0xffff, v16  }
0x3a1: {  	[tilespmem:s4+$0xC500] =	vst.add.f32.msk $0xffff, v17  }
0x3a2: {  	[tilespmem:s4+$0xC510] =	vst.add.f32.msk $0xffff, v18  }
0x3a3: {  	[tilespmem:s4+$0xC520] =	vst.add.f32.msk $0xffff, v19  }
0x3a4: {  	[tilespmem:s4+$0xC530] =	vst.add.f32.msk $0xffff, v20  }
0x3a5: {  	[tilespmem:s4+$0xC540] =	vst.add.f32.msk $0xffff, v21  }
0x3a6: {  	[tilespmem:s4+$0xC550] =	vst.add.f32.msk $0xffff, v22  }
0x3a7: {  	[tilespmem:s4+$0xC560] =	vst.add.f32.msk $0xffff, v23  }
0x3a8: {  	[tilespmem:s4+$0xC570] =	vst.add.f32.msk $0xffff, v24  }
0x3a9: {  	[tilespmem:s4+$0xC580] =	vst.add.f32.msk $0xffff, v25  }
0x3aa: {  	[tilespmem:s4+$0xC590] =	vst.add.f32.msk $0xffff, v26  }
0x3ab: {  	[tilespmem:s4+$0xC5A0] =	vst.add.f32.msk $0xffff, v27  }
0x3ac: {  	[tilespmem:s4+$0xC5B0] =	vst.add.f32.msk $0xffff, v28  }
0x3ad: {  	[tilespmem:s4+$0xC5C0] =	vst.add.f32.msk $0xffff, v29  }
0x3ae: {  	s5 =	simm.s32 $0x0;
	s6 =	simm.s32 $0x800;
	[tilespmem:s4+$0xC5D0] =	vst.add.f32.msk $0xffff, v30  }
.LBB2_14:
0x3af: {  	s5 =	sadd.s32 $0x8, s5;
	[tilespmem:s4+$0xC5E0] =	vst.add.f32.msk $0xffff, v0;
	s4 =	sshra.s32 s6, $0x2  }
0x3b0: {  	v0 =	vld [tilespmem:s4+$0x45F0];
	p0 =	slt.u32 s5, $0x78  }
0x3b1: {  	v1 =	vld [tilespmem:s4+$0x4400]  }
0x3b2: {  	v2 =	vld [tilespmem:s4+$0x4410]  }
0x3b3: {  	v3 =	vld [tilespmem:s4+$0x4420]  }
0x3b4: {  	v4 =	vld [tilespmem:s4+$0x4430]  }
0x3b5: {  	[tilespmem:s4+$0xC5F0] =	vst.add.f32.msk $0xffff, v0  }
0x3b6: {  	v5 =	vld [tilespmem:s4+$0x4440]  }
0x3b7: {  	v6 =	vld [tilespmem:s4+$0x4450]  }
0x3b8: {  	v7 =	vld [tilespmem:s4+$0x4460]  }
0x3b9: {  	v8 =	vld [tilespmem:s4+$0x4470]  }
0x3ba: {  	v9 =	vld [tilespmem:s4+$0x4480]  }
0x3bb: {  	v10 =	vld [tilespmem:s4+$0x4490]  }
0x3bc: {  	v11 =	vld [tilespmem:s4+$0x44A0]  }
0x3bd: {  	v12 =	vld [tilespmem:s4+$0x44B0]  }
0x3be: {  	v13 =	vld [tilespmem:s4+$0x44C0]  }
0x3bf: {  	v14 =	vld [tilespmem:s4+$0x44D0]  }
0x3c0: {  	v15 =	vld [tilespmem:s4+$0x44E0]  }
0x3c1: {  	v16 =	vld [tilespmem:s4+$0x44F0]  }
0x3c2: {  	v17 =	vld [tilespmem:s4+$0x4500]  }
0x3c3: {  	v18 =	vld [tilespmem:s4+$0x4510]  }
0x3c4: {  	v19 =	vld [tilespmem:s4+$0x4520]  }
0x3c5: {  	v20 =	vld [tilespmem:s4+$0x4530]  }
0x3c6: {  	v21 =	vld [tilespmem:s4+$0x4540]  }
0x3c7: {  	v22 =	vld [tilespmem:s4+$0x4550]  }
0x3c8: {  	v23 =	vld [tilespmem:s4+$0x4560]  }
0x3c9: {  	v24 =	vld [tilespmem:s4+$0x4570]  }
0x3ca: {  	v25 =	vld [tilespmem:s4+$0x4580]  }
0x3cb: {  	v26 =	vld [tilespmem:s4+$0x4590]  }
0x3cc: {  	v27 =	vld [tilespmem:s4+$0x45A0]  }
0x3cd: {  	v28 =	vld [tilespmem:s4+$0x45B0]  }
0x3ce: {  	v29 =	vld [tilespmem:s4+$0x45C0]  }
0x3cf: {  	v30 =	vld [tilespmem:s4+$0x45D0]  }
0x3d0: {  	v0 =	vld [tilespmem:s4+$0x45E0]  }
0x3d1: {  	[tilespmem:s4+$0xC400] =	vst.add.f32.msk $0xffff, v1  }
0x3d2: {  	[tilespmem:s4+$0xC410] =	vst.add.f32.msk $0xffff, v2  }
0x3d3: {  	[tilespmem:s4+$0xC420] =	vst.add.f32.msk $0xffff, v3  }
0x3d4: {  	[tilespmem:s4+$0xC430] =	vst.add.f32.msk $0xffff, v4  }
0x3d5: {  	[tilespmem:s4+$0xC440] =	vst.add.f32.msk $0xffff, v5  }
0x3d6: {  	[tilespmem:s4+$0xC450] =	vst.add.f32.msk $0xffff, v6  }
0x3d7: {  	[tilespmem:s4+$0xC460] =	vst.add.f32.msk $0xffff, v7  }
0x3d8: {  	[tilespmem:s4+$0xC470] =	vst.add.f32.msk $0xffff, v8  }
0x3d9: {  	[tilespmem:s4+$0xC480] =	vst.add.f32.msk $0xffff, v9  }
0x3da: {  	[tilespmem:s4+$0xC490] =	vst.add.f32.msk $0xffff, v10  }
0x3db: {  	[tilespmem:s4+$0xC4A0] =	vst.add.f32.msk $0xffff, v11  }
0x3dc: {  	[tilespmem:s4+$0xC4B0] =	vst.add.f32.msk $0xffff, v12  }
0x3dd: {  	[tilespmem:s4+$0xC4C0] =	vst.add.f32.msk $0xffff, v13  }
0x3de: {  	[tilespmem:s4+$0xC4D0] =	vst.add.f32.msk $0xffff, v14  }
0x3df: {  	[tilespmem:s4+$0xC4E0] =	vst.add.f32.msk $0xffff, v15  }
0x3e0: {  	[tilespmem:s4+$0xC4F0] =	vst.add.f32.msk $0xffff, v16  }
0x3e1: {  	[tilespmem:s4+$0xC500] =	vst.add.f32.msk $0xffff, v17  }
0x3e2: {  	[tilespmem:s4+$0xC510] =	vst.add.f32.msk $0xffff, v18  }
0x3e3: {  	[tilespmem:s4+$0xC520] =	vst.add.f32.msk $0xffff, v19  }
0x3e4: {  	[tilespmem:s4+$0xC530] =	vst.add.f32.msk $0xffff, v20  }
0x3e5: {  	[tilespmem:s4+$0xC540] =	vst.add.f32.msk $0xffff, v21  }
0x3e6: {  	[tilespmem:s4+$0xC550] =	vst.add.f32.msk $0xffff, v22  }
0x3e7: {  	[tilespmem:s4+$0xC560] =	vst.add.f32.msk $0xffff, v23  }
0x3e8: {  	[tilespmem:s4+$0xC570] =	vst.add.f32.msk $0xffff, v24  }
0x3e9: {  	[tilespmem:s4+$0xC580] =	vst.add.f32.msk $0xffff, v25  }
.Ltmp6:
0x3ea: {  	[tilespmem:s4+$0xC590] =	vst.add.f32.msk $0xffff, v26;
	(pc) =	sbr.rel @p0 .LBB2_14-.Ltmp6, $4  }
0x3eb: {  	[tilespmem:s4+$0xC5A0] =	vst.add.f32.msk $0xffff, v27  }
0x3ec: {  	[tilespmem:s4+$0xC5B0] =	vst.add.f32.msk $0xffff, v28  }
0x3ed: {  	[tilespmem:s4+$0xC5C0] =	vst.add.f32.msk $0xffff, v29  }
0x3ee: {  	s6 =	sadd.s32 $0x800, s6;
	[tilespmem:s4+$0xC5D0] =	vst.add.f32.msk $0xffff, v30  }
0x3ef: {  	[tilespmem:s4+$0xC5E0] =	vst.add.f32.msk $0xffff, v0;
	s6 =	simm.s32 $0x0  }
0x3f0: {  	[hbm4b:s19+s6] =	stream.linear.scatter [tilespmem:s31], [sflag:$0x2], $0x2000, $0x38;
	[tilespmem:$0x10400] =	vst v63  }
0x3f1: {  	_ =	swait.ge [sflag:s0], $0x2000  }
0x3f2: {  	[sflag:s0] =	ssyncset.done $0x0  }
0x3f3: {  	[sflag:s0] =	ssyncadd.s32 $0xFFFFE000  }
0x3f4: {  	_ =	swait.ge [sflag:s1], $0x2000  }
0x3f5: {  	[sflag:s1] =	ssyncset.done $0x0  }
0x3f6: {  	s4 =	simm.s32 $0x0;
	[sflag:s1] =	ssyncadd.s32 $0xFFFFE000  }
0x3f7: {  	v0 =	vld [tilespmem:s4+$0x65F0]  }
0x3f8: {  	v1 =	vld [tilespmem:s4+$0x6400]  }
0x3f9: {  	v2 =	vld [tilespmem:s4+$0x6410]  }
0x3fa: {  	v3 =	vld [tilespmem:s4+$0x6420]  }
0x3fb: {  	v4 =	vld [tilespmem:s4+$0x6430]  }
0x3fc: {  	v5 =	vld [tilespmem:s4+$0x6440]  }
0x3fd: {  	v6 =	vld [tilespmem:s4+$0x6450]  }
0x3fe: {  	v7 =	vld [tilespmem:s4+$0x6460]  }
0x3ff: {  	v8 =	vld [tilespmem:s4+$0x6470]  }
0x400: {  	v9 =	vld [tilespmem:s4+$0x6480]  }
0x401: {  	v10 =	vld [tilespmem:s4+$0x6490]  }
0x402: {  	v11 =	vld [tilespmem:s4+$0x64A0]  }
0x403: {  	v12 =	vld [tilespmem:s4+$0x64B0]  }
0x404: {  	v13 =	vld [tilespmem:s4+$0x64C0]  }
0x405: {  	v14 =	vld [tilespmem:s4+$0x64D0]  }
0x406: {  	v15 =	vld [tilespmem:s4+$0x64E0]  }
0x407: {  	v16 =	vld [tilespmem:s4+$0x64F0]  }
0x408: {  	v17 =	vld [tilespmem:s4+$0x6500]  }
0x409: {  	v18 =	vld [tilespmem:s4+$0x6510]  }
0x40a: {  	v19 =	vld [tilespmem:s4+$0x6520]  }
0x40b: {  	v20 =	vld [tilespmem:s4+$0x6530]  }
0x40c: {  	v21 =	vld [tilespmem:s4+$0x6540]  }
0x40d: {  	v22 =	vld [tilespmem:s4+$0x6550]  }
0x40e: {  	v23 =	vld [tilespmem:s4+$0x6560]  }
0x40f: {  	v24 =	vld [tilespmem:s4+$0x6570]  }
0x410: {  	v25 =	vld [tilespmem:s4+$0x6580]  }
0x411: {  	v26 =	vld [tilespmem:s4+$0x6590]  }
0x412: {  	v27 =	vld [tilespmem:s4+$0x65A0]  }
0x413: {  	v28 =	vld [tilespmem:s4+$0x65B0]  }
0x414: {  	v29 =	vld [tilespmem:s4+$0x65C0]  }
0x415: {  	v30 =	vld [tilespmem:s4+$0x65D0]  }
0x416: {  	[tilespmem:s4+$0xE5F0] =	vst.add.f32.msk $0xffff, v0  }
0x417: {  	v0 =	vld [tilespmem:s4+$0x65E0]  }
0x418: {  	[tilespmem:s4+$0xE400] =	vst.add.f32.msk $0xffff, v1  }
0x419: {  	[tilespmem:s4+$0xE410] =	vst.add.f32.msk $0xffff, v2  }
0x41a: {  	[tilespmem:s4+$0xE420] =	vst.add.f32.msk $0xffff, v3  }
0x41b: {  	[tilespmem:s4+$0xE430] =	vst.add.f32.msk $0xffff, v4  }
0x41c: {  	[tilespmem:s4+$0xE440] =	vst.add.f32.msk $0xffff, v5  }
0x41d: {  	[tilespmem:s4+$0xE450] =	vst.add.f32.msk $0xffff, v6  }
0x41e: {  	[tilespmem:s4+$0xE460] =	vst.add.f32.msk $0xffff, v7  }
0x41f: {  	[tilespmem:s4+$0xE470] =	vst.add.f32.msk $0xffff, v8  }
0x420: {  	[tilespmem:s4+$0xE480] =	vst.add.f32.msk $0xffff, v9  }
0x421: {  	[tilespmem:s4+$0xE490] =	vst.add.f32.msk $0xffff, v10  }
0x422: {  	[tilespmem:s4+$0xE4A0] =	vst.add.f32.msk $0xffff, v11  }
0x423: {  	[tilespmem:s4+$0xE4B0] =	vst.add.f32.msk $0xffff, v12  }
0x424: {  	[tilespmem:s4+$0xE4C0] =	vst.add.f32.msk $0xffff, v13  }
0x425: {  	[tilespmem:s4+$0xE4D0] =	vst.add.f32.msk $0xffff, v14  }
0x426: {  	[tilespmem:s4+$0xE4E0] =	vst.add.f32.msk $0xffff, v15  }
0x427: {  	[tilespmem:s4+$0xE4F0] =	vst.add.f32.msk $0xffff, v16  }
0x428: {  	[tilespmem:s4+$0xE500] =	vst.add.f32.msk $0xffff, v17  }
0x429: {  	[tilespmem:s4+$0xE510] =	vst.add.f32.msk $0xffff, v18  }
0x42a: {  	[tilespmem:s4+$0xE520] =	vst.add.f32.msk $0xffff, v19  }
0x42b: {  	[tilespmem:s4+$0xE530] =	vst.add.f32.msk $0xffff, v20  }
0x42c: {  	[tilespmem:s4+$0xE540] =	vst.add.f32.msk $0xffff, v21  }
0x42d: {  	[tilespmem:s4+$0xE550] =	vst.add.f32.msk $0xffff, v22  }
0x42e: {  	[tilespmem:s4+$0xE560] =	vst.add.f32.msk $0xffff, v23  }
0x42f: {  	[tilespmem:s4+$0xE570] =	vst.add.f32.msk $0xffff, v24  }
0x430: {  	[tilespmem:s4+$0xE580] =	vst.add.f32.msk $0xffff, v25  }
0x431: {  	[tilespmem:s4+$0xE590] =	vst.add.f32.msk $0xffff, v26  }
0x432: {  	[tilespmem:s4+$0xE5A0] =	vst.add.f32.msk $0xffff, v27  }
0x433: {  	[tilespmem:s4+$0xE5B0] =	vst.add.f32.msk $0xffff, v28  }
0x434: {  	[tilespmem:s4+$0xE5C0] =	vst.add.f32.msk $0xffff, v29  }
0x435: {  	s5 =	simm.s32 $0x0;
	s6 =	simm.s32 $0x800;
	[tilespmem:s4+$0xE5D0] =	vst.add.f32.msk $0xffff, v30  }
.LBB2_16:
0x436: {  	s5 =	sadd.s32 $0x8, s5;
	[tilespmem:s4+$0xE5E0] =	vst.add.f32.msk $0xffff, v0;
	s4 =	sshra.s32 s6, $0x2  }
0x437: {  	v0 =	vld [tilespmem:s4+$0x65F0];
	p0 =	slt.u32 s5, $0x78  }
0x438: {  	v1 =	vld [tilespmem:s4+$0x6400]  }
0x439: {  	v2 =	vld [tilespmem:s4+$0x6410]  }
0x43a: {  	v3 =	vld [tilespmem:s4+$0x6420]  }
0x43b: {  	v4 =	vld [tilespmem:s4+$0x6430]  }
0x43c: {  	[tilespmem:s4+$0xE5F0] =	vst.add.f32.msk $0xffff, v0  }
0x43d: {  	v5 =	vld [tilespmem:s4+$0x6440]  }
0x43e: {  	v6 =	vld [tilespmem:s4+$0x6450]  }
0x43f: {  	v7 =	vld [tilespmem:s4+$0x6460]  }
0x440: {  	v8 =	vld [tilespmem:s4+$0x6470]  }
0x441: {  	v9 =	vld [tilespmem:s4+$0x6480]  }
0x442: {  	v10 =	vld [tilespmem:s4+$0x6490]  }
0x443: {  	v11 =	vld [tilespmem:s4+$0x64A0]  }
0x444: {  	v12 =	vld [tilespmem:s4+$0x64B0]  }
0x445: {  	v13 =	vld [tilespmem:s4+$0x64C0]  }
0x446: {  	v14 =	vld [tilespmem:s4+$0x64D0]  }
0x447: {  	v15 =	vld [tilespmem:s4+$0x64E0]  }
0x448: {  	v16 =	vld [tilespmem:s4+$0x64F0]  }
0x449: {  	v17 =	vld [tilespmem:s4+$0x6500]  }
0x44a: {  	v18 =	vld [tilespmem:s4+$0x6510]  }
0x44b: {  	v19 =	vld [tilespmem:s4+$0x6520]  }
0x44c: {  	v20 =	vld [tilespmem:s4+$0x6530]  }
0x44d: {  	v21 =	vld [tilespmem:s4+$0x6540]  }
0x44e: {  	v22 =	vld [tilespmem:s4+$0x6550]  }
0x44f: {  	v23 =	vld [tilespmem:s4+$0x6560]  }
0x450: {  	v24 =	vld [tilespmem:s4+$0x6570]  }
0x451: {  	v25 =	vld [tilespmem:s4+$0x6580]  }
0x452: {  	v26 =	vld [tilespmem:s4+$0x6590]  }
0x453: {  	v27 =	vld [tilespmem:s4+$0x65A0]  }
0x454: {  	v28 =	vld [tilespmem:s4+$0x65B0]  }
0x455: {  	v29 =	vld [tilespmem:s4+$0x65C0]  }
0x456: {  	v30 =	vld [tilespmem:s4+$0x65D0]  }
0x457: {  	v0 =	vld [tilespmem:s4+$0x65E0]  }
0x458: {  	[tilespmem:s4+$0xE400] =	vst.add.f32.msk $0xffff, v1  }
0x459: {  	[tilespmem:s4+$0xE410] =	vst.add.f32.msk $0xffff, v2  }
0x45a: {  	[tilespmem:s4+$0xE420] =	vst.add.f32.msk $0xffff, v3  }
0x45b: {  	[tilespmem:s4+$0xE430] =	vst.add.f32.msk $0xffff, v4  }
0x45c: {  	[tilespmem:s4+$0xE440] =	vst.add.f32.msk $0xffff, v5  }
0x45d: {  	[tilespmem:s4+$0xE450] =	vst.add.f32.msk $0xffff, v6  }
0x45e: {  	[tilespmem:s4+$0xE460] =	vst.add.f32.msk $0xffff, v7  }
0x45f: {  	[tilespmem:s4+$0xE470] =	vst.add.f32.msk $0xffff, v8  }
0x460: {  	[tilespmem:s4+$0xE480] =	vst.add.f32.msk $0xffff, v9  }
0x461: {  	[tilespmem:s4+$0xE490] =	vst.add.f32.msk $0xffff, v10  }
0x462: {  	[tilespmem:s4+$0xE4A0] =	vst.add.f32.msk $0xffff, v11  }
0x463: {  	[tilespmem:s4+$0xE4B0] =	vst.add.f32.msk $0xffff, v12  }
0x464: {  	[tilespmem:s4+$0xE4C0] =	vst.add.f32.msk $0xffff, v13  }
0x465: {  	[tilespmem:s4+$0xE4D0] =	vst.add.f32.msk $0xffff, v14  }
0x466: {  	[tilespmem:s4+$0xE4E0] =	vst.add.f32.msk $0xffff, v15  }
0x467: {  	[tilespmem:s4+$0xE4F0] =	vst.add.f32.msk $0xffff, v16  }
0x468: {  	[tilespmem:s4+$0xE500] =	vst.add.f32.msk $0xffff, v17  }
0x469: {  	[tilespmem:s4+$0xE510] =	vst.add.f32.msk $0xffff, v18  }
0x46a: {  	[tilespmem:s4+$0xE520] =	vst.add.f32.msk $0xffff, v19  }
0x46b: {  	[tilespmem:s4+$0xE530] =	vst.add.f32.msk $0xffff, v20  }
0x46c: {  	[tilespmem:s4+$0xE540] =	vst.add.f32.msk $0xffff, v21  }
0x46d: {  	[tilespmem:s4+$0xE550] =	vst.add.f32.msk $0xffff, v22  }
0x46e: {  	[tilespmem:s4+$0xE560] =	vst.add.f32.msk $0xffff, v23  }
0x46f: {  	[tilespmem:s4+$0xE570] =	vst.add.f32.msk $0xffff, v24  }
0x470: {  	[tilespmem:s4+$0xE580] =	vst.add.f32.msk $0xffff, v25  }
.Ltmp7:
0x471: {  	[tilespmem:s4+$0xE590] =	vst.add.f32.msk $0xffff, v26;
	(pc) =	sbr.rel @p0 .LBB2_16-.Ltmp7, $4  }
0x472: {  	[tilespmem:s4+$0xE5A0] =	vst.add.f32.msk $0xffff, v27  }
0x473: {  	[tilespmem:s4+$0xE5B0] =	vst.add.f32.msk $0xffff, v28  }
0x474: {  	[tilespmem:s4+$0xE5C0] =	vst.add.f32.msk $0xffff, v29  }
0x475: {  	s6 =	sadd.s32 $0x800, s6;
	[tilespmem:s4+$0xE5D0] =	vst.add.f32.msk $0xffff, v30  }
0x476: {  	[tilespmem:s4+$0xE5E0] =	vst.add.f32.msk $0xffff, v0  }
0x477: {  	[hbm4b:s20+s2] =	stream.linear.scatter [tilespmem:s24], [sflag:$0x2], $0x2000, $0x38;
	[tilespmem:$0x10400] =	vst v63  }
0x478: {  	_ =	swait.ge [sflag:s26], $0x2000  }
0x479: {  	[sflag:s26] =	ssyncset.done $0x0  }
0x47a: {  	[sflag:s26] =	ssyncadd.s32 $0xFFFFE000  }
0x47b: {  	_ =	swait.ge [sflag:s26], $0x2000  }
0x47c: {  	[sflag:s26] =	ssyncset.done $0x0  }
0x47d: {  	s30 =	sadd.s32 $0x1, s30;
	[sflag:s26] =	ssyncadd.s32 $0xFFFFE000  }
0x47e: {  	p0 =	sne.s32 s30, s21;
	_ =	swait.ge [sflag:s26], $0x2000  }
.Ltmp8:
0x47f: {  	[sflag:s26] =	ssyncset.done $0x0;
	(pc) =	sbr.rel @p0 .LBB2_1-.Ltmp8, $4  }
0x480: {  	[sflag:s26] =	ssyncadd.s32 $0xFFFFE000  }
0x481: {  	_ =	swait.ge [sflag:s26], $0x2000  }
0x482: {  	[sflag:s26] =	ssyncset.done $0x0  }
0x483: {  	[sflag:s26] =	ssyncadd.s32 $0xFFFFE000  }
0x484: {  	_ =	sfence.sel $0x180000  }
0x485: {  	[bflag:$0x0] =	sbarrier.arrive $0xFFFF  }
0x486: {  	_ =	strace $0x90000047  }
0x487: {  	s0 =	stileid.u32;
	[bflag:$0x2] =	sbarrier.arrive $0xFFFF  }
0x488: {  	p0 =	sne.s32 s0, $0x0;
	s0 =	rddreg [dreg:$0x3]  }
0x489: {  	s0 =	sadd.s32 @!p0 $0x100000, s0  }
0x48a: {  	[sflag:s0] =	ssyncadd.tile.s32 @!p0 $0x1;
	_ =	shalt  }
.Lfunc_end2:
_tile_overlayer_lowered:
.L_overlay_start_2:
0x48b: {  	(tag) =	ssettag $0x2  }
0x48c: {  	s0 =	rddreg [dreg:$0x0];
	s2 =	stileid.u32  }
0x48d: {  	s1 =	rddreg [dreg:$0x1];
	p0 =	sne.s32 s2, $0x0  }
0x48e: {  	s3 =	rddreg [dreg:$0x2];
	[bflag:$0x3] =	sbarrier.arrive $0xFFFF;
	s2 =	simm.s32 @!p0 $0x1C04  }
0x48f: {  	[timem:s3], [sflag:s2] =	dma.local @!p0 [hbm:s0], s1  }
0x490: {  	s0 =	simm.s32 @!p0 $0x4  }
0x491: {  	_ =	swait.ge @!p0 [sflag:s0], s1  }
0x492: {  	s1 =	ssub.s32 @!p0 $0x0, s1;
	[sflag:s0] =	ssyncset.done @!p0 $0x0  }
0x493: {  	[sflag:s0] =	ssyncadd.s32 @!p0 s1  }
0x494: {  	[bflag:$0x3] =	sbarrier.arrive $0xFFFF  }
0x495: {  	_ =	shalt  }

</sc_bundles>
